<compile_context>
chip_gen: v7x
topology: tpu7x:2x2x1
jax: 0.10.2.dev20260603
libtpu: 0.0.44.dev20260713+nightly
codegen_flags: <defaults>
</compile_context>

<pallas_src>
import functools

import jax
import jax.numpy as jnp
from jax import lax
from jax.experimental import pallas as pl
from jax.experimental.pallas import tpu as pltpu
from jax.experimental.pallas import tpu_sc as plsc

_B = 4
_K = 16384
_FEAT = 256
_TOKEN_DIM = 256
_T = 1024
_RPD = 3
_NREG = 27
_KT = 2048
_R = 128

_NC = 2
_NS = 16
_NW = _NC * _NS
_BPW = (_B * _T) // _NW


def _imp_body(f_ref, w1_ref, b1_ref, w2_ref, b2_ref, o_ref):
    f = f_ref[0]
    h = lax.dot_general(w1_ref[...], f, (((0,), (0,)), ((), ())),
                        preferred_element_type=jnp.float32)
    h = jnp.maximum(h + b1_ref[...], 0.0)
    y = lax.dot_general(w2_ref[...], h, (((0,), (0,)), ((), ())),
                        preferred_element_type=jnp.float32)
    y = y + b2_ref[0, 0]
    o_ref[0, 0] = jnp.maximum(y, 0.0) + jnp.log1p(jnp.exp(-jnp.abs(y)))


def _importance(features, W1, b1, W2, b2):
    nt = _K // _KT
    return pl.pallas_call(
        _imp_body,
        grid=(_B, nt),
        in_specs=[
            pl.BlockSpec((1, _FEAT, _KT), lambda b, t: (b, 0, t)),
            pl.BlockSpec((_FEAT, _FEAT // 2), lambda b, t: (0, 0)),
            pl.BlockSpec((_FEAT // 2, 1), lambda b, t: (0, 0)),
            pl.BlockSpec((_FEAT // 2, 1), lambda b, t: (0, 0)),
            pl.BlockSpec(memory_space=pltpu.SMEM),
        ],
        out_specs=pl.BlockSpec((1, 1, 1, _KT), lambda b, t: (b, t, 0, 0)),
        out_shape=jax.ShapeDtypeStruct((_B, nt, 1, _KT), jnp.float32),
    )(features, W1, b1.reshape(_FEAT // 2, 1), W2, b2.reshape(1, 1))


def _region_and_valid(xs, ys, zs):
    mnx, mxx = jnp.min(xs), jnp.max(xs)
    mny, mxy = jnp.min(ys), jnp.max(ys)
    mnz, mxz = jnp.min(zs), jnp.max(zs)
    xn = (xs - mnx) / (mxx - mnx + 1e-06)
    yn = (ys - mny) / (mxy - mny + 1e-06)
    zn = (zs - mnz) / (mxz - mnz + 1e-06)
    rix = jnp.clip(xn * _RPD, 0, _RPD - 1).astype(jnp.int32)
    riy = jnp.clip(yn * _RPD, 0, _RPD - 1).astype(jnp.int32)
    riz = jnp.clip(zn * _RPD, 0, _RPD - 1).astype(jnp.int32)
    region = rix * (_RPD * _RPD) + riy * _RPD + riz
    valid = ((jnp.abs(xs) + jnp.abs(ys)) + jnp.abs(zs)) > 0
    return region, valid


def _rank_rowmajor(m, ut, slt):
    mf = m.astype(jnp.float32)
    lanecum = lax.dot_general(mf, ut, (((1,), (0,)), ((), ())),
                              preferred_element_type=jnp.float32)
    rowtot = lanecum[:, _R - 1:_R]
    rowpre = lax.dot_general(slt, rowtot, (((1,), (0,)), ((), ())),
                             preferred_element_type=jnp.float32)
    return ((rowpre + lanecum) - 1).astype(jnp.int32)


def _stats_body(xyz_ref, imp_ref, rimp_ref, cnt_ref, off_ref, pos_ref):
    b = pl.program_id(0)
    xs, ys, zs = xyz_ref[0, 0], xyz_ref[0, 1], xyz_ref[0, 2]
    imp = imp_ref[0]
    region, valid = _region_and_valid(xs, ys, zs)
    ri = lax.broadcasted_iota(jnp.int32, (_R, _R), 0)
    ci = lax.broadcasted_iota(jnp.int32, (_R, _R), 1)
    ut = (ri <= ci).astype(jnp.float32)
    slt = (ri > ci).astype(jnp.float32)
    pos = jnp.zeros((_R, _R), jnp.int32)
    off = jnp.int32(0)
    for r in range(_NREG):
        m = (region == r) & valid
        rimp_ref[b, r] = jnp.sum(jnp.where(m, imp, 0.0))
        c = jnp.sum(m.astype(jnp.int32))
        cnt_ref[b, r] = c
        off_ref[b, r] = off
        pos = pos + jnp.where(m, off + _rank_rowmajor(m, ut, slt), 0)
        off = off + c
    inv = jnp.logical_not(valid)
    pos = pos + jnp.where(inv, off + _rank_rowmajor(inv, ut, slt), 0)
    pos_ref[0] = pos


def _region_stats(xyzT, impf):
    return pl.pallas_call(
        _stats_body,
        grid=(_B,),
        in_specs=[
            pl.BlockSpec((1, 3, _R, _R), lambda b: (b, 0, 0, 0)),
            pl.BlockSpec((1, _R, _R), lambda b: (b, 0, 0)),
        ],
        out_specs=[
            pl.BlockSpec(memory_space=pltpu.SMEM),
            pl.BlockSpec(memory_space=pltpu.SMEM),
            pl.BlockSpec(memory_space=pltpu.SMEM),
            pl.BlockSpec((1, _R, _R), lambda b: (b, 0, 0)),
        ],
        out_shape=[
            jax.ShapeDtypeStruct((_B, _NREG), jnp.float32),
            jax.ShapeDtypeStruct((_B, _NREG), jnp.int32),
            jax.ShapeDtypeStruct((_B, _NREG), jnp.int32),
            jax.ShapeDtypeStruct((_B, _R, _R), jnp.int32),
        ],
    )(xyzT, impf)


_RPW = (_B * _K) // _NW
_SCCH = _RPW // 128


def _scatter_rows(rows128, dpos):
    mesh = plsc.VectorSubcoreMesh(core_axis_name="c", subcore_axis_name="s")

    @functools.partial(
        pl.kernel,
        mesh=mesh,
        out_type=jax.ShapeDtypeStruct((_B * _K, 128), jnp.float32),
        scratch_types=[
            pltpu.VMEM((_SCCH, 128), jnp.int32),
            pltpu.VMEM((512, 128), jnp.float32),
            pltpu.SemaphoreType.DMA,
        ],
    )
    def k(rows_hbm, idx_hbm, out_hbm, idx_v, rows_v, sem):
        wid = lax.axis_index("s") * _NC + lax.axis_index("c")
        base = wid * _RPW
        pltpu.sync_copy(idx_hbm.at[wid], idx_v)
        for g in range(_RPW // 512):
            pltpu.sync_copy(rows_hbm.at[pl.ds(base + g * 512, 512)], rows_v)
            cps = [
                pltpu.async_copy(rows_v.at[pl.ds(j * 128, 128)],
                                 out_hbm.at[idx_v.at[g * 4 + j]], sem)
                for j in range(4)
            ]
            for cp in cps:
                cp.wait()

    return k(rows128, dpos)


def _select_body(sx_ref, ssm_ref, sidx_ref, off_ref, cnt_ref, take_ref,
                 ufps_ref, sel_ref, xyzsel_ref, scr_ref):
    b = pl.program_id(0)
    iota8 = (lax.broadcasted_iota(jnp.int32, (8, 128), 0) * 128
             + lax.broadcasted_iota(jnp.int32, (8, 128), 1))
    neg = jnp.float32(-jnp.inf)

    def emit(p2, j):
        sel_ref[b, p2] = sidx_ref[0, 0, j]
        cx = ssm_ref[0, 0, j]
        cy = ssm_ref[0, 1, j]
        cz = ssm_ref[0, 2, j]
        xyzsel_ref[b, 0, p2] = cx
        xyzsel_ref[b, 1, p2] = cy
        xyzsel_ref[b, 2, p2] = cz
        return cx, cy, cz

    def region_body(r, p):
        start = off_ref[b, r]
        cntr = cnt_ref[b, r]
        take = take_ref[b, r]
        fps_b = ufps_ref[b, r] > 0
        steps = jnp.minimum(take, _T - p)

        def fps_path(p):
            end = start + cntr

            for c in range(16):
                pv = c * 1024 + iota8
                m = (pv >= start) & (pv < end)
                scr_ref[c * 8:(c + 1) * 8, :] = jnp.where(
                    m, jnp.float32(1e10), neg)

            def step(_, carry):
                p2, far = carry
                cx, cy, cz = emit(p2, far)

                mx = neg
                pos = jnp.int32(0)
                for c in range(16):
                    rsl = slice(c * 8, (c + 1) * 8)
                    xs = sx_ref[0, 0, rsl, :]
                    ys = sx_ref[0, 1, rsl, :]
                    zs = sx_ref[0, 2, rsl, :]
                    dx = xs - cx
                    dy = ys - cy
                    dz = zs - cz
                    d = (dx * dx + dy * dy) + dz * dz
                    v = jnp.minimum(scr_ref[rsl, :], d)
                    scr_ref[rsl, :] = v
                    mx_c = jnp.max(v)
                    pv = c * 1024 + iota8
                    pos_c = jnp.min(jnp.where(v == mx_c, pv, jnp.int32(_K)))
                    better = mx_c > mx
                    mx = jnp.where(better, mx_c, mx)
                    pos = jnp.where(better, pos_c, pos)

                return (p2 + 1, pos)

            return lax.fori_loop(0, steps, step, (p, start))[0]

        def ord_path(p):
            def step(s, p2):
                emit(p2, start + s)
                return p2 + 1

            return lax.fori_loop(0, steps, step, p)

        return lax.cond(fps_b, fps_path, ord_path, p)

    lax.fori_loop(0, _NREG, region_body, jnp.int32(0))


def _select(sxT, s3, sidx, off, cnt, take, ufps):
    return pl.pallas_call(
        _select_body,
        grid=(_B,),
        in_specs=[
            pl.BlockSpec((1, 3, _R, _R), lambda b: (b, 0, 0, 0)),
            pl.BlockSpec((1, 3, _K), lambda b: (b, 0, 0),
                         memory_space=pltpu.SMEM),
            pl.BlockSpec((1, 1, _K), lambda b: (b, 0, 0),
                         memory_space=pltpu.SMEM),
            pl.BlockSpec(memory_space=pltpu.SMEM),
            pl.BlockSpec(memory_space=pltpu.SMEM),
            pl.BlockSpec(memory_space=pltpu.SMEM),
            pl.BlockSpec(memory_space=pltpu.SMEM),
        ],
        out_specs=[
            pl.BlockSpec(memory_space=pltpu.SMEM),
            pl.BlockSpec(memory_space=pltpu.SMEM),
        ],
        out_shape=[
            jax.ShapeDtypeStruct((_B, _T), jnp.int32),
            jax.ShapeDtypeStruct((_B, 3, _T), jnp.float32),
        ],
        scratch_shapes=[pltpu.VMEM((_R, _R), jnp.float32)],
    )(sxT, s3, sidx, off, cnt, take, ufps)


def _gather_rows(table, gidx):
    mesh = plsc.VectorSubcoreMesh(core_axis_name="c", subcore_axis_name="s")

    @functools.partial(
        pl.kernel,
        mesh=mesh,
        out_type=jax.ShapeDtypeStruct((_B * _T, _FEAT), jnp.float32),
        scratch_types=[
            pltpu.VMEM((_BPW,), jnp.int32),
            pltpu.VMEM((_BPW, _FEAT), jnp.float32),
            pltpu.SemaphoreType.DMA,
        ],
    )
    def k(table_hbm, idx_hbm, out_hbm, idx_v, rows_v, sem):
        wid = lax.axis_index("s") * _NC + lax.axis_index("c")
        base = wid * _BPW
        pltpu.sync_copy(idx_hbm.at[pl.ds(base, _BPW)], idx_v)
        pltpu.async_copy(table_hbm.at[idx_v], rows_v, sem).wait()
        pltpu.sync_copy(rows_v, out_hbm.at[pl.ds(base, _BPW)])

    return k(table, gidx)


def _proj_body(rows_ref, wa_ref, ba_ref, len_ref, o_ref):
    b = pl.program_id(0)
    rows = rows_ref[0]
    fo = lax.dot_general(wa_ref[...], rows, (((0,), (1,)), ((), ())),
                         preferred_element_type=jnp.float32)
    fo = fo + ba_ref[...]
    tpos = lax.broadcasted_iota(jnp.int32, (1, _T), 1)
    o_ref[0] = jnp.where(tpos < len_ref[b, 0], fo, 0.0)


def _project(rows, Wa, ba, sel_len):
    return pl.pallas_call(
        _proj_body,
        grid=(_B,),
        in_specs=[
            pl.BlockSpec((1, _T, _FEAT), lambda b: (b, 0, 0)),
            pl.BlockSpec((_FEAT, _TOKEN_DIM), lambda b: (0, 0)),
            pl.BlockSpec((_TOKEN_DIM, 1), lambda b: (0, 0)),
            pl.BlockSpec(memory_space=pltpu.SMEM),
        ],
        out_specs=pl.BlockSpec((1, _TOKEN_DIM, _T), lambda b: (b, 0, 0)),
        out_shape=jax.ShapeDtypeStruct((_B, _TOKEN_DIM, _T), jnp.float32),
    )(rows, Wa, ba.reshape(_TOKEN_DIM, 1), sel_len.reshape(_B, 1))


def kernel(xyz, features, W1, b1, W2, b2, Wa, ba):
    xyzT = jnp.transpose(xyz, (0, 2, 1)).reshape(_B, 3, _R, _R)

    imp = _importance(features, W1, b1, W2, b2)
    impf = imp.reshape(_B, _R, _R)

    rimp, cnt, off, pos = _region_stats(xyzT, impf)

    idxf = lax.bitcast_convert_type(
        jnp.arange(_K, dtype=jnp.int32), jnp.float32)
    rows4 = jnp.concatenate(
        [xyz, jnp.broadcast_to(idxf[None, :, None], (_B, _K, 1))],
        axis=2).reshape(_B * _K, 4)
    rows128 = jnp.pad(rows4, ((0, 0), (0, 124)))
    dpos = (pos.reshape(_B, _K)
            + jnp.arange(_B, dtype=jnp.int32)[:, None] * _K)
    sorted128 = _scatter_rows(rows128, dpos.reshape(_NW, _SCCH, 128))
    s4 = sorted128[:, :4].reshape(_B, _K, 4)
    s3 = jnp.transpose(s4[..., :3], (0, 2, 1))
    sxT = s3.reshape(_B, 3, _R, _R)
    sidx = lax.bitcast_convert_type(
        s4[..., 3], jnp.int32).reshape(_B, 1, _K)

    n_rows, take_rows, len_rows = [], [], []
    for b in range(_B):
        total = rimp[b].sum() + 1e-08
        n_b = jnp.round(rimp[b] / total * _T).astype(jnp.int32)
        take_b = jnp.minimum(cnt[b], n_b)
        n_rows.append(n_b)
        take_rows.append(take_b)
        len_rows.append(jnp.minimum(jnp.sum(take_b), _T).astype(jnp.int32))
    n_r = jnp.stack(n_rows)
    take = jnp.stack(take_rows)
    sel_len = jnp.stack(len_rows)
    ufps = (cnt > n_r).astype(jnp.int32)

    sel, xyzsel = _select(sxT, s3, sidx, off, cnt, take, ufps)

    maskT = jnp.arange(_T)[None, :] < sel_len[:, None]
    xyz_out = jnp.where(maskT[:, :, None],
                        jnp.transpose(xyzsel, (0, 2, 1)), jnp.float32(0))
    sel_m = jnp.where(maskT, sel, 0)

    feat_rows = jnp.transpose(features, (0, 2, 1)).reshape(_B * _K, _FEAT)
    gidx = (sel_m + jnp.arange(_B, dtype=jnp.int32)[:, None] * _K)
    rows = _gather_rows(feat_rows, gidx.reshape(_B * _T))
    feat_out = _project(rows.reshape(_B, _T, _FEAT), Wa, ba, sel_len)
    return (xyz_out, feat_out)

# --- scband reference (transcript-rebuilt; emitter-appended) ---
"""Pipeline reference for scband-adaptive-density-tokenizer-49211735277869 (READ-ONLY COPY).

The authoritative reference and input builder live on the scoring server;
editing this copy changes nothing except your own understanding.
"""

import jax, jax.numpy as jnp
import numpy as np

B = 4
K = 16384
FEAT = 256
TOKEN_DIM = 256
T = 1024
NUM_REGIONS = 8


def _fps(xyz_b, member, npoint_cap):
    # Deterministic farthest point sampling (pointnet2 CUDA kernel starts at index 0)
    distance0 = jnp.where(member, jnp.float32(1e10), -jnp.inf)
    farthest0 = jnp.argmax(member).astype(jnp.int32)
    centroids0 = jnp.zeros((npoint_cap,), dtype=jnp.int32)

    def body(i, carry):
        distance, farthest, centroids = carry
        centroids = centroids.at[i].set(farthest)
        d = ((xyz_b - xyz_b[farthest]) ** 2).sum(-1)
        distance = jnp.minimum(distance, d)
        farthest = jnp.argmax(distance).astype(jnp.int32)
        return (distance, farthest, centroids)

    _, _, centroids = jax.lax.fori_loop(0, npoint_cap, body, (distance0, farthest0, centroids0))
    return centroids


def _select_indices(xyz, importance):
    rpd = int(NUM_REGIONS ** (1 / 3)) + 1
    Bn, Kn, _ = xyz.shape
    xyz_min = xyz.min(axis=1, keepdims=True)
    xyz_max = xyz.max(axis=1, keepdims=True)
    xyz_norm = (xyz - xyz_min) / (xyz_max - xyz_min + 1e-06)
    rix = jnp.clip(xyz_norm[..., 0] * rpd, 0, rpd - 1).astype(jnp.int32)
    riy = jnp.clip(xyz_norm[..., 1] * rpd, 0, rpd - 1).astype(jnp.int32)
    riz = jnp.clip(xyz_norm[..., 2] * rpd, 0, rpd - 1).astype(jnp.int32)
    region_idx = rix * rpd ** 2 + riy * rpd + riz
    nreg = rpd ** 3
    arange_k = jnp.arange(Kn)
    arange_t = jnp.arange(T)
    sel_idx = []
    sel_len = []
    for b in range(Bn):
        valid = jnp.abs(xyz[b]).sum(-1) > 0
        masks = [(region_idx[b] == r) & valid for r in range(nreg)]
        region_imp = jnp.stack([jnp.sum(jnp.where(m, importance[b], 0.0)) for m in masks])
        total = region_imp.sum() + 1e-08
        tokens_per_region = jnp.round(region_imp / total * T).astype(jnp.int32)
        buf_idx = []
        buf_val = []
        for r in range(nreg):
            m = masks[r]
            cnt = jnp.sum(m).astype(jnp.int32)
            n_r = tokens_per_region[r]
            take = jnp.minimum(cnt, n_r)
            key = jnp.where(m, arange_k, Kn)
            ordered = jnp.argsort(key)[:T].astype(jnp.int32)
            fps_c = _fps(xyz[b], m, T)
            cand = jnp.where(cnt > n_r, fps_c, ordered)
            buf_idx.append(cand)
            buf_val.append(arange_t < take)
        buf_idx = jnp.concatenate(buf_idx)
        buf_val = jnp.concatenate(buf_val)
        pos = jnp.cumsum(buf_val) - 1
        keep = buf_val & (pos < T)
        tgt = jnp.where(keep, pos, T)
        idx_b = jnp.zeros((T,), dtype=jnp.int32).at[tgt].set(buf_idx, mode='drop')
        sel_idx.append(idx_b)
        sel_len.append(jnp.minimum(jnp.sum(buf_val), T).astype(jnp.int32))
    return jnp.stack(sel_idx), jnp.stack(sel_len)


def setup_inputs(seed: int = 0):
    key = jax.random.key(seed)
    ks = jax.random.split(key, 8)
    xyz = jax.random.normal(ks[0], (B, K, 3), dtype=jnp.float32)
    features = jax.random.normal(ks[1], (B, FEAT, K), dtype=jnp.float32)
    s1 = 1.0 / float(np.sqrt(FEAT))
    W1 = jax.random.uniform(ks[2], (FEAT, FEAT // 2), minval=-s1, maxval=s1, dtype=jnp.float32)
    b1 = jax.random.uniform(ks[3], (FEAT // 2,), minval=-s1, maxval=s1, dtype=jnp.float32)
    s2 = 1.0 / float(np.sqrt(FEAT // 2))
    W2 = jax.random.uniform(ks[4], (FEAT // 2, 1), minval=-s2, maxval=s2, dtype=jnp.float32)
    b2 = jax.random.uniform(ks[5], (1,), minval=-s2, maxval=s2, dtype=jnp.float32)
    Wa = jax.random.uniform(ks[6], (FEAT, TOKEN_DIM), minval=-s1, maxval=s1, dtype=jnp.float32)
    ba = jax.random.uniform(ks[7], (TOKEN_DIM,), minval=-s1, maxval=s1, dtype=jnp.float32)
    return {"xyz": xyz, "features": features, "W1": W1, "b1": b1, "W2": W2, "b2": b2, "Wa": Wa, "ba": ba}


def reference(xyz, features, W1, b1, W2, b2, Wa, ba):
    feat_bkc = jnp.transpose(features, (0, 2, 1))
    h = jax.nn.relu(feat_bkc @ W1 + b1)
    importance = jax.nn.softplus(h @ W2 + b2)[..., 0]
    sel_idx, sel_len = _select_indices(xyz, importance)
    tpos = jnp.arange(T)
    xyz_rows = []
    feat_rows = []
    for b in range(B):
        idx = sel_idx[b]
        L = sel_len[b]
        selected_feat = feat_bkc[b, idx] @ Wa + ba
        maskT = tpos < L
        xyz_rows.append(jnp.where(maskT[:, None], xyz[b, idx], jnp.float32(0)))
        feat_rows.append(jnp.where(maskT[None, :], selected_feat.T, jnp.float32(0)))
    xyz_out = jnp.stack(xyz_rows).astype(jnp.float32)
    feat_out = jnp.stack(feat_rows).astype(jnp.float32)
    return (xyz_out, feat_out)

if __name__ == "__main__":
    import jax
    _d = setup_inputs()
    print(jax.jit(kernel)(*tuple(_d.values())))

</pallas_src>

<mosaic_0001>
#map = affine_map<(d0, d1) -> (0, 0)>
#map1 = affine_map<(d0, d1) -> (0, 0, 0)>
module attributes {stable_mosaic.version = 14 : i64} {
  func.func @k(%arg0: i32, %arg1: i32, %arg2: memref<65536x128xf32, #tpu.memory_space<hbm>>, %arg3: memref<32x16x128xi32, #tpu.memory_space<hbm>>, %arg4: memref<65536x128xf32, #tpu.memory_space<hbm>>, %arg5: memref<16x128xi32, #tpu.memory_space<vmem>>, %arg6: memref<512x128xf32, #tpu.memory_space<vmem>>, %arg7: memref<!tpu.dma_semaphore, #tpu.memory_space<semaphore_mem>>) attributes {dimension_semantics = [#tpu.dimension_semantics<core_parallel>, #tpu.dimension_semantics<subcore_parallel>], iteration_bounds = array<i64: 2, 16>, scalar_prefetch = 0 : i64, scratch_operands = 3 : i64, tpu.core_type = #tpu.core_type<sc_vector_subcore>, window_params = [{transform_indices = #map}, {transform_indices = #map1}, {transform_indices = #map}]} {
    %mul3A = arith.constant 2 : i32
    %mul3A_0 = arith.muli %arg1, %mul3A : i32
    %add3A = arith.addi %mul3A_0, %arg0 : i32
    %mul3A_1 = arith.constant 2048 : i32
    %mul3A_2 = arith.muli %add3A, %mul3A_1 : i32
    "tpu.region"() ({
      %run_scoped3A = tpu.sem_alloc : memref<!tpu.dma_semaphore, #tpu.memory_space<semaphore_mem>>
      %dma_start3A_329 = arith.constant 0 : i32
      %dma_start3A_330 = arith.constant 0 : i32
      %dma_start3A_331 = tpu.memref_slice %arg3[%add3A, %dma_start3A_329, %dma_start3A_330] : memref<32x16x128xi32, #tpu.memory_space<hbm>> -> memref<1x16x128xi32, #tpu.memory_space<hbm>>
      %dma_start3A_332 = tpu.memref_squeeze %dma_start3A_331 : memref<1x16x128xi32, #tpu.memory_space<hbm>> -> memref<16x128xi32, #tpu.memory_space<hbm>>
      %dma_start3A_333 = arith.constant 0 : i32
      %dma_start3A_334 = arith.constant 0 : i32
      %dma_start3A_335 = tpu.memref_slice %arg3[%add3A, %dma_start3A_333, %dma_start3A_334] : memref<32x16x128xi32, #tpu.memory_space<hbm>> -> memref<1x16x128xi32, #tpu.memory_space<hbm>>
      %dma_start3A_336 = tpu.memref_squeeze %dma_start3A_335 : memref<1x16x128xi32, #tpu.memory_space<hbm>> -> memref<16x128xi32, #tpu.memory_space<hbm>>
      tpu.enqueue_dma source(%dma_start3A_336 : memref<16x128xi32, #tpu.memory_space<hbm>>) target(%arg5 : memref<16x128xi32, #tpu.memory_space<vmem>>) target_semaphore(%run_scoped3A : memref<!tpu.dma_semaphore, #tpu.memory_space<semaphore_mem>>)
      %dma_wait3A_337 = arith.constant 0 : i32
      %dma_wait3A_338 = arith.constant 0 : i32
      %dma_wait3A_339 = tpu.memref_slice %arg3[%add3A, %dma_wait3A_337, %dma_wait3A_338] : memref<32x16x128xi32, #tpu.memory_space<hbm>> -> memref<1x16x128xi32, #tpu.memory_space<hbm>>
      %dma_wait3A_340 = tpu.memref_squeeze %dma_wait3A_339 : memref<1x16x128xi32, #tpu.memory_space<hbm>> -> memref<16x128xi32, #tpu.memory_space<hbm>>
      %dma_wait3A_341 = arith.constant 0 : i32
      %dma_wait3A_342 = arith.constant 0 : i32
      %dma_wait3A_343 = tpu.memref_slice %arg3[%add3A, %dma_wait3A_341, %dma_wait3A_342] : memref<32x16x128xi32, #tpu.memory_space<hbm>> -> memref<1x16x128xi32, #tpu.memory_space<hbm>>
      %dma_wait3A_344 = tpu.memref_squeeze %dma_wait3A_343 : memref<1x16x128xi32, #tpu.memory_space<hbm>> -> memref<16x128xi32, #tpu.memory_space<hbm>>
      tpu.wait_dma2 semaphore(%run_scoped3A : memref<!tpu.dma_semaphore, #tpu.memory_space<semaphore_mem>>) src(%dma_wait3A_344 : memref<16x128xi32, #tpu.memory_space<hbm>>) dst(%arg5 : memref<16x128xi32, #tpu.memory_space<vmem>>)
      tpu.yield
    }) : () -> ()
    %add3A_3 = arith.constant 0 : i32
    %add3A_4 = arith.addi %mul3A_2, %add3A_3 : i32
    "tpu.region"() ({
      %run_scoped3A = tpu.sem_alloc : memref<!tpu.dma_semaphore, #tpu.memory_space<semaphore_mem>>
      %dma_start3A_329 = arith.constant 0 : i32
      %dma_start3A_330 = tpu.memref_slice %arg2[%add3A_4, %dma_start3A_329] : memref<65536x128xf32, #tpu.memory_space<hbm>> -> memref<512x128xf32, #tpu.memory_space<hbm>>
      %dma_start3A_331 = arith.constant 0 : i32
      %dma_start3A_332 = tpu.memref_slice %arg2[%add3A_4, %dma_start3A_331] : memref<65536x128xf32, #tpu.memory_space<hbm>> -> memref<512x128xf32, #tpu.memory_space<hbm>>
      tpu.enqueue_dma source(%dma_start3A_332 : memref<512x128xf32, #tpu.memory_space<hbm>>) target(%arg6 : memref<512x128xf32, #tpu.memory_space<vmem>>) target_semaphore(%run_scoped3A : memref<!tpu.dma_semaphore, #tpu.memory_space<semaphore_mem>>)
      %dma_wait3A_333 = arith.constant 0 : i32
      %dma_wait3A_334 = tpu.memref_slice %arg2[%add3A_4, %dma_wait3A_333] : memref<65536x128xf32, #tpu.memory_space<hbm>> -> memref<512x128xf32, #tpu.memory_space<hbm>>
      %dma_wait3A_335 = arith.constant 0 : i32
      %dma_wait3A_336 = tpu.memref_slice %arg2[%add3A_4, %dma_wait3A_335] : memref<65536x128xf32, #tpu.memory_space<hbm>> -> memref<512x128xf32, #tpu.memory_space<hbm>>
      tpu.wait_dma2 semaphore(%run_scoped3A : memref<!tpu.dma_semaphore, #tpu.memory_space<semaphore_mem>>) src(%dma_wait3A_336 : memref<512x128xf32, #tpu.memory_space<hbm>>) dst(%arg6 : memref<512x128xf32, #tpu.memory_space<vmem>>)
      tpu.yield
    }) : () -> ()
    %dma_start3A = arith.constant 0 : i32
    %dma_start3A_5 = arith.constant 0 : i32
    %dma_start3A_6 = arith.constant 0 : i32
    %dma_start3A_7 = tpu.memref_slice %arg6[%dma_start3A_5, %dma_start3A_6] : memref<512x128xf32, #tpu.memory_space<vmem>> -> memref<128x128xf32, #tpu.memory_space<vmem>>
    %dma_start3A_8 = arith.constant 0 : i32
    %dma_start3A_9 = tpu.memref_slice %arg5[%dma_start3A, %dma_start3A_8] : memref<16x128xi32, #tpu.memory_space<vmem>> -> memref<1x128xi32, #tpu.memory_space<vmem>>
    %dma_start3A_10 = tpu.memref_squeeze %dma_start3A_9 : memref<1x128xi32, #tpu.memory_space<vmem>> -> memref<128xi32, #tpu.memory_space<vmem>>
    %dma_start3A_11 = arith.constant 0 : i32
    %dma_start3A_12 = arith.constant 0 : i32
    %dma_start3A_13 = tpu.memref_slice %arg4[%dma_start3A_11, %dma_start3A_12] : memref<65536x128xf32, #tpu.memory_space<hbm>> -> memref<65536x128xf32, #tpu.memory_space<hbm>>
    tpu.enqueue_indirect_dma source(%dma_start3A_7 : memref<128x128xf32, #tpu.memory_space<vmem>>) target(%dma_start3A_13 : memref<65536x128xf32, #tpu.memory_space<hbm>>) offsets(%dma_start3A_10 : memref<128xi32, #tpu.memory_space<vmem>>) semaphore(%arg7 : memref<!tpu.dma_semaphore, #tpu.memory_space<semaphore_mem>>)
    %dma_start3A_14 = arith.constant 1 : i32
    %dma_start3A_15 = arith.constant 128 : i32
    %dma_start3A_16 = arith.constant 0 : i32
    %dma_start3A_17 = tpu.memref_slice %arg6[%dma_start3A_15, %dma_start3A_16] : memref<512x128xf32, #tpu.memory_space<vmem>> -> memref<128x128xf32, #tpu.memory_space<vmem>>
    %dma_start3A_18 = arith.constant 0 : i32
    %dma_start3A_19 = tpu.memref_slice %arg5[%dma_start3A_14, %dma_start3A_18] : memref<16x128xi32, #tpu.memory_space<vmem>> -> memref<1x128xi32, #tpu.memory_space<vmem>>
    %dma_start3A_20 = tpu.memref_squeeze %dma_start3A_19 : memref<1x128xi32, #tpu.memory_space<vmem>> -> memref<128xi32, #tpu.memory_space<vmem>>
    %dma_start3A_21 = arith.constant 0 : i32
    %dma_start3A_22 = arith.constant 0 : i32
    %dma_start3A_23 = tpu.memref_slice %arg4[%dma_start3A_21, %dma_start3A_22] : memref<65536x128xf32, #tpu.memory_space<hbm>> -> memref<65536x128xf32, #tpu.memory_space<hbm>>
    tpu.enqueue_indirect_dma source(%dma_start3A_17 : memref<128x128xf32, #tpu.memory_space<vmem>>) target(%dma_start3A_23 : memref<65536x128xf32, #tpu.memory_space<hbm>>) offsets(%dma_start3A_20 : memref<128xi32, #tpu.memory_space<vmem>>) semaphore(%arg7 : memref<!tpu.dma_semaphore, #tpu.memory_space<semaphore_mem>>)
    %dma_start3A_24 = arith.constant 2 : i32
    %dma_start3A_25 = arith.constant 256 : i32
    %dma_start3A_26 = arith.constant 0 : i32
    %dma_start3A_27 = tpu.memref_slice %arg6[%dma_start3A_25, %dma_start3A_26] : memref<512x128xf32, #tpu.memory_space<vmem>> -> memref<128x128xf32, #tpu.memory_space<vmem>>
    %dma_start3A_28 = arith.constant 0 : i32
    %dma_start3A_29 = tpu.memref_slice %arg5[%dma_start3A_24, %dma_start3A_28] : memref<16x128xi32, #tpu.memory_space<vmem>> -> memref<1x128xi32, #tpu.memory_space<vmem>>
    %dma_start3A_30 = tpu.memref_squeeze %dma_start3A_29 : memref<1x128xi32, #tpu.memory_space<vmem>> -> memref<128xi32, #tpu.memory_space<vmem>>
    %dma_start3A_31 = arith.constant 0 : i32
    %dma_start3A_32 = arith.constant 0 : i32
    %dma_start3A_33 = tpu.memref_slice %arg4[%dma_start3A_31, %dma_start3A_32] : memref<65536x128xf32, #tpu.memory_space<hbm>> -> memref<65536x128xf32, #tpu.memory_space<hbm>>
    tpu.enqueue_indirect_dma source(%dma_start3A_27 : memref<128x128xf32, #tpu.memory_space<vmem>>) target(%dma_start3A_33 : memref<65536x128xf32, #tpu.memory_space<hbm>>) offsets(%dma_start3A_30 : memref<128xi32, #tpu.memory_space<vmem>>) semaphore(%arg7 : memref<!tpu.dma_semaphore, #tpu.memory_space<semaphore_mem>>)
    %dma_start3A_34 = arith.constant 3 : i32
    %dma_start3A_35 = arith.constant 384 : i32
    %dma_start3A_36 = arith.constant 0 : i32
    %dma_start3A_37 = tpu.memref_slice %arg6[%dma_start3A_35, %dma_start3A_36] : memref<512x128xf32, #tpu.memory_space<vmem>> -> memref<128x128xf32, #tpu.memory_space<vmem>>
    %dma_start3A_38 = arith.constant 0 : i32
    %dma_start3A_39 = tpu.memref_slice %arg5[%dma_start3A_34, %dma_start3A_38] : memref<16x128xi32, #tpu.memory_space<vmem>> -> memref<1x128xi32, #tpu.memory_space<vmem>>
    %dma_start3A_40 = tpu.memref_squeeze %dma_start3A_39 : memref<1x128xi32, #tpu.memory_space<vmem>> -> memref<128xi32, #tpu.memory_space<vmem>>
    %dma_start3A_41 = arith.constant 0 : i32
    %dma_start3A_42 = arith.constant 0 : i32
    %dma_start3A_43 = tpu.memref_slice %arg4[%dma_start3A_41, %dma_start3A_42] : memref<65536x128xf32, #tpu.memory_space<hbm>> -> memref<65536x128xf32, #tpu.memory_space<hbm>>
    tpu.enqueue_indirect_dma source(%dma_start3A_37 : memref<128x128xf32, #tpu.memory_space<vmem>>) target(%dma_start3A_43 : memref<65536x128xf32, #tpu.memory_space<hbm>>) offsets(%dma_start3A_40 : memref<128xi32, #tpu.memory_space<vmem>>) semaphore(%arg7 : memref<!tpu.dma_semaphore, #tpu.memory_space<semaphore_mem>>)
    %dma_wait3A = arith.constant 0 : i32
    %dma_wait3A_44 = arith.constant 0 : i32
    %dma_wait3A_45 = arith.constant 0 : i32
    %dma_wait3A_46 = tpu.memref_slice %arg6[%dma_wait3A_44, %dma_wait3A_45] : memref<512x128xf32, #tpu.memory_space<vmem>> -> memref<128x128xf32, #tpu.memory_space<vmem>>
    %dma_wait3A_47 = arith.constant 0 : i32
    %dma_wait3A_48 = tpu.memref_slice %arg5[%dma_wait3A, %dma_wait3A_47] : memref<16x128xi32, #tpu.memory_space<vmem>> -> memref<1x128xi32, #tpu.memory_space<vmem>>
    %dma_wait3A_49 = tpu.memref_squeeze %dma_wait3A_48 : memref<1x128xi32, #tpu.memory_space<vmem>> -> memref<128xi32, #tpu.memory_space<vmem>>
    %dma_wait3A_50 = arith.constant 0 : i32
    %dma_wait3A_51 = arith.constant 0 : i32
    %dma_wait3A_52 = tpu.memref_slice %arg4[%dma_wait3A_50, %dma_wait3A_51] : memref<65536x128xf32, #tpu.memory_space<hbm>> -> memref<65536x128xf32, #tpu.memory_space<hbm>>
    tpu.wait_indirect_dma semaphore(%arg7 : memref<!tpu.dma_semaphore, #tpu.memory_space<semaphore_mem>>) src(%dma_wait3A_46 : memref<128x128xf32, #tpu.memory_space<vmem>>) dst(%dma_wait3A_52 : memref<65536x128xf32, #tpu.memory_space<hbm>>)
    %dma_wait3A_53 = arith.constant 1 : i32
    %dma_wait3A_54 = arith.constant 128 : i32
    %dma_wait3A_55 = arith.constant 0 : i32
    %dma_wait3A_56 = tpu.memref_slice %arg6[%dma_wait3A_54, %dma_wait3A_55] : memref<512x128xf32, #tpu.memory_space<vmem>> -> memref<128x128xf32, #tpu.memory_space<vmem>>
    %dma_wait3A_57 = arith.constant 0 : i32
    %dma_wait3A_58 = tpu.memref_slice %arg5[%dma_wait3A_53, %dma_wait3A_57] : memref<16x128xi32, #tpu.memory_space<vmem>> -> memref<1x128xi32, #tpu.memory_space<vmem>>
    %dma_wait3A_59 = tpu.memref_squeeze %dma_wait3A_58 : memref<1x128xi32, #tpu.memory_space<vmem>> -> memref<128xi32, #tpu.memory_space<vmem>>
    %dma_wait3A_60 = arith.constant 0 : i32
    %dma_wait3A_61 = arith.constant 0 : i32
    %dma_wait3A_62 = tpu.memref_slice %arg4[%dma_wait3A_60, %dma_wait3A_61] : memref<65536x128xf32, #tpu.memory_space<hbm>> -> memref<65536x128xf32, #tpu.memory_space<hbm>>
    tpu.wait_indirect_dma semaphore(%arg7 : memref<!tpu.dma_semaphore, #tpu.memory_space<semaphore_mem>>) src(%dma_wait3A_56 : memref<128x128xf32, #tpu.memory_space<vmem>>) dst(%dma_wait3A_62 : memref<65536x128xf32, #tpu.memory_space<hbm>>)
    %dma_wait3A_63 = arith.constant 2 : i32
    %dma_wait3A_64 = arith.constant 256 : i32
    %dma_wait3A_65 = arith.constant 0 : i32
    %dma_wait3A_66 = tpu.memref_slice %arg6[%dma_wait3A_64, %dma_wait3A_65] : memref<512x128xf32, #tpu.memory_space<vmem>> -> memref<128x128xf32, #tpu.memory_space<vmem>>
    %dma_wait3A_67 = arith.constant 0 : i32
    %dma_wait3A_68 = tpu.memref_slice %arg5[%dma_wait3A_63, %dma_wait3A_67] : memref<16x128xi32, #tpu.memory_space<vmem>> -> memref<1x128xi32, #tpu.memory_space<vmem>>
    %dma_wait3A_69 = tpu.memref_squeeze %dma_wait3A_68 : memref<1x128xi32, #tpu.memory_space<vmem>> -> memref<128xi32, #tpu.memory_space<vmem>>
    %dma_wait3A_70 = arith.constant 0 : i32
    %dma_wait3A_71 = arith.constant 0 : i32
    %dma_wait3A_72 = tpu.memref_slice %arg4[%dma_wait3A_70, %dma_wait3A_71] : memref<65536x128xf32, #tpu.memory_space<hbm>> -> memref<65536x128xf32, #tpu.memory_space<hbm>>
    tpu.wait_indirect_dma semaphore(%arg7 : memref<!tpu.dma_semaphore, #tpu.memory_space<semaphore_mem>>) src(%dma_wait3A_66 : memref<128x128xf32, #tpu.memory_space<vmem>>) dst(%dma_wait3A_72 : memref<65536x128xf32, #tpu.memory_space<hbm>>)
    %dma_wait3A_73 = arith.constant 3 : i32
    %dma_wait3A_74 = arith.constant 384 : i32
    %dma_wait3A_75 = arith.constant 0 : i32
    %dma_wait3A_76 = tpu.memref_slice %arg6[%dma_wait3A_74, %dma_wait3A_75] : memref<512x128xf32, #tpu.memory_space<vmem>> -> memref<128x128xf32, #tpu.memory_space<vmem>>
    %dma_wait3A_77 = arith.constant 0 : i32
    %dma_wait3A_78 = tpu.memref_slice %arg5[%dma_wait3A_73, %dma_wait3A_77] : memref<16x128xi32, #tpu.memory_space<vmem>> -> memref<1x128xi32, #tpu.memory_space<vmem>>
    %dma_wait3A_79 = tpu.memref_squeeze %dma_wait3A_78 : memref<1x128xi32, #tpu.memory_space<vmem>> -> memref<128xi32, #tpu.memory_space<vmem>>
    %dma_wait3A_80 = arith.constant 0 : i32
    %dma_wait3A_81 = arith.constant 0 : i32
    %dma_wait3A_82 = tpu.memref_slice %arg4[%dma_wait3A_80, %dma_wait3A_81] : memref<65536x128xf32, #tpu.memory_space<hbm>> -> memref<65536x128xf32, #tpu.memory_space<hbm>>
    tpu.wait_indirect_dma semaphore(%arg7 : memref<!tpu.dma_semaphore, #tpu.memory_space<semaphore_mem>>) src(%dma_wait3A_76 : memref<128x128xf32, #tpu.memory_space<vmem>>) dst(%dma_wait3A_82 : memref<65536x128xf32, #tpu.memory_space<hbm>>)
    %add3A_83 = arith.constant 512 : i32
    %add3A_84 = arith.addi %mul3A_2, %add3A_83 : i32
    "tpu.region"() ({
      %run_scoped3A = tpu.sem_alloc : memref<!tpu.dma_semaphore, #tpu.memory_space<semaphore_mem>>
      %dma_start3A_329 = arith.constant 0 : i32
      %dma_start3A_330 = tpu.memref_slice %arg2[%add3A_84, %dma_start3A_329] : memref<65536x128xf32, #tpu.memory_space<hbm>> -> memref<512x128xf32, #tpu.memory_space<hbm>>
      %dma_start3A_331 = arith.constant 0 : i32
      %dma_start3A_332 = tpu.memref_slice %arg2[%add3A_84, %dma_start3A_331] : memref<65536x128xf32, #tpu.memory_space<hbm>> -> memref<512x128xf32, #tpu.memory_space<hbm>>
      tpu.enqueue_dma source(%dma_start3A_332 : memref<512x128xf32, #tpu.memory_space<hbm>>) target(%arg6 : memref<512x128xf32, #tpu.memory_space<vmem>>) target_semaphore(%run_scoped3A : memref<!tpu.dma_semaphore, #tpu.memory_space<semaphore_mem>>)
      %dma_wait3A_333 = arith.constant 0 : i32
      %dma_wait3A_334 = tpu.memref_slice %arg2[%add3A_84, %dma_wait3A_333] : memref<65536x128xf32, #tpu.memory_space<hbm>> -> memref<512x128xf32, #tpu.memory_space<hbm>>
      %dma_wait3A_335 = arith.constant 0 : i32
      %dma_wait3A_336 = tpu.memref_slice %arg2[%add3A_84, %dma_wait3A_335] : memref<65536x128xf32, #tpu.memory_space<hbm>> -> memref<512x128xf32, #tpu.memory_space<hbm>>
      tpu.wait_dma2 semaphore(%run_scoped3A : memref<!tpu.dma_semaphore, #tpu.memory_space<semaphore_mem>>) src(%dma_wait3A_336 : memref<512x128xf32, #tpu.memory_space<hbm>>) dst(%arg6 : memref<512x128xf32, #tpu.memory_space<vmem>>)
      tpu.yield
    }) : () -> ()
    %dma_start3A_85 = arith.constant 4 : i32
    %dma_start3A_86 = arith.constant 0 : i32
    %dma_start3A_87 = arith.constant 0 : i32
    %dma_start3A_88 = tpu.memref_slice %arg6[%dma_start3A_86, %dma_start3A_87] : memref<512x128xf32, #tpu.memory_space<vmem>> -> memref<128x128xf32, #tpu.memory_space<vmem>>
    %dma_start3A_89 = arith.constant 0 : i32
    %dma_start3A_90 = tpu.memref_slice %arg5[%dma_start3A_85, %dma_start3A_89] : memref<16x128xi32, #tpu.memory_space<vmem>> -> memref<1x128xi32, #tpu.memory_space<vmem>>
    %dma_start3A_91 = tpu.memref_squeeze %dma_start3A_90 : memref<1x128xi32, #tpu.memory_space<vmem>> -> memref<128xi32, #tpu.memory_space<vmem>>
    %dma_start3A_92 = arith.constant 0 : i32
    %dma_start3A_93 = arith.constant 0 : i32
    %dma_start3A_94 = tpu.memref_slice %arg4[%dma_start3A_92, %dma_start3A_93] : memref<65536x128xf32, #tpu.memory_space<hbm>> -> memref<65536x128xf32, #tpu.memory_space<hbm>>
    tpu.enqueue_indirect_dma source(%dma_start3A_88 : memref<128x128xf32, #tpu.memory_space<vmem>>) target(%dma_start3A_94 : memref<65536x128xf32, #tpu.memory_space<hbm>>) offsets(%dma_start3A_91 : memref<128xi32, #tpu.memory_space<vmem>>) semaphore(%arg7 : memref<!tpu.dma_semaphore, #tpu.memory_space<semaphore_mem>>)
    %dma_start3A_95 = arith.constant 5 : i32
    %dma_start3A_96 = arith.constant 128 : i32
    %dma_start3A_97 = arith.constant 0 : i32
    %dma_start3A_98 = tpu.memref_slice %arg6[%dma_start3A_96, %dma_start3A_97] : memref<512x128xf32, #tpu.memory_space<vmem>> -> memref<128x128xf32, #tpu.memory_space<vmem>>
    %dma_start3A_99 = arith.constant 0 : i32
    %dma_start3A_100 = tpu.memref_slice %arg5[%dma_start3A_95, %dma_start3A_99] : memref<16x128xi32, #tpu.memory_space<vmem>> -> memref<1x128xi32, #tpu.memory_space<vmem>>
    %dma_start3A_101 = tpu.memref_squeeze %dma_start3A_100 : memref<1x128xi32, #tpu.memory_space<vmem>> -> memref<128xi32, #tpu.memory_space<vmem>>
    %dma_start3A_102 = arith.constant 0 : i32
    %dma_start3A_103 = arith.constant 0 : i32
    %dma_start3A_104 = tpu.memref_slice %arg4[%dma_start3A_102, %dma_start3A_103] : memref<65536x128xf32, #tpu.memory_space<hbm>> -> memref<65536x128xf32, #tpu.memory_space<hbm>>
    tpu.enqueue_indirect_dma source(%dma_start3A_98 : memref<128x128xf32, #tpu.memory_space<vmem>>) target(%dma_start3A_104 : memref<65536x128xf32, #tpu.memory_space<hbm>>) offsets(%dma_start3A_101 : memref<128xi32, #tpu.memory_space<vmem>>) semaphore(%arg7 : memref<!tpu.dma_semaphore, #tpu.memory_space<semaphore_mem>>)
    %dma_start3A_105 = arith.constant 6 : i32
    %dma_start3A_106 = arith.constant 256 : i32
    %dma_start3A_107 = arith.constant 0 : i32
    %dma_start3A_108 = tpu.memref_slice %arg6[%dma_start3A_106, %dma_start3A_107] : memref<512x128xf32, #tpu.memory_space<vmem>> -> memref<128x128xf32, #tpu.memory_space<vmem>>
    %dma_start3A_109 = arith.constant 0 : i32
    %dma_start3A_110 = tpu.memref_slice %arg5[%dma_start3A_105, %dma_start3A_109] : memref<16x128xi32, #tpu.memory_space<vmem>> -> memref<1x128xi32, #tpu.memory_space<vmem>>
    %dma_start3A_111 = tpu.memref_squeeze %dma_start3A_110 : memref<1x128xi32, #tpu.memory_space<vmem>> -> memref<128xi32, #tpu.memory_space<vmem>>
    %dma_start3A_112 = arith.constant 0 : i32
    %dma_start3A_113 = arith.constant 0 : i32
    %dma_start3A_114 = tpu.memref_slice %arg4[%dma_start3A_112, %dma_start3A_113] : memref<65536x128xf32, #tpu.memory_space<hbm>> -> memref<65536x128xf32, #tpu.memory_space<hbm>>
    tpu.enqueue_indirect_dma source(%dma_start3A_108 : memref<128x128xf32, #tpu.memory_space<vmem>>) target(%dma_start3A_114 : memref<65536x128xf32, #tpu.memory_space<hbm>>) offsets(%dma_start3A_111 : memref<128xi32, #tpu.memory_space<vmem>>) semaphore(%arg7 : memref<!tpu.dma_semaphore, #tpu.memory_space<semaphore_mem>>)
    %dma_start3A_115 = arith.constant 7 : i32
    %dma_start3A_116 = arith.constant 384 : i32
    %dma_start3A_117 = arith.constant 0 : i32
    %dma_start3A_118 = tpu.memref_slice %arg6[%dma_start3A_116, %dma_start3A_117] : memref<512x128xf32, #tpu.memory_space<vmem>> -> memref<128x128xf32, #tpu.memory_space<vmem>>
    %dma_start3A_119 = arith.constant 0 : i32
    %dma_start3A_120 = tpu.memref_slice %arg5[%dma_start3A_115, %dma_start3A_119] : memref<16x128xi32, #tpu.memory_space<vmem>> -> memref<1x128xi32, #tpu.memory_space<vmem>>
    %dma_start3A_121 = tpu.memref_squeeze %dma_start3A_120 : memref<1x128xi32, #tpu.memory_space<vmem>> -> memref<128xi32, #tpu.memory_space<vmem>>
    %dma_start3A_122 = arith.constant 0 : i32
    %dma_start3A_123 = arith.constant 0 : i32
    %dma_start3A_124 = tpu.memref_slice %arg4[%dma_start3A_122, %dma_start3A_123] : memref<65536x128xf32, #tpu.memory_space<hbm>> -> memref<65536x128xf32, #tpu.memory_space<hbm>>
    tpu.enqueue_indirect_dma source(%dma_start3A_118 : memref<128x128xf32, #tpu.memory_space<vmem>>) target(%dma_start3A_124 : memref<65536x128xf32, #tpu.memory_space<hbm>>) offsets(%dma_start3A_121 : memref<128xi32, #tpu.memory_space<vmem>>) semaphore(%arg7 : memref<!tpu.dma_semaphore, #tpu.memory_space<semaphore_mem>>)
    %dma_wait3A_125 = arith.constant 4 : i32
    %dma_wait3A_126 = arith.constant 0 : i32
    %dma_wait3A_127 = arith.constant 0 : i32
    %dma_wait3A_128 = tpu.memref_slice %arg6[%dma_wait3A_126, %dma_wait3A_127] : memref<512x128xf32, #tpu.memory_space<vmem>> -> memref<128x128xf32, #tpu.memory_space<vmem>>
    %dma_wait3A_129 = arith.constant 0 : i32
    %dma_wait3A_130 = tpu.memref_slice %arg5[%dma_wait3A_125, %dma_wait3A_129] : memref<16x128xi32, #tpu.memory_space<vmem>> -> memref<1x128xi32, #tpu.memory_space<vmem>>
    %dma_wait3A_131 = tpu.memref_squeeze %dma_wait3A_130 : memref<1x128xi32, #tpu.memory_space<vmem>> -> memref<128xi32, #tpu.memory_space<vmem>>
    %dma_wait3A_132 = arith.constant 0 : i32
    %dma_wait3A_133 = arith.constant 0 : i32
    %dma_wait3A_134 = tpu.memref_slice %arg4[%dma_wait3A_132, %dma_wait3A_133] : memref<65536x128xf32, #tpu.memory_space<hbm>> -> memref<65536x128xf32, #tpu.memory_space<hbm>>
    tpu.wait_indirect_dma semaphore(%arg7 : memref<!tpu.dma_semaphore, #tpu.memory_space<semaphore_mem>>) src(%dma_wait3A_128 : memref<128x128xf32, #tpu.memory_space<vmem>>) dst(%dma_wait3A_134 : memref<65536x128xf32, #tpu.memory_space<hbm>>)
    %dma_wait3A_135 = arith.constant 5 : i32
    %dma_wait3A_136 = arith.constant 128 : i32
    %dma_wait3A_137 = arith.constant 0 : i32
    %dma_wait3A_138 = tpu.memref_slice %arg6[%dma_wait3A_136, %dma_wait3A_137] : memref<512x128xf32, #tpu.memory_space<vmem>> -> memref<128x128xf32, #tpu.memory_space<vmem>>
    %dma_wait3A_139 = arith.constant 0 : i32
    %dma_wait3A_140 = tpu.memref_slice %arg5[%dma_wait3A_135, %dma_wait3A_139] : memref<16x128xi32, #tpu.memory_space<vmem>> -> memref<1x128xi32, #tpu.memory_space<vmem>>
    %dma_wait3A_141 = tpu.memref_squeeze %dma_wait3A_140 : memref<1x128xi32, #tpu.memory_space<vmem>> -> memref<128xi32, #tpu.memory_space<vmem>>
    %dma_wait3A_142 = arith.constant 0 : i32
    %dma_wait3A_143 = arith.constant 0 : i32
    %dma_wait3A_144 = tpu.memref_slice %arg4[%dma_wait3A_142, %dma_wait3A_143] : memref<65536x128xf32, #tpu.memory_space<hbm>> -> memref<65536x128xf32, #tpu.memory_space<hbm>>
    tpu.wait_indirect_dma semaphore(%arg7 : memref<!tpu.dma_semaphore, #tpu.memory_space<semaphore_mem>>) src(%dma_wait3A_138 : memref<128x128xf32, #tpu.memory_space<vmem>>) dst(%dma_wait3A_144 : memref<65536x128xf32, #tpu.memory_space<hbm>>)
    %dma_wait3A_145 = arith.constant 6 : i32
    %dma_wait3A_146 = arith.constant 256 : i32
    %dma_wait3A_147 = arith.constant 0 : i32
    %dma_wait3A_148 = tpu.memref_slice %arg6[%dma_wait3A_146, %dma_wait3A_147] : memref<512x128xf32, #tpu.memory_space<vmem>> -> memref<128x128xf32, #tpu.memory_space<vmem>>
    %dma_wait3A_149 = arith.constant 0 : i32
    %dma_wait3A_150 = tpu.memref_slice %arg5[%dma_wait3A_145, %dma_wait3A_149] : memref<16x128xi32, #tpu.memory_space<vmem>> -> memref<1x128xi32, #tpu.memory_space<vmem>>
    %dma_wait3A_151 = tpu.memref_squeeze %dma_wait3A_150 : memref<1x128xi32, #tpu.memory_space<vmem>> -> memref<128xi32, #tpu.memory_space<vmem>>
    %dma_wait3A_152 = arith.constant 0 : i32
    %dma_wait3A_153 = arith.constant 0 : i32
    %dma_wait3A_154 = tpu.memref_slice %arg4[%dma_wait3A_152, %dma_wait3A_153] : memref<65536x128xf32, #tpu.memory_space<hbm>> -> memref<65536x128xf32, #tpu.memory_space<hbm>>
    tpu.wait_indirect_dma semaphore(%arg7 : memref<!tpu.dma_semaphore, #tpu.memory_space<semaphore_mem>>) src(%dma_wait3A_148 : memref<128x128xf32, #tpu.memory_space<vmem>>) dst(%dma_wait3A_154 : memref<65536x128xf32, #tpu.memory_space<hbm>>)
    %dma_wait3A_155 = arith.constant 7 : i32
    %dma_wait3A_156 = arith.constant 384 : i32
    %dma_wait3A_157 = arith.constant 0 : i32
    %dma_wait3A_158 = tpu.memref_slice %arg6[%dma_wait3A_156, %dma_wait3A_157] : memref<512x128xf32, #tpu.memory_space<vmem>> -> memref<128x128xf32, #tpu.memory_space<vmem>>
    %dma_wait3A_159 = arith.constant 0 : i32
    %dma_wait3A_160 = tpu.memref_slice %arg5[%dma_wait3A_155, %dma_wait3A_159] : memref<16x128xi32, #tpu.memory_space<vmem>> -> memref<1x128xi32, #tpu.memory_space<vmem>>
    %dma_wait3A_161 = tpu.memref_squeeze %dma_wait3A_160 : memref<1x128xi32, #tpu.memory_space<vmem>> -> memref<128xi32, #tpu.memory_space<vmem>>
    %dma_wait3A_162 = arith.constant 0 : i32
    %dma_wait3A_163 = arith.constant 0 : i32
    %dma_wait3A_164 = tpu.memref_slice %arg4[%dma_wait3A_162, %dma_wait3A_163] : memref<65536x128xf32, #tpu.memory_space<hbm>> -> memref<65536x128xf32, #tpu.memory_space<hbm>>
    tpu.wait_indirect_dma semaphore(%arg7 : memref<!tpu.dma_semaphore, #tpu.memory_space<semaphore_mem>>) src(%dma_wait3A_158 : memref<128x128xf32, #tpu.memory_space<vmem>>) dst(%dma_wait3A_164 : memref<65536x128xf32, #tpu.memory_space<hbm>>)
    %add3A_165 = arith.constant 1024 : i32
    %add3A_166 = arith.addi %mul3A_2, %add3A_165 : i32
    "tpu.region"() ({
      %run_scoped3A = tpu.sem_alloc : memref<!tpu.dma_semaphore, #tpu.memory_space<semaphore_mem>>
      %dma_start3A_329 = arith.constant 0 : i32
      %dma_start3A_330 = tpu.memref_slice %arg2[%add3A_166, %dma_start3A_329] : memref<65536x128xf32, #tpu.memory_space<hbm>> -> memref<512x128xf32, #tpu.memory_space<hbm>>
      %dma_start3A_331 = arith.constant 0 : i32
      %dma_start3A_332 = tpu.memref_slice %arg2[%add3A_166, %dma_start3A_331] : memref<65536x128xf32, #tpu.memory_space<hbm>> -> memref<512x128xf32, #tpu.memory_space<hbm>>
      tpu.enqueue_dma source(%dma_start3A_332 : memref<512x128xf32, #tpu.memory_space<hbm>>) target(%arg6 : memref<512x128xf32, #tpu.memory_space<vmem>>) target_semaphore(%run_scoped3A : memref<!tpu.dma_semaphore, #tpu.memory_space<semaphore_mem>>)
      %dma_wait3A_333 = arith.constant 0 : i32
      %dma_wait3A_334 = tpu.memref_slice %arg2[%add3A_166, %dma_wait3A_333] : memref<65536x128xf32, #tpu.memory_space<hbm>> -> memref<512x128xf32, #tpu.memory_space<hbm>>
      %dma_wait3A_335 = arith.constant 0 : i32
      %dma_wait3A_336 = tpu.memref_slice %arg2[%add3A_166, %dma_wait3A_335] : memref<65536x128xf32, #tpu.memory_space<hbm>> -> memref<512x128xf32, #tpu.memory_space<hbm>>
      tpu.wait_dma2 semaphore(%run_scoped3A : memref<!tpu.dma_semaphore, #tpu.memory_space<semaphore_mem>>) src(%dma_wait3A_336 : memref<512x128xf32, #tpu.memory_space<hbm>>) dst(%arg6 : memref<512x128xf32, #tpu.memory_space<vmem>>)
      tpu.yield
    }) : () -> ()
    %dma_start3A_167 = arith.constant 8 : i32
    %dma_start3A_168 = arith.constant 0 : i32
    %dma_start3A_169 = arith.constant 0 : i32
    %dma_start3A_170 = tpu.memref_slice %arg6[%dma_start3A_168, %dma_start3A_169] : memref<512x128xf32, #tpu.memory_space<vmem>> -> memref<128x128xf32, #tpu.memory_space<vmem>>
    %dma_start3A_171 = arith.constant 0 : i32
    %dma_start3A_172 = tpu.memref_slice %arg5[%dma_start3A_167, %dma_start3A_171] : memref<16x128xi32, #tpu.memory_space<vmem>> -> memref<1x128xi32, #tpu.memory_space<vmem>>
    %dma_start3A_173 = tpu.memref_squeeze %dma_start3A_172 : memref<1x128xi32, #tpu.memory_space<vmem>> -> memref<128xi32, #tpu.memory_space<vmem>>
    %dma_start3A_174 = arith.constant 0 : i32
    %dma_start3A_175 = arith.constant 0 : i32
    %dma_start3A_176 = tpu.memref_slice %arg4[%dma_start3A_174, %dma_start3A_175] : memref<65536x128xf32, #tpu.memory_space<hbm>> -> memref<65536x128xf32, #tpu.memory_space<hbm>>
    tpu.enqueue_indirect_dma source(%dma_start3A_170 : memref<128x128xf32, #tpu.memory_space<vmem>>) target(%dma_start3A_176 : memref<65536x128xf32, #tpu.memory_space<hbm>>) offsets(%dma_start3A_173 : memref<128xi32, #tpu.memory_space<vmem>>) semaphore(%arg7 : memref<!tpu.dma_semaphore, #tpu.memory_space<semaphore_mem>>)
    %dma_start3A_177 = arith.constant 9 : i32
    %dma_start3A_178 = arith.constant 128 : i32
    %dma_start3A_179 = arith.constant 0 : i32
    %dma_start3A_180 = tpu.memref_slice %arg6[%dma_start3A_178, %dma_start3A_179] : memref<512x128xf32, #tpu.memory_space<vmem>> -> memref<128x128xf32, #tpu.memory_space<vmem>>
    %dma_start3A_181 = arith.constant 0 : i32
    %dma_start3A_182 = tpu.memref_slice %arg5[%dma_start3A_177, %dma_start3A_181] : memref<16x128xi32, #tpu.memory_space<vmem>> -> memref<1x128xi32, #tpu.memory_space<vmem>>
    %dma_start3A_183 = tpu.memref_squeeze %dma_start3A_182 : memref<1x128xi32, #tpu.memory_space<vmem>> -> memref<128xi32, #tpu.memory_space<vmem>>
    %dma_start3A_184 = arith.constant 0 : i32
    %dma_start3A_185 = arith.constant 0 : i32
    %dma_start3A_186 = tpu.memref_slice %arg4[%dma_start3A_184, %dma_start3A_185] : memref<65536x128xf32, #tpu.memory_space<hbm>> -> memref<65536x128xf32, #tpu.memory_space<hbm>>
    tpu.enqueue_indirect_dma source(%dma_start3A_180 : memref<128x128xf32, #tpu.memory_space<vmem>>) target(%dma_start3A_186 : memref<65536x128xf32, #tpu.memory_space<hbm>>) offsets(%dma_start3A_183 : memref<128xi32, #tpu.memory_space<vmem>>) semaphore(%arg7 : memref<!tpu.dma_semaphore, #tpu.memory_space<semaphore_mem>>)
    %dma_start3A_187 = arith.constant 10 : i32
    %dma_start3A_188 = arith.constant 256 : i32
    %dma_start3A_189 = arith.constant 0 : i32
    %dma_start3A_190 = tpu.memref_slice %arg6[%dma_start3A_188, %dma_start3A_189] : memref<512x128xf32, #tpu.memory_space<vmem>> -> memref<128x128xf32, #tpu.memory_space<vmem>>
    %dma_start3A_191 = arith.constant 0 : i32
    %dma_start3A_192 = tpu.memref_slice %arg5[%dma_start3A_187, %dma_start3A_191] : memref<16x128xi32, #tpu.memory_space<vmem>> -> memref<1x128xi32, #tpu.memory_space<vmem>>
    %dma_start3A_193 = tpu.memref_squeeze %dma_start3A_192 : memref<1x128xi32, #tpu.memory_space<vmem>> -> memref<128xi32, #tpu.memory_space<vmem>>
    %dma_start3A_194 = arith.constant 0 : i32
    %dma_start3A_195 = arith.constant 0 : i32
    %dma_start3A_196 = tpu.memref_slice %arg4[%dma_start3A_194, %dma_start3A_195] : memref<65536x128xf32, #tpu.memory_space<hbm>> -> memref<65536x128xf32, #tpu.memory_space<hbm>>
    tpu.enqueue_indirect_dma source(%dma_start3A_190 : memref<128x128xf32, #tpu.memory_space<vmem>>) target(%dma_start3A_196 : memref<65536x128xf32, #tpu.memory_space<hbm>>) offsets(%dma_start3A_193 : memref<128xi32, #tpu.memory_space<vmem>>) semaphore(%arg7 : memref<!tpu.dma_semaphore, #tpu.memory_space<semaphore_mem>>)
    %dma_start3A_197 = arith.constant 11 : i32
    %dma_start3A_198 = arith.constant 384 : i32
    %dma_start3A_199 = arith.constant 0 : i32
    %dma_start3A_200 = tpu.memref_slice %arg6[%dma_start3A_198, %dma_start3A_199] : memref<512x128xf32, #tpu.memory_space<vmem>> -> memref<128x128xf32, #tpu.memory_space<vmem>>
    %dma_start3A_201 = arith.constant 0 : i32
    %dma_start3A_202 = tpu.memref_slice %arg5[%dma_start3A_197, %dma_start3A_201] : memref<16x128xi32, #tpu.memory_space<vmem>> -> memref<1x128xi32, #tpu.memory_space<vmem>>
    %dma_start3A_203 = tpu.memref_squeeze %dma_start3A_202 : memref<1x128xi32, #tpu.memory_space<vmem>> -> memref<128xi32, #tpu.memory_space<vmem>>
    %dma_start3A_204 = arith.constant 0 : i32
    %dma_start3A_205 = arith.constant 0 : i32
    %dma_start3A_206 = tpu.memref_slice %arg4[%dma_start3A_204, %dma_start3A_205] : memref<65536x128xf32, #tpu.memory_space<hbm>> -> memref<65536x128xf32, #tpu.memory_space<hbm>>
    tpu.enqueue_indirect_dma source(%dma_start3A_200 : memref<128x128xf32, #tpu.memory_space<vmem>>) target(%dma_start3A_206 : memref<65536x128xf32, #tpu.memory_space<hbm>>) offsets(%dma_start3A_203 : memref<128xi32, #tpu.memory_space<vmem>>) semaphore(%arg7 : memref<!tpu.dma_semaphore, #tpu.memory_space<semaphore_mem>>)
    %dma_wait3A_207 = arith.constant 8 : i32
    %dma_wait3A_208 = arith.constant 0 : i32
    %dma_wait3A_209 = arith.constant 0 : i32
    %dma_wait3A_210 = tpu.memref_slice %arg6[%dma_wait3A_208, %dma_wait3A_209] : memref<512x128xf32, #tpu.memory_space<vmem>> -> memref<128x128xf32, #tpu.memory_space<vmem>>
    %dma_wait3A_211 = arith.constant 0 : i32
    %dma_wait3A_212 = tpu.memref_slice %arg5[%dma_wait3A_207, %dma_wait3A_211] : memref<16x128xi32, #tpu.memory_space<vmem>> -> memref<1x128xi32, #tpu.memory_space<vmem>>
    %dma_wait3A_213 = tpu.memref_squeeze %dma_wait3A_212 : memref<1x128xi32, #tpu.memory_space<vmem>> -> memref<128xi32, #tpu.memory_space<vmem>>
    %dma_wait3A_214 = arith.constant 0 : i32
    %dma_wait3A_215 = arith.constant 0 : i32
    %dma_wait3A_216 = tpu.memref_slice %arg4[%dma_wait3A_214, %dma_wait3A_215] : memref<65536x128xf32, #tpu.memory_space<hbm>> -> memref<65536x128xf32, #tpu.memory_space<hbm>>
    tpu.wait_indirect_dma semaphore(%arg7 : memref<!tpu.dma_semaphore, #tpu.memory_space<semaphore_mem>>) src(%dma_wait3A_210 : memref<128x128xf32, #tpu.memory_space<vmem>>) dst(%dma_wait3A_216 : memref<65536x128xf32, #tpu.memory_space<hbm>>)
    %dma_wait3A_217 = arith.constant 9 : i32
    %dma_wait3A_218 = arith.constant 128 : i32
    %dma_wait3A_219 = arith.constant 0 : i32
    %dma_wait3A_220 = tpu.memref_slice %arg6[%dma_wait3A_218, %dma_wait3A_219] : memref<512x128xf32, #tpu.memory_space<vmem>> -> memref<128x128xf32, #tpu.memory_space<vmem>>
    %dma_wait3A_221 = arith.constant 0 : i32
    %dma_wait3A_222 = tpu.memref_slice %arg5[%dma_wait3A_217, %dma_wait3A_221] : memref<16x128xi32, #tpu.memory_space<vmem>> -> memref<1x128xi32, #tpu.memory_space<vmem>>
    %dma_wait3A_223 = tpu.memref_squeeze %dma_wait3A_222 : memref<1x128xi32, #tpu.memory_space<vmem>> -> memref<128xi32, #tpu.memory_space<vmem>>
    %dma_wait3A_224 = arith.constant 0 : i32
    %dma_wait3A_225 = arith.constant 0 : i32
    %dma_wait3A_226 = tpu.memref_slice %arg4[%dma_wait3A_224, %dma_wait3A_225] : memref<65536x128xf32, #tpu.memory_space<hbm>> -> memref<65536x128xf32, #tpu.memory_space<hbm>>
    tpu.wait_indirect_dma semaphore(%arg7 : memref<!tpu.dma_semaphore, #tpu.memory_space<semaphore_mem>>) src(%dma_wait3A_220 : memref<128x128xf32, #tpu.memory_space<vmem>>) dst(%dma_wait3A_226 : memref<65536x128xf32, #tpu.memory_space<hbm>>)
    %dma_wait3A_227 = arith.constant 10 : i32
    %dma_wait3A_228 = arith.constant 256 : i32
    %dma_wait3A_229 = arith.constant 0 : i32
    %dma_wait3A_230 = tpu.memref_slice %arg6[%dma_wait3A_228, %dma_wait3A_229] : memref<512x128xf32, #tpu.memory_space<vmem>> -> memref<128x128xf32, #tpu.memory_space<vmem>>
    %dma_wait3A_231 = arith.constant 0 : i32
    %dma_wait3A_232 = tpu.memref_slice %arg5[%dma_wait3A_227, %dma_wait3A_231] : memref<16x128xi32, #tpu.memory_space<vmem>> -> memref<1x128xi32, #tpu.memory_space<vmem>>
    %dma_wait3A_233 = tpu.memref_squeeze %dma_wait3A_232 : memref<1x128xi32, #tpu.memory_space<vmem>> -> memref<128xi32, #tpu.memory_space<vmem>>
    %dma_wait3A_234 = arith.constant 0 : i32
    %dma_wait3A_235 = arith.constant 0 : i32
    %dma_wait3A_236 = tpu.memref_slice %arg4[%dma_wait3A_234, %dma_wait3A_235] : memref<65536x128xf32, #tpu.memory_space<hbm>> -> memref<65536x128xf32, #tpu.memory_space<hbm>>
    tpu.wait_indirect_dma semaphore(%arg7 : memref<!tpu.dma_semaphore, #tpu.memory_space<semaphore_mem>>) src(%dma_wait3A_230 : memref<128x128xf32, #tpu.memory_space<vmem>>) dst(%dma_wait3A_236 : memref<65536x128xf32, #tpu.memory_space<hbm>>)
    %dma_wait3A_237 = arith.constant 11 : i32
    %dma_wait3A_238 = arith.constant 384 : i32
    %dma_wait3A_239 = arith.constant 0 : i32
    %dma_wait3A_240 = tpu.memref_slice %arg6[%dma_wait3A_238, %dma_wait3A_239] : memref<512x128xf32, #tpu.memory_space<vmem>> -> memref<128x128xf32, #tpu.memory_space<vmem>>
    %dma_wait3A_241 = arith.constant 0 : i32
    %dma_wait3A_242 = tpu.memref_slice %arg5[%dma_wait3A_237, %dma_wait3A_241] : memref<16x128xi32, #tpu.memory_space<vmem>> -> memref<1x128xi32, #tpu.memory_space<vmem>>
    %dma_wait3A_243 = tpu.memref_squeeze %dma_wait3A_242 : memref<1x128xi32, #tpu.memory_space<vmem>> -> memref<128xi32, #tpu.memory_space<vmem>>
    %dma_wait3A_244 = arith.constant 0 : i32
    %dma_wait3A_245 = arith.constant 0 : i32
    %dma_wait3A_246 = tpu.memref_slice %arg4[%dma_wait3A_244, %dma_wait3A_245] : memref<65536x128xf32, #tpu.memory_space<hbm>> -> memref<65536x128xf32, #tpu.memory_space<hbm>>
    tpu.wait_indirect_dma semaphore(%arg7 : memref<!tpu.dma_semaphore, #tpu.memory_space<semaphore_mem>>) src(%dma_wait3A_240 : memref<128x128xf32, #tpu.memory_space<vmem>>) dst(%dma_wait3A_246 : memref<65536x128xf32, #tpu.memory_space<hbm>>)
    %add3A_247 = arith.constant 1536 : i32
    %add3A_248 = arith.addi %mul3A_2, %add3A_247 : i32
    "tpu.region"() ({
      %run_scoped3A = tpu.sem_alloc : memref<!tpu.dma_semaphore, #tpu.memory_space<semaphore_mem>>
      %dma_start3A_329 = arith.constant 0 : i32
      %dma_start3A_330 = tpu.memref_slice %arg2[%add3A_248, %dma_start3A_329] : memref<65536x128xf32, #tpu.memory_space<hbm>> -> memref<512x128xf32, #tpu.memory_space<hbm>>
      %dma_start3A_331 = arith.constant 0 : i32
      %dma_start3A_332 = tpu.memref_slice %arg2[%add3A_248, %dma_start3A_331] : memref<65536x128xf32, #tpu.memory_space<hbm>> -> memref<512x128xf32, #tpu.memory_space<hbm>>
      tpu.enqueue_dma source(%dma_start3A_332 : memref<512x128xf32, #tpu.memory_space<hbm>>) target(%arg6 : memref<512x128xf32, #tpu.memory_space<vmem>>) target_semaphore(%run_scoped3A : memref<!tpu.dma_semaphore, #tpu.memory_space<semaphore_mem>>)
      %dma_wait3A_333 = arith.constant 0 : i32
      %dma_wait3A_334 = tpu.memref_slice %arg2[%add3A_248, %dma_wait3A_333] : memref<65536x128xf32, #tpu.memory_space<hbm>> -> memref<512x128xf32, #tpu.memory_space<hbm>>
      %dma_wait3A_335 = arith.constant 0 : i32
      %dma_wait3A_336 = tpu.memref_slice %arg2[%add3A_248, %dma_wait3A_335] : memref<65536x128xf32, #tpu.memory_space<hbm>> -> memref<512x128xf32, #tpu.memory_space<hbm>>
      tpu.wait_dma2 semaphore(%run_scoped3A : memref<!tpu.dma_semaphore, #tpu.memory_space<semaphore_mem>>) src(%dma_wait3A_336 : memref<512x128xf32, #tpu.memory_space<hbm>>) dst(%arg6 : memref<512x128xf32, #tpu.memory_space<vmem>>)
      tpu.yield
    }) : () -> ()
    %dma_start3A_249 = arith.constant 12 : i32
    %dma_start3A_250 = arith.constant 0 : i32
    %dma_start3A_251 = arith.constant 0 : i32
    %dma_start3A_252 = tpu.memref_slice %arg6[%dma_start3A_250, %dma_start3A_251] : memref<512x128xf32, #tpu.memory_space<vmem>> -> memref<128x128xf32, #tpu.memory_space<vmem>>
    %dma_start3A_253 = arith.constant 0 : i32
    %dma_start3A_254 = tpu.memref_slice %arg5[%dma_start3A_249, %dma_start3A_253] : memref<16x128xi32, #tpu.memory_space<vmem>> -> memref<1x128xi32, #tpu.memory_space<vmem>>
    %dma_start3A_255 = tpu.memref_squeeze %dma_start3A_254 : memref<1x128xi32, #tpu.memory_space<vmem>> -> memref<128xi32, #tpu.memory_space<vmem>>
    %dma_start3A_256 = arith.constant 0 : i32
    %dma_start3A_257 = arith.constant 0 : i32
    %dma_start3A_258 = tpu.memref_slice %arg4[%dma_start3A_256, %dma_start3A_257] : memref<65536x128xf32, #tpu.memory_space<hbm>> -> memref<65536x128xf32, #tpu.memory_space<hbm>>
    tpu.enqueue_indirect_dma source(%dma_start3A_252 : memref<128x128xf32, #tpu.memory_space<vmem>>) target(%dma_start3A_258 : memref<65536x128xf32, #tpu.memory_space<hbm>>) offsets(%dma_start3A_255 : memref<128xi32, #tpu.memory_space<vmem>>) semaphore(%arg7 : memref<!tpu.dma_semaphore, #tpu.memory_space<semaphore_mem>>)
    %dma_start3A_259 = arith.constant 13 : i32
    %dma_start3A_260 = arith.constant 128 : i32
    %dma_start3A_261 = arith.constant 0 : i32
    %dma_start3A_262 = tpu.memref_slice %arg6[%dma_start3A_260, %dma_start3A_261] : memref<512x128xf32, #tpu.memory_space<vmem>> -> memref<128x128xf32, #tpu.memory_space<vmem>>
    %dma_start3A_263 = arith.constant 0 : i32
    %dma_start3A_264 = tpu.memref_slice %arg5[%dma_start3A_259, %dma_start3A_263] : memref<16x128xi32, #tpu.memory_space<vmem>> -> memref<1x128xi32, #tpu.memory_space<vmem>>
    %dma_start3A_265 = tpu.memref_squeeze %dma_start3A_264 : memref<1x128xi32, #tpu.memory_space<vmem>> -> memref<128xi32, #tpu.memory_space<vmem>>
    %dma_start3A_266 = arith.constant 0 : i32
    %dma_start3A_267 = arith.constant 0 : i32
    %dma_start3A_268 = tpu.memref_slice %arg4[%dma_start3A_266, %dma_start3A_267] : memref<65536x128xf32, #tpu.memory_space<hbm>> -> memref<65536x128xf32, #tpu.memory_space<hbm>>
    tpu.enqueue_indirect_dma source(%dma_start3A_262 : memref<128x128xf32, #tpu.memory_space<vmem>>) target(%dma_start3A_268 : memref<65536x128xf32, #tpu.memory_space<hbm>>) offsets(%dma_start3A_265 : memref<128xi32, #tpu.memory_space<vmem>>) semaphore(%arg7 : memref<!tpu.dma_semaphore, #tpu.memory_space<semaphore_mem>>)
    %dma_start3A_269 = arith.constant 14 : i32
    %dma_start3A_270 = arith.constant 256 : i32
    %dma_start3A_271 = arith.constant 0 : i32
    %dma_start3A_272 = tpu.memref_slice %arg6[%dma_start3A_270, %dma_start3A_271] : memref<512x128xf32, #tpu.memory_space<vmem>> -> memref<128x128xf32, #tpu.memory_space<vmem>>
    %dma_start3A_273 = arith.constant 0 : i32
    %dma_start3A_274 = tpu.memref_slice %arg5[%dma_start3A_269, %dma_start3A_273] : memref<16x128xi32, #tpu.memory_space<vmem>> -> memref<1x128xi32, #tpu.memory_space<vmem>>
    %dma_start3A_275 = tpu.memref_squeeze %dma_start3A_274 : memref<1x128xi32, #tpu.memory_space<vmem>> -> memref<128xi32, #tpu.memory_space<vmem>>
    %dma_start3A_276 = arith.constant 0 : i32
    %dma_start3A_277 = arith.constant 0 : i32
    %dma_start3A_278 = tpu.memref_slice %arg4[%dma_start3A_276, %dma_start3A_277] : memref<65536x128xf32, #tpu.memory_space<hbm>> -> memref<65536x128xf32, #tpu.memory_space<hbm>>
    tpu.enqueue_indirect_dma source(%dma_start3A_272 : memref<128x128xf32, #tpu.memory_space<vmem>>) target(%dma_start3A_278 : memref<65536x128xf32, #tpu.memory_space<hbm>>) offsets(%dma_start3A_275 : memref<128xi32, #tpu.memory_space<vmem>>) semaphore(%arg7 : memref<!tpu.dma_semaphore, #tpu.memory_space<semaphore_mem>>)
    %dma_start3A_279 = arith.constant 15 : i32
    %dma_start3A_280 = arith.constant 384 : i32
    %dma_start3A_281 = arith.constant 0 : i32
    %dma_start3A_282 = tpu.memref_slice %arg6[%dma_start3A_280, %dma_start3A_281] : memref<512x128xf32, #tpu.memory_space<vmem>> -> memref<128x128xf32, #tpu.memory_space<vmem>>
    %dma_start3A_283 = arith.constant 0 : i32
    %dma_start3A_284 = tpu.memref_slice %arg5[%dma_start3A_279, %dma_start3A_283] : memref<16x128xi32, #tpu.memory_space<vmem>> -> memref<1x128xi32, #tpu.memory_space<vmem>>
    %dma_start3A_285 = tpu.memref_squeeze %dma_start3A_284 : memref<1x128xi32, #tpu.memory_space<vmem>> -> memref<128xi32, #tpu.memory_space<vmem>>
    %dma_start3A_286 = arith.constant 0 : i32
    %dma_start3A_287 = arith.constant 0 : i32
    %dma_start3A_288 = tpu.memref_slice %arg4[%dma_start3A_286, %dma_start3A_287] : memref<65536x128xf32, #tpu.memory_space<hbm>> -> memref<65536x128xf32, #tpu.memory_space<hbm>>
    tpu.enqueue_indirect_dma source(%dma_start3A_282 : memref<128x128xf32, #tpu.memory_space<vmem>>) target(%dma_start3A_288 : memref<65536x128xf32, #tpu.memory_space<hbm>>) offsets(%dma_start3A_285 : memref<128xi32, #tpu.memory_space<vmem>>) semaphore(%arg7 : memref<!tpu.dma_semaphore, #tpu.memory_space<semaphore_mem>>)
    %dma_wait3A_289 = arith.constant 12 : i32
    %dma_wait3A_290 = arith.constant 0 : i32
    %dma_wait3A_291 = arith.constant 0 : i32
    %dma_wait3A_292 = tpu.memref_slice %arg6[%dma_wait3A_290, %dma_wait3A_291] : memref<512x128xf32, #tpu.memory_space<vmem>> -> memref<128x128xf32, #tpu.memory_space<vmem>>
    %dma_wait3A_293 = arith.constant 0 : i32
    %dma_wait3A_294 = tpu.memref_slice %arg5[%dma_wait3A_289, %dma_wait3A_293] : memref<16x128xi32, #tpu.memory_space<vmem>> -> memref<1x128xi32, #tpu.memory_space<vmem>>
    %dma_wait3A_295 = tpu.memref_squeeze %dma_wait3A_294 : memref<1x128xi32, #tpu.memory_space<vmem>> -> memref<128xi32, #tpu.memory_space<vmem>>
    %dma_wait3A_296 = arith.constant 0 : i32
    %dma_wait3A_297 = arith.constant 0 : i32
    %dma_wait3A_298 = tpu.memref_slice %arg4[%dma_wait3A_296, %dma_wait3A_297] : memref<65536x128xf32, #tpu.memory_space<hbm>> -> memref<65536x128xf32, #tpu.memory_space<hbm>>
    tpu.wait_indirect_dma semaphore(%arg7 : memref<!tpu.dma_semaphore, #tpu.memory_space<semaphore_mem>>) src(%dma_wait3A_292 : memref<128x128xf32, #tpu.memory_space<vmem>>) dst(%dma_wait3A_298 : memref<65536x128xf32, #tpu.memory_space<hbm>>)
    %dma_wait3A_299 = arith.constant 13 : i32
    %dma_wait3A_300 = arith.constant 128 : i32
    %dma_wait3A_301 = arith.constant 0 : i32
    %dma_wait3A_302 = tpu.memref_slice %arg6[%dma_wait3A_300, %dma_wait3A_301] : memref<512x128xf32, #tpu.memory_space<vmem>> -> memref<128x128xf32, #tpu.memory_space<vmem>>
    %dma_wait3A_303 = arith.constant 0 : i32
    %dma_wait3A_304 = tpu.memref_slice %arg5[%dma_wait3A_299, %dma_wait3A_303] : memref<16x128xi32, #tpu.memory_space<vmem>> -> memref<1x128xi32, #tpu.memory_space<vmem>>
    %dma_wait3A_305 = tpu.memref_squeeze %dma_wait3A_304 : memref<1x128xi32, #tpu.memory_space<vmem>> -> memref<128xi32, #tpu.memory_space<vmem>>
    %dma_wait3A_306 = arith.constant 0 : i32
    %dma_wait3A_307 = arith.constant 0 : i32
    %dma_wait3A_308 = tpu.memref_slice %arg4[%dma_wait3A_306, %dma_wait3A_307] : memref<65536x128xf32, #tpu.memory_space<hbm>> -> memref<65536x128xf32, #tpu.memory_space<hbm>>
    tpu.wait_indirect_dma semaphore(%arg7 : memref<!tpu.dma_semaphore, #tpu.memory_space<semaphore_mem>>) src(%dma_wait3A_302 : memref<128x128xf32, #tpu.memory_space<vmem>>) dst(%dma_wait3A_308 : memref<65536x128xf32, #tpu.memory_space<hbm>>)
    %dma_wait3A_309 = arith.constant 14 : i32
    %dma_wait3A_310 = arith.constant 256 : i32
    %dma_wait3A_311 = arith.constant 0 : i32
    %dma_wait3A_312 = tpu.memref_slice %arg6[%dma_wait3A_310, %dma_wait3A_311] : memref<512x128xf32, #tpu.memory_space<vmem>> -> memref<128x128xf32, #tpu.memory_space<vmem>>
    %dma_wait3A_313 = arith.constant 0 : i32
    %dma_wait3A_314 = tpu.memref_slice %arg5[%dma_wait3A_309, %dma_wait3A_313] : memref<16x128xi32, #tpu.memory_space<vmem>> -> memref<1x128xi32, #tpu.memory_space<vmem>>
    %dma_wait3A_315 = tpu.memref_squeeze %dma_wait3A_314 : memref<1x128xi32, #tpu.memory_space<vmem>> -> memref<128xi32, #tpu.memory_space<vmem>>
    %dma_wait3A_316 = arith.constant 0 : i32
    %dma_wait3A_317 = arith.constant 0 : i32
    %dma_wait3A_318 = tpu.memref_slice %arg4[%dma_wait3A_316, %dma_wait3A_317] : memref<65536x128xf32, #tpu.memory_space<hbm>> -> memref<65536x128xf32, #tpu.memory_space<hbm>>
    tpu.wait_indirect_dma semaphore(%arg7 : memref<!tpu.dma_semaphore, #tpu.memory_space<semaphore_mem>>) src(%dma_wait3A_312 : memref<128x128xf32, #tpu.memory_space<vmem>>) dst(%dma_wait3A_318 : memref<65536x128xf32, #tpu.memory_space<hbm>>)
    %dma_wait3A_319 = arith.constant 15 : i32
    %dma_wait3A_320 = arith.constant 384 : i32
    %dma_wait3A_321 = arith.constant 0 : i32
    %dma_wait3A_322 = tpu.memref_slice %arg6[%dma_wait3A_320, %dma_wait3A_321] : memref<512x128xf32, #tpu.memory_space<vmem>> -> memref<128x128xf32, #tpu.memory_space<vmem>>
    %dma_wait3A_323 = arith.constant 0 : i32
    %dma_wait3A_324 = tpu.memref_slice %arg5[%dma_wait3A_319, %dma_wait3A_323] : memref<16x128xi32, #tpu.memory_space<vmem>> -> memref<1x128xi32, #tpu.memory_space<vmem>>
    %dma_wait3A_325 = tpu.memref_squeeze %dma_wait3A_324 : memref<1x128xi32, #tpu.memory_space<vmem>> -> memref<128xi32, #tpu.memory_space<vmem>>
    %dma_wait3A_326 = arith.constant 0 : i32
    %dma_wait3A_327 = arith.constant 0 : i32
    %dma_wait3A_328 = tpu.memref_slice %arg4[%dma_wait3A_326, %dma_wait3A_327] : memref<65536x128xf32, #tpu.memory_space<hbm>> -> memref<65536x128xf32, #tpu.memory_space<hbm>>
    tpu.wait_indirect_dma semaphore(%arg7 : memref<!tpu.dma_semaphore, #tpu.memory_space<semaphore_mem>>) src(%dma_wait3A_322 : memref<128x128xf32, #tpu.memory_space<vmem>>) dst(%dma_wait3A_328 : memref<65536x128xf32, #tpu.memory_space<hbm>>)
    return
  }
}

#map = affine_map<(d0, d1) -> (0, 0)>
#map1 = affine_map<(d0, d1) -> (0)>
module attributes {stable_mosaic.version = 14 : i64} {
  func.func @k(%arg0: i32, %arg1: i32, %arg2: memref<65536x256xf32, #tpu.memory_space<hbm>>, %arg3: memref<4096xi32, #tpu.memory_space<hbm>>, %arg4: memref<4096x256xf32, #tpu.memory_space<hbm>>, %arg5: memref<128xi32, #tpu.memory_space<vmem>>, %arg6: memref<128x256xf32, #tpu.memory_space<vmem>>, %arg7: memref<!tpu.dma_semaphore, #tpu.memory_space<semaphore_mem>>) attributes {dimension_semantics = [#tpu.dimension_semantics<core_parallel>, #tpu.dimension_semantics<subcore_parallel>], iteration_bounds = array<i64: 2, 16>, scalar_prefetch = 0 : i64, scratch_operands = 3 : i64, tpu.core_type = #tpu.core_type<sc_vector_subcore>, window_params = [{transform_indices = #map}, {transform_indices = #map1}, {transform_indices = #map}]} {
    %mul3A = arith.constant 2 : i32
    %mul3A_0 = arith.muli %arg1, %mul3A : i32
    %add3A = arith.addi %mul3A_0, %arg0 : i32
    %mul3A_1 = arith.constant 128 : i32
    %mul3A_2 = arith.muli %add3A, %mul3A_1 : i32
    "tpu.region"() ({
      %run_scoped3A = tpu.sem_alloc : memref<!tpu.dma_semaphore, #tpu.memory_space<semaphore_mem>>
      %dma_start3A_7 = tpu.memref_slice %arg3[%mul3A_2] : memref<4096xi32, #tpu.memory_space<hbm>> -> memref<128xi32, #tpu.memory_space<hbm>>
      %dma_start3A_8 = tpu.memref_slice %arg3[%mul3A_2] : memref<4096xi32, #tpu.memory_space<hbm>> -> memref<128xi32, #tpu.memory_space<hbm>>
      tpu.enqueue_dma source(%dma_start3A_8 : memref<128xi32, #tpu.memory_space<hbm>>) target(%arg5 : memref<128xi32, #tpu.memory_space<vmem>>) target_semaphore(%run_scoped3A : memref<!tpu.dma_semaphore, #tpu.memory_space<semaphore_mem>>)
      %dma_wait3A_9 = tpu.memref_slice %arg3[%mul3A_2] : memref<4096xi32, #tpu.memory_space<hbm>> -> memref<128xi32, #tpu.memory_space<hbm>>
      %dma_wait3A_10 = tpu.memref_slice %arg3[%mul3A_2] : memref<4096xi32, #tpu.memory_space<hbm>> -> memref<128xi32, #tpu.memory_space<hbm>>
      tpu.wait_dma2 semaphore(%run_scoped3A : memref<!tpu.dma_semaphore, #tpu.memory_space<semaphore_mem>>) src(%dma_wait3A_10 : memref<128xi32, #tpu.memory_space<hbm>>) dst(%arg5 : memref<128xi32, #tpu.memory_space<vmem>>)
      tpu.yield
    }) : () -> ()
    %dma_start3A = arith.constant 0 : i32
    %dma_start3A_3 = arith.constant 0 : i32
    %dma_start3A_4 = tpu.memref_slice %arg2[%dma_start3A, %dma_start3A_3] : memref<65536x256xf32, #tpu.memory_space<hbm>> -> memref<65536x256xf32, #tpu.memory_space<hbm>>
    tpu.enqueue_indirect_dma source(%dma_start3A_4 : memref<65536x256xf32, #tpu.memory_space<hbm>>) target(%arg6 : memref<128x256xf32, #tpu.memory_space<vmem>>) offsets(%arg5 : memref<128xi32, #tpu.memory_space<vmem>>) semaphore(%arg7 : memref<!tpu.dma_semaphore, #tpu.memory_space<semaphore_mem>>)
    %dma_wait3A = arith.constant 0 : i32
    %dma_wait3A_5 = arith.constant 0 : i32
    %dma_wait3A_6 = tpu.memref_slice %arg2[%dma_wait3A, %dma_wait3A_5] : memref<65536x256xf32, #tpu.memory_space<hbm>> -> memref<65536x256xf32, #tpu.memory_space<hbm>>
    tpu.wait_indirect_dma semaphore(%arg7 : memref<!tpu.dma_semaphore, #tpu.memory_space<semaphore_mem>>) src(%dma_wait3A_6 : memref<65536x256xf32, #tpu.memory_space<hbm>>) dst(%arg6 : memref<128x256xf32, #tpu.memory_space<vmem>>)
    "tpu.region"() ({
      %run_scoped3A = tpu.sem_alloc : memref<!tpu.dma_semaphore, #tpu.memory_space<semaphore_mem>>
      %dma_start3A_7 = arith.constant 0 : i32
      %dma_start3A_8 = tpu.memref_slice %arg4[%mul3A_2, %dma_start3A_7] : memref<4096x256xf32, #tpu.memory_space<hbm>> -> memref<128x256xf32, #tpu.memory_space<hbm>>
      %dma_start3A_9 = arith.constant 0 : i32
      %dma_start3A_10 = tpu.memref_slice %arg4[%mul3A_2, %dma_start3A_9] : memref<4096x256xf32, #tpu.memory_space<hbm>> -> memref<128x256xf32, #tpu.memory_space<hbm>>
      tpu.enqueue_dma source(%arg6 : memref<128x256xf32, #tpu.memory_space<vmem>>) target(%dma_start3A_10 : memref<128x256xf32, #tpu.memory_space<hbm>>) target_semaphore(%run_scoped3A : memref<!tpu.dma_semaphore, #tpu.memory_space<semaphore_mem>>)
      %dma_wait3A_11 = arith.constant 0 : i32
      %dma_wait3A_12 = tpu.memref_slice %arg4[%mul3A_2, %dma_wait3A_11] : memref<4096x256xf32, #tpu.memory_space<hbm>> -> memref<128x256xf32, #tpu.memory_space<hbm>>
      %dma_wait3A_13 = arith.constant 0 : i32
      %dma_wait3A_14 = tpu.memref_slice %arg4[%mul3A_2, %dma_wait3A_13] : memref<4096x256xf32, #tpu.memory_space<hbm>> -> memref<128x256xf32, #tpu.memory_space<hbm>>
      tpu.wait_dma2 semaphore(%run_scoped3A : memref<!tpu.dma_semaphore, #tpu.memory_space<semaphore_mem>>) src(%arg6 : memref<128x256xf32, #tpu.memory_space<vmem>>) dst(%dma_wait3A_14 : memref<128x256xf32, #tpu.memory_space<hbm>>)
      tpu.yield
    }) : () -> ()
    return
  }
}

module attributes {stable_mosaic.version = 14 : i64} {
  func.func @_imp_body(%arg0: i32, %arg1: i32, %arg2: memref<1x256x2048xf32, #tpu.memory_space<vmem>>, %arg3: memref<256x128xf32, #tpu.memory_space<vmem>>, %arg4: memref<128x1xf32, #tpu.memory_space<vmem>>, %arg5: memref<128x1xf32, #tpu.memory_space<vmem>>, %arg6: memref<1x1xf32, #tpu.memory_space<smem>>, %arg7: memref<1x1x1x2048xf32, #tpu.memory_space<vmem>>) attributes {dimension_semantics = [#tpu.dimension_semantics<arbitrary>, #tpu.dimension_semantics<arbitrary>], iteration_bounds = array<i64: 4, 8>, scalar_prefetch = 0 : i64, scratch_operands = 0 : i64, tpu.core_type = #tpu.core_type<tc>, window_params = [{transform_indices = @transform_0, window_bounds = array<i64: 1, 256, 2048>}, {pipeline_mode = #tpu.pipeline_mode<synchronous>, transform_indices = @transform_1, window_bounds = array<i64: 256, 128>}, {pipeline_mode = #tpu.pipeline_mode<synchronous>, transform_indices = @transform_2, window_bounds = array<i64: 128, 1>}, {pipeline_mode = #tpu.pipeline_mode<synchronous>, transform_indices = @transform_3, window_bounds = array<i64: 128, 1>}, {transform_indices = @transform_4, window_bounds = array<i64: 1, 1>}, {transform_indices = @transform_5, window_bounds = array<i64: 1, 1, 1, 2048>}]} {
    %get3A = arith.constant 0 : index
    %get3A_0 = arith.constant 0 : index
    %get3A_1 = arith.constant 0 : index
    %get3A_2 = vector.load %arg2[%get3A, %get3A_0, %get3A_1] : memref<1x256x2048xf32, #tpu.memory_space<vmem>>, vector<1x256x2048xf32>
    %get3A_3 = vector.shape_cast %get3A_2 : vector<1x256x2048xf32> to vector<256x2048xf32>
    %get3A_4 = arith.constant 0 : index
    %get3A_5 = arith.constant 0 : index
    %get3A_6 = vector.load %arg3[%get3A_4, %get3A_5] : memref<256x128xf32, #tpu.memory_space<vmem>>, vector<256x128xf32>
    %dot_general3A = arith.constant dense<0.000000e+00> : vector<128x2048xf32>
    %dot_general3A_7 = tpu.matmul %get3A_6, %get3A_3, %dot_general3A {dimension_numbers = #tpu.dot_dimension_numbers<[0], [0], [1], [1], [0, 1, 1, 1], [], []>, transpose_lhs_hint = false} : vector<256x128xf32>, vector<256x2048xf32>, vector<128x2048xf32> -> vector<128x2048xf32>
    %get3A_8 = arith.constant 0 : index
    %get3A_9 = arith.constant 0 : index
    %get3A_10 = vector.load %arg4[%get3A_8, %get3A_9] : memref<128x1xf32, #tpu.memory_space<vmem>>, vector<128x1xf32>
    %add3A = vector.broadcast %get3A_10 : vector<128x1xf32> to vector<128x2048xf32>
    %add3A_11 = arith.addf %dot_general3A_7, %add3A : vector<128x2048xf32>
    %max3A = arith.constant 0.000000e+00 : f32
    %max3A_12 = vector.broadcast %max3A : f32 to vector<128x2048xf32>
    %max3A_13 = arith.maximumf %add3A_11, %max3A_12 : vector<128x2048xf32>
    %get3A_14 = arith.constant 0 : index
    %get3A_15 = arith.constant 0 : index
    %get3A_16 = vector.load %arg5[%get3A_14, %get3A_15] : memref<128x1xf32, #tpu.memory_space<vmem>>, vector<128x1xf32>
    %dot_general3A_17 = arith.constant dense<0.000000e+00> : vector<1x2048xf32>
    %dot_general3A_18 = tpu.matmul %get3A_16, %max3A_13, %dot_general3A_17 {dimension_numbers = #tpu.dot_dimension_numbers<[0], [0], [1], [1], [0, 1, 1, 1], [], []>, transpose_lhs_hint = false} : vector<128x1xf32>, vector<128x2048xf32>, vector<1x2048xf32> -> vector<1x2048xf32>
    %get3A_19 = arith.constant 0 : index
    %get3A_20 = arith.constant 0 : index
    %get3A_21 = memref.load %arg6[%get3A_19, %get3A_20] : memref<1x1xf32, #tpu.memory_space<smem>>
    %add3A_22 = vector.broadcast %get3A_21 : f32 to vector<1x2048xf32>
    %add3A_23 = arith.addf %dot_general3A_18, %add3A_22 : vector<1x2048xf32>
    %max3A_24 = arith.constant 0.000000e+00 : f32
    %max3A_25 = vector.broadcast %max3A_24 : f32 to vector<1x2048xf32>
    %max3A_26 = arith.maximumf %add3A_23, %max3A_25 : vector<1x2048xf32>
    %abs3A = math.absf %add3A_23 : vector<1x2048xf32>
    %neg3A = arith.constant 0.000000e+00 : f32
    %neg3A_27 = vector.broadcast %neg3A : f32 to vector<1x2048xf32>
    %neg3A_28 = arith.subf %neg3A_27, %abs3A : vector<1x2048xf32>
    %exp3A = math.exp %neg3A_28 : vector<1x2048xf32>
    %log1p3A = math.log1p %exp3A : vector<1x2048xf32>
    %add3A_29 = arith.addf %max3A_26, %log1p3A : vector<1x2048xf32>
    %swap3A = arith.constant 0 : index
    %swap3A_30 = arith.constant 0 : index
    %swap3A_31 = arith.constant 0 : index
    %swap3A_32 = arith.constant 0 : index
    %swap3A_33 = vector.load %arg7[%swap3A, %swap3A_30, %swap3A_31, %swap3A_32] : memref<1x1x1x2048xf32, #tpu.memory_space<vmem>>, vector<1x1x1x2048xf32>
    %swap3A_34 = vector.shape_cast %swap3A_33 : vector<1x1x1x2048xf32> to vector<1x2048xf32>
    %swap3A_35 = vector.shape_cast %add3A_29 : vector<1x2048xf32> to vector<1x1x1x2048xf32>
    tpu.vector_store %arg7[%swap3A, %swap3A_30, %swap3A_31, %swap3A_32], %swap3A_35 {strides = array<i32>} : memref<1x1x1x2048xf32, #tpu.memory_space<vmem>>, vector<1x1x1x2048xf32>,
    return
  }
  func.func @transform_0(%arg0: i32, %arg1: i32) -> (i32, i32, i32) {
    %c0_i32 = arith.constant 0 : i32
    %c0_i32_0 = arith.constant 0 : i32
    return %arg0, %c0_i32, %arg1 : i32, i32, i32
  }
  func.func @transform_1(%arg0: i32, %arg1: i32) -> (i32, i32) {
    %c0_i32 = arith.constant 0 : i32
    %c0_i32_0 = arith.constant 0 : i32
    %c0_i32_1 = arith.constant 0 : i32
    return %c0_i32, %c0_i32_0 : i32, i32
  }
  func.func @transform_2(%arg0: i32, %arg1: i32) -> (i32, i32) {
    %c0_i32 = arith.constant 0 : i32
    %c0_i32_0 = arith.constant 0 : i32
    %c0_i32_1 = arith.constant 0 : i32
    return %c0_i32, %c0_i32_0 : i32, i32
  }
  func.func @transform_3(%arg0: i32, %arg1: i32) -> (i32, i32) {
    %c0_i32 = arith.constant 0 : i32
    %c0_i32_0 = arith.constant 0 : i32
    %c0_i32_1 = arith.constant 0 : i32
    return %c0_i32, %c0_i32_0 : i32, i32
  }
  func.func @transform_4(%arg0: i32, %arg1: i32) -> (i32, i32) {
    %c0_i32 = arith.constant 0 : i32
    %c0_i32_0 = arith.constant 0 : i32
    %c0_i32_1 = arith.constant 0 : i32
    return %c0_i32, %c0_i32_0 : i32, i32
  }
  func.func @transform_5(%arg0: i32, %arg1: i32) -> (i32, i32, i32, i32) {
    %c0_i32 = arith.constant 0 : i32
    %c0_i32_0 = arith.constant 0 : i32
    %c0_i32_1 = arith.constant 0 : i32
    return %arg0, %arg1, %c0_i32, %c0_i32_0 : i32, i32, i32, i32
  }
}

module attributes {stable_mosaic.version = 14 : i64} {
  func.func @_stats_body(%arg0: i32, %arg1: memref<1x3x128x128xf32, #tpu.memory_space<vmem>>, %arg2: memref<1x128x128xf32, #tpu.memory_space<vmem>>, %arg3: memref<4x27xf32, #tpu.memory_space<smem>>, %arg4: memref<4x27xi32, #tpu.memory_space<smem>>, %arg5: memref<4x27xi32, #tpu.memory_space<smem>>, %arg6: memref<1x128x128xi32, #tpu.memory_space<vmem>>) attributes {dimension_semantics = [#tpu.dimension_semantics<arbitrary>], iteration_bounds = array<i64: 4>, scalar_prefetch = 0 : i64, scratch_operands = 0 : i64, tpu.core_type = #tpu.core_type<tc>, window_params = [{transform_indices = @transform_0, window_bounds = array<i64: 1, 3, 128, 128>}, {transform_indices = @transform_1, window_bounds = array<i64: 1, 128, 128>}, {transform_indices = @transform_2, window_bounds = array<i64: 4, 27>}, {transform_indices = @transform_3, window_bounds = array<i64: 4, 27>}, {transform_indices = @transform_4, window_bounds = array<i64: 4, 27>}, {transform_indices = @transform_5, window_bounds = array<i64: 1, 128, 128>}]} {
    %get3A = arith.constant 0 : index
    %get3A_0 = arith.constant 0 : index
    %get3A_1 = arith.constant 0 : index
    %get3A_2 = arith.constant 0 : index
    %get3A_3 = vector.load %arg1[%get3A, %get3A_0, %get3A_1, %get3A_2] : memref<1x3x128x128xf32, #tpu.memory_space<vmem>>, vector<1x1x128x128xf32>
    %get3A_4 = vector.shape_cast %get3A_3 : vector<1x1x128x128xf32> to vector<128x128xf32>
    %get3A_5 = arith.constant 0 : index
    %get3A_6 = arith.constant 1 : index
    %get3A_7 = arith.constant 0 : index
    %get3A_8 = arith.constant 0 : index
    %get3A_9 = vector.load %arg1[%get3A_5, %get3A_6, %get3A_7, %get3A_8] : memref<1x3x128x128xf32, #tpu.memory_space<vmem>>, vector<1x1x128x128xf32>
    %get3A_10 = vector.shape_cast %get3A_9 : vector<1x1x128x128xf32> to vector<128x128xf32>
    %get3A_11 = arith.constant 0 : index
    %get3A_12 = arith.constant 2 : index
    %get3A_13 = arith.constant 0 : index
    %get3A_14 = arith.constant 0 : index
    %get3A_15 = vector.load %arg1[%get3A_11, %get3A_12, %get3A_13, %get3A_14] : memref<1x3x128x128xf32, #tpu.memory_space<vmem>>, vector<1x1x128x128xf32>
    %get3A_16 = vector.shape_cast %get3A_15 : vector<1x1x128x128xf32> to vector<128x128xf32>
    %get3A_17 = arith.constant 0 : index
    %get3A_18 = arith.constant 0 : index
    %get3A_19 = arith.constant 0 : index
    %get3A_20 = vector.load %arg2[%get3A_17, %get3A_18, %get3A_19] : memref<1x128x128xf32, #tpu.memory_space<vmem>>, vector<1x128x128xf32>
    %get3A_21 = vector.shape_cast %get3A_20 : vector<1x128x128xf32> to vector<128x128xf32>
    %reduce_min3A = vector.shape_cast %get3A_4 : vector<128x128xf32> to vector<1x128x128xf32>
    %reduce_min3A_22 = arith.constant dense<0x7F800000> : vector<1xf32>
    %reduce_min3A_23 = vector.multi_reduction <minimumf>, %reduce_min3A, %reduce_min3A_22 [1, 2] : vector<1x128x128xf32> to vector<1xf32>
    %reduce_min3A_24 = vector.shape_cast %reduce_min3A_23 : vector<1xf32> to vector<1x1x1xf32>
    %reduce_min3A_25 = vector.extract %reduce_min3A_24[0, 0, 0] : f32 from vector<1x1x1xf32>
    %reduce_max3A = vector.shape_cast %get3A_4 : vector<128x128xf32> to vector<1x128x128xf32>
    %reduce_max3A_26 = arith.constant dense<0xFF800000> : vector<1xf32>
    %reduce_max3A_27 = vector.multi_reduction <maximumf>, %reduce_max3A, %reduce_max3A_26 [1, 2] : vector<1x128x128xf32> to vector<1xf32>
    %reduce_max3A_28 = vector.shape_cast %reduce_max3A_27 : vector<1xf32> to vector<1x1x1xf32>
    %reduce_max3A_29 = vector.extract %reduce_max3A_28[0, 0, 0] : f32 from vector<1x1x1xf32>
    %reduce_min3A_30 = vector.shape_cast %get3A_10 : vector<128x128xf32> to vector<1x128x128xf32>
    %reduce_min3A_31 = arith.constant dense<0x7F800000> : vector<1xf32>
    %reduce_min3A_32 = vector.multi_reduction <minimumf>, %reduce_min3A_30, %reduce_min3A_31 [1, 2] : vector<1x128x128xf32> to vector<1xf32>
    %reduce_min3A_33 = vector.shape_cast %reduce_min3A_32 : vector<1xf32> to vector<1x1x1xf32>
    %reduce_min3A_34 = vector.extract %reduce_min3A_33[0, 0, 0] : f32 from vector<1x1x1xf32>
    %reduce_max3A_35 = vector.shape_cast %get3A_10 : vector<128x128xf32> to vector<1x128x128xf32>
    %reduce_max3A_36 = arith.constant dense<0xFF800000> : vector<1xf32>
    %reduce_max3A_37 = vector.multi_reduction <maximumf>, %reduce_max3A_35, %reduce_max3A_36 [1, 2] : vector<1x128x128xf32> to vector<1xf32>
    %reduce_max3A_38 = vector.shape_cast %reduce_max3A_37 : vector<1xf32> to vector<1x1x1xf32>
    %reduce_max3A_39 = vector.extract %reduce_max3A_38[0, 0, 0] : f32 from vector<1x1x1xf32>
    %reduce_min3A_40 = vector.shape_cast %get3A_16 : vector<128x128xf32> to vector<1x128x128xf32>
    %reduce_min3A_41 = arith.constant dense<0x7F800000> : vector<1xf32>
    %reduce_min3A_42 = vector.multi_reduction <minimumf>, %reduce_min3A_40, %reduce_min3A_41 [1, 2] : vector<1x128x128xf32> to vector<1xf32>
    %reduce_min3A_43 = vector.shape_cast %reduce_min3A_42 : vector<1xf32> to vector<1x1x1xf32>
    %reduce_min3A_44 = vector.extract %reduce_min3A_43[0, 0, 0] : f32 from vector<1x1x1xf32>
    %reduce_max3A_45 = vector.shape_cast %get3A_16 : vector<128x128xf32> to vector<1x128x128xf32>
    %reduce_max3A_46 = arith.constant dense<0xFF800000> : vector<1xf32>
    %reduce_max3A_47 = vector.multi_reduction <maximumf>, %reduce_max3A_45, %reduce_max3A_46 [1, 2] : vector<1x128x128xf32> to vector<1xf32>
    %reduce_max3A_48 = vector.shape_cast %reduce_max3A_47 : vector<1xf32> to vector<1x1x1xf32>
    %reduce_max3A_49 = vector.extract %reduce_max3A_48[0, 0, 0] : f32 from vector<1x1x1xf32>
    %sub3A = vector.broadcast %reduce_min3A_25 : f32 to vector<128x128xf32>
    %sub3A_50 = arith.subf %get3A_4, %sub3A : vector<128x128xf32>
    %sub3A_51 = arith.subf %reduce_max3A_29, %reduce_min3A_25 : f32
    %add3A = arith.constant 9.99999997E-7 : f32
    %add3A_52 = arith.addf %sub3A_51, %add3A : f32
    %div3A = vector.broadcast %add3A_52 : f32 to vector<128x128xf32>
    %div3A_53 = arith.divf %sub3A_50, %div3A : vector<128x128xf32>
    %sub3A_54 = vector.broadcast %reduce_min3A_34 : f32 to vector<128x128xf32>
    %sub3A_55 = arith.subf %get3A_10, %sub3A_54 : vector<128x128xf32>
    %sub3A_56 = arith.subf %reduce_max3A_39, %reduce_min3A_34 : f32
    %add3A_57 = arith.constant 9.99999997E-7 : f32
    %add3A_58 = arith.addf %sub3A_56, %add3A_57 : f32
    %div3A_59 = vector.broadcast %add3A_58 : f32 to vector<128x128xf32>
    %div3A_60 = arith.divf %sub3A_55, %div3A_59 : vector<128x128xf32>
    %sub3A_61 = vector.broadcast %reduce_min3A_44 : f32 to vector<128x128xf32>
    %sub3A_62 = arith.subf %get3A_16, %sub3A_61 : vector<128x128xf32>
    %sub3A_63 = arith.subf %reduce_max3A_49, %reduce_min3A_44 : f32
    %add3A_64 = arith.constant 9.99999997E-7 : f32
    %add3A_65 = arith.addf %sub3A_63, %add3A_64 : f32
    %div3A_66 = vector.broadcast %add3A_65 : f32 to vector<128x128xf32>
    %div3A_67 = arith.divf %sub3A_62, %div3A_66 : vector<128x128xf32>
    %mul3A = arith.constant 3.000000e+00 : f32
    %mul3A_68 = vector.broadcast %mul3A : f32 to vector<128x128xf32>
    %mul3A_69 = arith.mulf %div3A_53, %mul3A_68 : vector<128x128xf32>
    %jit3A = arith.constant 0 : i32
    %jit3A_70 = arith.constant 2 : i32
    %convert_element_type3A = arith.sitofp %jit3A : i32 to f32
    %max3A = vector.broadcast %convert_element_type3A : f32 to vector<128x128xf32>
    %max3A_71 = arith.maximumf %max3A, %mul3A_69 : vector<128x128xf32>
    %convert_element_type3A_72 = arith.sitofp %jit3A_70 : i32 to f32
    %min3A = vector.broadcast %convert_element_type3A_72 : f32 to vector<128x128xf32>
    %min3A_73 = arith.minimumf %min3A, %max3A_71 : vector<128x128xf32>
    %convert_element_type3A_74 = arith.fptosi %min3A_73 : vector<128x128xf32> to vector<128x128xi32>
    %mul3A_75 = arith.constant 3.000000e+00 : f32
    %mul3A_76 = vector.broadcast %mul3A_75 : f32 to vector<128x128xf32>
    %mul3A_77 = arith.mulf %div3A_60, %mul3A_76 : vector<128x128xf32>
    %jit3A_78 = arith.constant 0 : i32
    %jit3A_79 = arith.constant 2 : i32
    %convert_element_type3A_80 = arith.sitofp %jit3A_78 : i32 to f32
    %max3A_81 = vector.broadcast %convert_element_type3A_80 : f32 to vector<128x128xf32>
    %max3A_82 = arith.maximumf %max3A_81, %mul3A_77 : vector<128x128xf32>
    %convert_element_type3A_83 = arith.sitofp %jit3A_79 : i32 to f32
    %min3A_84 = vector.broadcast %convert_element_type3A_83 : f32 to vector<128x128xf32>
    %min3A_85 = arith.minimumf %min3A_84, %max3A_82 : vector<128x128xf32>
    %convert_element_type3A_86 = arith.fptosi %min3A_85 : vector<128x128xf32> to vector<128x128xi32>
    %mul3A_87 = arith.constant 3.000000e+00 : f32
    %mul3A_88 = vector.broadcast %mul3A_87 : f32 to vector<128x128xf32>
    %mul3A_89 = arith.mulf %div3A_67, %mul3A_88 : vector<128x128xf32>
    %jit3A_90 = arith.constant 0 : i32
    %jit3A_91 = arith.constant 2 : i32
    %convert_element_type3A_92 = arith.sitofp %jit3A_90 : i32 to f32
    %max3A_93 = vector.broadcast %convert_element_type3A_92 : f32 to vector<128x128xf32>
    %max3A_94 = arith.maximumf %max3A_93, %mul3A_89 : vector<128x128xf32>
    %convert_element_type3A_95 = arith.sitofp %jit3A_91 : i32 to f32
    %min3A_96 = vector.broadcast %convert_element_type3A_95 : f32 to vector<128x128xf32>
    %min3A_97 = arith.minimumf %min3A_96, %max3A_94 : vector<128x128xf32>
    %convert_element_type3A_98 = arith.fptosi %min3A_97 : vector<128x128xf32> to vector<128x128xi32>
    %mul3A_99 = arith.constant 9 : i32
    %mul3A_100 = vector.broadcast %mul3A_99 : i32 to vector<128x128xi32>
    %mul3A_101 = arith.muli %convert_element_type3A_74, %mul3A_100 : vector<128x128xi32>
    %mul3A_102 = arith.constant 3 : i32
    %mul3A_103 = vector.broadcast %mul3A_102 : i32 to vector<128x128xi32>
    %mul3A_104 = arith.muli %convert_element_type3A_86, %mul3A_103 : vector<128x128xi32>
    %add3A_105 = arith.addi %mul3A_101, %mul3A_104 : vector<128x128xi32>
    %add3A_106 = arith.addi %add3A_105, %convert_element_type3A_98 : vector<128x128xi32>
    %abs3A = math.absf %get3A_4 : vector<128x128xf32>
    %abs3A_107 = math.absf %get3A_10 : vector<128x128xf32>
    %add3A_108 = arith.addf %abs3A, %abs3A_107 : vector<128x128xf32>
    %abs3A_109 = math.absf %get3A_16 : vector<128x128xf32>
    %add3A_110 = arith.addf %add3A_108, %abs3A_109 : vector<128x128xf32>
    %gt3A = arith.constant 0.000000e+00 : f32
    %gt3A_111 = vector.broadcast %gt3A : f32 to vector<128x128xf32>
    %gt3A_112 = arith.cmpf ogt, %add3A_110, %gt3A_111 : vector<128x128xf32>
    %iota3A = tpu.iota {dimensions = array<i32: 0>} : vector<128x128xi32>
    %iota3A_113 = tpu.iota {dimensions = array<i32: 1>} : vector<128x128xi32>
    %le3A = arith.cmpi sle, %iota3A, %iota3A_113 : vector<128x128xi32>
    %convert_element_type3A_114 = arith.extui %le3A : vector<128x128xi1> to vector<128x128xi32>
    %convert_element_type3A_115 = arith.sitofp %convert_element_type3A_114 : vector<128x128xi32> to vector<128x128xf32>
    %gt3A_116 = arith.cmpi sgt, %iota3A, %iota3A_113 : vector<128x128xi32>
    %convert_element_type3A_117 = arith.extui %gt3A_116 : vector<128x128xi1> to vector<128x128xi32>
    %convert_element_type3A_118 = arith.sitofp %convert_element_type3A_117 : vector<128x128xi32> to vector<128x128xf32>
    %broadcast_in_dim3A = arith.constant 0 : i32
    %broadcast_in_dim3A_119 = vector.broadcast %broadcast_in_dim3A : i32 to vector<128x128xi32>
    %eq3A = arith.constant 0 : i32
    %eq3A_120 = vector.broadcast %eq3A : i32 to vector<128x128xi32>
    %eq3A_121 = arith.cmpi eq, %add3A_106, %eq3A_120 : vector<128x128xi32>
    %and3A = arith.andi %eq3A_121, %gt3A_112 : vector<128x128xi1>
    %jit3A_122 = arith.constant 0.000000e+00 : f32
    %broadcast_in_dim3A_123 = vector.broadcast %jit3A_122 : f32 to vector<128x128xf32>
    %select_n3A = arith.select %and3A, %get3A_21, %broadcast_in_dim3A_123 : vector<128x128xi1>, vector<128x128xf32>
    %reduce_sum3A = vector.shape_cast %select_n3A : vector<128x128xf32> to vector<1x128x128xf32>
    %reduce_sum3A_124 = arith.constant dense<0.000000e+00> : vector<1xf32>
    %reduce_sum3A_125 = vector.multi_reduction <add>, %reduce_sum3A, %reduce_sum3A_124 [1, 2] : vector<1x128x128xf32> to vector<1xf32>
    %reduce_sum3A_126 = vector.shape_cast %reduce_sum3A_125 : vector<1xf32> to vector<1x1x1xf32>
    %reduce_sum3A_127 = vector.extract %reduce_sum3A_126[0, 0, 0] : f32 from vector<1x1x1xf32>
    %swap3A = arith.index_cast %arg0 : i32 to index
    %swap3A_128 = arith.constant 0 : index
    %swap3A_129 = memref.load %arg3[%swap3A, %swap3A_128] : memref<4x27xf32, #tpu.memory_space<smem>>
    memref.store %reduce_sum3A_127, %arg3[%swap3A, %swap3A_128] : memref<4x27xf32, #tpu.memory_space<smem>>
    %convert_element_type3A_130 = arith.extui %and3A : vector<128x128xi1> to vector<128x128xi32>
    %reduce_sum3A_131 = vector.shape_cast %convert_element_type3A_130 : vector<128x128xi32> to vector<1x128x128xi32>
    %reduce_sum3A_132 = arith.constant dense<0> : vector<1xi32>
    %reduce_sum3A_133 = vector.multi_reduction <add>, %reduce_sum3A_131, %reduce_sum3A_132 [1, 2] : vector<1x128x128xi32> to vector<1xi32>
    %reduce_sum3A_134 = vector.shape_cast %reduce_sum3A_133 : vector<1xi32> to vector<1x1x1xi32>
    %reduce_sum3A_135 = vector.extract %reduce_sum3A_134[0, 0, 0] : i32 from vector<1x1x1xi32>
    %swap3A_136 = arith.index_cast %arg0 : i32 to index
    %swap3A_137 = arith.constant 0 : index
    %swap3A_138 = memref.load %arg4[%swap3A_136, %swap3A_137] : memref<4x27xi32, #tpu.memory_space<smem>>
    memref.store %reduce_sum3A_135, %arg4[%swap3A_136, %swap3A_137] : memref<4x27xi32, #tpu.memory_space<smem>>
    %swap3A_139 = arith.constant 0 : i32
    %swap3A_140 = arith.index_cast %arg0 : i32 to index
    %swap3A_141 = arith.constant 0 : index
    %swap3A_142 = memref.load %arg5[%swap3A_140, %swap3A_141] : memref<4x27xi32, #tpu.memory_space<smem>>
    memref.store %swap3A_139, %arg5[%swap3A_140, %swap3A_141] : memref<4x27xi32, #tpu.memory_space<smem>>
    %convert_element_type3A_143 = arith.extui %and3A : vector<128x128xi1> to vector<128x128xi32>
    %convert_element_type3A_144 = arith.sitofp %convert_element_type3A_143 : vector<128x128xi32> to vector<128x128xf32>
    %dot_general3A = arith.constant dense<0.000000e+00> : vector<128x128xf32>
    %dot_general3A_145 = tpu.matmul %convert_element_type3A_144, %convert_element_type3A_115, %dot_general3A {dimension_numbers = #tpu.dot_dimension_numbers<[1], [0], [0], [1], [0, 0, 1, 1], [], []>, transpose_lhs_hint = false} : vector<128x128xf32>, vector<128x128xf32>, vector<128x128xf32> -> vector<128x128xf32>
    %slice3A = vector.extract_strided_slice %dot_general3A_145 {offsets = [0, 127], sizes = [128, 1], strides = [1, 1]} : vector<128x128xf32> to vector<128x1xf32>
    %dot_general3A_146 = arith.constant dense<0.000000e+00> : vector<128x1xf32>
    %dot_general3A_147 = tpu.matmul %convert_element_type3A_118, %slice3A, %dot_general3A_146 {dimension_numbers = #tpu.dot_dimension_numbers<[1], [0], [0], [1], [0, 0, 1, 1], [], []>, transpose_lhs_hint = false} : vector<128x128xf32>, vector<128x1xf32>, vector<128x1xf32> -> vector<128x1xf32>
    %add3A_148 = vector.broadcast %dot_general3A_147 : vector<128x1xf32> to vector<128x128xf32>
    %add3A_149 = arith.addf %add3A_148, %dot_general3A_145 : vector<128x128xf32>
    %sub3A_150 = arith.constant 1.000000e+00 : f32
    %sub3A_151 = vector.broadcast %sub3A_150 : f32 to vector<128x128xf32>
    %sub3A_152 = arith.subf %add3A_149, %sub3A_151 : vector<128x128xf32>
    %convert_element_type3A_153 = arith.fptosi %sub3A_152 : vector<128x128xf32> to vector<128x128xi32>
    %add3A_154 = arith.constant 0 : i32
    %add3A_155 = vector.broadcast %add3A_154 : i32 to vector<128x128xi32>
    %add3A_156 = arith.addi %add3A_155, %convert_element_type3A_153 : vector<128x128xi32>
    %jit3A_157 = arith.constant 0 : i32
    %broadcast_in_dim3A_158 = vector.broadcast %jit3A_157 : i32 to vector<128x128xi32>
    %select_n3A_159 = arith.select %and3A, %add3A_156, %broadcast_in_dim3A_158 : vector<128x128xi1>, vector<128x128xi32>
    %add3A_160 = arith.addi %broadcast_in_dim3A_119, %select_n3A_159 : vector<128x128xi32>
    %add3A_161 = arith.constant 0 : i32
    %add3A_162 = arith.addi %add3A_161, %reduce_sum3A_135 : i32
    %eq3A_163 = arith.constant 1 : i32
    %eq3A_164 = vector.broadcast %eq3A_163 : i32 to vector<128x128xi32>
    %eq3A_165 = arith.cmpi eq, %add3A_106, %eq3A_164 : vector<128x128xi32>
    %and3A_166 = arith.andi %eq3A_165, %gt3A_112 : vector<128x128xi1>
    %jit3A_167 = arith.constant 0.000000e+00 : f32
    %broadcast_in_dim3A_168 = vector.broadcast %jit3A_167 : f32 to vector<128x128xf32>
    %select_n3A_169 = arith.select %and3A_166, %get3A_21, %broadcast_in_dim3A_168 : vector<128x128xi1>, vector<128x128xf32>
    %reduce_sum3A_170 = vector.shape_cast %select_n3A_169 : vector<128x128xf32> to vector<1x128x128xf32>
    %reduce_sum3A_171 = arith.constant dense<0.000000e+00> : vector<1xf32>
    %reduce_sum3A_172 = vector.multi_reduction <add>, %reduce_sum3A_170, %reduce_sum3A_171 [1, 2] : vector<1x128x128xf32> to vector<1xf32>
    %reduce_sum3A_173 = vector.shape_cast %reduce_sum3A_172 : vector<1xf32> to vector<1x1x1xf32>
    %reduce_sum3A_174 = vector.extract %reduce_sum3A_173[0, 0, 0] : f32 from vector<1x1x1xf32>
    %swap3A_175 = arith.index_cast %arg0 : i32 to index
    %swap3A_176 = arith.constant 1 : index
    %swap3A_177 = memref.load %arg3[%swap3A_175, %swap3A_176] : memref<4x27xf32, #tpu.memory_space<smem>>
    memref.store %reduce_sum3A_174, %arg3[%swap3A_175, %swap3A_176] : memref<4x27xf32, #tpu.memory_space<smem>>
    %convert_element_type3A_178 = arith.extui %and3A_166 : vector<128x128xi1> to vector<128x128xi32>
    %reduce_sum3A_179 = vector.shape_cast %convert_element_type3A_178 : vector<128x128xi32> to vector<1x128x128xi32>
    %reduce_sum3A_180 = arith.constant dense<0> : vector<1xi32>
    %reduce_sum3A_181 = vector.multi_reduction <add>, %reduce_sum3A_179, %reduce_sum3A_180 [1, 2] : vector<1x128x128xi32> to vector<1xi32>
    %reduce_sum3A_182 = vector.shape_cast %reduce_sum3A_181 : vector<1xi32> to vector<1x1x1xi32>
    %reduce_sum3A_183 = vector.extract %reduce_sum3A_182[0, 0, 0] : i32 from vector<1x1x1xi32>
    %swap3A_184 = arith.index_cast %arg0 : i32 to index
    %swap3A_185 = arith.constant 1 : index
    %swap3A_186 = memref.load %arg4[%swap3A_184, %swap3A_185] : memref<4x27xi32, #tpu.memory_space<smem>>
    memref.store %reduce_sum3A_183, %arg4[%swap3A_184, %swap3A_185] : memref<4x27xi32, #tpu.memory_space<smem>>
    %swap3A_187 = arith.index_cast %arg0 : i32 to index
    %swap3A_188 = arith.constant 1 : index
    %swap3A_189 = memref.load %arg5[%swap3A_187, %swap3A_188] : memref<4x27xi32, #tpu.memory_space<smem>>
    memref.store %add3A_162, %arg5[%swap3A_187, %swap3A_188] : memref<4x27xi32, #tpu.memory_space<smem>>
    %convert_element_type3A_190 = arith.extui %and3A_166 : vector<128x128xi1> to vector<128x128xi32>
    %convert_element_type3A_191 = arith.sitofp %convert_element_type3A_190 : vector<128x128xi32> to vector<128x128xf32>
    %dot_general3A_192 = arith.constant dense<0.000000e+00> : vector<128x128xf32>
    %dot_general3A_193 = tpu.matmul %convert_element_type3A_191, %convert_element_type3A_115, %dot_general3A_192 {dimension_numbers = #tpu.dot_dimension_numbers<[1], [0], [0], [1], [0, 0, 1, 1], [], []>, transpose_lhs_hint = false} : vector<128x128xf32>, vector<128x128xf32>, vector<128x128xf32> -> vector<128x128xf32>
    %slice3A_194 = vector.extract_strided_slice %dot_general3A_193 {offsets = [0, 127], sizes = [128, 1], strides = [1, 1]} : vector<128x128xf32> to vector<128x1xf32>
    %dot_general3A_195 = arith.constant dense<0.000000e+00> : vector<128x1xf32>
    %dot_general3A_196 = tpu.matmul %convert_element_type3A_118, %slice3A_194, %dot_general3A_195 {dimension_numbers = #tpu.dot_dimension_numbers<[1], [0], [0], [1], [0, 0, 1, 1], [], []>, transpose_lhs_hint = false} : vector<128x128xf32>, vector<128x1xf32>, vector<128x1xf32> -> vector<128x1xf32>
    %add3A_197 = vector.broadcast %dot_general3A_196 : vector<128x1xf32> to vector<128x128xf32>
    %add3A_198 = arith.addf %add3A_197, %dot_general3A_193 : vector<128x128xf32>
    %sub3A_199 = arith.constant 1.000000e+00 : f32
    %sub3A_200 = vector.broadcast %sub3A_199 : f32 to vector<128x128xf32>
    %sub3A_201 = arith.subf %add3A_198, %sub3A_200 : vector<128x128xf32>
    %convert_element_type3A_202 = arith.fptosi %sub3A_201 : vector<128x128xf32> to vector<128x128xi32>
    %add3A_203 = vector.broadcast %add3A_162 : i32 to vector<128x128xi32>
    %add3A_204 = arith.addi %add3A_203, %convert_element_type3A_202 : vector<128x128xi32>
    %jit3A_205 = arith.constant 0 : i32
    %broadcast_in_dim3A_206 = vector.broadcast %jit3A_205 : i32 to vector<128x128xi32>
    %select_n3A_207 = arith.select %and3A_166, %add3A_204, %broadcast_in_dim3A_206 : vector<128x128xi1>, vector<128x128xi32>
    %add3A_208 = arith.addi %add3A_160, %select_n3A_207 : vector<128x128xi32>
    %add3A_209 = arith.addi %add3A_162, %reduce_sum3A_183 : i32
    %eq3A_210 = arith.constant 2 : i32
    %eq3A_211 = vector.broadcast %eq3A_210 : i32 to vector<128x128xi32>
    %eq3A_212 = arith.cmpi eq, %add3A_106, %eq3A_211 : vector<128x128xi32>
    %and3A_213 = arith.andi %eq3A_212, %gt3A_112 : vector<128x128xi1>
    %jit3A_214 = arith.constant 0.000000e+00 : f32
    %broadcast_in_dim3A_215 = vector.broadcast %jit3A_214 : f32 to vector<128x128xf32>
    %select_n3A_216 = arith.select %and3A_213, %get3A_21, %broadcast_in_dim3A_215 : vector<128x128xi1>, vector<128x128xf32>
    %reduce_sum3A_217 = vector.shape_cast %select_n3A_216 : vector<128x128xf32> to vector<1x128x128xf32>
    %reduce_sum3A_218 = arith.constant dense<0.000000e+00> : vector<1xf32>
    %reduce_sum3A_219 = vector.multi_reduction <add>, %reduce_sum3A_217, %reduce_sum3A_218 [1, 2] : vector<1x128x128xf32> to vector<1xf32>
    %reduce_sum3A_220 = vector.shape_cast %reduce_sum3A_219 : vector<1xf32> to vector<1x1x1xf32>
    %reduce_sum3A_221 = vector.extract %reduce_sum3A_220[0, 0, 0] : f32 from vector<1x1x1xf32>
    %swap3A_222 = arith.index_cast %arg0 : i32 to index
    %swap3A_223 = arith.constant 2 : index
    %swap3A_224 = memref.load %arg3[%swap3A_222, %swap3A_223] : memref<4x27xf32, #tpu.memory_space<smem>>
    memref.store %reduce_sum3A_221, %arg3[%swap3A_222, %swap3A_223] : memref<4x27xf32, #tpu.memory_space<smem>>
    %convert_element_type3A_225 = arith.extui %and3A_213 : vector<128x128xi1> to vector<128x128xi32>
    %reduce_sum3A_226 = vector.shape_cast %convert_element_type3A_225 : vector<128x128xi32> to vector<1x128x128xi32>
    %reduce_sum3A_227 = arith.constant dense<0> : vector<1xi32>
    %reduce_sum3A_228 = vector.multi_reduction <add>, %reduce_sum3A_226, %reduce_sum3A_227 [1, 2] : vector<1x128x128xi32> to vector<1xi32>
    %reduce_sum3A_229 = vector.shape_cast %reduce_sum3A_228 : vector<1xi32> to vector<1x1x1xi32>
    %reduce_sum3A_230 = vector.extract %reduce_sum3A_229[0, 0, 0] : i32 from vector<1x1x1xi32>
    %swap3A_231 = arith.index_cast %arg0 : i32 to index
    %swap3A_232 = arith.constant 2 : index
    %swap3A_233 = memref.load %arg4[%swap3A_231, %swap3A_232] : memref<4x27xi32, #tpu.memory_space<smem>>
    memref.store %reduce_sum3A_230, %arg4[%swap3A_231, %swap3A_232] : memref<4x27xi32, #tpu.memory_space<smem>>
    %swap3A_234 = arith.index_cast %arg0 : i32 to index
    %swap3A_235 = arith.constant 2 : index
    %swap3A_236 = memref.load %arg5[%swap3A_234, %swap3A_235] : memref<4x27xi32, #tpu.memory_space<smem>>
    memref.store %add3A_209, %arg5[%swap3A_234, %swap3A_235] : memref<4x27xi32, #tpu.memory_space<smem>>
    %convert_element_type3A_237 = arith.extui %and3A_213 : vector<128x128xi1> to vector<128x128xi32>
    %convert_element_type3A_238 = arith.sitofp %convert_element_type3A_237 : vector<128x128xi32> to vector<128x128xf32>
    %dot_general3A_239 = arith.constant dense<0.000000e+00> : vector<128x128xf32>
    %dot_general3A_240 = tpu.matmul %convert_element_type3A_238, %convert_element_type3A_115, %dot_general3A_239 {dimension_numbers = #tpu.dot_dimension_numbers<[1], [0], [0], [1], [0, 0, 1, 1], [], []>, transpose_lhs_hint = false} : vector<128x128xf32>, vector<128x128xf32>, vector<128x128xf32> -> vector<128x128xf32>
    %slice3A_241 = vector.extract_strided_slice %dot_general3A_240 {offsets = [0, 127], sizes = [128, 1], strides = [1, 1]} : vector<128x128xf32> to vector<128x1xf32>
    %dot_general3A_242 = arith.constant dense<0.000000e+00> : vector<128x1xf32>
    %dot_general3A_243 = tpu.matmul %convert_element_type3A_118, %slice3A_241, %dot_general3A_242 {dimension_numbers = #tpu.dot_dimension_numbers<[1], [0], [0], [1], [0, 0, 1, 1], [], []>, transpose_lhs_hint = false} : vector<128x128xf32>, vector<128x1xf32>, vector<128x1xf32> -> vector<128x1xf32>
    %add3A_244 = vector.broadcast %dot_general3A_243 : vector<128x1xf32> to vector<128x128xf32>
    %add3A_245 = arith.addf %add3A_244, %dot_general3A_240 : vector<128x128xf32>
    %sub3A_246 = arith.constant 1.000000e+00 : f32
    %sub3A_247 = vector.broadcast %sub3A_246 : f32 to vector<128x128xf32>
    %sub3A_248 = arith.subf %add3A_245, %sub3A_247 : vector<128x128xf32>
    %convert_element_type3A_249 = arith.fptosi %sub3A_248 : vector<128x128xf32> to vector<128x128xi32>
    %add3A_250 = vector.broadcast %add3A_209 : i32 to vector<128x128xi32>
    %add3A_251 = arith.addi %add3A_250, %convert_element_type3A_249 : vector<128x128xi32>
    %jit3A_252 = arith.constant 0 : i32
    %broadcast_in_dim3A_253 = vector.broadcast %jit3A_252 : i32 to vector<128x128xi32>
    %select_n3A_254 = arith.select %and3A_213, %add3A_251, %broadcast_in_dim3A_253 : vector<128x128xi1>, vector<128x128xi32>
    %add3A_255 = arith.addi %add3A_208, %select_n3A_254 : vector<128x128xi32>
    %add3A_256 = arith.addi %add3A_209, %reduce_sum3A_230 : i32
    %eq3A_257 = arith.constant 3 : i32
    %eq3A_258 = vector.broadcast %eq3A_257 : i32 to vector<128x128xi32>
    %eq3A_259 = arith.cmpi eq, %add3A_106, %eq3A_258 : vector<128x128xi32>
    %and3A_260 = arith.andi %eq3A_259, %gt3A_112 : vector<128x128xi1>
    %jit3A_261 = arith.constant 0.000000e+00 : f32
    %broadcast_in_dim3A_262 = vector.broadcast %jit3A_261 : f32 to vector<128x128xf32>
    %select_n3A_263 = arith.select %and3A_260, %get3A_21, %broadcast_in_dim3A_262 : vector<128x128xi1>, vector<128x128xf32>
    %reduce_sum3A_264 = vector.shape_cast %select_n3A_263 : vector<128x128xf32> to vector<1x128x128xf32>
    %reduce_sum3A_265 = arith.constant dense<0.000000e+00> : vector<1xf32>
    %reduce_sum3A_266 = vector.multi_reduction <add>, %reduce_sum3A_264, %reduce_sum3A_265 [1, 2] : vector<1x128x128xf32> to vector<1xf32>
    %reduce_sum3A_267 = vector.shape_cast %reduce_sum3A_266 : vector<1xf32> to vector<1x1x1xf32>
    %reduce_sum3A_268 = vector.extract %reduce_sum3A_267[0, 0, 0] : f32 from vector<1x1x1xf32>
    %swap3A_269 = arith.index_cast %arg0 : i32 to index
    %swap3A_270 = arith.constant 3 : index
    %swap3A_271 = memref.load %arg3[%swap3A_269, %swap3A_270] : memref<4x27xf32, #tpu.memory_space<smem>>
    memref.store %reduce_sum3A_268, %arg3[%swap3A_269, %swap3A_270] : memref<4x27xf32, #tpu.memory_space<smem>>
    %convert_element_type3A_272 = arith.extui %and3A_260 : vector<128x128xi1> to vector<128x128xi32>
    %reduce_sum3A_273 = vector.shape_cast %convert_element_type3A_272 : vector<128x128xi32> to vector<1x128x128xi32>
    %reduce_sum3A_274 = arith.constant dense<0> : vector<1xi32>
    %reduce_sum3A_275 = vector.multi_reduction <add>, %reduce_sum3A_273, %reduce_sum3A_274 [1, 2] : vector<1x128x128xi32> to vector<1xi32>
    %reduce_sum3A_276 = vector.shape_cast %reduce_sum3A_275 : vector<1xi32> to vector<1x1x1xi32>
    %reduce_sum3A_277 = vector.extract %reduce_sum3A_276[0, 0, 0] : i32 from vector<1x1x1xi32>
    %swap3A_278 = arith.index_cast %arg0 : i32 to index
    %swap3A_279 = arith.constant 3 : index
    %swap3A_280 = memref.load %arg4[%swap3A_278, %swap3A_279] : memref<4x27xi32, #tpu.memory_space<smem>>
    memref.store %reduce_sum3A_277, %arg4[%swap3A_278, %swap3A_279] : memref<4x27xi32, #tpu.memory_space<smem>>
    %swap3A_281 = arith.index_cast %arg0 : i32 to index
    %swap3A_282 = arith.constant 3 : index
    %swap3A_283 = memref.load %arg5[%swap3A_281, %swap3A_282] : memref<4x27xi32, #tpu.memory_space<smem>>
    memref.store %add3A_256, %arg5[%swap3A_281, %swap3A_282] : memref<4x27xi32, #tpu.memory_space<smem>>
    %convert_element_type3A_284 = arith.extui %and3A_260 : vector<128x128xi1> to vector<128x128xi32>
    %convert_element_type3A_285 = arith.sitofp %convert_element_type3A_284 : vector<128x128xi32> to vector<128x128xf32>
    %dot_general3A_286 = arith.constant dense<0.000000e+00> : vector<128x128xf32>
    %dot_general3A_287 = tpu.matmul %convert_element_type3A_285, %convert_element_type3A_115, %dot_general3A_286 {dimension_numbers = #tpu.dot_dimension_numbers<[1], [0], [0], [1], [0, 0, 1, 1], [], []>, transpose_lhs_hint = false} : vector<128x128xf32>, vector<128x128xf32>, vector<128x128xf32> -> vector<128x128xf32>
    %slice3A_288 = vector.extract_strided_slice %dot_general3A_287 {offsets = [0, 127], sizes = [128, 1], strides = [1, 1]} : vector<128x128xf32> to vector<128x1xf32>
    %dot_general3A_289 = arith.constant dense<0.000000e+00> : vector<128x1xf32>
    %dot_general3A_290 = tpu.matmul %convert_element_type3A_118, %slice3A_288, %dot_general3A_289 {dimension_numbers = #tpu.dot_dimension_numbers<[1], [0], [0], [1], [0, 0, 1, 1], [], []>, transpose_lhs_hint = false} : vector<128x128xf32>, vector<128x1xf32>, vector<128x1xf32> -> vector<128x1xf32>
    %add3A_291 = vector.broadcast %dot_general3A_290 : vector<128x1xf32> to vector<128x128xf32>
    %add3A_292 = arith.addf %add3A_291, %dot_general3A_287 : vector<128x128xf32>
    %sub3A_293 = arith.constant 1.000000e+00 : f32
    %sub3A_294 = vector.broadcast %sub3A_293 : f32 to vector<128x128xf32>
    %sub3A_295 = arith.subf %add3A_292, %sub3A_294 : vector<128x128xf32>
    %convert_element_type3A_296 = arith.fptosi %sub3A_295 : vector<128x128xf32> to vector<128x128xi32>
    %add3A_297 = vector.broadcast %add3A_256 : i32 to vector<128x128xi32>
    %add3A_298 = arith.addi %add3A_297, %convert_element_type3A_296 : vector<128x128xi32>
    %jit3A_299 = arith.constant 0 : i32
    %broadcast_in_dim3A_300 = vector.broadcast %jit3A_299 : i32 to vector<128x128xi32>
    %select_n3A_301 = arith.select %and3A_260, %add3A_298, %broadcast_in_dim3A_300 : vector<128x128xi1>, vector<128x128xi32>
    %add3A_302 = arith.addi %add3A_255, %select_n3A_301 : vector<128x128xi32>
    %add3A_303 = arith.addi %add3A_256, %reduce_sum3A_277 : i32
    %eq3A_304 = arith.constant 4 : i32
    %eq3A_305 = vector.broadcast %eq3A_304 : i32 to vector<128x128xi32>
    %eq3A_306 = arith.cmpi eq, %add3A_106, %eq3A_305 : vector<128x128xi32>
    %and3A_307 = arith.andi %eq3A_306, %gt3A_112 : vector<128x128xi1>
    %jit3A_308 = arith.constant 0.000000e+00 : f32
    %broadcast_in_dim3A_309 = vector.broadcast %jit3A_308 : f32 to vector<128x128xf32>
    %select_n3A_310 = arith.select %and3A_307, %get3A_21, %broadcast_in_dim3A_309 : vector<128x128xi1>, vector<128x128xf32>
    %reduce_sum3A_311 = vector.shape_cast %select_n3A_310 : vector<128x128xf32> to vector<1x128x128xf32>
    %reduce_sum3A_312 = arith.constant dense<0.000000e+00> : vector<1xf32>
    %reduce_sum3A_313 = vector.multi_reduction <add>, %reduce_sum3A_311, %reduce_sum3A_312 [1, 2] : vector<1x128x128xf32> to vector<1xf32>
    %reduce_sum3A_314 = vector.shape_cast %reduce_sum3A_313 : vector<1xf32> to vector<1x1x1xf32>
    %reduce_sum3A_315 = vector.extract %reduce_sum3A_314[0, 0, 0] : f32 from vector<1x1x1xf32>
    %swap3A_316 = arith.index_cast %arg0 : i32 to index
    %swap3A_317 = arith.constant 4 : index
    %swap3A_318 = memref.load %arg3[%swap3A_316, %swap3A_317] : memref<4x27xf32, #tpu.memory_space<smem>>
    memref.store %reduce_sum3A_315, %arg3[%swap3A_316, %swap3A_317] : memref<4x27xf32, #tpu.memory_space<smem>>
    %convert_element_type3A_319 = arith.extui %and3A_307 : vector<128x128xi1> to vector<128x128xi32>
    %reduce_sum3A_320 = vector.shape_cast %convert_element_type3A_319 : vector<128x128xi32> to vector<1x128x128xi32>
    %reduce_sum3A_321 = arith.constant dense<0> : vector<1xi32>
    %reduce_sum3A_322 = vector.multi_reduction <add>, %reduce_sum3A_320, %reduce_sum3A_321 [1, 2] : vector<1x128x128xi32> to vector<1xi32>
    %reduce_sum3A_323 = vector.shape_cast %reduce_sum3A_322 : vector<1xi32> to vector<1x1x1xi32>
    %reduce_sum3A_324 = vector.extract %reduce_sum3A_323[0, 0, 0] : i32 from vector<1x1x1xi32>
    %swap3A_325 = arith.index_cast %arg0 : i32 to index
    %swap3A_326 = arith.constant 4 : index
    %swap3A_327 = memref.load %arg4[%swap3A_325, %swap3A_326] : memref<4x27xi32, #tpu.memory_space<smem>>
    memref.store %reduce_sum3A_324, %arg4[%swap3A_325, %swap3A_326] : memref<4x27xi32, #tpu.memory_space<smem>>
    %swap3A_328 = arith.index_cast %arg0 : i32 to index
    %swap3A_329 = arith.constant 4 : index
    %swap3A_330 = memref.load %arg5[%swap3A_328, %swap3A_329] : memref<4x27xi32, #tpu.memory_space<smem>>
    memref.store %add3A_303, %arg5[%swap3A_328, %swap3A_329] : memref<4x27xi32, #tpu.memory_space<smem>>
    %convert_element_type3A_331 = arith.extui %and3A_307 : vector<128x128xi1> to vector<128x128xi32>
    %convert_element_type3A_332 = arith.sitofp %convert_element_type3A_331 : vector<128x128xi32> to vector<128x128xf32>
    %dot_general3A_333 = arith.constant dense<0.000000e+00> : vector<128x128xf32>
    %dot_general3A_334 = tpu.matmul %convert_element_type3A_332, %convert_element_type3A_115, %dot_general3A_333 {dimension_numbers = #tpu.dot_dimension_numbers<[1], [0], [0], [1], [0, 0, 1, 1], [], []>, transpose_lhs_hint = false} : vector<128x128xf32>, vector<128x128xf32>, vector<128x128xf32> -> vector<128x128xf32>
    %slice3A_335 = vector.extract_strided_slice %dot_general3A_334 {offsets = [0, 127], sizes = [128, 1], strides = [1, 1]} : vector<128x128xf32> to vector<128x1xf32>
    %dot_general3A_336 = arith.constant dense<0.000000e+00> : vector<128x1xf32>
    %dot_general3A_337 = tpu.matmul %convert_element_type3A_118, %slice3A_335, %dot_general3A_336 {dimension_numbers = #tpu.dot_dimension_numbers<[1], [0], [0], [1], [0, 0, 1, 1], [], []>, transpose_lhs_hint = false} : vector<128x128xf32>, vector<128x1xf32>, vector<128x1xf32> -> vector<128x1xf32>
    %add3A_338 = vector.broadcast %dot_general3A_337 : vector<128x1xf32> to vector<128x128xf32>
    %add3A_339 = arith.addf %add3A_338, %dot_general3A_334 : vector<128x128xf32>
    %sub3A_340 = arith.constant 1.000000e+00 : f32
    %sub3A_341 = vector.broadcast %sub3A_340 : f32 to vector<128x128xf32>
    %sub3A_342 = arith.subf %add3A_339, %sub3A_341 : vector<128x128xf32>
    %convert_element_type3A_343 = arith.fptosi %sub3A_342 : vector<128x128xf32> to vector<128x128xi32>
    %add3A_344 = vector.broadcast %add3A_303 : i32 to vector<128x128xi32>
    %add3A_345 = arith.addi %add3A_344, %convert_element_type3A_343 : vector<128x128xi32>
    %jit3A_346 = arith.constant 0 : i32
    %broadcast_in_dim3A_347 = vector.broadcast %jit3A_346 : i32 to vector<128x128xi32>
    %select_n3A_348 = arith.select %and3A_307, %add3A_345, %broadcast_in_dim3A_347 : vector<128x128xi1>, vector<128x128xi32>
    %add3A_349 = arith.addi %add3A_302, %select_n3A_348 : vector<128x128xi32>
    %add3A_350 = arith.addi %add3A_303, %reduce_sum3A_324 : i32
    %eq3A_351 = arith.constant 5 : i32
    %eq3A_352 = vector.broadcast %eq3A_351 : i32 to vector<128x128xi32>
    %eq3A_353 = arith.cmpi eq, %add3A_106, %eq3A_352 : vector<128x128xi32>
    %and3A_354 = arith.andi %eq3A_353, %gt3A_112 : vector<128x128xi1>
    %jit3A_355 = arith.constant 0.000000e+00 : f32
    %broadcast_in_dim3A_356 = vector.broadcast %jit3A_355 : f32 to vector<128x128xf32>
    %select_n3A_357 = arith.select %and3A_354, %get3A_21, %broadcast_in_dim3A_356 : vector<128x128xi1>, vector<128x128xf32>
    %reduce_sum3A_358 = vector.shape_cast %select_n3A_357 : vector<128x128xf32> to vector<1x128x128xf32>
    %reduce_sum3A_359 = arith.constant dense<0.000000e+00> : vector<1xf32>
    %reduce_sum3A_360 = vector.multi_reduction <add>, %reduce_sum3A_358, %reduce_sum3A_359 [1, 2] : vector<1x128x128xf32> to vector<1xf32>
    %reduce_sum3A_361 = vector.shape_cast %reduce_sum3A_360 : vector<1xf32> to vector<1x1x1xf32>
    %reduce_sum3A_362 = vector.extract %reduce_sum3A_361[0, 0, 0] : f32 from vector<1x1x1xf32>
    %swap3A_363 = arith.index_cast %arg0 : i32 to index
    %swap3A_364 = arith.constant 5 : index
    %swap3A_365 = memref.load %arg3[%swap3A_363, %swap3A_364] : memref<4x27xf32, #tpu.memory_space<smem>>
    memref.store %reduce_sum3A_362, %arg3[%swap3A_363, %swap3A_364] : memref<4x27xf32, #tpu.memory_space<smem>>
    %convert_element_type3A_366 = arith.extui %and3A_354 : vector<128x128xi1> to vector<128x128xi32>
    %reduce_sum3A_367 = vector.shape_cast %convert_element_type3A_366 : vector<128x128xi32> to vector<1x128x128xi32>
    %reduce_sum3A_368 = arith.constant dense<0> : vector<1xi32>
    %reduce_sum3A_369 = vector.multi_reduction <add>, %reduce_sum3A_367, %reduce_sum3A_368 [1, 2] : vector<1x128x128xi32> to vector<1xi32>
    %reduce_sum3A_370 = vector.shape_cast %reduce_sum3A_369 : vector<1xi32> to vector<1x1x1xi32>
    %reduce_sum3A_371 = vector.extract %reduce_sum3A_370[0, 0, 0] : i32 from vector<1x1x1xi32>
    %swap3A_372 = arith.index_cast %arg0 : i32 to index
    %swap3A_373 = arith.constant 5 : index
    %swap3A_374 = memref.load %arg4[%swap3A_372, %swap3A_373] : memref<4x27xi32, #tpu.memory_space<smem>>
    memref.store %reduce_sum3A_371, %arg4[%swap3A_372, %swap3A_373] : memref<4x27xi32, #tpu.memory_space<smem>>
    %swap3A_375 = arith.index_cast %arg0 : i32 to index
    %swap3A_376 = arith.constant 5 : index
    %swap3A_377 = memref.load %arg5[%swap3A_375, %swap3A_376] : memref<4x27xi32, #tpu.memory_space<smem>>
    memref.store %add3A_350, %arg5[%swap3A_375, %swap3A_376] : memref<4x27xi32, #tpu.memory_space<smem>>
    %convert_element_type3A_378 = arith.extui %and3A_354 : vector<128x128xi1> to vector<128x128xi32>
    %convert_element_type3A_379 = arith.sitofp %convert_element_type3A_378 : vector<128x128xi32> to vector<128x128xf32>
    %dot_general3A_380 = arith.constant dense<0.000000e+00> : vector<128x128xf32>
    %dot_general3A_381 = tpu.matmul %convert_element_type3A_379, %convert_element_type3A_115, %dot_general3A_380 {dimension_numbers = #tpu.dot_dimension_numbers<[1], [0], [0], [1], [0, 0, 1, 1], [], []>, transpose_lhs_hint = false} : vector<128x128xf32>, vector<128x128xf32>, vector<128x128xf32> -> vector<128x128xf32>
    %slice3A_382 = vector.extract_strided_slice %dot_general3A_381 {offsets = [0, 127], sizes = [128, 1], strides = [1, 1]} : vector<128x128xf32> to vector<128x1xf32>
    %dot_general3A_383 = arith.constant dense<0.000000e+00> : vector<128x1xf32>
    %dot_general3A_384 = tpu.matmul %convert_element_type3A_118, %slice3A_382, %dot_general3A_383 {dimension_numbers = #tpu.dot_dimension_numbers<[1], [0], [0], [1], [0, 0, 1, 1], [], []>, transpose_lhs_hint = false} : vector<128x128xf32>, vector<128x1xf32>, vector<128x1xf32> -> vector<128x1xf32>
    %add3A_385 = vector.broadcast %dot_general3A_384 : vector<128x1xf32> to vector<128x128xf32>
    %add3A_386 = arith.addf %add3A_385, %dot_general3A_381 : vector<128x128xf32>
    %sub3A_387 = arith.constant 1.000000e+00 : f32
    %sub3A_388 = vector.broadcast %sub3A_387 : f32 to vector<128x128xf32>
    %sub3A_389 = arith.subf %add3A_386, %sub3A_388 : vector<128x128xf32>
    %convert_element_type3A_390 = arith.fptosi %sub3A_389 : vector<128x128xf32> to vector<128x128xi32>
    %add3A_391 = vector.broadcast %add3A_350 : i32 to vector<128x128xi32>
    %add3A_392 = arith.addi %add3A_391, %convert_element_type3A_390 : vector<128x128xi32>
    %jit3A_393 = arith.constant 0 : i32
    %broadcast_in_dim3A_394 = vector.broadcast %jit3A_393 : i32 to vector<128x128xi32>
    %select_n3A_395 = arith.select %and3A_354, %add3A_392, %broadcast_in_dim3A_394 : vector<128x128xi1>, vector<128x128xi32>
    %add3A_396 = arith.addi %add3A_349, %select_n3A_395 : vector<128x128xi32>
    %add3A_397 = arith.addi %add3A_350, %reduce_sum3A_371 : i32
    %eq3A_398 = arith.constant 6 : i32
    %eq3A_399 = vector.broadcast %eq3A_398 : i32 to vector<128x128xi32>
    %eq3A_400 = arith.cmpi eq, %add3A_106, %eq3A_399 : vector<128x128xi32>
    %and3A_401 = arith.andi %eq3A_400, %gt3A_112 : vector<128x128xi1>
    %jit3A_402 = arith.constant 0.000000e+00 : f32
    %broadcast_in_dim3A_403 = vector.broadcast %jit3A_402 : f32 to vector<128x128xf32>
    %select_n3A_404 = arith.select %and3A_401, %get3A_21, %broadcast_in_dim3A_403 : vector<128x128xi1>, vector<128x128xf32>
    %reduce_sum3A_405 = vector.shape_cast %select_n3A_404 : vector<128x128xf32> to vector<1x128x128xf32>
    %reduce_sum3A_406 = arith.constant dense<0.000000e+00> : vector<1xf32>
    %reduce_sum3A_407 = vector.multi_reduction <add>, %reduce_sum3A_405, %reduce_sum3A_406 [1, 2] : vector<1x128x128xf32> to vector<1xf32>
    %reduce_sum3A_408 = vector.shape_cast %reduce_sum3A_407 : vector<1xf32> to vector<1x1x1xf32>
    %reduce_sum3A_409 = vector.extract %reduce_sum3A_408[0, 0, 0] : f32 from vector<1x1x1xf32>
    %swap3A_410 = arith.index_cast %arg0 : i32 to index
    %swap3A_411 = arith.constant 6 : index
    %swap3A_412 = memref.load %arg3[%swap3A_410, %swap3A_411] : memref<4x27xf32, #tpu.memory_space<smem>>
    memref.store %reduce_sum3A_409, %arg3[%swap3A_410, %swap3A_411] : memref<4x27xf32, #tpu.memory_space<smem>>
    %convert_element_type3A_413 = arith.extui %and3A_401 : vector<128x128xi1> to vector<128x128xi32>
    %reduce_sum3A_414 = vector.shape_cast %convert_element_type3A_413 : vector<128x128xi32> to vector<1x128x128xi32>
    %reduce_sum3A_415 = arith.constant dense<0> : vector<1xi32>
    %reduce_sum3A_416 = vector.multi_reduction <add>, %reduce_sum3A_414, %reduce_sum3A_415 [1, 2] : vector<1x128x128xi32> to vector<1xi32>
    %reduce_sum3A_417 = vector.shape_cast %reduce_sum3A_416 : vector<1xi32> to vector<1x1x1xi32>
    %reduce_sum3A_418 = vector.extract %reduce_sum3A_417[0, 0, 0] : i32 from vector<1x1x1xi32>
    %swap3A_419 = arith.index_cast %arg0 : i32 to index
    %swap3A_420 = arith.constant 6 : index
    %swap3A_421 = memref.load %arg4[%swap3A_419, %swap3A_420] : memref<4x27xi32, #tpu.memory_space<smem>>
    memref.store %reduce_sum3A_418, %arg4[%swap3A_419, %swap3A_420] : memref<4x27xi32, #tpu.memory_space<smem>>
    %swap3A_422 = arith.index_cast %arg0 : i32 to index
    %swap3A_423 = arith.constant 6 : index
    %swap3A_424 = memref.load %arg5[%swap3A_422, %swap3A_423] : memref<4x27xi32, #tpu.memory_space<smem>>
    memref.store %add3A_397, %arg5[%swap3A_422, %swap3A_423] : memref<4x27xi32, #tpu.memory_space<smem>>
    %convert_element_type3A_425 = arith.extui %and3A_401 : vector<128x128xi1> to vector<128x128xi32>
    %convert_element_type3A_426 = arith.sitofp %convert_element_type3A_425 : vector<128x128xi32> to vector<128x128xf32>
    %dot_general3A_427 = arith.constant dense<0.000000e+00> : vector<128x128xf32>
    %dot_general3A_428 = tpu.matmul %convert_element_type3A_426, %convert_element_type3A_115, %dot_general3A_427 {dimension_numbers = #tpu.dot_dimension_numbers<[1], [0], [0], [1], [0, 0, 1, 1], [], []>, transpose_lhs_hint = false} : vector<128x128xf32>, vector<128x128xf32>, vector<128x128xf32> -> vector<128x128xf32>
    %slice3A_429 = vector.extract_strided_slice %dot_general3A_428 {offsets = [0, 127], sizes = [128, 1], strides = [1, 1]} : vector<128x128xf32> to vector<128x1xf32>
    %dot_general3A_430 = arith.constant dense<0.000000e+00> : vector<128x1xf32>
    %dot_general3A_431 = tpu.matmul %convert_element_type3A_118, %slice3A_429, %dot_general3A_430 {dimension_numbers = #tpu.dot_dimension_numbers<[1], [0], [0], [1], [0, 0, 1, 1], [], []>, transpose_lhs_hint = false} : vector<128x128xf32>, vector<128x1xf32>, vector<128x1xf32> -> vector<128x1xf32>
    %add3A_432 = vector.broadcast %dot_general3A_431 : vector<128x1xf32> to vector<128x128xf32>
    %add3A_433 = arith.addf %add3A_432, %dot_general3A_428 : vector<128x128xf32>
    %sub3A_434 = arith.constant 1.000000e+00 : f32
    %sub3A_435 = vector.broadcast %sub3A_434 : f32 to vector<128x128xf32>
    %sub3A_436 = arith.subf %add3A_433, %sub3A_435 : vector<128x128xf32>
    %convert_element_type3A_437 = arith.fptosi %sub3A_436 : vector<128x128xf32> to vector<128x128xi32>
    %add3A_438 = vector.broadcast %add3A_397 : i32 to vector<128x128xi32>
    %add3A_439 = arith.addi %add3A_438, %convert_element_type3A_437 : vector<128x128xi32>
    %jit3A_440 = arith.constant 0 : i32
    %broadcast_in_dim3A_441 = vector.broadcast %jit3A_440 : i32 to vector<128x128xi32>
    %select_n3A_442 = arith.select %and3A_401, %add3A_439, %broadcast_in_dim3A_441 : vector<128x128xi1>, vector<128x128xi32>
    %add3A_443 = arith.addi %add3A_396, %select_n3A_442 : vector<128x128xi32>
    %add3A_444 = arith.addi %add3A_397, %reduce_sum3A_418 : i32
    %eq3A_445 = arith.constant 7 : i32
    %eq3A_446 = vector.broadcast %eq3A_445 : i32 to vector<128x128xi32>
    %eq3A_447 = arith.cmpi eq, %add3A_106, %eq3A_446 : vector<128x128xi32>
    %and3A_448 = arith.andi %eq3A_447, %gt3A_112 : vector<128x128xi1>
    %jit3A_449 = arith.constant 0.000000e+00 : f32
    %broadcast_in_dim3A_450 = vector.broadcast %jit3A_449 : f32 to vector<128x128xf32>
    %select_n3A_451 = arith.select %and3A_448, %get3A_21, %broadcast_in_dim3A_450 : vector<128x128xi1>, vector<128x128xf32>
    %reduce_sum3A_452 = vector.shape_cast %select_n3A_451 : vector<128x128xf32> to vector<1x128x128xf32>
    %reduce_sum3A_453 = arith.constant dense<0.000000e+00> : vector<1xf32>
    %reduce_sum3A_454 = vector.multi_reduction <add>, %reduce_sum3A_452, %reduce_sum3A_453 [1, 2] : vector<1x128x128xf32> to vector<1xf32>
    %reduce_sum3A_455 = vector.shape_cast %reduce_sum3A_454 : vector<1xf32> to vector<1x1x1xf32>
    %reduce_sum3A_456 = vector.extract %reduce_sum3A_455[0, 0, 0] : f32 from vector<1x1x1xf32>
    %swap3A_457 = arith.index_cast %arg0 : i32 to index
    %swap3A_458 = arith.constant 7 : index
    %swap3A_459 = memref.load %arg3[%swap3A_457, %swap3A_458] : memref<4x27xf32, #tpu.memory_space<smem>>
    memref.store %reduce_sum3A_456, %arg3[%swap3A_457, %swap3A_458] : memref<4x27xf32, #tpu.memory_space<smem>>
    %convert_element_type3A_460 = arith.extui %and3A_448 : vector<128x128xi1> to vector<128x128xi32>
    %reduce_sum3A_461 = vector.shape_cast %convert_element_type3A_460 : vector<128x128xi32> to vector<1x128x128xi32>
    %reduce_sum3A_462 = arith.constant dense<0> : vector<1xi32>
    %reduce_sum3A_463 = vector.multi_reduction <add>, %reduce_sum3A_461, %reduce_sum3A_462 [1, 2] : vector<1x128x128xi32> to vector<1xi32>
    %reduce_sum3A_464 = vector.shape_cast %reduce_sum3A_463 : vector<1xi32> to vector<1x1x1xi32>
    %reduce_sum3A_465 = vector.extract %reduce_sum3A_464[0, 0, 0] : i32 from vector<1x1x1xi32>
    %swap3A_466 = arith.index_cast %arg0 : i32 to index
    %swap3A_467 = arith.constant 7 : index
    %swap3A_468 = memref.load %arg4[%swap3A_466, %swap3A_467] : memref<4x27xi32, #tpu.memory_space<smem>>
    memref.store %reduce_sum3A_465, %arg4[%swap3A_466, %swap3A_467] : memref<4x27xi32, #tpu.memory_space<smem>>
    %swap3A_469 = arith.index_cast %arg0 : i32 to index
    %swap3A_470 = arith.constant 7 : index
    %swap3A_471 = memref.load %arg5[%swap3A_469, %swap3A_470] : memref<4x27xi32, #tpu.memory_space<smem>>
    memref.store %add3A_444, %arg5[%swap3A_469, %swap3A_470] : memref<4x27xi32, #tpu.memory_space<smem>>
    %convert_element_type3A_472 = arith.extui %and3A_448 : vector<128x128xi1> to vector<128x128xi32>
    %convert_element_type3A_473 = arith.sitofp %convert_element_type3A_472 : vector<128x128xi32> to vector<128x128xf32>
    %dot_general3A_474 = arith.constant dense<0.000000e+00> : vector<128x128xf32>
    %dot_general3A_475 = tpu.matmul %convert_element_type3A_473, %convert_element_type3A_115, %dot_general3A_474 {dimension_numbers = #tpu.dot_dimension_numbers<[1], [0], [0], [1], [0, 0, 1, 1], [], []>, transpose_lhs_hint = false} : vector<128x128xf32>, vector<128x128xf32>, vector<128x128xf32> -> vector<128x128xf32>
    %slice3A_476 = vector.extract_strided_slice %dot_general3A_475 {offsets = [0, 127], sizes = [128, 1], strides = [1, 1]} : vector<128x128xf32> to vector<128x1xf32>
    %dot_general3A_477 = arith.constant dense<0.000000e+00> : vector<128x1xf32>
    %dot_general3A_478 = tpu.matmul %convert_element_type3A_118, %slice3A_476, %dot_general3A_477 {dimension_numbers = #tpu.dot_dimension_numbers<[1], [0], [0], [1], [0, 0, 1, 1], [], []>, transpose_lhs_hint = false} : vector<128x128xf32>, vector<128x1xf32>, vector<128x1xf32> -> vector<128x1xf32>
    %add3A_479 = vector.broadcast %dot_general3A_478 : vector<128x1xf32> to vector<128x128xf32>
    %add3A_480 = arith.addf %add3A_479, %dot_general3A_475 : vector<128x128xf32>
    %sub3A_481 = arith.constant 1.000000e+00 : f32
    %sub3A_482 = vector.broadcast %sub3A_481 : f32 to vector<128x128xf32>
    %sub3A_483 = arith.subf %add3A_480, %sub3A_482 : vector<128x128xf32>
    %convert_element_type3A_484 = arith.fptosi %sub3A_483 : vector<128x128xf32> to vector<128x128xi32>
    %add3A_485 = vector.broadcast %add3A_444 : i32 to vector<128x128xi32>
    %add3A_486 = arith.addi %add3A_485, %convert_element_type3A_484 : vector<128x128xi32>
    %jit3A_487 = arith.constant 0 : i32
    %broadcast_in_dim3A_488 = vector.broadcast %jit3A_487 : i32 to vector<128x128xi32>
    %select_n3A_489 = arith.select %and3A_448, %add3A_486, %broadcast_in_dim3A_488 : vector<128x128xi1>, vector<128x128xi32>
    %add3A_490 = arith.addi %add3A_443, %select_n3A_489 : vector<128x128xi32>
    %add3A_491 = arith.addi %add3A_444, %reduce_sum3A_465 : i32
    %eq3A_492 = arith.constant 8 : i32
    %eq3A_493 = vector.broadcast %eq3A_492 : i32 to vector<128x128xi32>
    %eq3A_494 = arith.cmpi eq, %add3A_106, %eq3A_493 : vector<128x128xi32>
    %and3A_495 = arith.andi %eq3A_494, %gt3A_112 : vector<128x128xi1>
    %jit3A_496 = arith.constant 0.000000e+00 : f32
    %broadcast_in_dim3A_497 = vector.broadcast %jit3A_496 : f32 to vector<128x128xf32>
    %select_n3A_498 = arith.select %and3A_495, %get3A_21, %broadcast_in_dim3A_497 : vector<128x128xi1>, vector<128x128xf32>
    %reduce_sum3A_499 = vector.shape_cast %select_n3A_498 : vector<128x128xf32> to vector<1x128x128xf32>
    %reduce_sum3A_500 = arith.constant dense<0.000000e+00> : vector<1xf32>
    %reduce_sum3A_501 = vector.multi_reduction <add>, %reduce_sum3A_499, %reduce_sum3A_500 [1, 2] : vector<1x128x128xf32> to vector<1xf32>
    %reduce_sum3A_502 = vector.shape_cast %reduce_sum3A_501 : vector<1xf32> to vector<1x1x1xf32>
    %reduce_sum3A_503 = vector.extract %reduce_sum3A_502[0, 0, 0] : f32 from vector<1x1x1xf32>
    %swap3A_504 = arith.index_cast %arg0 : i32 to index
    %swap3A_505 = arith.constant 8 : index
    %swap3A_506 = memref.load %arg3[%swap3A_504, %swap3A_505] : memref<4x27xf32, #tpu.memory_space<smem>>
    memref.store %reduce_sum3A_503, %arg3[%swap3A_504, %swap3A_505] : memref<4x27xf32, #tpu.memory_space<smem>>
    %convert_element_type3A_507 = arith.extui %and3A_495 : vector<128x128xi1> to vector<128x128xi32>
    %reduce_sum3A_508 = vector.shape_cast %convert_element_type3A_507 : vector<128x128xi32> to vector<1x128x128xi32>
    %reduce_sum3A_509 = arith.constant dense<0> : vector<1xi32>
    %reduce_sum3A_510 = vector.multi_reduction <add>, %reduce_sum3A_508, %reduce_sum3A_509 [1, 2] : vector<1x128x128xi32> to vector<1xi32>
    %reduce_sum3A_511 = vector.shape_cast %reduce_sum3A_510 : vector<1xi32> to vector<1x1x1xi32>
    %reduce_sum3A_512 = vector.extract %reduce_sum3A_511[0, 0, 0] : i32 from vector<1x1x1xi32>
    %swap3A_513 = arith.index_cast %arg0 : i32 to index
    %swap3A_514 = arith.constant 8 : index
    %swap3A_515 = memref.load %arg4[%swap3A_513, %swap3A_514] : memref<4x27xi32, #tpu.memory_space<smem>>
    memref.store %reduce_sum3A_512, %arg4[%swap3A_513, %swap3A_514] : memref<4x27xi32, #tpu.memory_space<smem>>
    %swap3A_516 = arith.index_cast %arg0 : i32 to index
    %swap3A_517 = arith.constant 8 : index
    %swap3A_518 = memref.load %arg5[%swap3A_516, %swap3A_517] : memref<4x27xi32, #tpu.memory_space<smem>>
    memref.store %add3A_491, %arg5[%swap3A_516, %swap3A_517] : memref<4x27xi32, #tpu.memory_space<smem>>
    %convert_element_type3A_519 = arith.extui %and3A_495 : vector<128x128xi1> to vector<128x128xi32>
    %convert_element_type3A_520 = arith.sitofp %convert_element_type3A_519 : vector<128x128xi32> to vector<128x128xf32>
    %dot_general3A_521 = arith.constant dense<0.000000e+00> : vector<128x128xf32>
    %dot_general3A_522 = tpu.matmul %convert_element_type3A_520, %convert_element_type3A_115, %dot_general3A_521 {dimension_numbers = #tpu.dot_dimension_numbers<[1], [0], [0], [1], [0, 0, 1, 1], [], []>, transpose_lhs_hint = false} : vector<128x128xf32>, vector<128x128xf32>, vector<128x128xf32> -> vector<128x128xf32>
    %slice3A_523 = vector.extract_strided_slice %dot_general3A_522 {offsets = [0, 127], sizes = [128, 1], strides = [1, 1]} : vector<128x128xf32> to vector<128x1xf32>
    %dot_general3A_524 = arith.constant dense<0.000000e+00> : vector<128x1xf32>
    %dot_general3A_525 = tpu.matmul %convert_element_type3A_118, %slice3A_523, %dot_general3A_524 {dimension_numbers = #tpu.dot_dimension_numbers<[1], [0], [0], [1], [0, 0, 1, 1], [], []>, transpose_lhs_hint = false} : vector<128x128xf32>, vector<128x1xf32>, vector<128x1xf32> -> vector<128x1xf32>
    %add3A_526 = vector.broadcast %dot_general3A_525 : vector<128x1xf32> to vector<128x128xf32>
    %add3A_527 = arith.addf %add3A_526, %dot_general3A_522 : vector<128x128xf32>
    %sub3A_528 = arith.constant 1.000000e+00 : f32
    %sub3A_529 = vector.broadcast %sub3A_528 : f32 to vector<128x128xf32>
    %sub3A_530 = arith.subf %add3A_527, %sub3A_529 : vector<128x128xf32>
    %convert_element_type3A_531 = arith.fptosi %sub3A_530 : vector<128x128xf32> to vector<128x128xi32>
    %add3A_532 = vector.broadcast %add3A_491 : i32 to vector<128x128xi32>
    %add3A_533 = arith.addi %add3A_532, %convert_element_type3A_531 : vector<128x128xi32>
    %jit3A_534 = arith.constant 0 : i32
    %broadcast_in_dim3A_535 = vector.broadcast %jit3A_534 : i32 to vector<128x128xi32>
    %select_n3A_536 = arith.select %and3A_495, %add3A_533, %broadcast_in_dim3A_535 : vector<128x128xi1>, vector<128x128xi32>
    %add3A_537 = arith.addi %add3A_490, %select_n3A_536 : vector<128x128xi32>
    %add3A_538 = arith.addi %add3A_491, %reduce_sum3A_512 : i32
    %eq3A_539 = arith.constant 9 : i32
    %eq3A_540 = vector.broadcast %eq3A_539 : i32 to vector<128x128xi32>
    %eq3A_541 = arith.cmpi eq, %add3A_106, %eq3A_540 : vector<128x128xi32>
    %and3A_542 = arith.andi %eq3A_541, %gt3A_112 : vector<128x128xi1>
    %jit3A_543 = arith.constant 0.000000e+00 : f32
    %broadcast_in_dim3A_544 = vector.broadcast %jit3A_543 : f32 to vector<128x128xf32>
    %select_n3A_545 = arith.select %and3A_542, %get3A_21, %broadcast_in_dim3A_544 : vector<128x128xi1>, vector<128x128xf32>
    %reduce_sum3A_546 = vector.shape_cast %select_n3A_545 : vector<128x128xf32> to vector<1x128x128xf32>
    %reduce_sum3A_547 = arith.constant dense<0.000000e+00> : vector<1xf32>
    %reduce_sum3A_548 = vector.multi_reduction <add>, %reduce_sum3A_546, %reduce_sum3A_547 [1, 2] : vector<1x128x128xf32> to vector<1xf32>
    %reduce_sum3A_549 = vector.shape_cast %reduce_sum3A_548 : vector<1xf32> to vector<1x1x1xf32>
    %reduce_sum3A_550 = vector.extract %reduce_sum3A_549[0, 0, 0] : f32 from vector<1x1x1xf32>
    %swap3A_551 = arith.index_cast %arg0 : i32 to index
    %swap3A_552 = arith.constant 9 : index
    %swap3A_553 = memref.load %arg3[%swap3A_551, %swap3A_552] : memref<4x27xf32, #tpu.memory_space<smem>>
    memref.store %reduce_sum3A_550, %arg3[%swap3A_551, %swap3A_552] : memref<4x27xf32, #tpu.memory_space<smem>>
    %convert_element_type3A_554 = arith.extui %and3A_542 : vector<128x128xi1> to vector<128x128xi32>
    %reduce_sum3A_555 = vector.shape_cast %convert_element_type3A_554 : vector<128x128xi32> to vector<1x128x128xi32>
    %reduce_sum3A_556 = arith.constant dense<0> : vector<1xi32>
    %reduce_sum3A_557 = vector.multi_reduction <add>, %reduce_sum3A_555, %reduce_sum3A_556 [1, 2] : vector<1x128x128xi32> to vector<1xi32>
    %reduce_sum3A_558 = vector.shape_cast %reduce_sum3A_557 : vector<1xi32> to vector<1x1x1xi32>
    %reduce_sum3A_559 = vector.extract %reduce_sum3A_558[0, 0, 0] : i32 from vector<1x1x1xi32>
    %swap3A_560 = arith.index_cast %arg0 : i32 to index
    %swap3A_561 = arith.constant 9 : index
    %swap3A_562 = memref.load %arg4[%swap3A_560, %swap3A_561] : memref<4x27xi32, #tpu.memory_space<smem>>
    memref.store %reduce_sum3A_559, %arg4[%swap3A_560, %swap3A_561] : memref<4x27xi32, #tpu.memory_space<smem>>
    %swap3A_563 = arith.index_cast %arg0 : i32 to index
    %swap3A_564 = arith.constant 9 : index
    %swap3A_565 = memref.load %arg5[%swap3A_563, %swap3A_564] : memref<4x27xi32, #tpu.memory_space<smem>>
    memref.store %add3A_538, %arg5[%swap3A_563, %swap3A_564] : memref<4x27xi32, #tpu.memory_space<smem>>
    %convert_element_type3A_566 = arith.extui %and3A_542 : vector<128x128xi1> to vector<128x128xi32>
    %convert_element_type3A_567 = arith.sitofp %convert_element_type3A_566 : vector<128x128xi32> to vector<128x128xf32>
    %dot_general3A_568 = arith.constant dense<0.000000e+00> : vector<128x128xf32>
    %dot_general3A_569 = tpu.matmul %convert_element_type3A_567, %convert_element_type3A_115, %dot_general3A_568 {dimension_numbers = #tpu.dot_dimension_numbers<[1], [0], [0], [1], [0, 0, 1, 1], [], []>, transpose_lhs_hint = false} : vector<128x128xf32>, vector<128x128xf32>, vector<128x128xf32> -> vector<128x128xf32>
    %slice3A_570 = vector.extract_strided_slice %dot_general3A_569 {offsets = [0, 127], sizes = [128, 1], strides = [1, 1]} : vector<128x128xf32> to vector<128x1xf32>
    %dot_general3A_571 = arith.constant dense<0.000000e+00> : vector<128x1xf32>
    %dot_general3A_572 = tpu.matmul %convert_element_type3A_118, %slice3A_570, %dot_general3A_571 {dimension_numbers = #tpu.dot_dimension_numbers<[1], [0], [0], [1], [0, 0, 1, 1], [], []>, transpose_lhs_hint = false} : vector<128x128xf32>, vector<128x1xf32>, vector<128x1xf32> -> vector<128x1xf32>
    %add3A_573 = vector.broadcast %dot_general3A_572 : vector<128x1xf32> to vector<128x128xf32>
    %add3A_574 = arith.addf %add3A_573, %dot_general3A_569 : vector<128x128xf32>
    %sub3A_575 = arith.constant 1.000000e+00 : f32
    %sub3A_576 = vector.broadcast %sub3A_575 : f32 to vector<128x128xf32>
    %sub3A_577 = arith.subf %add3A_574, %sub3A_576 : vector<128x128xf32>
    %convert_element_type3A_578 = arith.fptosi %sub3A_577 : vector<128x128xf32> to vector<128x128xi32>
    %add3A_579 = vector.broadcast %add3A_538 : i32 to vector<128x128xi32>
    %add3A_580 = arith.addi %add3A_579, %convert_element_type3A_578 : vector<128x128xi32>
    %jit3A_581 = arith.constant 0 : i32
    %broadcast_in_dim3A_582 = vector.broadcast %jit3A_581 : i32 to vector<128x128xi32>
    %select_n3A_583 = arith.select %and3A_542, %add3A_580, %broadcast_in_dim3A_582 : vector<128x128xi1>, vector<128x128xi32>
    %add3A_584 = arith.addi %add3A_537, %select_n3A_583 : vector<128x128xi32>
    %add3A_585 = arith.addi %add3A_538, %reduce_sum3A_559 : i32
    %eq3A_586 = arith.constant 10 : i32
    %eq3A_587 = vector.broadcast %eq3A_586 : i32 to vector<128x128xi32>
    %eq3A_588 = arith.cmpi eq, %add3A_106, %eq3A_587 : vector<128x128xi32>
    %and3A_589 = arith.andi %eq3A_588, %gt3A_112 : vector<128x128xi1>
    %jit3A_590 = arith.constant 0.000000e+00 : f32
    %broadcast_in_dim3A_591 = vector.broadcast %jit3A_590 : f32 to vector<128x128xf32>
    %select_n3A_592 = arith.select %and3A_589, %get3A_21, %broadcast_in_dim3A_591 : vector<128x128xi1>, vector<128x128xf32>
    %reduce_sum3A_593 = vector.shape_cast %select_n3A_592 : vector<128x128xf32> to vector<1x128x128xf32>
    %reduce_sum3A_594 = arith.constant dense<0.000000e+00> : vector<1xf32>
    %reduce_sum3A_595 = vector.multi_reduction <add>, %reduce_sum3A_593, %reduce_sum3A_594 [1, 2] : vector<1x128x128xf32> to vector<1xf32>
    %reduce_sum3A_596 = vector.shape_cast %reduce_sum3A_595 : vector<1xf32> to vector<1x1x1xf32>
    %reduce_sum3A_597 = vector.extract %reduce_sum3A_596[0, 0, 0] : f32 from vector<1x1x1xf32>
    %swap3A_598 = arith.index_cast %arg0 : i32 to index
    %swap3A_599 = arith.constant 10 : index
    %swap3A_600 = memref.load %arg3[%swap3A_598, %swap3A_599] : memref<4x27xf32, #tpu.memory_space<smem>>
    memref.store %reduce_sum3A_597, %arg3[%swap3A_598, %swap3A_599] : memref<4x27xf32, #tpu.memory_space<smem>>
    %convert_element_type3A_601 = arith.extui %and3A_589 : vector<128x128xi1> to vector<128x128xi32>
    %reduce_sum3A_602 = vector.shape_cast %convert_element_type3A_601 : vector<128x128xi32> to vector<1x128x128xi32>
    %reduce_sum3A_603 = arith.constant dense<0> : vector<1xi32>
    %reduce_sum3A_604 = vector.multi_reduction <add>, %reduce_sum3A_602, %reduce_sum3A_603 [1, 2] : vector<1x128x128xi32> to vector<1xi32>
    %reduce_sum3A_605 = vector.shape_cast %reduce_sum3A_604 : vector<1xi32> to vector<1x1x1xi32>
    %reduce_sum3A_606 = vector.extract %reduce_sum3A_605[0, 0, 0] : i32 from vector<1x1x1xi32>
    %swap3A_607 = arith.index_cast %arg0 : i32 to index
    %swap3A_608 = arith.constant 10 : index
    %swap3A_609 = memref.load %arg4[%swap3A_607, %swap3A_608] : memref<4x27xi32, #tpu.memory_space<smem>>
    memref.store %reduce_sum3A_606, %arg4[%swap3A_607, %swap3A_608] : memref<4x27xi32, #tpu.memory_space<smem>>
    %swap3A_610 = arith.index_cast %arg0 : i32 to index
    %swap3A_611 = arith.constant 10 : index
    %swap3A_612 = memref.load %arg5[%swap3A_610, %swap3A_611] : memref<4x27xi32, #tpu.memory_space<smem>>
    memref.store %add3A_585, %arg5[%swap3A_610, %swap3A_611] : memref<4x27xi32, #tpu.memory_space<smem>>
    %convert_element_type3A_613 = arith.extui %and3A_589 : vector<128x128xi1> to vector<128x128xi32>
    %convert_element_type3A_614 = arith.sitofp %convert_element_type3A_613 : vector<128x128xi32> to vector<128x128xf32>
    %dot_general3A_615 = arith.constant dense<0.000000e+00> : vector<128x128xf32>
    %dot_general3A_616 = tpu.matmul %convert_element_type3A_614, %convert_element_type3A_115, %dot_general3A_615 {dimension_numbers = #tpu.dot_dimension_numbers<[1], [0], [0], [1], [0, 0, 1, 1], [], []>, transpose_lhs_hint = false} : vector<128x128xf32>, vector<128x128xf32>, vector<128x128xf32> -> vector<128x128xf32>
    %slice3A_617 = vector.extract_strided_slice %dot_general3A_616 {offsets = [0, 127], sizes = [128, 1], strides = [1, 1]} : vector<128x128xf32> to vector<128x1xf32>
    %dot_general3A_618 = arith.constant dense<0.000000e+00> : vector<128x1xf32>
    %dot_general3A_619 = tpu.matmul %convert_element_type3A_118, %slice3A_617, %dot_general3A_618 {dimension_numbers = #tpu.dot_dimension_numbers<[1], [0], [0], [1], [0, 0, 1, 1], [], []>, transpose_lhs_hint = false} : vector<128x128xf32>, vector<128x1xf32>, vector<128x1xf32> -> vector<128x1xf32>
    %add3A_620 = vector.broadcast %dot_general3A_619 : vector<128x1xf32> to vector<128x128xf32>
    %add3A_621 = arith.addf %add3A_620, %dot_general3A_616 : vector<128x128xf32>
    %sub3A_622 = arith.constant 1.000000e+00 : f32
    %sub3A_623 = vector.broadcast %sub3A_622 : f32 to vector<128x128xf32>
    %sub3A_624 = arith.subf %add3A_621, %sub3A_623 : vector<128x128xf32>
    %convert_element_type3A_625 = arith.fptosi %sub3A_624 : vector<128x128xf32> to vector<128x128xi32>
    %add3A_626 = vector.broadcast %add3A_585 : i32 to vector<128x128xi32>
    %add3A_627 = arith.addi %add3A_626, %convert_element_type3A_625 : vector<128x128xi32>
    %jit3A_628 = arith.constant 0 : i32
    %broadcast_in_dim3A_629 = vector.broadcast %jit3A_628 : i32 to vector<128x128xi32>
    %select_n3A_630 = arith.select %and3A_589, %add3A_627, %broadcast_in_dim3A_629 : vector<128x128xi1>, vector<128x128xi32>
    %add3A_631 = arith.addi %add3A_584, %select_n3A_630 : vector<128x128xi32>
    %add3A_632 = arith.addi %add3A_585, %reduce_sum3A_606 : i32
    %eq3A_633 = arith.constant 11 : i32
    %eq3A_634 = vector.broadcast %eq3A_633 : i32 to vector<128x128xi32>
    %eq3A_635 = arith.cmpi eq, %add3A_106, %eq3A_634 : vector<128x128xi32>
    %and3A_636 = arith.andi %eq3A_635, %gt3A_112 : vector<128x128xi1>
    %jit3A_637 = arith.constant 0.000000e+00 : f32
    %broadcast_in_dim3A_638 = vector.broadcast %jit3A_637 : f32 to vector<128x128xf32>
    %select_n3A_639 = arith.select %and3A_636, %get3A_21, %broadcast_in_dim3A_638 : vector<128x128xi1>, vector<128x128xf32>
    %reduce_sum3A_640 = vector.shape_cast %select_n3A_639 : vector<128x128xf32> to vector<1x128x128xf32>
    %reduce_sum3A_641 = arith.constant dense<0.000000e+00> : vector<1xf32>
    %reduce_sum3A_642 = vector.multi_reduction <add>, %reduce_sum3A_640, %reduce_sum3A_641 [1, 2] : vector<1x128x128xf32> to vector<1xf32>
    %reduce_sum3A_643 = vector.shape_cast %reduce_sum3A_642 : vector<1xf32> to vector<1x1x1xf32>
    %reduce_sum3A_644 = vector.extract %reduce_sum3A_643[0, 0, 0] : f32 from vector<1x1x1xf32>
    %swap3A_645 = arith.index_cast %arg0 : i32 to index
    %swap3A_646 = arith.constant 11 : index
    %swap3A_647 = memref.load %arg3[%swap3A_645, %swap3A_646] : memref<4x27xf32, #tpu.memory_space<smem>>
    memref.store %reduce_sum3A_644, %arg3[%swap3A_645, %swap3A_646] : memref<4x27xf32, #tpu.memory_space<smem>>
    %convert_element_type3A_648 = arith.extui %and3A_636 : vector<128x128xi1> to vector<128x128xi32>
    %reduce_sum3A_649 = vector.shape_cast %convert_element_type3A_648 : vector<128x128xi32> to vector<1x128x128xi32>
    %reduce_sum3A_650 = arith.constant dense<0> : vector<1xi32>
    %reduce_sum3A_651 = vector.multi_reduction <add>, %reduce_sum3A_649, %reduce_sum3A_650 [1, 2] : vector<1x128x128xi32> to vector<1xi32>
    %reduce_sum3A_652 = vector.shape_cast %reduce_sum3A_651 : vector<1xi32> to vector<1x1x1xi32>
    %reduce_sum3A_653 = vector.extract %reduce_sum3A_652[0, 0, 0] : i32 from vector<1x1x1xi32>
    %swap3A_654 = arith.index_cast %arg0 : i32 to index
    %swap3A_655 = arith.constant 11 : index
    %swap3A_656 = memref.load %arg4[%swap3A_654, %swap3A_655] : memref<4x27xi32, #tpu.memory_space<smem>>
    memref.store %reduce_sum3A_653, %arg4[%swap3A_654, %swap3A_655] : memref<4x27xi32, #tpu.memory_space<smem>>
    %swap3A_657 = arith.index_cast %arg0 : i32 to index
    %swap3A_658 = arith.constant 11 : index
    %swap3A_659 = memref.load %arg5[%swap3A_657, %swap3A_658] : memref<4x27xi32, #tpu.memory_space<smem>>
    memref.store %add3A_632, %arg5[%swap3A_657, %swap3A_658] : memref<4x27xi32, #tpu.memory_space<smem>>
    %convert_element_type3A_660 = arith.extui %and3A_636 : vector<128x128xi1> to vector<128x128xi32>
    %convert_element_type3A_661 = arith.sitofp %convert_element_type3A_660 : vector<128x128xi32> to vector<128x128xf32>
    %dot_general3A_662 = arith.constant dense<0.000000e+00> : vector<128x128xf32>
    %dot_general3A_663 = tpu.matmul %convert_element_type3A_661, %convert_element_type3A_115, %dot_general3A_662 {dimension_numbers = #tpu.dot_dimension_numbers<[1], [0], [0], [1], [0, 0, 1, 1], [], []>, transpose_lhs_hint = false} : vector<128x128xf32>, vector<128x128xf32>, vector<128x128xf32> -> vector<128x128xf32>
    %slice3A_664 = vector.extract_strided_slice %dot_general3A_663 {offsets = [0, 127], sizes = [128, 1], strides = [1, 1]} : vector<128x128xf32> to vector<128x1xf32>
    %dot_general3A_665 = arith.constant dense<0.000000e+00> : vector<128x1xf32>
    %dot_general3A_666 = tpu.matmul %convert_element_type3A_118, %slice3A_664, %dot_general3A_665 {dimension_numbers = #tpu.dot_dimension_numbers<[1], [0], [0], [1], [0, 0, 1, 1], [], []>, transpose_lhs_hint = false} : vector<128x128xf32>, vector<128x1xf32>, vector<128x1xf32> -> vector<128x1xf32>
    %add3A_667 = vector.broadcast %dot_general3A_666 : vector<128x1xf32> to vector<128x128xf32>
    %add3A_668 = arith.addf %add3A_667, %dot_general3A_663 : vector<128x128xf32>
    %sub3A_669 = arith.constant 1.000000e+00 : f32
    %sub3A_670 = vector.broadcast %sub3A_669 : f32 to vector<128x128xf32>
    %sub3A_671 = arith.subf %add3A_668, %sub3A_670 : vector<128x128xf32>
    %convert_element_type3A_672 = arith.fptosi %sub3A_671 : vector<128x128xf32> to vector<128x128xi32>
    %add3A_673 = vector.broadcast %add3A_632 : i32 to vector<128x128xi32>
    %add3A_674 = arith.addi %add3A_673, %convert_element_type3A_672 : vector<128x128xi32>
    %jit3A_675 = arith.constant 0 : i32
    %broadcast_in_dim3A_676 = vector.broadcast %jit3A_675 : i32 to vector<128x128xi32>
    %select_n3A_677 = arith.select %and3A_636, %add3A_674, %broadcast_in_dim3A_676 : vector<128x128xi1>, vector<128x128xi32>
    %add3A_678 = arith.addi %add3A_631, %select_n3A_677 : vector<128x128xi32>
    %add3A_679 = arith.addi %add3A_632, %reduce_sum3A_653 : i32
    %eq3A_680 = arith.constant 12 : i32
    %eq3A_681 = vector.broadcast %eq3A_680 : i32 to vector<128x128xi32>
    %eq3A_682 = arith.cmpi eq, %add3A_106, %eq3A_681 : vector<128x128xi32>
    %and3A_683 = arith.andi %eq3A_682, %gt3A_112 : vector<128x128xi1>
    %jit3A_684 = arith.constant 0.000000e+00 : f32
    %broadcast_in_dim3A_685 = vector.broadcast %jit3A_684 : f32 to vector<128x128xf32>
    %select_n3A_686 = arith.select %and3A_683, %get3A_21, %broadcast_in_dim3A_685 : vector<128x128xi1>, vector<128x128xf32>
    %reduce_sum3A_687 = vector.shape_cast %select_n3A_686 : vector<128x128xf32> to vector<1x128x128xf32>
    %reduce_sum3A_688 = arith.constant dense<0.000000e+00> : vector<1xf32>
    %reduce_sum3A_689 = vector.multi_reduction <add>, %reduce_sum3A_687, %reduce_sum3A_688 [1, 2] : vector<1x128x128xf32> to vector<1xf32>
    %reduce_sum3A_690 = vector.shape_cast %reduce_sum3A_689 : vector<1xf32> to vector<1x1x1xf32>
    %reduce_sum3A_691 = vector.extract %reduce_sum3A_690[0, 0, 0] : f32 from vector<1x1x1xf32>
    %swap3A_692 = arith.index_cast %arg0 : i32 to index
    %swap3A_693 = arith.constant 12 : index
    %swap3A_694 = memref.load %arg3[%swap3A_692, %swap3A_693] : memref<4x27xf32, #tpu.memory_space<smem>>
    memref.store %reduce_sum3A_691, %arg3[%swap3A_692, %swap3A_693] : memref<4x27xf32, #tpu.memory_space<smem>>
    %convert_element_type3A_695 = arith.extui %and3A_683 : vector<128x128xi1> to vector<128x128xi32>
    %reduce_sum3A_696 = vector.shape_cast %convert_element_type3A_695 : vector<128x128xi32> to vector<1x128x128xi32>
    %reduce_sum3A_697 = arith.constant dense<0> : vector<1xi32>
    %reduce_sum3A_698 = vector.multi_reduction <add>, %reduce_sum3A_696, %reduce_sum3A_697 [1, 2] : vector<1x128x128xi32> to vector<1xi32>
    %reduce_sum3A_699 = vector.shape_cast %reduce_sum3A_698 : vector<1xi32> to vector<1x1x1xi32>
    %reduce_sum3A_700 = vector.extract %reduce_sum3A_699[0, 0, 0] : i32 from vector<1x1x1xi32>
    %swap3A_701 = arith.index_cast %arg0 : i32 to index
    %swap3A_702 = arith.constant 12 : index
    %swap3A_703 = memref.load %arg4[%swap3A_701, %swap3A_702] : memref<4x27xi32, #tpu.memory_space<smem>>
    memref.store %reduce_sum3A_700, %arg4[%swap3A_701, %swap3A_702] : memref<4x27xi32, #tpu.memory_space<smem>>
    %swap3A_704 = arith.index_cast %arg0 : i32 to index
    %swap3A_705 = arith.constant 12 : index
    %swap3A_706 = memref.load %arg5[%swap3A_704, %swap3A_705] : memref<4x27xi32, #tpu.memory_space<smem>>
    memref.store %add3A_679, %arg5[%swap3A_704, %swap3A_705] : memref<4x27xi32, #tpu.memory_space<smem>>
    %convert_element_type3A_707 = arith.extui %and3A_683 : vector<128x128xi1> to vector<128x128xi32>
    %convert_element_type3A_708 = arith.sitofp %convert_element_type3A_707 : vector<128x128xi32> to vector<128x128xf32>
    %dot_general3A_709 = arith.constant dense<0.000000e+00> : vector<128x128xf32>
    %dot_general3A_710 = tpu.matmul %convert_element_type3A_708, %convert_element_type3A_115, %dot_general3A_709 {dimension_numbers = #tpu.dot_dimension_numbers<[1], [0], [0], [1], [0, 0, 1, 1], [], []>, transpose_lhs_hint = false} : vector<128x128xf32>, vector<128x128xf32>, vector<128x128xf32> -> vector<128x128xf32>
    %slice3A_711 = vector.extract_strided_slice %dot_general3A_710 {offsets = [0, 127], sizes = [128, 1], strides = [1, 1]} : vector<128x128xf32> to vector<128x1xf32>
    %dot_general3A_712 = arith.constant dense<0.000000e+00> : vector<128x1xf32>
    %dot_general3A_713 = tpu.matmul %convert_element_type3A_118, %slice3A_711, %dot_general3A_712 {dimension_numbers = #tpu.dot_dimension_numbers<[1], [0], [0], [1], [0, 0, 1, 1], [], []>, transpose_lhs_hint = false} : vector<128x128xf32>, vector<128x1xf32>, vector<128x1xf32> -> vector<128x1xf32>
    %add3A_714 = vector.broadcast %dot_general3A_713 : vector<128x1xf32> to vector<128x128xf32>
    %add3A_715 = arith.addf %add3A_714, %dot_general3A_710 : vector<128x128xf32>
    %sub3A_716 = arith.constant 1.000000e+00 : f32
    %sub3A_717 = vector.broadcast %sub3A_716 : f32 to vector<128x128xf32>
    %sub3A_718 = arith.subf %add3A_715, %sub3A_717 : vector<128x128xf32>
    %convert_element_type3A_719 = arith.fptosi %sub3A_718 : vector<128x128xf32> to vector<128x128xi32>
    %add3A_720 = vector.broadcast %add3A_679 : i32 to vector<128x128xi32>
    %add3A_721 = arith.addi %add3A_720, %convert_element_type3A_719 : vector<128x128xi32>
    %jit3A_722 = arith.constant 0 : i32
    %broadcast_in_dim3A_723 = vector.broadcast %jit3A_722 : i32 to vector<128x128xi32>
    %select_n3A_724 = arith.select %and3A_683, %add3A_721, %broadcast_in_dim3A_723 : vector<128x128xi1>, vector<128x128xi32>
    %add3A_725 = arith.addi %add3A_678, %select_n3A_724 : vector<128x128xi32>
    %add3A_726 = arith.addi %add3A_679, %reduce_sum3A_700 : i32
    %eq3A_727 = arith.constant 13 : i32
    %eq3A_728 = vector.broadcast %eq3A_727 : i32 to vector<128x128xi32>
    %eq3A_729 = arith.cmpi eq, %add3A_106, %eq3A_728 : vector<128x128xi32>
    %and3A_730 = arith.andi %eq3A_729, %gt3A_112 : vector<128x128xi1>
    %jit3A_731 = arith.constant 0.000000e+00 : f32
    %broadcast_in_dim3A_732 = vector.broadcast %jit3A_731 : f32 to vector<128x128xf32>
    %select_n3A_733 = arith.select %and3A_730, %get3A_21, %broadcast_in_dim3A_732 : vector<128x128xi1>, vector<128x128xf32>
    %reduce_sum3A_734 = vector.shape_cast %select_n3A_733 : vector<128x128xf32> to vector<1x128x128xf32>
    %reduce_sum3A_735 = arith.constant dense<0.000000e+00> : vector<1xf32>
    %reduce_sum3A_736 = vector.multi_reduction <add>, %reduce_sum3A_734, %reduce_sum3A_735 [1, 2] : vector<1x128x128xf32> to vector<1xf32>
    %reduce_sum3A_737 = vector.shape_cast %reduce_sum3A_736 : vector<1xf32> to vector<1x1x1xf32>
    %reduce_sum3A_738 = vector.extract %reduce_sum3A_737[0, 0, 0] : f32 from vector<1x1x1xf32>
    %swap3A_739 = arith.index_cast %arg0 : i32 to index
    %swap3A_740 = arith.constant 13 : index
    %swap3A_741 = memref.load %arg3[%swap3A_739, %swap3A_740] : memref<4x27xf32, #tpu.memory_space<smem>>
    memref.store %reduce_sum3A_738, %arg3[%swap3A_739, %swap3A_740] : memref<4x27xf32, #tpu.memory_space<smem>>
    %convert_element_type3A_742 = arith.extui %and3A_730 : vector<128x128xi1> to vector<128x128xi32>
    %reduce_sum3A_743 = vector.shape_cast %convert_element_type3A_742 : vector<128x128xi32> to vector<1x128x128xi32>
    %reduce_sum3A_744 = arith.constant dense<0> : vector<1xi32>
    %reduce_sum3A_745 = vector.multi_reduction <add>, %reduce_sum3A_743, %reduce_sum3A_744 [1, 2] : vector<1x128x128xi32> to vector<1xi32>
    %reduce_sum3A_746 = vector.shape_cast %reduce_sum3A_745 : vector<1xi32> to vector<1x1x1xi32>
    %reduce_sum3A_747 = vector.extract %reduce_sum3A_746[0, 0, 0] : i32 from vector<1x1x1xi32>
    %swap3A_748 = arith.index_cast %arg0 : i32 to index
    %swap3A_749 = arith.constant 13 : index
    %swap3A_750 = memref.load %arg4[%swap3A_748, %swap3A_749] : memref<4x27xi32, #tpu.memory_space<smem>>
    memref.store %reduce_sum3A_747, %arg4[%swap3A_748, %swap3A_749] : memref<4x27xi32, #tpu.memory_space<smem>>
    %swap3A_751 = arith.index_cast %arg0 : i32 to index
    %swap3A_752 = arith.constant 13 : index
    %swap3A_753 = memref.load %arg5[%swap3A_751, %swap3A_752] : memref<4x27xi32, #tpu.memory_space<smem>>
    memref.store %add3A_726, %arg5[%swap3A_751, %swap3A_752] : memref<4x27xi32, #tpu.memory_space<smem>>
    %convert_element_type3A_754 = arith.extui %and3A_730 : vector<128x128xi1> to vector<128x128xi32>
    %convert_element_type3A_755 = arith.sitofp %convert_element_type3A_754 : vector<128x128xi32> to vector<128x128xf32>
    %dot_general3A_756 = arith.constant dense<0.000000e+00> : vector<128x128xf32>
    %dot_general3A_757 = tpu.matmul %convert_element_type3A_755, %convert_element_type3A_115, %dot_general3A_756 {dimension_numbers = #tpu.dot_dimension_numbers<[1], [0], [0], [1], [0, 0, 1, 1], [], []>, transpose_lhs_hint = false} : vector<128x128xf32>, vector<128x128xf32>, vector<128x128xf32> -> vector<128x128xf32>
    %slice3A_758 = vector.extract_strided_slice %dot_general3A_757 {offsets = [0, 127], sizes = [128, 1], strides = [1, 1]} : vector<128x128xf32> to vector<128x1xf32>
    %dot_general3A_759 = arith.constant dense<0.000000e+00> : vector<128x1xf32>
    %dot_general3A_760 = tpu.matmul %convert_element_type3A_118, %slice3A_758, %dot_general3A_759 {dimension_numbers = #tpu.dot_dimension_numbers<[1], [0], [0], [1], [0, 0, 1, 1], [], []>, transpose_lhs_hint = false} : vector<128x128xf32>, vector<128x1xf32>, vector<128x1xf32> -> vector<128x1xf32>
    %add3A_761 = vector.broadcast %dot_general3A_760 : vector<128x1xf32> to vector<128x128xf32>
    %add3A_762 = arith.addf %add3A_761, %dot_general3A_757 : vector<128x128xf32>
    %sub3A_763 = arith.constant 1.000000e+00 : f32
    %sub3A_764 = vector.broadcast %sub3A_763 : f32 to vector<128x128xf32>
    %sub3A_765 = arith.subf %add3A_762, %sub3A_764 : vector<128x128xf32>
    %convert_element_type3A_766 = arith.fptosi %sub3A_765 : vector<128x128xf32> to vector<128x128xi32>
    %add3A_767 = vector.broadcast %add3A_726 : i32 to vector<128x128xi32>
    %add3A_768 = arith.addi %add3A_767, %convert_element_type3A_766 : vector<128x128xi32>
    %jit3A_769 = arith.constant 0 : i32
    %broadcast_in_dim3A_770 = vector.broadcast %jit3A_769 : i32 to vector<128x128xi32>
    %select_n3A_771 = arith.select %and3A_730, %add3A_768, %broadcast_in_dim3A_770 : vector<128x128xi1>, vector<128x128xi32>
    %add3A_772 = arith.addi %add3A_725, %select_n3A_771 : vector<128x128xi32>
    %add3A_773 = arith.addi %add3A_726, %reduce_sum3A_747 : i32
    %eq3A_774 = arith.constant 14 : i32
    %eq3A_775 = vector.broadcast %eq3A_774 : i32 to vector<128x128xi32>
    %eq3A_776 = arith.cmpi eq, %add3A_106, %eq3A_775 : vector<128x128xi32>
    %and3A_777 = arith.andi %eq3A_776, %gt3A_112 : vector<128x128xi1>
    %jit3A_778 = arith.constant 0.000000e+00 : f32
    %broadcast_in_dim3A_779 = vector.broadcast %jit3A_778 : f32 to vector<128x128xf32>
    %select_n3A_780 = arith.select %and3A_777, %get3A_21, %broadcast_in_dim3A_779 : vector<128x128xi1>, vector<128x128xf32>
    %reduce_sum3A_781 = vector.shape_cast %select_n3A_780 : vector<128x128xf32> to vector<1x128x128xf32>
    %reduce_sum3A_782 = arith.constant dense<0.000000e+00> : vector<1xf32>
    %reduce_sum3A_783 = vector.multi_reduction <add>, %reduce_sum3A_781, %reduce_sum3A_782 [1, 2] : vector<1x128x128xf32> to vector<1xf32>
    %reduce_sum3A_784 = vector.shape_cast %reduce_sum3A_783 : vector<1xf32> to vector<1x1x1xf32>
    %reduce_sum3A_785 = vector.extract %reduce_sum3A_784[0, 0, 0] : f32 from vector<1x1x1xf32>
    %swap3A_786 = arith.index_cast %arg0 : i32 to index
    %swap3A_787 = arith.constant 14 : index
    %swap3A_788 = memref.load %arg3[%swap3A_786, %swap3A_787] : memref<4x27xf32, #tpu.memory_space<smem>>
    memref.store %reduce_sum3A_785, %arg3[%swap3A_786, %swap3A_787] : memref<4x27xf32, #tpu.memory_space<smem>>
    %convert_element_type3A_789 = arith.extui %and3A_777 : vector<128x128xi1> to vector<128x128xi32>
    %reduce_sum3A_790 = vector.shape_cast %convert_element_type3A_789 : vector<128x128xi32> to vector<1x128x128xi32>
    %reduce_sum3A_791 = arith.constant dense<0> : vector<1xi32>
    %reduce_sum3A_792 = vector.multi_reduction <add>, %reduce_sum3A_790, %reduce_sum3A_791 [1, 2] : vector<1x128x128xi32> to vector<1xi32>
    %reduce_sum3A_793 = vector.shape_cast %reduce_sum3A_792 : vector<1xi32> to vector<1x1x1xi32>
    %reduce_sum3A_794 = vector.extract %reduce_sum3A_793[0, 0, 0] : i32 from vector<1x1x1xi32>
    %swap3A_795 = arith.index_cast %arg0 : i32 to index
    %swap3A_796 = arith.constant 14 : index
    %swap3A_797 = memref.load %arg4[%swap3A_795, %swap3A_796] : memref<4x27xi32, #tpu.memory_space<smem>>
    memref.store %reduce_sum3A_794, %arg4[%swap3A_795, %swap3A_796] : memref<4x27xi32, #tpu.memory_space<smem>>
    %swap3A_798 = arith.index_cast %arg0 : i32 to index
    %swap3A_799 = arith.constant 14 : index
    %swap3A_800 = memref.load %arg5[%swap3A_798, %swap3A_799] : memref<4x27xi32, #tpu.memory_space<smem>>
    memref.store %add3A_773, %arg5[%swap3A_798, %swap3A_799] : memref<4x27xi32, #tpu.memory_space<smem>>
    %convert_element_type3A_801 = arith.extui %and3A_777 : vector<128x128xi1> to vector<128x128xi32>
    %convert_element_type3A_802 = arith.sitofp %convert_element_type3A_801 : vector<128x128xi32> to vector<128x128xf32>
    %dot_general3A_803 = arith.constant dense<0.000000e+00> : vector<128x128xf32>
    %dot_general3A_804 = tpu.matmul %convert_element_type3A_802, %convert_element_type3A_115, %dot_general3A_803 {dimension_numbers = #tpu.dot_dimension_numbers<[1], [0], [0], [1], [0, 0, 1, 1], [], []>, transpose_lhs_hint = false} : vector<128x128xf32>, vector<128x128xf32>, vector<128x128xf32> -> vector<128x128xf32>
    %slice3A_805 = vector.extract_strided_slice %dot_general3A_804 {offsets = [0, 127], sizes = [128, 1], strides = [1, 1]} : vector<128x128xf32> to vector<128x1xf32>
    %dot_general3A_806 = arith.constant dense<0.000000e+00> : vector<128x1xf32>
    %dot_general3A_807 = tpu.matmul %convert_element_type3A_118, %slice3A_805, %dot_general3A_806 {dimension_numbers = #tpu.dot_dimension_numbers<[1], [0], [0], [1], [0, 0, 1, 1], [], []>, transpose_lhs_hint = false} : vector<128x128xf32>, vector<128x1xf32>, vector<128x1xf32> -> vector<128x1xf32>
    %add3A_808 = vector.broadcast %dot_general3A_807 : vector<128x1xf32> to vector<128x128xf32>
    %add3A_809 = arith.addf %add3A_808, %dot_general3A_804 : vector<128x128xf32>
    %sub3A_810 = arith.constant 1.000000e+00 : f32
    %sub3A_811 = vector.broadcast %sub3A_810 : f32 to vector<128x128xf32>
    %sub3A_812 = arith.subf %add3A_809, %sub3A_811 : vector<128x128xf32>
    %convert_element_type3A_813 = arith.fptosi %sub3A_812 : vector<128x128xf32> to vector<128x128xi32>
    %add3A_814 = vector.broadcast %add3A_773 : i32 to vector<128x128xi32>
    %add3A_815 = arith.addi %add3A_814, %convert_element_type3A_813 : vector<128x128xi32>
    %jit3A_816 = arith.constant 0 : i32
    %broadcast_in_dim3A_817 = vector.broadcast %jit3A_816 : i32 to vector<128x128xi32>
    %select_n3A_818 = arith.select %and3A_777, %add3A_815, %broadcast_in_dim3A_817 : vector<128x128xi1>, vector<128x128xi32>
    %add3A_819 = arith.addi %add3A_772, %select_n3A_818 : vector<128x128xi32>
    %add3A_820 = arith.addi %add3A_773, %reduce_sum3A_794 : i32
    %eq3A_821 = arith.constant 15 : i32
    %eq3A_822 = vector.broadcast %eq3A_821 : i32 to vector<128x128xi32>
    %eq3A_823 = arith.cmpi eq, %add3A_106, %eq3A_822 : vector<128x128xi32>
    %and3A_824 = arith.andi %eq3A_823, %gt3A_112 : vector<128x128xi1>
    %jit3A_825 = arith.constant 0.000000e+00 : f32
    %broadcast_in_dim3A_826 = vector.broadcast %jit3A_825 : f32 to vector<128x128xf32>
    %select_n3A_827 = arith.select %and3A_824, %get3A_21, %broadcast_in_dim3A_826 : vector<128x128xi1>, vector<128x128xf32>
    %reduce_sum3A_828 = vector.shape_cast %select_n3A_827 : vector<128x128xf32> to vector<1x128x128xf32>
    %reduce_sum3A_829 = arith.constant dense<0.000000e+00> : vector<1xf32>
    %reduce_sum3A_830 = vector.multi_reduction <add>, %reduce_sum3A_828, %reduce_sum3A_829 [1, 2] : vector<1x128x128xf32> to vector<1xf32>
    %reduce_sum3A_831 = vector.shape_cast %reduce_sum3A_830 : vector<1xf32> to vector<1x1x1xf32>
    %reduce_sum3A_832 = vector.extract %reduce_sum3A_831[0, 0, 0] : f32 from vector<1x1x1xf32>
    %swap3A_833 = arith.index_cast %arg0 : i32 to index
    %swap3A_834 = arith.constant 15 : index
    %swap3A_835 = memref.load %arg3[%swap3A_833, %swap3A_834] : memref<4x27xf32, #tpu.memory_space<smem>>
    memref.store %reduce_sum3A_832, %arg3[%swap3A_833, %swap3A_834] : memref<4x27xf32, #tpu.memory_space<smem>>
    %convert_element_type3A_836 = arith.extui %and3A_824 : vector<128x128xi1> to vector<128x128xi32>
    %reduce_sum3A_837 = vector.shape_cast %convert_element_type3A_836 : vector<128x128xi32> to vector<1x128x128xi32>
    %reduce_sum3A_838 = arith.constant dense<0> : vector<1xi32>
    %reduce_sum3A_839 = vector.multi_reduction <add>, %reduce_sum3A_837, %reduce_sum3A_838 [1, 2] : vector<1x128x128xi32> to vector<1xi32>
    %reduce_sum3A_840 = vector.shape_cast %reduce_sum3A_839 : vector<1xi32> to vector<1x1x1xi32>
    %reduce_sum3A_841 = vector.extract %reduce_sum3A_840[0, 0, 0] : i32 from vector<1x1x1xi32>
    %swap3A_842 = arith.index_cast %arg0 : i32 to index
    %swap3A_843 = arith.constant 15 : index
    %swap3A_844 = memref.load %arg4[%swap3A_842, %swap3A_843] : memref<4x27xi32, #tpu.memory_space<smem>>
    memref.store %reduce_sum3A_841, %arg4[%swap3A_842, %swap3A_843] : memref<4x27xi32, #tpu.memory_space<smem>>
    %swap3A_845 = arith.index_cast %arg0 : i32 to index
    %swap3A_846 = arith.constant 15 : index
    %swap3A_847 = memref.load %arg5[%swap3A_845, %swap3A_846] : memref<4x27xi32, #tpu.memory_space<smem>>
    memref.store %add3A_820, %arg5[%swap3A_845, %swap3A_846] : memref<4x27xi32, #tpu.memory_space<smem>>
    %convert_element_type3A_848 = arith.extui %and3A_824 : vector<128x128xi1> to vector<128x128xi32>
    %convert_element_type3A_849 = arith.sitofp %convert_element_type3A_848 : vector<128x128xi32> to vector<128x128xf32>
    %dot_general3A_850 = arith.constant dense<0.000000e+00> : vector<128x128xf32>
    %dot_general3A_851 = tpu.matmul %convert_element_type3A_849, %convert_element_type3A_115, %dot_general3A_850 {dimension_numbers = #tpu.dot_dimension_numbers<[1], [0], [0], [1], [0, 0, 1, 1], [], []>, transpose_lhs_hint = false} : vector<128x128xf32>, vector<128x128xf32>, vector<128x128xf32> -> vector<128x128xf32>
    %slice3A_852 = vector.extract_strided_slice %dot_general3A_851 {offsets = [0, 127], sizes = [128, 1], strides = [1, 1]} : vector<128x128xf32> to vector<128x1xf32>
    %dot_general3A_853 = arith.constant dense<0.000000e+00> : vector<128x1xf32>
    %dot_general3A_854 = tpu.matmul %convert_element_type3A_118, %slice3A_852, %dot_general3A_853 {dimension_numbers = #tpu.dot_dimension_numbers<[1], [0], [0], [1], [0, 0, 1, 1], [], []>, transpose_lhs_hint = false} : vector<128x128xf32>, vector<128x1xf32>, vector<128x1xf32> -> vector<128x1xf32>
    %add3A_855 = vector.broadcast %dot_general3A_854 : vector<128x1xf32> to vector<128x128xf32>
    %add3A_856 = arith.addf %add3A_855, %dot_general3A_851 : vector<128x128xf32>
    %sub3A_857 = arith.constant 1.000000e+00 : f32
    %sub3A_858 = vector.broadcast %sub3A_857 : f32 to vector<128x128xf32>
    %sub3A_859 = arith.subf %add3A_856, %sub3A_858 : vector<128x128xf32>
    %convert_element_type3A_860 = arith.fptosi %sub3A_859 : vector<128x128xf32> to vector<128x128xi32>
    %add3A_861 = vector.broadcast %add3A_820 : i32 to vector<128x128xi32>
    %add3A_862 = arith.addi %add3A_861, %convert_element_type3A_860 : vector<128x128xi32>
    %jit3A_863 = arith.constant 0 : i32
    %broadcast_in_dim3A_864 = vector.broadcast %jit3A_863 : i32 to vector<128x128xi32>
    %select_n3A_865 = arith.select %and3A_824, %add3A_862, %broadcast_in_dim3A_864 : vector<128x128xi1>, vector<128x128xi32>
    %add3A_866 = arith.addi %add3A_819, %select_n3A_865 : vector<128x128xi32>
    %add3A_867 = arith.addi %add3A_820, %reduce_sum3A_841 : i32
    %eq3A_868 = arith.constant 16 : i32
    %eq3A_869 = vector.broadcast %eq3A_868 : i32 to vector<128x128xi32>
    %eq3A_870 = arith.cmpi eq, %add3A_106, %eq3A_869 : vector<128x128xi32>
    %and3A_871 = arith.andi %eq3A_870, %gt3A_112 : vector<128x128xi1>
    %jit3A_872 = arith.constant 0.000000e+00 : f32
    %broadcast_in_dim3A_873 = vector.broadcast %jit3A_872 : f32 to vector<128x128xf32>
    %select_n3A_874 = arith.select %and3A_871, %get3A_21, %broadcast_in_dim3A_873 : vector<128x128xi1>, vector<128x128xf32>
    %reduce_sum3A_875 = vector.shape_cast %select_n3A_874 : vector<128x128xf32> to vector<1x128x128xf32>
    %reduce_sum3A_876 = arith.constant dense<0.000000e+00> : vector<1xf32>
    %reduce_sum3A_877 = vector.multi_reduction <add>, %reduce_sum3A_875, %reduce_sum3A_876 [1, 2] : vector<1x128x128xf32> to vector<1xf32>
    %reduce_sum3A_878 = vector.shape_cast %reduce_sum3A_877 : vector<1xf32> to vector<1x1x1xf32>
    %reduce_sum3A_879 = vector.extract %reduce_sum3A_878[0, 0, 0] : f32 from vector<1x1x1xf32>
    %swap3A_880 = arith.index_cast %arg0 : i32 to index
    %swap3A_881 = arith.constant 16 : index
    %swap3A_882 = memref.load %arg3[%swap3A_880, %swap3A_881] : memref<4x27xf32, #tpu.memory_space<smem>>
    memref.store %reduce_sum3A_879, %arg3[%swap3A_880, %swap3A_881] : memref<4x27xf32, #tpu.memory_space<smem>>
    %convert_element_type3A_883 = arith.extui %and3A_871 : vector<128x128xi1> to vector<128x128xi32>
    %reduce_sum3A_884 = vector.shape_cast %convert_element_type3A_883 : vector<128x128xi32> to vector<1x128x128xi32>
    %reduce_sum3A_885 = arith.constant dense<0> : vector<1xi32>
    %reduce_sum3A_886 = vector.multi_reduction <add>, %reduce_sum3A_884, %reduce_sum3A_885 [1, 2] : vector<1x128x128xi32> to vector<1xi32>
    %reduce_sum3A_887 = vector.shape_cast %reduce_sum3A_886 : vector<1xi32> to vector<1x1x1xi32>
    %reduce_sum3A_888 = vector.extract %reduce_sum3A_887[0, 0, 0] : i32 from vector<1x1x1xi32>
    %swap3A_889 = arith.index_cast %arg0 : i32 to index
    %swap3A_890 = arith.constant 16 : index
    %swap3A_891 = memref.load %arg4[%swap3A_889, %swap3A_890] : memref<4x27xi32, #tpu.memory_space<smem>>
    memref.store %reduce_sum3A_888, %arg4[%swap3A_889, %swap3A_890] : memref<4x27xi32, #tpu.memory_space<smem>>
    %swap3A_892 = arith.index_cast %arg0 : i32 to index
    %swap3A_893 = arith.constant 16 : index
    %swap3A_894 = memref.load %arg5[%swap3A_892, %swap3A_893] : memref<4x27xi32, #tpu.memory_space<smem>>
    memref.store %add3A_867, %arg5[%swap3A_892, %swap3A_893] : memref<4x27xi32, #tpu.memory_space<smem>>
    %convert_element_type3A_895 = arith.extui %and3A_871 : vector<128x128xi1> to vector<128x128xi32>
    %convert_element_type3A_896 = arith.sitofp %convert_element_type3A_895 : vector<128x128xi32> to vector<128x128xf32>
    %dot_general3A_897 = arith.constant dense<0.000000e+00> : vector<128x128xf32>
    %dot_general3A_898 = tpu.matmul %convert_element_type3A_896, %convert_element_type3A_115, %dot_general3A_897 {dimension_numbers = #tpu.dot_dimension_numbers<[1], [0], [0], [1], [0, 0, 1, 1], [], []>, transpose_lhs_hint = false} : vector<128x128xf32>, vector<128x128xf32>, vector<128x128xf32> -> vector<128x128xf32>
    %slice3A_899 = vector.extract_strided_slice %dot_general3A_898 {offsets = [0, 127], sizes = [128, 1], strides = [1, 1]} : vector<128x128xf32> to vector<128x1xf32>
    %dot_general3A_900 = arith.constant dense<0.000000e+00> : vector<128x1xf32>
    %dot_general3A_901 = tpu.matmul %convert_element_type3A_118, %slice3A_899, %dot_general3A_900 {dimension_numbers = #tpu.dot_dimension_numbers<[1], [0], [0], [1], [0, 0, 1, 1], [], []>, transpose_lhs_hint = false} : vector<128x128xf32>, vector<128x1xf32>, vector<128x1xf32> -> vector<128x1xf32>
    %add3A_902 = vector.broadcast %dot_general3A_901 : vector<128x1xf32> to vector<128x128xf32>
    %add3A_903 = arith.addf %add3A_902, %dot_general3A_898 : vector<128x128xf32>
    %sub3A_904 = arith.constant 1.000000e+00 : f32
    %sub3A_905 = vector.broadcast %sub3A_904 : f32 to vector<128x128xf32>
    %sub3A_906 = arith.subf %add3A_903, %sub3A_905 : vector<128x128xf32>
    %convert_element_type3A_907 = arith.fptosi %sub3A_906 : vector<128x128xf32> to vector<128x128xi32>
    %add3A_908 = vector.broadcast %add3A_867 : i32 to vector<128x128xi32>
    %add3A_909 = arith.addi %add3A_908, %convert_element_type3A_907 : vector<128x128xi32>
    %jit3A_910 = arith.constant 0 : i32
    %broadcast_in_dim3A_911 = vector.broadcast %jit3A_910 : i32 to vector<128x128xi32>
    %select_n3A_912 = arith.select %and3A_871, %add3A_909, %broadcast_in_dim3A_911 : vector<128x128xi1>, vector<128x128xi32>
    %add3A_913 = arith.addi %add3A_866, %select_n3A_912 : vector<128x128xi32>
    %add3A_914 = arith.addi %add3A_867, %reduce_sum3A_888 : i32
    %eq3A_915 = arith.constant 17 : i32
    %eq3A_916 = vector.broadcast %eq3A_915 : i32 to vector<128x128xi32>
    %eq3A_917 = arith.cmpi eq, %add3A_106, %eq3A_916 : vector<128x128xi32>
    %and3A_918 = arith.andi %eq3A_917, %gt3A_112 : vector<128x128xi1>
    %jit3A_919 = arith.constant 0.000000e+00 : f32
    %broadcast_in_dim3A_920 = vector.broadcast %jit3A_919 : f32 to vector<128x128xf32>
    %select_n3A_921 = arith.select %and3A_918, %get3A_21, %broadcast_in_dim3A_920 : vector<128x128xi1>, vector<128x128xf32>
    %reduce_sum3A_922 = vector.shape_cast %select_n3A_921 : vector<128x128xf32> to vector<1x128x128xf32>
    %reduce_sum3A_923 = arith.constant dense<0.000000e+00> : vector<1xf32>
    %reduce_sum3A_924 = vector.multi_reduction <add>, %reduce_sum3A_922, %reduce_sum3A_923 [1, 2] : vector<1x128x128xf32> to vector<1xf32>
    %reduce_sum3A_925 = vector.shape_cast %reduce_sum3A_924 : vector<1xf32> to vector<1x1x1xf32>
    %reduce_sum3A_926 = vector.extract %reduce_sum3A_925[0, 0, 0] : f32 from vector<1x1x1xf32>
    %swap3A_927 = arith.index_cast %arg0 : i32 to index
    %swap3A_928 = arith.constant 17 : index
    %swap3A_929 = memref.load %arg3[%swap3A_927, %swap3A_928] : memref<4x27xf32, #tpu.memory_space<smem>>
    memref.store %reduce_sum3A_926, %arg3[%swap3A_927, %swap3A_928] : memref<4x27xf32, #tpu.memory_space<smem>>
    %convert_element_type3A_930 = arith.extui %and3A_918 : vector<128x128xi1> to vector<128x128xi32>
    %reduce_sum3A_931 = vector.shape_cast %convert_element_type3A_930 : vector<128x128xi32> to vector<1x128x128xi32>
    %reduce_sum3A_932 = arith.constant dense<0> : vector<1xi32>
    %reduce_sum3A_933 = vector.multi_reduction <add>, %reduce_sum3A_931, %reduce_sum3A_932 [1, 2] : vector<1x128x128xi32> to vector<1xi32>
    %reduce_sum3A_934 = vector.shape_cast %reduce_sum3A_933 : vector<1xi32> to vector<1x1x1xi32>
    %reduce_sum3A_935 = vector.extract %reduce_sum3A_934[0, 0, 0] : i32 from vector<1x1x1xi32>
    %swap3A_936 = arith.index_cast %arg0 : i32 to index
    %swap3A_937 = arith.constant 17 : index
    %swap3A_938 = memref.load %arg4[%swap3A_936, %swap3A_937] : memref<4x27xi32, #tpu.memory_space<smem>>
    memref.store %reduce_sum3A_935, %arg4[%swap3A_936, %swap3A_937] : memref<4x27xi32, #tpu.memory_space<smem>>
    %swap3A_939 = arith.index_cast %arg0 : i32 to index
    %swap3A_940 = arith.constant 17 : index
    %swap3A_941 = memref.load %arg5[%swap3A_939, %swap3A_940] : memref<4x27xi32, #tpu.memory_space<smem>>
    memref.store %add3A_914, %arg5[%swap3A_939, %swap3A_940] : memref<4x27xi32, #tpu.memory_space<smem>>
    %convert_element_type3A_942 = arith.extui %and3A_918 : vector<128x128xi1> to vector<128x128xi32>
    %convert_element_type3A_943 = arith.sitofp %convert_element_type3A_942 : vector<128x128xi32> to vector<128x128xf32>
    %dot_general3A_944 = arith.constant dense<0.000000e+00> : vector<128x128xf32>
    %dot_general3A_945 = tpu.matmul %convert_element_type3A_943, %convert_element_type3A_115, %dot_general3A_944 {dimension_numbers = #tpu.dot_dimension_numbers<[1], [0], [0], [1], [0, 0, 1, 1], [], []>, transpose_lhs_hint = false} : vector<128x128xf32>, vector<128x128xf32>, vector<128x128xf32> -> vector<128x128xf32>
    %slice3A_946 = vector.extract_strided_slice %dot_general3A_945 {offsets = [0, 127], sizes = [128, 1], strides = [1, 1]} : vector<128x128xf32> to vector<128x1xf32>
    %dot_general3A_947 = arith.constant dense<0.000000e+00> : vector<128x1xf32>
    %dot_general3A_948 = tpu.matmul %convert_element_type3A_118, %slice3A_946, %dot_general3A_947 {dimension_numbers = #tpu.dot_dimension_numbers<[1], [0], [0], [1], [0, 0, 1, 1], [], []>, transpose_lhs_hint = false} : vector<128x128xf32>, vector<128x1xf32>, vector<128x1xf32> -> vector<128x1xf32>
    %add3A_949 = vector.broadcast %dot_general3A_948 : vector<128x1xf32> to vector<128x128xf32>
    %add3A_950 = arith.addf %add3A_949, %dot_general3A_945 : vector<128x128xf32>
    %sub3A_951 = arith.constant 1.000000e+00 : f32
    %sub3A_952 = vector.broadcast %sub3A_951 : f32 to vector<128x128xf32>
    %sub3A_953 = arith.subf %add3A_950, %sub3A_952 : vector<128x128xf32>
    %convert_element_type3A_954 = arith.fptosi %sub3A_953 : vector<128x128xf32> to vector<128x128xi32>
    %add3A_955 = vector.broadcast %add3A_914 : i32 to vector<128x128xi32>
    %add3A_956 = arith.addi %add3A_955, %convert_element_type3A_954 : vector<128x128xi32>
    %jit3A_957 = arith.constant 0 : i32
    %broadcast_in_dim3A_958 = vector.broadcast %jit3A_957 : i32 to vector<128x128xi32>
    %select_n3A_959 = arith.select %and3A_918, %add3A_956, %broadcast_in_dim3A_958 : vector<128x128xi1>, vector<128x128xi32>
    %add3A_960 = arith.addi %add3A_913, %select_n3A_959 : vector<128x128xi32>
    %add3A_961 = arith.addi %add3A_914, %reduce_sum3A_935 : i32
    %eq3A_962 = arith.constant 18 : i32
    %eq3A_963 = vector.broadcast %eq3A_962 : i32 to vector<128x128xi32>
    %eq3A_964 = arith.cmpi eq, %add3A_106, %eq3A_963 : vector<128x128xi32>
    %and3A_965 = arith.andi %eq3A_964, %gt3A_112 : vector<128x128xi1>
    %jit3A_966 = arith.constant 0.000000e+00 : f32
    %broadcast_in_dim3A_967 = vector.broadcast %jit3A_966 : f32 to vector<128x128xf32>
    %select_n3A_968 = arith.select %and3A_965, %get3A_21, %broadcast_in_dim3A_967 : vector<128x128xi1>, vector<128x128xf32>
    %reduce_sum3A_969 = vector.shape_cast %select_n3A_968 : vector<128x128xf32> to vector<1x128x128xf32>
    %reduce_sum3A_970 = arith.constant dense<0.000000e+00> : vector<1xf32>
    %reduce_sum3A_971 = vector.multi_reduction <add>, %reduce_sum3A_969, %reduce_sum3A_970 [1, 2] : vector<1x128x128xf32> to vector<1xf32>
    %reduce_sum3A_972 = vector.shape_cast %reduce_sum3A_971 : vector<1xf32> to vector<1x1x1xf32>
    %reduce_sum3A_973 = vector.extract %reduce_sum3A_972[0, 0, 0] : f32 from vector<1x1x1xf32>
    %swap3A_974 = arith.index_cast %arg0 : i32 to index
    %swap3A_975 = arith.constant 18 : index
    %swap3A_976 = memref.load %arg3[%swap3A_974, %swap3A_975] : memref<4x27xf32, #tpu.memory_space<smem>>
    memref.store %reduce_sum3A_973, %arg3[%swap3A_974, %swap3A_975] : memref<4x27xf32, #tpu.memory_space<smem>>
    %convert_element_type3A_977 = arith.extui %and3A_965 : vector<128x128xi1> to vector<128x128xi32>
    %reduce_sum3A_978 = vector.shape_cast %convert_element_type3A_977 : vector<128x128xi32> to vector<1x128x128xi32>
    %reduce_sum3A_979 = arith.constant dense<0> : vector<1xi32>
    %reduce_sum3A_980 = vector.multi_reduction <add>, %reduce_sum3A_978, %reduce_sum3A_979 [1, 2] : vector<1x128x128xi32> to vector<1xi32>
    %reduce_sum3A_981 = vector.shape_cast %reduce_sum3A_980 : vector<1xi32> to vector<1x1x1xi32>
    %reduce_sum3A_982 = vector.extract %reduce_sum3A_981[0, 0, 0] : i32 from vector<1x1x1xi32>
    %swap3A_983 = arith.index_cast %arg0 : i32 to index
    %swap3A_984 = arith.constant 18 : index
    %swap3A_985 = memref.load %arg4[%swap3A_983, %swap3A_984] : memref<4x27xi32, #tpu.memory_space<smem>>
    memref.store %reduce_sum3A_982, %arg4[%swap3A_983, %swap3A_984] : memref<4x27xi32, #tpu.memory_space<smem>>
    %swap3A_986 = arith.index_cast %arg0 : i32 to index
    %swap3A_987 = arith.constant 18 : index
    %swap3A_988 = memref.load %arg5[%swap3A_986, %swap3A_987] : memref<4x27xi32, #tpu.memory_space<smem>>
    memref.store %add3A_961, %arg5[%swap3A_986, %swap3A_987] : memref<4x27xi32, #tpu.memory_space<smem>>
    %convert_element_type3A_989 = arith.extui %and3A_965 : vector<128x128xi1> to vector<128x128xi32>
    %convert_element_type3A_990 = arith.sitofp %convert_element_type3A_989 : vector<128x128xi32> to vector<128x128xf32>
    %dot_general3A_991 = arith.constant dense<0.000000e+00> : vector<128x128xf32>
    %dot_general3A_992 = tpu.matmul %convert_element_type3A_990, %convert_element_type3A_115, %dot_general3A_991 {dimension_numbers = #tpu.dot_dimension_numbers<[1], [0], [0], [1], [0, 0, 1, 1], [], []>, transpose_lhs_hint = false} : vector<128x128xf32>, vector<128x128xf32>, vector<128x128xf32> -> vector<128x128xf32>
    %slice3A_993 = vector.extract_strided_slice %dot_general3A_992 {offsets = [0, 127], sizes = [128, 1], strides = [1, 1]} : vector<128x128xf32> to vector<128x1xf32>
    %dot_general3A_994 = arith.constant dense<0.000000e+00> : vector<128x1xf32>
    %dot_general3A_995 = tpu.matmul %convert_element_type3A_118, %slice3A_993, %dot_general3A_994 {dimension_numbers = #tpu.dot_dimension_numbers<[1], [0], [0], [1], [0, 0, 1, 1], [], []>, transpose_lhs_hint = false} : vector<128x128xf32>, vector<128x1xf32>, vector<128x1xf32> -> vector<128x1xf32>
    %add3A_996 = vector.broadcast %dot_general3A_995 : vector<128x1xf32> to vector<128x128xf32>
    %add3A_997 = arith.addf %add3A_996, %dot_general3A_992 : vector<128x128xf32>
    %sub3A_998 = arith.constant 1.000000e+00 : f32
    %sub3A_999 = vector.broadcast %sub3A_998 : f32 to vector<128x128xf32>
    %sub3A_1000 = arith.subf %add3A_997, %sub3A_999 : vector<128x128xf32>
    %convert_element_type3A_1001 = arith.fptosi %sub3A_1000 : vector<128x128xf32> to vector<128x128xi32>
    %add3A_1002 = vector.broadcast %add3A_961 : i32 to vector<128x128xi32>
    %add3A_1003 = arith.addi %add3A_1002, %convert_element_type3A_1001 : vector<128x128xi32>
    %jit3A_1004 = arith.constant 0 : i32
    %broadcast_in_dim3A_1005 = vector.broadcast %jit3A_1004 : i32 to vector<128x128xi32>
    %select_n3A_1006 = arith.select %and3A_965, %add3A_1003, %broadcast_in_dim3A_1005 : vector<128x128xi1>, vector<128x128xi32>
    %add3A_1007 = arith.addi %add3A_960, %select_n3A_1006 : vector<128x128xi32>
    %add3A_1008 = arith.addi %add3A_961, %reduce_sum3A_982 : i32
    %eq3A_1009 = arith.constant 19 : i32
    %eq3A_1010 = vector.broadcast %eq3A_1009 : i32 to vector<128x128xi32>
    %eq3A_1011 = arith.cmpi eq, %add3A_106, %eq3A_1010 : vector<128x128xi32>
    %and3A_1012 = arith.andi %eq3A_1011, %gt3A_112 : vector<128x128xi1>
    %jit3A_1013 = arith.constant 0.000000e+00 : f32
    %broadcast_in_dim3A_1014 = vector.broadcast %jit3A_1013 : f32 to vector<128x128xf32>
    %select_n3A_1015 = arith.select %and3A_1012, %get3A_21, %broadcast_in_dim3A_1014 : vector<128x128xi1>, vector<128x128xf32>
    %reduce_sum3A_1016 = vector.shape_cast %select_n3A_1015 : vector<128x128xf32> to vector<1x128x128xf32>
    %reduce_sum3A_1017 = arith.constant dense<0.000000e+00> : vector<1xf32>
    %reduce_sum3A_1018 = vector.multi_reduction <add>, %reduce_sum3A_1016, %reduce_sum3A_1017 [1, 2] : vector<1x128x128xf32> to vector<1xf32>
    %reduce_sum3A_1019 = vector.shape_cast %reduce_sum3A_1018 : vector<1xf32> to vector<1x1x1xf32>
    %reduce_sum3A_1020 = vector.extract %reduce_sum3A_1019[0, 0, 0] : f32 from vector<1x1x1xf32>
    %swap3A_1021 = arith.index_cast %arg0 : i32 to index
    %swap3A_1022 = arith.constant 19 : index
    %swap3A_1023 = memref.load %arg3[%swap3A_1021, %swap3A_1022] : memref<4x27xf32, #tpu.memory_space<smem>>
    memref.store %reduce_sum3A_1020, %arg3[%swap3A_1021, %swap3A_1022] : memref<4x27xf32, #tpu.memory_space<smem>>
    %convert_element_type3A_1024 = arith.extui %and3A_1012 : vector<128x128xi1> to vector<128x128xi32>
    %reduce_sum3A_1025 = vector.shape_cast %convert_element_type3A_1024 : vector<128x128xi32> to vector<1x128x128xi32>
    %reduce_sum3A_1026 = arith.constant dense<0> : vector<1xi32>
    %reduce_sum3A_1027 = vector.multi_reduction <add>, %reduce_sum3A_1025, %reduce_sum3A_1026 [1, 2] : vector<1x128x128xi32> to vector<1xi32>
    %reduce_sum3A_1028 = vector.shape_cast %reduce_sum3A_1027 : vector<1xi32> to vector<1x1x1xi32>
    %reduce_sum3A_1029 = vector.extract %reduce_sum3A_1028[0, 0, 0] : i32 from vector<1x1x1xi32>
    %swap3A_1030 = arith.index_cast %arg0 : i32 to index
    %swap3A_1031 = arith.constant 19 : index
    %swap3A_1032 = memref.load %arg4[%swap3A_1030, %swap3A_1031] : memref<4x27xi32, #tpu.memory_space<smem>>
    memref.store %reduce_sum3A_1029, %arg4[%swap3A_1030, %swap3A_1031] : memref<4x27xi32, #tpu.memory_space<smem>>
    %swap3A_1033 = arith.index_cast %arg0 : i32 to index
    %swap3A_1034 = arith.constant 19 : index
    %swap3A_1035 = memref.load %arg5[%swap3A_1033, %swap3A_1034] : memref<4x27xi32, #tpu.memory_space<smem>>
    memref.store %add3A_1008, %arg5[%swap3A_1033, %swap3A_1034] : memref<4x27xi32, #tpu.memory_space<smem>>
    %convert_element_type3A_1036 = arith.extui %and3A_1012 : vector<128x128xi1> to vector<128x128xi32>
    %convert_element_type3A_1037 = arith.sitofp %convert_element_type3A_1036 : vector<128x128xi32> to vector<128x128xf32>
    %dot_general3A_1038 = arith.constant dense<0.000000e+00> : vector<128x128xf32>
    %dot_general3A_1039 = tpu.matmul %convert_element_type3A_1037, %convert_element_type3A_115, %dot_general3A_1038 {dimension_numbers = #tpu.dot_dimension_numbers<[1], [0], [0], [1], [0, 0, 1, 1], [], []>, transpose_lhs_hint = false} : vector<128x128xf32>, vector<128x128xf32>, vector<128x128xf32> -> vector<128x128xf32>
    %slice3A_1040 = vector.extract_strided_slice %dot_general3A_1039 {offsets = [0, 127], sizes = [128, 1], strides = [1, 1]} : vector<128x128xf32> to vector<128x1xf32>
    %dot_general3A_1041 = arith.constant dense<0.000000e+00> : vector<128x1xf32>
    %dot_general3A_1042 = tpu.matmul %convert_element_type3A_118, %slice3A_1040, %dot_general3A_1041 {dimension_numbers = #tpu.dot_dimension_numbers<[1], [0], [0], [1], [0, 0, 1, 1], [], []>, transpose_lhs_hint = false} : vector<128x128xf32>, vector<128x1xf32>, vector<128x1xf32> -> vector<128x1xf32>
    %add3A_1043 = vector.broadcast %dot_general3A_1042 : vector<128x1xf32> to vector<128x128xf32>
    %add3A_1044 = arith.addf %add3A_1043, %dot_general3A_1039 : vector<128x128xf32>
    %sub3A_1045 = arith.constant 1.000000e+00 : f32
    %sub3A_1046 = vector.broadcast %sub3A_1045 : f32 to vector<128x128xf32>
    %sub3A_1047 = arith.subf %add3A_1044, %sub3A_1046 : vector<128x128xf32>
    %convert_element_type3A_1048 = arith.fptosi %sub3A_1047 : vector<128x128xf32> to vector<128x128xi32>
    %add3A_1049 = vector.broadcast %add3A_1008 : i32 to vector<128x128xi32>
    %add3A_1050 = arith.addi %add3A_1049, %convert_element_type3A_1048 : vector<128x128xi32>
    %jit3A_1051 = arith.constant 0 : i32
    %broadcast_in_dim3A_1052 = vector.broadcast %jit3A_1051 : i32 to vector<128x128xi32>
    %select_n3A_1053 = arith.select %and3A_1012, %add3A_1050, %broadcast_in_dim3A_1052 : vector<128x128xi1>, vector<128x128xi32>
    %add3A_1054 = arith.addi %add3A_1007, %select_n3A_1053 : vector<128x128xi32>
    %add3A_1055 = arith.addi %add3A_1008, %reduce_sum3A_1029 : i32
    %eq3A_1056 = arith.constant 20 : i32
    %eq3A_1057 = vector.broadcast %eq3A_1056 : i32 to vector<128x128xi32>
    %eq3A_1058 = arith.cmpi eq, %add3A_106, %eq3A_1057 : vector<128x128xi32>
    %and3A_1059 = arith.andi %eq3A_1058, %gt3A_112 : vector<128x128xi1>
    %jit3A_1060 = arith.constant 0.000000e+00 : f32
    %broadcast_in_dim3A_1061 = vector.broadcast %jit3A_1060 : f32 to vector<128x128xf32>
    %select_n3A_1062 = arith.select %and3A_1059, %get3A_21, %broadcast_in_dim3A_1061 : vector<128x128xi1>, vector<128x128xf32>
    %reduce_sum3A_1063 = vector.shape_cast %select_n3A_1062 : vector<128x128xf32> to vector<1x128x128xf32>
    %reduce_sum3A_1064 = arith.constant dense<0.000000e+00> : vector<1xf32>
    %reduce_sum3A_1065 = vector.multi_reduction <add>, %reduce_sum3A_1063, %reduce_sum3A_1064 [1, 2] : vector<1x128x128xf32> to vector<1xf32>
    %reduce_sum3A_1066 = vector.shape_cast %reduce_sum3A_1065 : vector<1xf32> to vector<1x1x1xf32>
    %reduce_sum3A_1067 = vector.extract %reduce_sum3A_1066[0, 0, 0] : f32 from vector<1x1x1xf32>
    %swap3A_1068 = arith.index_cast %arg0 : i32 to index
    %swap3A_1069 = arith.constant 20 : index
    %swap3A_1070 = memref.load %arg3[%swap3A_1068, %swap3A_1069] : memref<4x27xf32, #tpu.memory_space<smem>>
    memref.store %reduce_sum3A_1067, %arg3[%swap3A_1068, %swap3A_1069] : memref<4x27xf32, #tpu.memory_space<smem>>
    %convert_element_type3A_1071 = arith.extui %and3A_1059 : vector<128x128xi1> to vector<128x128xi32>
    %reduce_sum3A_1072 = vector.shape_cast %convert_element_type3A_1071 : vector<128x128xi32> to vector<1x128x128xi32>
    %reduce_sum3A_1073 = arith.constant dense<0> : vector<1xi32>
    %reduce_sum3A_1074 = vector.multi_reduction <add>, %reduce_sum3A_1072, %reduce_sum3A_1073 [1, 2] : vector<1x128x128xi32> to vector<1xi32>
    %reduce_sum3A_1075 = vector.shape_cast %reduce_sum3A_1074 : vector<1xi32> to vector<1x1x1xi32>
    %reduce_sum3A_1076 = vector.extract %reduce_sum3A_1075[0, 0, 0] : i32 from vector<1x1x1xi32>
    %swap3A_1077 = arith.index_cast %arg0 : i32 to index
    %swap3A_1078 = arith.constant 20 : index
    %swap3A_1079 = memref.load %arg4[%swap3A_1077, %swap3A_1078] : memref<4x27xi32, #tpu.memory_space<smem>>
    memref.store %reduce_sum3A_1076, %arg4[%swap3A_1077, %swap3A_1078] : memref<4x27xi32, #tpu.memory_space<smem>>
    %swap3A_1080 = arith.index_cast %arg0 : i32 to index
    %swap3A_1081 = arith.constant 20 : index
    %swap3A_1082 = memref.load %arg5[%swap3A_1080, %swap3A_1081] : memref<4x27xi32, #tpu.memory_space<smem>>
    memref.store %add3A_1055, %arg5[%swap3A_1080, %swap3A_1081] : memref<4x27xi32, #tpu.memory_space<smem>>
    %convert_element_type3A_1083 = arith.extui %and3A_1059 : vector<128x128xi1> to vector<128x128xi32>
    %convert_element_type3A_1084 = arith.sitofp %convert_element_type3A_1083 : vector<128x128xi32> to vector<128x128xf32>
    %dot_general3A_1085 = arith.constant dense<0.000000e+00> : vector<128x128xf32>
    %dot_general3A_1086 = tpu.matmul %convert_element_type3A_1084, %convert_element_type3A_115, %dot_general3A_1085 {dimension_numbers = #tpu.dot_dimension_numbers<[1], [0], [0], [1], [0, 0, 1, 1], [], []>, transpose_lhs_hint = false} : vector<128x128xf32>, vector<128x128xf32>, vector<128x128xf32> -> vector<128x128xf32>
    %slice3A_1087 = vector.extract_strided_slice %dot_general3A_1086 {offsets = [0, 127], sizes = [128, 1], strides = [1, 1]} : vector<128x128xf32> to vector<128x1xf32>
    %dot_general3A_1088 = arith.constant dense<0.000000e+00> : vector<128x1xf32>
    %dot_general3A_1089 = tpu.matmul %convert_element_type3A_118, %slice3A_1087, %dot_general3A_1088 {dimension_numbers = #tpu.dot_dimension_numbers<[1], [0], [0], [1], [0, 0, 1, 1], [], []>, transpose_lhs_hint = false} : vector<128x128xf32>, vector<128x1xf32>, vector<128x1xf32> -> vector<128x1xf32>
    %add3A_1090 = vector.broadcast %dot_general3A_1089 : vector<128x1xf32> to vector<128x128xf32>
    %add3A_1091 = arith.addf %add3A_1090, %dot_general3A_1086 : vector<128x128xf32>
    %sub3A_1092 = arith.constant 1.000000e+00 : f32
    %sub3A_1093 = vector.broadcast %sub3A_1092 : f32 to vector<128x128xf32>
    %sub3A_1094 = arith.subf %add3A_1091, %sub3A_1093 : vector<128x128xf32>
    %convert_element_type3A_1095 = arith.fptosi %sub3A_1094 : vector<128x128xf32> to vector<128x128xi32>
    %add3A_1096 = vector.broadcast %add3A_1055 : i32 to vector<128x128xi32>
    %add3A_1097 = arith.addi %add3A_1096, %convert_element_type3A_1095 : vector<128x128xi32>
    %jit3A_1098 = arith.constant 0 : i32
    %broadcast_in_dim3A_1099 = vector.broadcast %jit3A_1098 : i32 to vector<128x128xi32>
    %select_n3A_1100 = arith.select %and3A_1059, %add3A_1097, %broadcast_in_dim3A_1099 : vector<128x128xi1>, vector<128x128xi32>
    %add3A_1101 = arith.addi %add3A_1054, %select_n3A_1100 : vector<128x128xi32>
    %add3A_1102 = arith.addi %add3A_1055, %reduce_sum3A_1076 : i32
    %eq3A_1103 = arith.constant 21 : i32
    %eq3A_1104 = vector.broadcast %eq3A_1103 : i32 to vector<128x128xi32>
    %eq3A_1105 = arith.cmpi eq, %add3A_106, %eq3A_1104 : vector<128x128xi32>
    %and3A_1106 = arith.andi %eq3A_1105, %gt3A_112 : vector<128x128xi1>
    %jit3A_1107 = arith.constant 0.000000e+00 : f32
    %broadcast_in_dim3A_1108 = vector.broadcast %jit3A_1107 : f32 to vector<128x128xf32>
    %select_n3A_1109 = arith.select %and3A_1106, %get3A_21, %broadcast_in_dim3A_1108 : vector<128x128xi1>, vector<128x128xf32>
    %reduce_sum3A_1110 = vector.shape_cast %select_n3A_1109 : vector<128x128xf32> to vector<1x128x128xf32>
    %reduce_sum3A_1111 = arith.constant dense<0.000000e+00> : vector<1xf32>
    %reduce_sum3A_1112 = vector.multi_reduction <add>, %reduce_sum3A_1110, %reduce_sum3A_1111 [1, 2] : vector<1x128x128xf32> to vector<1xf32>
    %reduce_sum3A_1113 = vector.shape_cast %reduce_sum3A_1112 : vector<1xf32> to vector<1x1x1xf32>
    %reduce_sum3A_1114 = vector.extract %reduce_sum3A_1113[0, 0, 0] : f32 from vector<1x1x1xf32>
    %swap3A_1115 = arith.index_cast %arg0 : i32 to index
    %swap3A_1116 = arith.constant 21 : index
    %swap3A_1117 = memref.load %arg3[%swap3A_1115, %swap3A_1116] : memref<4x27xf32, #tpu.memory_space<smem>>
    memref.store %reduce_sum3A_1114, %arg3[%swap3A_1115, %swap3A_1116] : memref<4x27xf32, #tpu.memory_space<smem>>
    %convert_element_type3A_1118 = arith.extui %and3A_1106 : vector<128x128xi1> to vector<128x128xi32>
    %reduce_sum3A_1119 = vector.shape_cast %convert_element_type3A_1118 : vector<128x128xi32> to vector<1x128x128xi32>
    %reduce_sum3A_1120 = arith.constant dense<0> : vector<1xi32>
    %reduce_sum3A_1121 = vector.multi_reduction <add>, %reduce_sum3A_1119, %reduce_sum3A_1120 [1, 2] : vector<1x128x128xi32> to vector<1xi32>
    %reduce_sum3A_1122 = vector.shape_cast %reduce_sum3A_1121 : vector<1xi32> to vector<1x1x1xi32>
    %reduce_sum3A_1123 = vector.extract %reduce_sum3A_1122[0, 0, 0] : i32 from vector<1x1x1xi32>
    %swap3A_1124 = arith.index_cast %arg0 : i32 to index
    %swap3A_1125 = arith.constant 21 : index
    %swap3A_1126 = memref.load %arg4[%swap3A_1124, %swap3A_1125] : memref<4x27xi32, #tpu.memory_space<smem>>
    memref.store %reduce_sum3A_1123, %arg4[%swap3A_1124, %swap3A_1125] : memref<4x27xi32, #tpu.memory_space<smem>>
    %swap3A_1127 = arith.index_cast %arg0 : i32 to index
    %swap3A_1128 = arith.constant 21 : index
    %swap3A_1129 = memref.load %arg5[%swap3A_1127, %swap3A_1128] : memref<4x27xi32, #tpu.memory_space<smem>>
    memref.store %add3A_1102, %arg5[%swap3A_1127, %swap3A_1128] : memref<4x27xi32, #tpu.memory_space<smem>>
    %convert_element_type3A_1130 = arith.extui %and3A_1106 : vector<128x128xi1> to vector<128x128xi32>
    %convert_element_type3A_1131 = arith.sitofp %convert_element_type3A_1130 : vector<128x128xi32> to vector<128x128xf32>
    %dot_general3A_1132 = arith.constant dense<0.000000e+00> : vector<128x128xf32>
    %dot_general3A_1133 = tpu.matmul %convert_element_type3A_1131, %convert_element_type3A_115, %dot_general3A_1132 {dimension_numbers = #tpu.dot_dimension_numbers<[1], [0], [0], [1], [0, 0, 1, 1], [], []>, transpose_lhs_hint = false} : vector<128x128xf32>, vector<128x128xf32>, vector<128x128xf32> -> vector<128x128xf32>
    %slice3A_1134 = vector.extract_strided_slice %dot_general3A_1133 {offsets = [0, 127], sizes = [128, 1], strides = [1, 1]} : vector<128x128xf32> to vector<128x1xf32>
    %dot_general3A_1135 = arith.constant dense<0.000000e+00> : vector<128x1xf32>
    %dot_general3A_1136 = tpu.matmul %convert_element_type3A_118, %slice3A_1134, %dot_general3A_1135 {dimension_numbers = #tpu.dot_dimension_numbers<[1], [0], [0], [1], [0, 0, 1, 1], [], []>, transpose_lhs_hint = false} : vector<128x128xf32>, vector<128x1xf32>, vector<128x1xf32> -> vector<128x1xf32>
    %add3A_1137 = vector.broadcast %dot_general3A_1136 : vector<128x1xf32> to vector<128x128xf32>
    %add3A_1138 = arith.addf %add3A_1137, %dot_general3A_1133 : vector<128x128xf32>
    %sub3A_1139 = arith.constant 1.000000e+00 : f32
    %sub3A_1140 = vector.broadcast %sub3A_1139 : f32 to vector<128x128xf32>
    %sub3A_1141 = arith.subf %add3A_1138, %sub3A_1140 : vector<128x128xf32>
    %convert_element_type3A_1142 = arith.fptosi %sub3A_1141 : vector<128x128xf32> to vector<128x128xi32>
    %add3A_1143 = vector.broadcast %add3A_1102 : i32 to vector<128x128xi32>
    %add3A_1144 = arith.addi %add3A_1143, %convert_element_type3A_1142 : vector<128x128xi32>
    %jit3A_1145 = arith.constant 0 : i32
    %broadcast_in_dim3A_1146 = vector.broadcast %jit3A_1145 : i32 to vector<128x128xi32>
    %select_n3A_1147 = arith.select %and3A_1106, %add3A_1144, %broadcast_in_dim3A_1146 : vector<128x128xi1>, vector<128x128xi32>
    %add3A_1148 = arith.addi %add3A_1101, %select_n3A_1147 : vector<128x128xi32>
    %add3A_1149 = arith.addi %add3A_1102, %reduce_sum3A_1123 : i32
    %eq3A_1150 = arith.constant 22 : i32
    %eq3A_1151 = vector.broadcast %eq3A_1150 : i32 to vector<128x128xi32>
    %eq3A_1152 = arith.cmpi eq, %add3A_106, %eq3A_1151 : vector<128x128xi32>
    %and3A_1153 = arith.andi %eq3A_1152, %gt3A_112 : vector<128x128xi1>
    %jit3A_1154 = arith.constant 0.000000e+00 : f32
    %broadcast_in_dim3A_1155 = vector.broadcast %jit3A_1154 : f32 to vector<128x128xf32>
    %select_n3A_1156 = arith.select %and3A_1153, %get3A_21, %broadcast_in_dim3A_1155 : vector<128x128xi1>, vector<128x128xf32>
    %reduce_sum3A_1157 = vector.shape_cast %select_n3A_1156 : vector<128x128xf32> to vector<1x128x128xf32>
    %reduce_sum3A_1158 = arith.constant dense<0.000000e+00> : vector<1xf32>
    %reduce_sum3A_1159 = vector.multi_reduction <add>, %reduce_sum3A_1157, %reduce_sum3A_1158 [1, 2] : vector<1x128x128xf32> to vector<1xf32>
    %reduce_sum3A_1160 = vector.shape_cast %reduce_sum3A_1159 : vector<1xf32> to vector<1x1x1xf32>
    %reduce_sum3A_1161 = vector.extract %reduce_sum3A_1160[0, 0, 0] : f32 from vector<1x1x1xf32>
    %swap3A_1162 = arith.index_cast %arg0 : i32 to index
    %swap3A_1163 = arith.constant 22 : index
    %swap3A_1164 = memref.load %arg3[%swap3A_1162, %swap3A_1163] : memref<4x27xf32, #tpu.memory_space<smem>>
    memref.store %reduce_sum3A_1161, %arg3[%swap3A_1162, %swap3A_1163] : memref<4x27xf32, #tpu.memory_space<smem>>
    %convert_element_type3A_1165 = arith.extui %and3A_1153 : vector<128x128xi1> to vector<128x128xi32>
    %reduce_sum3A_1166 = vector.shape_cast %convert_element_type3A_1165 : vector<128x128xi32> to vector<1x128x128xi32>
    %reduce_sum3A_1167 = arith.constant dense<0> : vector<1xi32>
    %reduce_sum3A_1168 = vector.multi_reduction <add>, %reduce_sum3A_1166, %reduce_sum3A_1167 [1, 2] : vector<1x128x128xi32> to vector<1xi32>
    %reduce_sum3A_1169 = vector.shape_cast %reduce_sum3A_1168 : vector<1xi32> to vector<1x1x1xi32>
    %reduce_sum3A_1170 = vector.extract %reduce_sum3A_1169[0, 0, 0] : i32 from vector<1x1x1xi32>
    %swap3A_1171 = arith.index_cast %arg0 : i32 to index
    %swap3A_1172 = arith.constant 22 : index
    %swap3A_1173 = memref.load %arg4[%swap3A_1171, %swap3A_1172] : memref<4x27xi32, #tpu.memory_space<smem>>
    memref.store %reduce_sum3A_1170, %arg4[%swap3A_1171, %swap3A_1172] : memref<4x27xi32, #tpu.memory_space<smem>>
    %swap3A_1174 = arith.index_cast %arg0 : i32 to index
    %swap3A_1175 = arith.constant 22 : index
    %swap3A_1176 = memref.load %arg5[%swap3A_1174, %swap3A_1175] : memref<4x27xi32, #tpu.memory_space<smem>>
    memref.store %add3A_1149, %arg5[%swap3A_1174, %swap3A_1175] : memref<4x27xi32, #tpu.memory_space<smem>>
    %convert_element_type3A_1177 = arith.extui %and3A_1153 : vector<128x128xi1> to vector<128x128xi32>
    %convert_element_type3A_1178 = arith.sitofp %convert_element_type3A_1177 : vector<128x128xi32> to vector<128x128xf32>
    %dot_general3A_1179 = arith.constant dense<0.000000e+00> : vector<128x128xf32>
    %dot_general3A_1180 = tpu.matmul %convert_element_type3A_1178, %convert_element_type3A_115, %dot_general3A_1179 {dimension_numbers = #tpu.dot_dimension_numbers<[1], [0], [0], [1], [0, 0, 1, 1], [], []>, transpose_lhs_hint = false} : vector<128x128xf32>, vector<128x128xf32>, vector<128x128xf32> -> vector<128x128xf32>
    %slice3A_1181 = vector.extract_strided_slice %dot_general3A_1180 {offsets = [0, 127], sizes = [128, 1], strides = [1, 1]} : vector<128x128xf32> to vector<128x1xf32>
    %dot_general3A_1182 = arith.constant dense<0.000000e+00> : vector<128x1xf32>
    %dot_general3A_1183 = tpu.matmul %convert_element_type3A_118, %slice3A_1181, %dot_general3A_1182 {dimension_numbers = #tpu.dot_dimension_numbers<[1], [0], [0], [1], [0, 0, 1, 1], [], []>, transpose_lhs_hint = false} : vector<128x128xf32>, vector<128x1xf32>, vector<128x1xf32> -> vector<128x1xf32>
    %add3A_1184 = vector.broadcast %dot_general3A_1183 : vector<128x1xf32> to vector<128x128xf32>
    %add3A_1185 = arith.addf %add3A_1184, %dot_general3A_1180 : vector<128x128xf32>
    %sub3A_1186 = arith.constant 1.000000e+00 : f32
    %sub3A_1187 = vector.broadcast %sub3A_1186 : f32 to vector<128x128xf32>
    %sub3A_1188 = arith.subf %add3A_1185, %sub3A_1187 : vector<128x128xf32>
    %convert_element_type3A_1189 = arith.fptosi %sub3A_1188 : vector<128x128xf32> to vector<128x128xi32>
    %add3A_1190 = vector.broadcast %add3A_1149 : i32 to vector<128x128xi32>
    %add3A_1191 = arith.addi %add3A_1190, %convert_element_type3A_1189 : vector<128x128xi32>
    %jit3A_1192 = arith.constant 0 : i32
    %broadcast_in_dim3A_1193 = vector.broadcast %jit3A_1192 : i32 to vector<128x128xi32>
    %select_n3A_1194 = arith.select %and3A_1153, %add3A_1191, %broadcast_in_dim3A_1193 : vector<128x128xi1>, vector<128x128xi32>
    %add3A_1195 = arith.addi %add3A_1148, %select_n3A_1194 : vector<128x128xi32>
    %add3A_1196 = arith.addi %add3A_1149, %reduce_sum3A_1170 : i32
    %eq3A_1197 = arith.constant 23 : i32
    %eq3A_1198 = vector.broadcast %eq3A_1197 : i32 to vector<128x128xi32>
    %eq3A_1199 = arith.cmpi eq, %add3A_106, %eq3A_1198 : vector<128x128xi32>
    %and3A_1200 = arith.andi %eq3A_1199, %gt3A_112 : vector<128x128xi1>
    %jit3A_1201 = arith.constant 0.000000e+00 : f32
    %broadcast_in_dim3A_1202 = vector.broadcast %jit3A_1201 : f32 to vector<128x128xf32>
    %select_n3A_1203 = arith.select %and3A_1200, %get3A_21, %broadcast_in_dim3A_1202 : vector<128x128xi1>, vector<128x128xf32>
    %reduce_sum3A_1204 = vector.shape_cast %select_n3A_1203 : vector<128x128xf32> to vector<1x128x128xf32>
    %reduce_sum3A_1205 = arith.constant dense<0.000000e+00> : vector<1xf32>
    %reduce_sum3A_1206 = vector.multi_reduction <add>, %reduce_sum3A_1204, %reduce_sum3A_1205 [1, 2] : vector<1x128x128xf32> to vector<1xf32>
    %reduce_sum3A_1207 = vector.shape_cast %reduce_sum3A_1206 : vector<1xf32> to vector<1x1x1xf32>
    %reduce_sum3A_1208 = vector.extract %reduce_sum3A_1207[0, 0, 0] : f32 from vector<1x1x1xf32>
    %swap3A_1209 = arith.index_cast %arg0 : i32 to index
    %swap3A_1210 = arith.constant 23 : index
    %swap3A_1211 = memref.load %arg3[%swap3A_1209, %swap3A_1210] : memref<4x27xf32, #tpu.memory_space<smem>>
    memref.store %reduce_sum3A_1208, %arg3[%swap3A_1209, %swap3A_1210] : memref<4x27xf32, #tpu.memory_space<smem>>
    %convert_element_type3A_1212 = arith.extui %and3A_1200 : vector<128x128xi1> to vector<128x128xi32>
    %reduce_sum3A_1213 = vector.shape_cast %convert_element_type3A_1212 : vector<128x128xi32> to vector<1x128x128xi32>
    %reduce_sum3A_1214 = arith.constant dense<0> : vector<1xi32>
    %reduce_sum3A_1215 = vector.multi_reduction <add>, %reduce_sum3A_1213, %reduce_sum3A_1214 [1, 2] : vector<1x128x128xi32> to vector<1xi32>
    %reduce_sum3A_1216 = vector.shape_cast %reduce_sum3A_1215 : vector<1xi32> to vector<1x1x1xi32>
    %reduce_sum3A_1217 = vector.extract %reduce_sum3A_1216[0, 0, 0] : i32 from vector<1x1x1xi32>
    %swap3A_1218 = arith.index_cast %arg0 : i32 to index
    %swap3A_1219 = arith.constant 23 : index
    %swap3A_1220 = memref.load %arg4[%swap3A_1218, %swap3A_1219] : memref<4x27xi32, #tpu.memory_space<smem>>
    memref.store %reduce_sum3A_1217, %arg4[%swap3A_1218, %swap3A_1219] : memref<4x27xi32, #tpu.memory_space<smem>>
    %swap3A_1221 = arith.index_cast %arg0 : i32 to index
    %swap3A_1222 = arith.constant 23 : index
    %swap3A_1223 = memref.load %arg5[%swap3A_1221, %swap3A_1222] : memref<4x27xi32, #tpu.memory_space<smem>>
    memref.store %add3A_1196, %arg5[%swap3A_1221, %swap3A_1222] : memref<4x27xi32, #tpu.memory_space<smem>>
    %convert_element_type3A_1224 = arith.extui %and3A_1200 : vector<128x128xi1> to vector<128x128xi32>
    %convert_element_type3A_1225 = arith.sitofp %convert_element_type3A_1224 : vector<128x128xi32> to vector<128x128xf32>
    %dot_general3A_1226 = arith.constant dense<0.000000e+00> : vector<128x128xf32>
    %dot_general3A_1227 = tpu.matmul %convert_element_type3A_1225, %convert_element_type3A_115, %dot_general3A_1226 {dimension_numbers = #tpu.dot_dimension_numbers<[1], [0], [0], [1], [0, 0, 1, 1], [], []>, transpose_lhs_hint = false} : vector<128x128xf32>, vector<128x128xf32>, vector<128x128xf32> -> vector<128x128xf32>
    %slice3A_1228 = vector.extract_strided_slice %dot_general3A_1227 {offsets = [0, 127], sizes = [128, 1], strides = [1, 1]} : vector<128x128xf32> to vector<128x1xf32>
    %dot_general3A_1229 = arith.constant dense<0.000000e+00> : vector<128x1xf32>
    %dot_general3A_1230 = tpu.matmul %convert_element_type3A_118, %slice3A_1228, %dot_general3A_1229 {dimension_numbers = #tpu.dot_dimension_numbers<[1], [0], [0], [1], [0, 0, 1, 1], [], []>, transpose_lhs_hint = false} : vector<128x128xf32>, vector<128x1xf32>, vector<128x1xf32> -> vector<128x1xf32>
    %add3A_1231 = vector.broadcast %dot_general3A_1230 : vector<128x1xf32> to vector<128x128xf32>
    %add3A_1232 = arith.addf %add3A_1231, %dot_general3A_1227 : vector<128x128xf32>
    %sub3A_1233 = arith.constant 1.000000e+00 : f32
    %sub3A_1234 = vector.broadcast %sub3A_1233 : f32 to vector<128x128xf32>
    %sub3A_1235 = arith.subf %add3A_1232, %sub3A_1234 : vector<128x128xf32>
    %convert_element_type3A_1236 = arith.fptosi %sub3A_1235 : vector<128x128xf32> to vector<128x128xi32>
    %add3A_1237 = vector.broadcast %add3A_1196 : i32 to vector<128x128xi32>
    %add3A_1238 = arith.addi %add3A_1237, %convert_element_type3A_1236 : vector<128x128xi32>
    %jit3A_1239 = arith.constant 0 : i32
    %broadcast_in_dim3A_1240 = vector.broadcast %jit3A_1239 : i32 to vector<128x128xi32>
    %select_n3A_1241 = arith.select %and3A_1200, %add3A_1238, %broadcast_in_dim3A_1240 : vector<128x128xi1>, vector<128x128xi32>
    %add3A_1242 = arith.addi %add3A_1195, %select_n3A_1241 : vector<128x128xi32>
    %add3A_1243 = arith.addi %add3A_1196, %reduce_sum3A_1217 : i32
    %eq3A_1244 = arith.constant 24 : i32
    %eq3A_1245 = vector.broadcast %eq3A_1244 : i32 to vector<128x128xi32>
    %eq3A_1246 = arith.cmpi eq, %add3A_106, %eq3A_1245 : vector<128x128xi32>
    %and3A_1247 = arith.andi %eq3A_1246, %gt3A_112 : vector<128x128xi1>
    %jit3A_1248 = arith.constant 0.000000e+00 : f32
    %broadcast_in_dim3A_1249 = vector.broadcast %jit3A_1248 : f32 to vector<128x128xf32>
    %select_n3A_1250 = arith.select %and3A_1247, %get3A_21, %broadcast_in_dim3A_1249 : vector<128x128xi1>, vector<128x128xf32>
    %reduce_sum3A_1251 = vector.shape_cast %select_n3A_1250 : vector<128x128xf32> to vector<1x128x128xf32>
    %reduce_sum3A_1252 = arith.constant dense<0.000000e+00> : vector<1xf32>
    %reduce_sum3A_1253 = vector.multi_reduction <add>, %reduce_sum3A_1251, %reduce_sum3A_1252 [1, 2] : vector<1x128x128xf32> to vector<1xf32>
    %reduce_sum3A_1254 = vector.shape_cast %reduce_sum3A_1253 : vector<1xf32> to vector<1x1x1xf32>
    %reduce_sum3A_1255 = vector.extract %reduce_sum3A_1254[0, 0, 0] : f32 from vector<1x1x1xf32>
    %swap3A_1256 = arith.index_cast %arg0 : i32 to index
    %swap3A_1257 = arith.constant 24 : index
    %swap3A_1258 = memref.load %arg3[%swap3A_1256, %swap3A_1257] : memref<4x27xf32, #tpu.memory_space<smem>>
    memref.store %reduce_sum3A_1255, %arg3[%swap3A_1256, %swap3A_1257] : memref<4x27xf32, #tpu.memory_space<smem>>
    %convert_element_type3A_1259 = arith.extui %and3A_1247 : vector<128x128xi1> to vector<128x128xi32>
    %reduce_sum3A_1260 = vector.shape_cast %convert_element_type3A_1259 : vector<128x128xi32> to vector<1x128x128xi32>
    %reduce_sum3A_1261 = arith.constant dense<0> : vector<1xi32>
    %reduce_sum3A_1262 = vector.multi_reduction <add>, %reduce_sum3A_1260, %reduce_sum3A_1261 [1, 2] : vector<1x128x128xi32> to vector<1xi32>
    %reduce_sum3A_1263 = vector.shape_cast %reduce_sum3A_1262 : vector<1xi32> to vector<1x1x1xi32>
    %reduce_sum3A_1264 = vector.extract %reduce_sum3A_1263[0, 0, 0] : i32 from vector<1x1x1xi32>
    %swap3A_1265 = arith.index_cast %arg0 : i32 to index
    %swap3A_1266 = arith.constant 24 : index
    %swap3A_1267 = memref.load %arg4[%swap3A_1265, %swap3A_1266] : memref<4x27xi32, #tpu.memory_space<smem>>
    memref.store %reduce_sum3A_1264, %arg4[%swap3A_1265, %swap3A_1266] : memref<4x27xi32, #tpu.memory_space<smem>>
    %swap3A_1268 = arith.index_cast %arg0 : i32 to index
    %swap3A_1269 = arith.constant 24 : index
    %swap3A_1270 = memref.load %arg5[%swap3A_1268, %swap3A_1269] : memref<4x27xi32, #tpu.memory_space<smem>>
    memref.store %add3A_1243, %arg5[%swap3A_1268, %swap3A_1269] : memref<4x27xi32, #tpu.memory_space<smem>>
    %convert_element_type3A_1271 = arith.extui %and3A_1247 : vector<128x128xi1> to vector<128x128xi32>
    %convert_element_type3A_1272 = arith.sitofp %convert_element_type3A_1271 : vector<128x128xi32> to vector<128x128xf32>
    %dot_general3A_1273 = arith.constant dense<0.000000e+00> : vector<128x128xf32>
    %dot_general3A_1274 = tpu.matmul %convert_element_type3A_1272, %convert_element_type3A_115, %dot_general3A_1273 {dimension_numbers = #tpu.dot_dimension_numbers<[1], [0], [0], [1], [0, 0, 1, 1], [], []>, transpose_lhs_hint = false} : vector<128x128xf32>, vector<128x128xf32>, vector<128x128xf32> -> vector<128x128xf32>
    %slice3A_1275 = vector.extract_strided_slice %dot_general3A_1274 {offsets = [0, 127], sizes = [128, 1], strides = [1, 1]} : vector<128x128xf32> to vector<128x1xf32>
    %dot_general3A_1276 = arith.constant dense<0.000000e+00> : vector<128x1xf32>
    %dot_general3A_1277 = tpu.matmul %convert_element_type3A_118, %slice3A_1275, %dot_general3A_1276 {dimension_numbers = #tpu.dot_dimension_numbers<[1], [0], [0], [1], [0, 0, 1, 1], [], []>, transpose_lhs_hint = false} : vector<128x128xf32>, vector<128x1xf32>, vector<128x1xf32> -> vector<128x1xf32>
    %add3A_1278 = vector.broadcast %dot_general3A_1277 : vector<128x1xf32> to vector<128x128xf32>
    %add3A_1279 = arith.addf %add3A_1278, %dot_general3A_1274 : vector<128x128xf32>
    %sub3A_1280 = arith.constant 1.000000e+00 : f32
    %sub3A_1281 = vector.broadcast %sub3A_1280 : f32 to vector<128x128xf32>
    %sub3A_1282 = arith.subf %add3A_1279, %sub3A_1281 : vector<128x128xf32>
    %convert_element_type3A_1283 = arith.fptosi %sub3A_1282 : vector<128x128xf32> to vector<128x128xi32>
    %add3A_1284 = vector.broadcast %add3A_1243 : i32 to vector<128x128xi32>
    %add3A_1285 = arith.addi %add3A_1284, %convert_element_type3A_1283 : vector<128x128xi32>
    %jit3A_1286 = arith.constant 0 : i32
    %broadcast_in_dim3A_1287 = vector.broadcast %jit3A_1286 : i32 to vector<128x128xi32>
    %select_n3A_1288 = arith.select %and3A_1247, %add3A_1285, %broadcast_in_dim3A_1287 : vector<128x128xi1>, vector<128x128xi32>
    %add3A_1289 = arith.addi %add3A_1242, %select_n3A_1288 : vector<128x128xi32>
    %add3A_1290 = arith.addi %add3A_1243, %reduce_sum3A_1264 : i32
    %eq3A_1291 = arith.constant 25 : i32
    %eq3A_1292 = vector.broadcast %eq3A_1291 : i32 to vector<128x128xi32>
    %eq3A_1293 = arith.cmpi eq, %add3A_106, %eq3A_1292 : vector<128x128xi32>
    %and3A_1294 = arith.andi %eq3A_1293, %gt3A_112 : vector<128x128xi1>
    %jit3A_1295 = arith.constant 0.000000e+00 : f32
    %broadcast_in_dim3A_1296 = vector.broadcast %jit3A_1295 : f32 to vector<128x128xf32>
    %select_n3A_1297 = arith.select %and3A_1294, %get3A_21, %broadcast_in_dim3A_1296 : vector<128x128xi1>, vector<128x128xf32>
    %reduce_sum3A_1298 = vector.shape_cast %select_n3A_1297 : vector<128x128xf32> to vector<1x128x128xf32>
    %reduce_sum3A_1299 = arith.constant dense<0.000000e+00> : vector<1xf32>
    %reduce_sum3A_1300 = vector.multi_reduction <add>, %reduce_sum3A_1298, %reduce_sum3A_1299 [1, 2] : vector<1x128x128xf32> to vector<1xf32>
    %reduce_sum3A_1301 = vector.shape_cast %reduce_sum3A_1300 : vector<1xf32> to vector<1x1x1xf32>
    %reduce_sum3A_1302 = vector.extract %reduce_sum3A_1301[0, 0, 0] : f32 from vector<1x1x1xf32>
    %swap3A_1303 = arith.index_cast %arg0 : i32 to index
    %swap3A_1304 = arith.constant 25 : index
    %swap3A_1305 = memref.load %arg3[%swap3A_1303, %swap3A_1304] : memref<4x27xf32, #tpu.memory_space<smem>>
    memref.store %reduce_sum3A_1302, %arg3[%swap3A_1303, %swap3A_1304] : memref<4x27xf32, #tpu.memory_space<smem>>
    %convert_element_type3A_1306 = arith.extui %and3A_1294 : vector<128x128xi1> to vector<128x128xi32>
    %reduce_sum3A_1307 = vector.shape_cast %convert_element_type3A_1306 : vector<128x128xi32> to vector<1x128x128xi32>
    %reduce_sum3A_1308 = arith.constant dense<0> : vector<1xi32>
    %reduce_sum3A_1309 = vector.multi_reduction <add>, %reduce_sum3A_1307, %reduce_sum3A_1308 [1, 2] : vector<1x128x128xi32> to vector<1xi32>
    %reduce_sum3A_1310 = vector.shape_cast %reduce_sum3A_1309 : vector<1xi32> to vector<1x1x1xi32>
    %reduce_sum3A_1311 = vector.extract %reduce_sum3A_1310[0, 0, 0] : i32 from vector<1x1x1xi32>
    %swap3A_1312 = arith.index_cast %arg0 : i32 to index
    %swap3A_1313 = arith.constant 25 : index
    %swap3A_1314 = memref.load %arg4[%swap3A_1312, %swap3A_1313] : memref<4x27xi32, #tpu.memory_space<smem>>
    memref.store %reduce_sum3A_1311, %arg4[%swap3A_1312, %swap3A_1313] : memref<4x27xi32, #tpu.memory_space<smem>>
    %swap3A_1315 = arith.index_cast %arg0 : i32 to index
    %swap3A_1316 = arith.constant 25 : index
    %swap3A_1317 = memref.load %arg5[%swap3A_1315, %swap3A_1316] : memref<4x27xi32, #tpu.memory_space<smem>>
    memref.store %add3A_1290, %arg5[%swap3A_1315, %swap3A_1316] : memref<4x27xi32, #tpu.memory_space<smem>>
    %convert_element_type3A_1318 = arith.extui %and3A_1294 : vector<128x128xi1> to vector<128x128xi32>
    %convert_element_type3A_1319 = arith.sitofp %convert_element_type3A_1318 : vector<128x128xi32> to vector<128x128xf32>
    %dot_general3A_1320 = arith.constant dense<0.000000e+00> : vector<128x128xf32>
    %dot_general3A_1321 = tpu.matmul %convert_element_type3A_1319, %convert_element_type3A_115, %dot_general3A_1320 {dimension_numbers = #tpu.dot_dimension_numbers<[1], [0], [0], [1], [0, 0, 1, 1], [], []>, transpose_lhs_hint = false} : vector<128x128xf32>, vector<128x128xf32>, vector<128x128xf32> -> vector<128x128xf32>
    %slice3A_1322 = vector.extract_strided_slice %dot_general3A_1321 {offsets = [0, 127], sizes = [128, 1], strides = [1, 1]} : vector<128x128xf32> to vector<128x1xf32>
    %dot_general3A_1323 = arith.constant dense<0.000000e+00> : vector<128x1xf32>
    %dot_general3A_1324 = tpu.matmul %convert_element_type3A_118, %slice3A_1322, %dot_general3A_1323 {dimension_numbers = #tpu.dot_dimension_numbers<[1], [0], [0], [1], [0, 0, 1, 1], [], []>, transpose_lhs_hint = false} : vector<128x128xf32>, vector<128x1xf32>, vector<128x1xf32> -> vector<128x1xf32>
    %add3A_1325 = vector.broadcast %dot_general3A_1324 : vector<128x1xf32> to vector<128x128xf32>
    %add3A_1326 = arith.addf %add3A_1325, %dot_general3A_1321 : vector<128x128xf32>
    %sub3A_1327 = arith.constant 1.000000e+00 : f32
    %sub3A_1328 = vector.broadcast %sub3A_1327 : f32 to vector<128x128xf32>
    %sub3A_1329 = arith.subf %add3A_1326, %sub3A_1328 : vector<128x128xf32>
    %convert_element_type3A_1330 = arith.fptosi %sub3A_1329 : vector<128x128xf32> to vector<128x128xi32>
    %add3A_1331 = vector.broadcast %add3A_1290 : i32 to vector<128x128xi32>
    %add3A_1332 = arith.addi %add3A_1331, %convert_element_type3A_1330 : vector<128x128xi32>
    %jit3A_1333 = arith.constant 0 : i32
    %broadcast_in_dim3A_1334 = vector.broadcast %jit3A_1333 : i32 to vector<128x128xi32>
    %select_n3A_1335 = arith.select %and3A_1294, %add3A_1332, %broadcast_in_dim3A_1334 : vector<128x128xi1>, vector<128x128xi32>
    %add3A_1336 = arith.addi %add3A_1289, %select_n3A_1335 : vector<128x128xi32>
    %add3A_1337 = arith.addi %add3A_1290, %reduce_sum3A_1311 : i32
    %eq3A_1338 = arith.constant 26 : i32
    %eq3A_1339 = vector.broadcast %eq3A_1338 : i32 to vector<128x128xi32>
    %eq3A_1340 = arith.cmpi eq, %add3A_106, %eq3A_1339 : vector<128x128xi32>
    %and3A_1341 = arith.andi %eq3A_1340, %gt3A_112 : vector<128x128xi1>
    %jit3A_1342 = arith.constant 0.000000e+00 : f32
    %broadcast_in_dim3A_1343 = vector.broadcast %jit3A_1342 : f32 to vector<128x128xf32>
    %select_n3A_1344 = arith.select %and3A_1341, %get3A_21, %broadcast_in_dim3A_1343 : vector<128x128xi1>, vector<128x128xf32>
    %reduce_sum3A_1345 = vector.shape_cast %select_n3A_1344 : vector<128x128xf32> to vector<1x128x128xf32>
    %reduce_sum3A_1346 = arith.constant dense<0.000000e+00> : vector<1xf32>
    %reduce_sum3A_1347 = vector.multi_reduction <add>, %reduce_sum3A_1345, %reduce_sum3A_1346 [1, 2] : vector<1x128x128xf32> to vector<1xf32>
    %reduce_sum3A_1348 = vector.shape_cast %reduce_sum3A_1347 : vector<1xf32> to vector<1x1x1xf32>
    %reduce_sum3A_1349 = vector.extract %reduce_sum3A_1348[0, 0, 0] : f32 from vector<1x1x1xf32>
    %swap3A_1350 = arith.index_cast %arg0 : i32 to index
    %swap3A_1351 = arith.constant 26 : index
    %swap3A_1352 = memref.load %arg3[%swap3A_1350, %swap3A_1351] : memref<4x27xf32, #tpu.memory_space<smem>>
    memref.store %reduce_sum3A_1349, %arg3[%swap3A_1350, %swap3A_1351] : memref<4x27xf32, #tpu.memory_space<smem>>
    %convert_element_type3A_1353 = arith.extui %and3A_1341 : vector<128x128xi1> to vector<128x128xi32>
    %reduce_sum3A_1354 = vector.shape_cast %convert_element_type3A_1353 : vector<128x128xi32> to vector<1x128x128xi32>
    %reduce_sum3A_1355 = arith.constant dense<0> : vector<1xi32>
    %reduce_sum3A_1356 = vector.multi_reduction <add>, %reduce_sum3A_1354, %reduce_sum3A_1355 [1, 2] : vector<1x128x128xi32> to vector<1xi32>
    %reduce_sum3A_1357 = vector.shape_cast %reduce_sum3A_1356 : vector<1xi32> to vector<1x1x1xi32>
    %reduce_sum3A_1358 = vector.extract %reduce_sum3A_1357[0, 0, 0] : i32 from vector<1x1x1xi32>
    %swap3A_1359 = arith.index_cast %arg0 : i32 to index
    %swap3A_1360 = arith.constant 26 : index
    %swap3A_1361 = memref.load %arg4[%swap3A_1359, %swap3A_1360] : memref<4x27xi32, #tpu.memory_space<smem>>
    memref.store %reduce_sum3A_1358, %arg4[%swap3A_1359, %swap3A_1360] : memref<4x27xi32, #tpu.memory_space<smem>>
    %swap3A_1362 = arith.index_cast %arg0 : i32 to index
    %swap3A_1363 = arith.constant 26 : index
    %swap3A_1364 = memref.load %arg5[%swap3A_1362, %swap3A_1363] : memref<4x27xi32, #tpu.memory_space<smem>>
    memref.store %add3A_1337, %arg5[%swap3A_1362, %swap3A_1363] : memref<4x27xi32, #tpu.memory_space<smem>>
    %convert_element_type3A_1365 = arith.extui %and3A_1341 : vector<128x128xi1> to vector<128x128xi32>
    %convert_element_type3A_1366 = arith.sitofp %convert_element_type3A_1365 : vector<128x128xi32> to vector<128x128xf32>
    %dot_general3A_1367 = arith.constant dense<0.000000e+00> : vector<128x128xf32>
    %dot_general3A_1368 = tpu.matmul %convert_element_type3A_1366, %convert_element_type3A_115, %dot_general3A_1367 {dimension_numbers = #tpu.dot_dimension_numbers<[1], [0], [0], [1], [0, 0, 1, 1], [], []>, transpose_lhs_hint = false} : vector<128x128xf32>, vector<128x128xf32>, vector<128x128xf32> -> vector<128x128xf32>
    %slice3A_1369 = vector.extract_strided_slice %dot_general3A_1368 {offsets = [0, 127], sizes = [128, 1], strides = [1, 1]} : vector<128x128xf32> to vector<128x1xf32>
    %dot_general3A_1370 = arith.constant dense<0.000000e+00> : vector<128x1xf32>
    %dot_general3A_1371 = tpu.matmul %convert_element_type3A_118, %slice3A_1369, %dot_general3A_1370 {dimension_numbers = #tpu.dot_dimension_numbers<[1], [0], [0], [1], [0, 0, 1, 1], [], []>, transpose_lhs_hint = false} : vector<128x128xf32>, vector<128x1xf32>, vector<128x1xf32> -> vector<128x1xf32>
    %add3A_1372 = vector.broadcast %dot_general3A_1371 : vector<128x1xf32> to vector<128x128xf32>
    %add3A_1373 = arith.addf %add3A_1372, %dot_general3A_1368 : vector<128x128xf32>
    %sub3A_1374 = arith.constant 1.000000e+00 : f32
    %sub3A_1375 = vector.broadcast %sub3A_1374 : f32 to vector<128x128xf32>
    %sub3A_1376 = arith.subf %add3A_1373, %sub3A_1375 : vector<128x128xf32>
    %convert_element_type3A_1377 = arith.fptosi %sub3A_1376 : vector<128x128xf32> to vector<128x128xi32>
    %add3A_1378 = vector.broadcast %add3A_1337 : i32 to vector<128x128xi32>
    %add3A_1379 = arith.addi %add3A_1378, %convert_element_type3A_1377 : vector<128x128xi32>
    %jit3A_1380 = arith.constant 0 : i32
    %broadcast_in_dim3A_1381 = vector.broadcast %jit3A_1380 : i32 to vector<128x128xi32>
    %select_n3A_1382 = arith.select %and3A_1341, %add3A_1379, %broadcast_in_dim3A_1381 : vector<128x128xi1>, vector<128x128xi32>
    %add3A_1383 = arith.addi %add3A_1336, %select_n3A_1382 : vector<128x128xi32>
    %add3A_1384 = arith.addi %add3A_1337, %reduce_sum3A_1358 : i32
    %not3A = arith.constant dense<true> : vector<128x128xi1>
    %not3A_1385 = arith.xori %gt3A_112, %not3A : vector<128x128xi1>
    %convert_element_type3A_1386 = arith.extui %not3A_1385 : vector<128x128xi1> to vector<128x128xi32>
    %convert_element_type3A_1387 = arith.sitofp %convert_element_type3A_1386 : vector<128x128xi32> to vector<128x128xf32>
    %dot_general3A_1388 = arith.constant dense<0.000000e+00> : vector<128x128xf32>
    %dot_general3A_1389 = tpu.matmul %convert_element_type3A_1387, %convert_element_type3A_115, %dot_general3A_1388 {dimension_numbers = #tpu.dot_dimension_numbers<[1], [0], [0], [1], [0, 0, 1, 1], [], []>, transpose_lhs_hint = false} : vector<128x128xf32>, vector<128x128xf32>, vector<128x128xf32> -> vector<128x128xf32>
    %slice3A_1390 = vector.extract_strided_slice %dot_general3A_1389 {offsets = [0, 127], sizes = [128, 1], strides = [1, 1]} : vector<128x128xf32> to vector<128x1xf32>
    %dot_general3A_1391 = arith.constant dense<0.000000e+00> : vector<128x1xf32>
    %dot_general3A_1392 = tpu.matmul %convert_element_type3A_118, %slice3A_1390, %dot_general3A_1391 {dimension_numbers = #tpu.dot_dimension_numbers<[1], [0], [0], [1], [0, 0, 1, 1], [], []>, transpose_lhs_hint = false} : vector<128x128xf32>, vector<128x1xf32>, vector<128x1xf32> -> vector<128x1xf32>
    %add3A_1393 = vector.broadcast %dot_general3A_1392 : vector<128x1xf32> to vector<128x128xf32>
    %add3A_1394 = arith.addf %add3A_1393, %dot_general3A_1389 : vector<128x128xf32>
    %sub3A_1395 = arith.constant 1.000000e+00 : f32
    %sub3A_1396 = vector.broadcast %sub3A_1395 : f32 to vector<128x128xf32>
    %sub3A_1397 = arith.subf %add3A_1394, %sub3A_1396 : vector<128x128xf32>
    %convert_element_type3A_1398 = arith.fptosi %sub3A_1397 : vector<128x128xf32> to vector<128x128xi32>
    %add3A_1399 = vector.broadcast %add3A_1384 : i32 to vector<128x128xi32>
    %add3A_1400 = arith.addi %add3A_1399, %convert_element_type3A_1398 : vector<128x128xi32>
    %jit3A_1401 = arith.constant 0 : i32
    %broadcast_in_dim3A_1402 = vector.broadcast %jit3A_1401 : i32 to vector<128x128xi32>
    %select_n3A_1403 = arith.select %not3A_1385, %add3A_1400, %broadcast_in_dim3A_1402 : vector<128x128xi1>, vector<128x128xi32>
    %add3A_1404 = arith.addi %add3A_1383, %select_n3A_1403 : vector<128x128xi32>
    %swap3A_1405 = arith.constant 0 : index
    %swap3A_1406 = arith.constant 0 : index
    %swap3A_1407 = arith.constant 0 : index
    %swap3A_1408 = vector.load %arg6[%swap3A_1405, %swap3A_1406, %swap3A_1407] : memref<1x128x128xi32, #tpu.memory_space<vmem>>, vector<1x128x128xi32>
    %swap3A_1409 = vector.shape_cast %swap3A_1408 : vector<1x128x128xi32> to vector<128x128xi32>
    %swap3A_1410 = vector.shape_cast %add3A_1404 : vector<128x128xi32> to vector<1x128x128xi32>
    tpu.vector_store %arg6[%swap3A_1405, %swap3A_1406, %swap3A_1407], %swap3A_1410 {strides = array<i32>} : memref<1x128x128xi32, #tpu.memory_space<vmem>>, vector<1x128x128xi32>,
    return
  }
  func.func @transform_0(%arg0: i32) -> (i32, i32, i32, i32) {
    %c0_i32 = arith.constant 0 : i32
    %c0_i32_0 = arith.constant 0 : i32
    %c0_i32_1 = arith.constant 0 : i32
    %c0_i32_2 = arith.constant 0 : i32
    return %arg0, %c0_i32, %c0_i32_0, %c0_i32_1 : i32, i32, i32, i32
  }
  func.func @transform_1(%arg0: i32) -> (i32, i32, i32) {
    %c0_i32 = arith.constant 0 : i32
    %c0_i32_0 = arith.constant 0 : i32
    %c0_i32_1 = arith.constant 0 : i32
    return %arg0, %c0_i32, %c0_i32_0 : i32, i32, i32
  }
  func.func @transform_2(%arg0: i32) -> (i32, i32) {
    %c0_i32 = arith.constant 0 : i32
    %c0_i32_0 = arith.constant 0 : i32
    %c0_i32_1 = arith.constant 0 : i32
    return %c0_i32, %c0_i32_0 : i32, i32
  }
  func.func @transform_3(%arg0: i32) -> (i32, i32) {
    %c0_i32 = arith.constant 0 : i32
    %c0_i32_0 = arith.constant 0 : i32
    %c0_i32_1 = arith.constant 0 : i32
    return %c0_i32, %c0_i32_0 : i32, i32
  }
  func.func @transform_4(%arg0: i32) -> (i32, i32) {
    %c0_i32 = arith.constant 0 : i32
    %c0_i32_0 = arith.constant 0 : i32
    %c0_i32_1 = arith.constant 0 : i32
    return %c0_i32, %c0_i32_0 : i32, i32
  }
  func.func @transform_5(%arg0: i32) -> (i32, i32, i32) {
    %c0_i32 = arith.constant 0 : i32
    %c0_i32_0 = arith.constant 0 : i32
    %c0_i32_1 = arith.constant 0 : i32
    return %arg0, %c0_i32, %c0_i32_0 : i32, i32, i32
  }
}

module attributes {stable_mosaic.version = 14 : i64} {
  func.func @_select_body(%arg0: i32, %arg1: memref<1x3x128x128xf32, #tpu.memory_space<vmem>>, %arg2: memref<1x3x16384xf32, #tpu.memory_space<smem>>, %arg3: memref<1x1x16384xi32, #tpu.memory_space<smem>>, %arg4: memref<4x27xi32, #tpu.memory_space<smem>>, %arg5: memref<4x27xi32, #tpu.memory_space<smem>>, %arg6: memref<4x27xi32, #tpu.memory_space<smem>>, %arg7: memref<4x27xi32, #tpu.memory_space<smem>>, %arg8: memref<4x1024xi32, #tpu.memory_space<smem>>, %arg9: memref<4x3x1024xf32, #tpu.memory_space<smem>>, %arg10: memref<128x128xf32, #tpu.memory_space<vmem>>) attributes {dimension_semantics = [#tpu.dimension_semantics<arbitrary>], iteration_bounds = array<i64: 4>, scalar_prefetch = 0 : i64, scratch_operands = 1 : i64, tpu.core_type = #tpu.core_type<tc>, window_params = [{transform_indices = @transform_0, window_bounds = array<i64: 1, 3, 128, 128>}, {transform_indices = @transform_1, window_bounds = array<i64: 1, 3, 16384>}, {transform_indices = @transform_2, window_bounds = array<i64: 1, 1, 16384>}, {transform_indices = @transform_3, window_bounds = array<i64: 4, 27>}, {transform_indices = @transform_4, window_bounds = array<i64: 4, 27>}, {transform_indices = @transform_5, window_bounds = array<i64: 4, 27>}, {transform_indices = @transform_6, window_bounds = array<i64: 4, 27>}, {transform_indices = @transform_7, window_bounds = array<i64: 4, 1024>}, {transform_indices = @transform_8, window_bounds = array<i64: 4, 3, 1024>}]} {
    %iota3A = tpu.iota {dimensions = array<i32: 0>} : vector<8x128xi32>
    %mul3A = arith.constant 128 : i32
    %mul3A_0 = vector.broadcast %mul3A : i32 to vector<8x128xi32>
    %mul3A_1 = arith.muli %iota3A, %mul3A_0 : vector<8x128xi32>
    %iota3A_2 = tpu.iota {dimensions = array<i32: 1>} : vector<8x128xi32>
    %add3A = arith.addi %mul3A_1, %iota3A_2 : vector<8x128xi32>
    %scan3A = arith.constant 0xFF800000 : f32
    %scan3A_3 = arith.constant 0 : i32
    %scan3A_4 = arith.constant 0 : i32
    %scan3A_5 = arith.constant 27 : i32
    %scan3A_6 = arith.addi %scan3A_4, %scan3A_5 : i32
    %scan3A_7 = arith.constant 1 : i32
    %scan3A_8 = scf.for %scan3A_10 = %scan3A_4 to %scan3A_6 step %scan3A_7 iter_args(%scan3A_11 = %scan3A_3) -> (i32)  : i32 {
      %get3A = arith.index_cast %arg0 : i32 to index
      %get3A_12 = arith.index_cast %scan3A_10 : i32 to index
      %get3A_13 = memref.load %arg4[%get3A, %get3A_12] : memref<4x27xi32, #tpu.memory_space<smem>>
      %get3A_14 = arith.index_cast %arg0 : i32 to index
      %get3A_15 = arith.index_cast %scan3A_10 : i32 to index
      %get3A_16 = memref.load %arg5[%get3A_14, %get3A_15] : memref<4x27xi32, #tpu.memory_space<smem>>
      %get3A_17 = arith.index_cast %arg0 : i32 to index
      %get3A_18 = arith.index_cast %scan3A_10 : i32 to index
      %get3A_19 = memref.load %arg6[%get3A_17, %get3A_18] : memref<4x27xi32, #tpu.memory_space<smem>>
      %get3A_20 = arith.index_cast %arg0 : i32 to index
      %get3A_21 = arith.index_cast %scan3A_10 : i32 to index
      %get3A_22 = memref.load %arg7[%get3A_20, %get3A_21] : memref<4x27xi32, #tpu.memory_space<smem>>
      %gt3A = arith.constant 0 : i32
      %gt3A_23 = arith.cmpi sgt, %get3A_22, %gt3A : i32
      %sub3A = arith.constant 1024 : i32
      %sub3A_24 = arith.subi %sub3A, %scan3A_11 : i32
      %min3A = arith.minsi %get3A_19, %sub3A_24 : i32
      %convert_element_type3A = arith.extui %gt3A_23 : i1 to i32
      %cond3A = arith.constant 0 : i32
      %cond3A_25 = arith.cmpi ne, %convert_element_type3A, %cond3A : i32
      %cond3A_26 = scf.if %cond3A_25 -> (i32) {
        %add3A_27 = arith.addi %get3A_13, %get3A_16 : i32
        %add3A_28 = arith.constant 0 : i32
        %add3A_29 = vector.broadcast %add3A_28 : i32 to vector<8x128xi32>
        %add3A_30 = arith.addi %add3A_29, %add3A : vector<8x128xi32>
        %ge3A = vector.broadcast %get3A_13 : i32 to vector<8x128xi32>
        %ge3A_31 = arith.cmpi sge, %add3A_30, %ge3A : vector<8x128xi32>
        %lt3A = vector.broadcast %add3A_27 : i32 to vector<8x128xi32>
        %lt3A_32 = arith.cmpi slt, %add3A_30, %lt3A : vector<8x128xi32>
        %and3A = arith.andi %ge3A_31, %lt3A_32 : vector<8x128xi1>
        %jit3A = arith.constant 1.000000e+10 : f32
        %broadcast_in_dim3A = vector.broadcast %jit3A : f32 to vector<8x128xf32>
        %broadcast_in_dim3A_33 = vector.broadcast %scan3A : f32 to vector<8x128xf32>
        %select_n3A = arith.select %and3A, %broadcast_in_dim3A, %broadcast_in_dim3A_33 : vector<8x128xi1>, vector<8x128xf32>
        %swap3A = arith.constant 0 : index
        %swap3A_34 = arith.constant 0 : index
        %swap3A_35 = vector.load %arg10[%swap3A, %swap3A_34] : memref<128x128xf32, #tpu.memory_space<vmem>>, vector<8x128xf32>
        tpu.vector_store %arg10[%swap3A, %swap3A_34], %select_n3A {strides = array<i32>} : memref<128x128xf32, #tpu.memory_space<vmem>>, vector<8x128xf32>,
        %add3A_36 = arith.constant 1024 : i32
        %add3A_37 = vector.broadcast %add3A_36 : i32 to vector<8x128xi32>
        %add3A_38 = arith.addi %add3A_37, %add3A : vector<8x128xi32>
        %ge3A_39 = vector.broadcast %get3A_13 : i32 to vector<8x128xi32>
        %ge3A_40 = arith.cmpi sge, %add3A_38, %ge3A_39 : vector<8x128xi32>
        %lt3A_41 = vector.broadcast %add3A_27 : i32 to vector<8x128xi32>
        %lt3A_42 = arith.cmpi slt, %add3A_38, %lt3A_41 : vector<8x128xi32>
        %and3A_43 = arith.andi %ge3A_40, %lt3A_42 : vector<8x128xi1>
        %jit3A_44 = arith.constant 1.000000e+10 : f32
        %broadcast_in_dim3A_45 = vector.broadcast %jit3A_44 : f32 to vector<8x128xf32>
        %broadcast_in_dim3A_46 = vector.broadcast %scan3A : f32 to vector<8x128xf32>
        %select_n3A_47 = arith.select %and3A_43, %broadcast_in_dim3A_45, %broadcast_in_dim3A_46 : vector<8x128xi1>, vector<8x128xf32>
        %swap3A_48 = arith.constant 8 : index
        %swap3A_49 = arith.constant 0 : index
        %swap3A_50 = vector.load %arg10[%swap3A_48, %swap3A_49] : memref<128x128xf32, #tpu.memory_space<vmem>>, vector<8x128xf32>
        tpu.vector_store %arg10[%swap3A_48, %swap3A_49], %select_n3A_47 {strides = array<i32>} : memref<128x128xf32, #tpu.memory_space<vmem>>, vector<8x128xf32>,
        %add3A_51 = arith.constant 2048 : i32
        %add3A_52 = vector.broadcast %add3A_51 : i32 to vector<8x128xi32>
        %add3A_53 = arith.addi %add3A_52, %add3A : vector<8x128xi32>
        %ge3A_54 = vector.broadcast %get3A_13 : i32 to vector<8x128xi32>
        %ge3A_55 = arith.cmpi sge, %add3A_53, %ge3A_54 : vector<8x128xi32>
        %lt3A_56 = vector.broadcast %add3A_27 : i32 to vector<8x128xi32>
        %lt3A_57 = arith.cmpi slt, %add3A_53, %lt3A_56 : vector<8x128xi32>
        %and3A_58 = arith.andi %ge3A_55, %lt3A_57 : vector<8x128xi1>
        %jit3A_59 = arith.constant 1.000000e+10 : f32
        %broadcast_in_dim3A_60 = vector.broadcast %jit3A_59 : f32 to vector<8x128xf32>
        %broadcast_in_dim3A_61 = vector.broadcast %scan3A : f32 to vector<8x128xf32>
        %select_n3A_62 = arith.select %and3A_58, %broadcast_in_dim3A_60, %broadcast_in_dim3A_61 : vector<8x128xi1>, vector<8x128xf32>
        %swap3A_63 = arith.constant 16 : index
        %swap3A_64 = arith.constant 0 : index
        %swap3A_65 = vector.load %arg10[%swap3A_63, %swap3A_64] : memref<128x128xf32, #tpu.memory_space<vmem>>, vector<8x128xf32>
        tpu.vector_store %arg10[%swap3A_63, %swap3A_64], %select_n3A_62 {strides = array<i32>} : memref<128x128xf32, #tpu.memory_space<vmem>>, vector<8x128xf32>,
        %add3A_66 = arith.constant 3072 : i32
        %add3A_67 = vector.broadcast %add3A_66 : i32 to vector<8x128xi32>
        %add3A_68 = arith.addi %add3A_67, %add3A : vector<8x128xi32>
        %ge3A_69 = vector.broadcast %get3A_13 : i32 to vector<8x128xi32>
        %ge3A_70 = arith.cmpi sge, %add3A_68, %ge3A_69 : vector<8x128xi32>
        %lt3A_71 = vector.broadcast %add3A_27 : i32 to vector<8x128xi32>
        %lt3A_72 = arith.cmpi slt, %add3A_68, %lt3A_71 : vector<8x128xi32>
        %and3A_73 = arith.andi %ge3A_70, %lt3A_72 : vector<8x128xi1>
        %jit3A_74 = arith.constant 1.000000e+10 : f32
        %broadcast_in_dim3A_75 = vector.broadcast %jit3A_74 : f32 to vector<8x128xf32>
        %broadcast_in_dim3A_76 = vector.broadcast %scan3A : f32 to vector<8x128xf32>
        %select_n3A_77 = arith.select %and3A_73, %broadcast_in_dim3A_75, %broadcast_in_dim3A_76 : vector<8x128xi1>, vector<8x128xf32>
        %swap3A_78 = arith.constant 24 : index
        %swap3A_79 = arith.constant 0 : index
        %swap3A_80 = vector.load %arg10[%swap3A_78, %swap3A_79] : memref<128x128xf32, #tpu.memory_space<vmem>>, vector<8x128xf32>
        tpu.vector_store %arg10[%swap3A_78, %swap3A_79], %select_n3A_77 {strides = array<i32>} : memref<128x128xf32, #tpu.memory_space<vmem>>, vector<8x128xf32>,
        %add3A_81 = arith.constant 4096 : i32
        %add3A_82 = vector.broadcast %add3A_81 : i32 to vector<8x128xi32>
        %add3A_83 = arith.addi %add3A_82, %add3A : vector<8x128xi32>
        %ge3A_84 = vector.broadcast %get3A_13 : i32 to vector<8x128xi32>
        %ge3A_85 = arith.cmpi sge, %add3A_83, %ge3A_84 : vector<8x128xi32>
        %lt3A_86 = vector.broadcast %add3A_27 : i32 to vector<8x128xi32>
        %lt3A_87 = arith.cmpi slt, %add3A_83, %lt3A_86 : vector<8x128xi32>
        %and3A_88 = arith.andi %ge3A_85, %lt3A_87 : vector<8x128xi1>
        %jit3A_89 = arith.constant 1.000000e+10 : f32
        %broadcast_in_dim3A_90 = vector.broadcast %jit3A_89 : f32 to vector<8x128xf32>
        %broadcast_in_dim3A_91 = vector.broadcast %scan3A : f32 to vector<8x128xf32>
        %select_n3A_92 = arith.select %and3A_88, %broadcast_in_dim3A_90, %broadcast_in_dim3A_91 : vector<8x128xi1>, vector<8x128xf32>
        %swap3A_93 = arith.constant 32 : index
        %swap3A_94 = arith.constant 0 : index
        %swap3A_95 = vector.load %arg10[%swap3A_93, %swap3A_94] : memref<128x128xf32, #tpu.memory_space<vmem>>, vector<8x128xf32>
        tpu.vector_store %arg10[%swap3A_93, %swap3A_94], %select_n3A_92 {strides = array<i32>} : memref<128x128xf32, #tpu.memory_space<vmem>>, vector<8x128xf32>,
        %add3A_96 = arith.constant 5120 : i32
        %add3A_97 = vector.broadcast %add3A_96 : i32 to vector<8x128xi32>
        %add3A_98 = arith.addi %add3A_97, %add3A : vector<8x128xi32>
        %ge3A_99 = vector.broadcast %get3A_13 : i32 to vector<8x128xi32>
        %ge3A_100 = arith.cmpi sge, %add3A_98, %ge3A_99 : vector<8x128xi32>
        %lt3A_101 = vector.broadcast %add3A_27 : i32 to vector<8x128xi32>
        %lt3A_102 = arith.cmpi slt, %add3A_98, %lt3A_101 : vector<8x128xi32>
        %and3A_103 = arith.andi %ge3A_100, %lt3A_102 : vector<8x128xi1>
        %jit3A_104 = arith.constant 1.000000e+10 : f32
        %broadcast_in_dim3A_105 = vector.broadcast %jit3A_104 : f32 to vector<8x128xf32>
        %broadcast_in_dim3A_106 = vector.broadcast %scan3A : f32 to vector<8x128xf32>
        %select_n3A_107 = arith.select %and3A_103, %broadcast_in_dim3A_105, %broadcast_in_dim3A_106 : vector<8x128xi1>, vector<8x128xf32>
        %swap3A_108 = arith.constant 40 : index
        %swap3A_109 = arith.constant 0 : index
        %swap3A_110 = vector.load %arg10[%swap3A_108, %swap3A_109] : memref<128x128xf32, #tpu.memory_space<vmem>>, vector<8x128xf32>
        tpu.vector_store %arg10[%swap3A_108, %swap3A_109], %select_n3A_107 {strides = array<i32>} : memref<128x128xf32, #tpu.memory_space<vmem>>, vector<8x128xf32>,
        %add3A_111 = arith.constant 6144 : i32
        %add3A_112 = vector.broadcast %add3A_111 : i32 to vector<8x128xi32>
        %add3A_113 = arith.addi %add3A_112, %add3A : vector<8x128xi32>
        %ge3A_114 = vector.broadcast %get3A_13 : i32 to vector<8x128xi32>
        %ge3A_115 = arith.cmpi sge, %add3A_113, %ge3A_114 : vector<8x128xi32>
        %lt3A_116 = vector.broadcast %add3A_27 : i32 to vector<8x128xi32>
        %lt3A_117 = arith.cmpi slt, %add3A_113, %lt3A_116 : vector<8x128xi32>
        %and3A_118 = arith.andi %ge3A_115, %lt3A_117 : vector<8x128xi1>
        %jit3A_119 = arith.constant 1.000000e+10 : f32
        %broadcast_in_dim3A_120 = vector.broadcast %jit3A_119 : f32 to vector<8x128xf32>
        %broadcast_in_dim3A_121 = vector.broadcast %scan3A : f32 to vector<8x128xf32>
        %select_n3A_122 = arith.select %and3A_118, %broadcast_in_dim3A_120, %broadcast_in_dim3A_121 : vector<8x128xi1>, vector<8x128xf32>
        %swap3A_123 = arith.constant 48 : index
        %swap3A_124 = arith.constant 0 : index
        %swap3A_125 = vector.load %arg10[%swap3A_123, %swap3A_124] : memref<128x128xf32, #tpu.memory_space<vmem>>, vector<8x128xf32>
        tpu.vector_store %arg10[%swap3A_123, %swap3A_124], %select_n3A_122 {strides = array<i32>} : memref<128x128xf32, #tpu.memory_space<vmem>>, vector<8x128xf32>,
        %add3A_126 = arith.constant 7168 : i32
        %add3A_127 = vector.broadcast %add3A_126 : i32 to vector<8x128xi32>
        %add3A_128 = arith.addi %add3A_127, %add3A : vector<8x128xi32>
        %ge3A_129 = vector.broadcast %get3A_13 : i32 to vector<8x128xi32>
        %ge3A_130 = arith.cmpi sge, %add3A_128, %ge3A_129 : vector<8x128xi32>
        %lt3A_131 = vector.broadcast %add3A_27 : i32 to vector<8x128xi32>
        %lt3A_132 = arith.cmpi slt, %add3A_128, %lt3A_131 : vector<8x128xi32>
        %and3A_133 = arith.andi %ge3A_130, %lt3A_132 : vector<8x128xi1>
        %jit3A_134 = arith.constant 1.000000e+10 : f32
        %broadcast_in_dim3A_135 = vector.broadcast %jit3A_134 : f32 to vector<8x128xf32>
        %broadcast_in_dim3A_136 = vector.broadcast %scan3A : f32 to vector<8x128xf32>
        %select_n3A_137 = arith.select %and3A_133, %broadcast_in_dim3A_135, %broadcast_in_dim3A_136 : vector<8x128xi1>, vector<8x128xf32>
        %swap3A_138 = arith.constant 56 : index
        %swap3A_139 = arith.constant 0 : index
        %swap3A_140 = vector.load %arg10[%swap3A_138, %swap3A_139] : memref<128x128xf32, #tpu.memory_space<vmem>>, vector<8x128xf32>
        tpu.vector_store %arg10[%swap3A_138, %swap3A_139], %select_n3A_137 {strides = array<i32>} : memref<128x128xf32, #tpu.memory_space<vmem>>, vector<8x128xf32>,
        %add3A_141 = arith.constant 8192 : i32
        %add3A_142 = vector.broadcast %add3A_141 : i32 to vector<8x128xi32>
        %add3A_143 = arith.addi %add3A_142, %add3A : vector<8x128xi32>
        %ge3A_144 = vector.broadcast %get3A_13 : i32 to vector<8x128xi32>
        %ge3A_145 = arith.cmpi sge, %add3A_143, %ge3A_144 : vector<8x128xi32>
        %lt3A_146 = vector.broadcast %add3A_27 : i32 to vector<8x128xi32>
        %lt3A_147 = arith.cmpi slt, %add3A_143, %lt3A_146 : vector<8x128xi32>
        %and3A_148 = arith.andi %ge3A_145, %lt3A_147 : vector<8x128xi1>
        %jit3A_149 = arith.constant 1.000000e+10 : f32
        %broadcast_in_dim3A_150 = vector.broadcast %jit3A_149 : f32 to vector<8x128xf32>
        %broadcast_in_dim3A_151 = vector.broadcast %scan3A : f32 to vector<8x128xf32>
        %select_n3A_152 = arith.select %and3A_148, %broadcast_in_dim3A_150, %broadcast_in_dim3A_151 : vector<8x128xi1>, vector<8x128xf32>
        %swap3A_153 = arith.constant 64 : index
        %swap3A_154 = arith.constant 0 : index
        %swap3A_155 = vector.load %arg10[%swap3A_153, %swap3A_154] : memref<128x128xf32, #tpu.memory_space<vmem>>, vector<8x128xf32>
        tpu.vector_store %arg10[%swap3A_153, %swap3A_154], %select_n3A_152 {strides = array<i32>} : memref<128x128xf32, #tpu.memory_space<vmem>>, vector<8x128xf32>,
        %add3A_156 = arith.constant 9216 : i32
        %add3A_157 = vector.broadcast %add3A_156 : i32 to vector<8x128xi32>
        %add3A_158 = arith.addi %add3A_157, %add3A : vector<8x128xi32>
        %ge3A_159 = vector.broadcast %get3A_13 : i32 to vector<8x128xi32>
        %ge3A_160 = arith.cmpi sge, %add3A_158, %ge3A_159 : vector<8x128xi32>
        %lt3A_161 = vector.broadcast %add3A_27 : i32 to vector<8x128xi32>
        %lt3A_162 = arith.cmpi slt, %add3A_158, %lt3A_161 : vector<8x128xi32>
        %and3A_163 = arith.andi %ge3A_160, %lt3A_162 : vector<8x128xi1>
        %jit3A_164 = arith.constant 1.000000e+10 : f32
        %broadcast_in_dim3A_165 = vector.broadcast %jit3A_164 : f32 to vector<8x128xf32>
        %broadcast_in_dim3A_166 = vector.broadcast %scan3A : f32 to vector<8x128xf32>
        %select_n3A_167 = arith.select %and3A_163, %broadcast_in_dim3A_165, %broadcast_in_dim3A_166 : vector<8x128xi1>, vector<8x128xf32>
        %swap3A_168 = arith.constant 72 : index
        %swap3A_169 = arith.constant 0 : index
        %swap3A_170 = vector.load %arg10[%swap3A_168, %swap3A_169] : memref<128x128xf32, #tpu.memory_space<vmem>>, vector<8x128xf32>
        tpu.vector_store %arg10[%swap3A_168, %swap3A_169], %select_n3A_167 {strides = array<i32>} : memref<128x128xf32, #tpu.memory_space<vmem>>, vector<8x128xf32>,
        %add3A_171 = arith.constant 10240 : i32
        %add3A_172 = vector.broadcast %add3A_171 : i32 to vector<8x128xi32>
        %add3A_173 = arith.addi %add3A_172, %add3A : vector<8x128xi32>
        %ge3A_174 = vector.broadcast %get3A_13 : i32 to vector<8x128xi32>
        %ge3A_175 = arith.cmpi sge, %add3A_173, %ge3A_174 : vector<8x128xi32>
        %lt3A_176 = vector.broadcast %add3A_27 : i32 to vector<8x128xi32>
        %lt3A_177 = arith.cmpi slt, %add3A_173, %lt3A_176 : vector<8x128xi32>
        %and3A_178 = arith.andi %ge3A_175, %lt3A_177 : vector<8x128xi1>
        %jit3A_179 = arith.constant 1.000000e+10 : f32
        %broadcast_in_dim3A_180 = vector.broadcast %jit3A_179 : f32 to vector<8x128xf32>
        %broadcast_in_dim3A_181 = vector.broadcast %scan3A : f32 to vector<8x128xf32>
        %select_n3A_182 = arith.select %and3A_178, %broadcast_in_dim3A_180, %broadcast_in_dim3A_181 : vector<8x128xi1>, vector<8x128xf32>
        %swap3A_183 = arith.constant 80 : index
        %swap3A_184 = arith.constant 0 : index
        %swap3A_185 = vector.load %arg10[%swap3A_183, %swap3A_184] : memref<128x128xf32, #tpu.memory_space<vmem>>, vector<8x128xf32>
        tpu.vector_store %arg10[%swap3A_183, %swap3A_184], %select_n3A_182 {strides = array<i32>} : memref<128x128xf32, #tpu.memory_space<vmem>>, vector<8x128xf32>,
        %add3A_186 = arith.constant 11264 : i32
        %add3A_187 = vector.broadcast %add3A_186 : i32 to vector<8x128xi32>
        %add3A_188 = arith.addi %add3A_187, %add3A : vector<8x128xi32>
        %ge3A_189 = vector.broadcast %get3A_13 : i32 to vector<8x128xi32>
        %ge3A_190 = arith.cmpi sge, %add3A_188, %ge3A_189 : vector<8x128xi32>
        %lt3A_191 = vector.broadcast %add3A_27 : i32 to vector<8x128xi32>
        %lt3A_192 = arith.cmpi slt, %add3A_188, %lt3A_191 : vector<8x128xi32>
        %and3A_193 = arith.andi %ge3A_190, %lt3A_192 : vector<8x128xi1>
        %jit3A_194 = arith.constant 1.000000e+10 : f32
        %broadcast_in_dim3A_195 = vector.broadcast %jit3A_194 : f32 to vector<8x128xf32>
        %broadcast_in_dim3A_196 = vector.broadcast %scan3A : f32 to vector<8x128xf32>
        %select_n3A_197 = arith.select %and3A_193, %broadcast_in_dim3A_195, %broadcast_in_dim3A_196 : vector<8x128xi1>, vector<8x128xf32>
        %swap3A_198 = arith.constant 88 : index
        %swap3A_199 = arith.constant 0 : index
        %swap3A_200 = vector.load %arg10[%swap3A_198, %swap3A_199] : memref<128x128xf32, #tpu.memory_space<vmem>>, vector<8x128xf32>
        tpu.vector_store %arg10[%swap3A_198, %swap3A_199], %select_n3A_197 {strides = array<i32>} : memref<128x128xf32, #tpu.memory_space<vmem>>, vector<8x128xf32>,
        %add3A_201 = arith.constant 12288 : i32
        %add3A_202 = vector.broadcast %add3A_201 : i32 to vector<8x128xi32>
        %add3A_203 = arith.addi %add3A_202, %add3A : vector<8x128xi32>
        %ge3A_204 = vector.broadcast %get3A_13 : i32 to vector<8x128xi32>
        %ge3A_205 = arith.cmpi sge, %add3A_203, %ge3A_204 : vector<8x128xi32>
        %lt3A_206 = vector.broadcast %add3A_27 : i32 to vector<8x128xi32>
        %lt3A_207 = arith.cmpi slt, %add3A_203, %lt3A_206 : vector<8x128xi32>
        %and3A_208 = arith.andi %ge3A_205, %lt3A_207 : vector<8x128xi1>
        %jit3A_209 = arith.constant 1.000000e+10 : f32
        %broadcast_in_dim3A_210 = vector.broadcast %jit3A_209 : f32 to vector<8x128xf32>
        %broadcast_in_dim3A_211 = vector.broadcast %scan3A : f32 to vector<8x128xf32>
        %select_n3A_212 = arith.select %and3A_208, %broadcast_in_dim3A_210, %broadcast_in_dim3A_211 : vector<8x128xi1>, vector<8x128xf32>
        %swap3A_213 = arith.constant 96 : index
        %swap3A_214 = arith.constant 0 : index
        %swap3A_215 = vector.load %arg10[%swap3A_213, %swap3A_214] : memref<128x128xf32, #tpu.memory_space<vmem>>, vector<8x128xf32>
        tpu.vector_store %arg10[%swap3A_213, %swap3A_214], %select_n3A_212 {strides = array<i32>} : memref<128x128xf32, #tpu.memory_space<vmem>>, vector<8x128xf32>,
        %add3A_216 = arith.constant 13312 : i32
        %add3A_217 = vector.broadcast %add3A_216 : i32 to vector<8x128xi32>
        %add3A_218 = arith.addi %add3A_217, %add3A : vector<8x128xi32>
        %ge3A_219 = vector.broadcast %get3A_13 : i32 to vector<8x128xi32>
        %ge3A_220 = arith.cmpi sge, %add3A_218, %ge3A_219 : vector<8x128xi32>
        %lt3A_221 = vector.broadcast %add3A_27 : i32 to vector<8x128xi32>
        %lt3A_222 = arith.cmpi slt, %add3A_218, %lt3A_221 : vector<8x128xi32>
        %and3A_223 = arith.andi %ge3A_220, %lt3A_222 : vector<8x128xi1>
        %jit3A_224 = arith.constant 1.000000e+10 : f32
        %broadcast_in_dim3A_225 = vector.broadcast %jit3A_224 : f32 to vector<8x128xf32>
        %broadcast_in_dim3A_226 = vector.broadcast %scan3A : f32 to vector<8x128xf32>
        %select_n3A_227 = arith.select %and3A_223, %broadcast_in_dim3A_225, %broadcast_in_dim3A_226 : vector<8x128xi1>, vector<8x128xf32>
        %swap3A_228 = arith.constant 104 : index
        %swap3A_229 = arith.constant 0 : index
        %swap3A_230 = vector.load %arg10[%swap3A_228, %swap3A_229] : memref<128x128xf32, #tpu.memory_space<vmem>>, vector<8x128xf32>
        tpu.vector_store %arg10[%swap3A_228, %swap3A_229], %select_n3A_227 {strides = array<i32>} : memref<128x128xf32, #tpu.memory_space<vmem>>, vector<8x128xf32>,
        %add3A_231 = arith.constant 14336 : i32
        %add3A_232 = vector.broadcast %add3A_231 : i32 to vector<8x128xi32>
        %add3A_233 = arith.addi %add3A_232, %add3A : vector<8x128xi32>
        %ge3A_234 = vector.broadcast %get3A_13 : i32 to vector<8x128xi32>
        %ge3A_235 = arith.cmpi sge, %add3A_233, %ge3A_234 : vector<8x128xi32>
        %lt3A_236 = vector.broadcast %add3A_27 : i32 to vector<8x128xi32>
        %lt3A_237 = arith.cmpi slt, %add3A_233, %lt3A_236 : vector<8x128xi32>
        %and3A_238 = arith.andi %ge3A_235, %lt3A_237 : vector<8x128xi1>
        %jit3A_239 = arith.constant 1.000000e+10 : f32
        %broadcast_in_dim3A_240 = vector.broadcast %jit3A_239 : f32 to vector<8x128xf32>
        %broadcast_in_dim3A_241 = vector.broadcast %scan3A : f32 to vector<8x128xf32>
        %select_n3A_242 = arith.select %and3A_238, %broadcast_in_dim3A_240, %broadcast_in_dim3A_241 : vector<8x128xi1>, vector<8x128xf32>
        %swap3A_243 = arith.constant 112 : index
        %swap3A_244 = arith.constant 0 : index
        %swap3A_245 = vector.load %arg10[%swap3A_243, %swap3A_244] : memref<128x128xf32, #tpu.memory_space<vmem>>, vector<8x128xf32>
        tpu.vector_store %arg10[%swap3A_243, %swap3A_244], %select_n3A_242 {strides = array<i32>} : memref<128x128xf32, #tpu.memory_space<vmem>>, vector<8x128xf32>,
        %add3A_246 = arith.constant 15360 : i32
        %add3A_247 = vector.broadcast %add3A_246 : i32 to vector<8x128xi32>
        %add3A_248 = arith.addi %add3A_247, %add3A : vector<8x128xi32>
        %ge3A_249 = vector.broadcast %get3A_13 : i32 to vector<8x128xi32>
        %ge3A_250 = arith.cmpi sge, %add3A_248, %ge3A_249 : vector<8x128xi32>
        %lt3A_251 = vector.broadcast %add3A_27 : i32 to vector<8x128xi32>
        %lt3A_252 = arith.cmpi slt, %add3A_248, %lt3A_251 : vector<8x128xi32>
        %and3A_253 = arith.andi %ge3A_250, %lt3A_252 : vector<8x128xi1>
        %jit3A_254 = arith.constant 1.000000e+10 : f32
        %broadcast_in_dim3A_255 = vector.broadcast %jit3A_254 : f32 to vector<8x128xf32>
        %broadcast_in_dim3A_256 = vector.broadcast %scan3A : f32 to vector<8x128xf32>
        %select_n3A_257 = arith.select %and3A_253, %broadcast_in_dim3A_255, %broadcast_in_dim3A_256 : vector<8x128xi1>, vector<8x128xf32>
        %swap3A_258 = arith.constant 120 : index
        %swap3A_259 = arith.constant 0 : index
        %swap3A_260 = vector.load %arg10[%swap3A_258, %swap3A_259] : memref<128x128xf32, #tpu.memory_space<vmem>>, vector<8x128xf32>
        tpu.vector_store %arg10[%swap3A_258, %swap3A_259], %select_n3A_257 {strides = array<i32>} : memref<128x128xf32, #tpu.memory_space<vmem>>, vector<8x128xf32>,
        %while3A = arith.constant 0 : i32
        %while3A_261 = arith.subi %min3A, %while3A : i32
        %while3A_262 = arith.addi %while3A, %while3A_261 : i32
        %while3A_263 = arith.constant 1 : i32
        %while3A_264 = arith.divsi %while3A_261, %while3A_263 : i32
        %while3A_265 = arith.muli %while3A_264, %while3A_263 : i32
        %while3A_266 = arith.addi %while3A, %while3A_265 : i32
        %while3A_267 = arith.constant 1 : i32
        %while3A_268:2 = scf.for %while3A_271 = %while3A to %while3A_266 step %while3A_267 iter_args(%while3A_272 = %scan3A_11, %while3A_273 = %get3A_13) -> (i32, i32)  : i32 {
          %get3A_274 = arith.constant 0 : index
          %get3A_275 = arith.constant 0 : index
          %get3A_276 = arith.index_cast %while3A_273 : i32 to index
          %get3A_277 = memref.load %arg3[%get3A_274, %get3A_275, %get3A_276] : memref<1x1x16384xi32, #tpu.memory_space<smem>>
          %swap3A_278 = arith.index_cast %arg0 : i32 to index
          %swap3A_279 = arith.index_cast %while3A_272 : i32 to index
          %swap3A_280 = memref.load %arg8[%swap3A_278, %swap3A_279] : memref<4x1024xi32, #tpu.memory_space<smem>>
          memref.store %get3A_277, %arg8[%swap3A_278, %swap3A_279] : memref<4x1024xi32, #tpu.memory_space<smem>>
          %get3A_281 = arith.constant 0 : index
          %get3A_282 = arith.constant 0 : index
          %get3A_283 = arith.index_cast %while3A_273 : i32 to index
          %get3A_284 = memref.load %arg2[%get3A_281, %get3A_282, %get3A_283] : memref<1x3x16384xf32, #tpu.memory_space<smem>>
          %get3A_285 = arith.constant 0 : index
          %get3A_286 = arith.constant 1 : index
          %get3A_287 = arith.index_cast %while3A_273 : i32 to index
          %get3A_288 = memref.load %arg2[%get3A_285, %get3A_286, %get3A_287] : memref<1x3x16384xf32, #tpu.memory_space<smem>>
          %get3A_289 = arith.constant 0 : index
          %get3A_290 = arith.constant 2 : index
          %get3A_291 = arith.index_cast %while3A_273 : i32 to index
          %get3A_292 = memref.load %arg2[%get3A_289, %get3A_290, %get3A_291] : memref<1x3x16384xf32, #tpu.memory_space<smem>>
          %swap3A_293 = arith.index_cast %arg0 : i32 to index
          %swap3A_294 = arith.constant 0 : index
          %swap3A_295 = arith.index_cast %while3A_272 : i32 to index
          %swap3A_296 = memref.load %arg9[%swap3A_293, %swap3A_294, %swap3A_295] : memref<4x3x1024xf32, #tpu.memory_space<smem>>
          memref.store %get3A_284, %arg9[%swap3A_293, %swap3A_294, %swap3A_295] : memref<4x3x1024xf32, #tpu.memory_space<smem>>
          %swap3A_297 = arith.index_cast %arg0 : i32 to index
          %swap3A_298 = arith.constant 1 : index
          %swap3A_299 = arith.index_cast %while3A_272 : i32 to index
          %swap3A_300 = memref.load %arg9[%swap3A_297, %swap3A_298, %swap3A_299] : memref<4x3x1024xf32, #tpu.memory_space<smem>>
          memref.store %get3A_288, %arg9[%swap3A_297, %swap3A_298, %swap3A_299] : memref<4x3x1024xf32, #tpu.memory_space<smem>>
          %swap3A_301 = arith.index_cast %arg0 : i32 to index
          %swap3A_302 = arith.constant 2 : index
          %swap3A_303 = arith.index_cast %while3A_272 : i32 to index
          %swap3A_304 = memref.load %arg9[%swap3A_301, %swap3A_302, %swap3A_303] : memref<4x3x1024xf32, #tpu.memory_space<smem>>
          memref.store %get3A_292, %arg9[%swap3A_301, %swap3A_302, %swap3A_303] : memref<4x3x1024xf32, #tpu.memory_space<smem>>
          %get3A_305 = arith.constant 0 : index
          %get3A_306 = arith.constant 0 : index
          %get3A_307 = arith.constant 0 : index
          %get3A_308 = arith.constant 0 : index
          %get3A_309 = vector.load %arg1[%get3A_305, %get3A_306, %get3A_307, %get3A_308] : memref<1x3x128x128xf32, #tpu.memory_space<vmem>>, vector<1x1x8x128xf32>
          %get3A_310 = vector.shape_cast %get3A_309 : vector<1x1x8x128xf32> to vector<8x128xf32>
          %get3A_311 = arith.constant 0 : index
          %get3A_312 = arith.constant 1 : index
          %get3A_313 = arith.constant 0 : index
          %get3A_314 = arith.constant 0 : index
          %get3A_315 = vector.load %arg1[%get3A_311, %get3A_312, %get3A_313, %get3A_314] : memref<1x3x128x128xf32, #tpu.memory_space<vmem>>, vector<1x1x8x128xf32>
          %get3A_316 = vector.shape_cast %get3A_315 : vector<1x1x8x128xf32> to vector<8x128xf32>
          %get3A_317 = arith.constant 0 : index
          %get3A_318 = arith.constant 2 : index
          %get3A_319 = arith.constant 0 : index
          %get3A_320 = arith.constant 0 : index
          %get3A_321 = vector.load %arg1[%get3A_317, %get3A_318, %get3A_319, %get3A_320] : memref<1x3x128x128xf32, #tpu.memory_space<vmem>>, vector<1x1x8x128xf32>
          %get3A_322 = vector.shape_cast %get3A_321 : vector<1x1x8x128xf32> to vector<8x128xf32>
          %sub3A_323 = vector.broadcast %get3A_284 : f32 to vector<8x128xf32>
          %sub3A_324 = arith.subf %get3A_310, %sub3A_323 : vector<8x128xf32>
          %sub3A_325 = vector.broadcast %get3A_288 : f32 to vector<8x128xf32>
          %sub3A_326 = arith.subf %get3A_316, %sub3A_325 : vector<8x128xf32>
          %sub3A_327 = vector.broadcast %get3A_292 : f32 to vector<8x128xf32>
          %sub3A_328 = arith.subf %get3A_322, %sub3A_327 : vector<8x128xf32>
          %mul3A_329 = arith.mulf %sub3A_324, %sub3A_324 : vector<8x128xf32>
          %mul3A_330 = arith.mulf %sub3A_326, %sub3A_326 : vector<8x128xf32>
          %add3A_331 = arith.addf %mul3A_329, %mul3A_330 : vector<8x128xf32>
          %mul3A_332 = arith.mulf %sub3A_328, %sub3A_328 : vector<8x128xf32>
          %add3A_333 = arith.addf %add3A_331, %mul3A_332 : vector<8x128xf32>
          %get3A_334 = arith.constant 0 : index
          %get3A_335 = arith.constant 0 : index
          %get3A_336 = vector.load %arg10[%get3A_334, %get3A_335] : memref<128x128xf32, #tpu.memory_space<vmem>>, vector<8x128xf32>
          %min3A_337 = arith.minimumf %get3A_336, %add3A_333 : vector<8x128xf32>
          %swap3A_338 = arith.constant 0 : index
          %swap3A_339 = arith.constant 0 : index
          %swap3A_340 = vector.load %arg10[%swap3A_338, %swap3A_339] : memref<128x128xf32, #tpu.memory_space<vmem>>, vector<8x128xf32>
          tpu.vector_store %arg10[%swap3A_338, %swap3A_339], %min3A_337 {strides = array<i32>} : memref<128x128xf32, #tpu.memory_space<vmem>>, vector<8x128xf32>,
          %reduce_max3A = vector.shape_cast %min3A_337 : vector<8x128xf32> to vector<1x8x128xf32>
          %reduce_max3A_341 = arith.constant dense<0xFF800000> : vector<1xf32>
          %reduce_max3A_342 = vector.multi_reduction <maximumf>, %reduce_max3A, %reduce_max3A_341 [1, 2] : vector<1x8x128xf32> to vector<1xf32>
          %reduce_max3A_343 = vector.shape_cast %reduce_max3A_342 : vector<1xf32> to vector<1x1x1xf32>
          %reduce_max3A_344 = vector.extract %reduce_max3A_343[0, 0, 0] : f32 from vector<1x1x1xf32>
          %add3A_345 = arith.constant 0 : i32
          %add3A_346 = vector.broadcast %add3A_345 : i32 to vector<8x128xi32>
          %add3A_347 = arith.addi %add3A_346, %add3A : vector<8x128xi32>
          %eq3A = vector.broadcast %reduce_max3A_344 : f32 to vector<8x128xf32>
          %eq3A_348 = arith.cmpf oeq, %min3A_337, %eq3A : vector<8x128xf32>
          %jit3A_349 = arith.constant 16384 : i32
          %broadcast_in_dim3A_350 = vector.broadcast %jit3A_349 : i32 to vector<8x128xi32>
          %select_n3A_351 = arith.select %eq3A_348, %add3A_347, %broadcast_in_dim3A_350 : vector<8x128xi1>, vector<8x128xi32>
          %reduce_min3A = vector.shape_cast %select_n3A_351 : vector<8x128xi32> to vector<1x8x128xi32>
          %reduce_min3A_352 = arith.constant dense<2147483647> : vector<1xi32>
          %reduce_min3A_353 = vector.multi_reduction <minsi>, %reduce_min3A, %reduce_min3A_352 [1, 2] : vector<1x8x128xi32> to vector<1xi32>
          %reduce_min3A_354 = vector.shape_cast %reduce_min3A_353 : vector<1xi32> to vector<1x1x1xi32>
          %reduce_min3A_355 = vector.extract %reduce_min3A_354[0, 0, 0] : i32 from vector<1x1x1xi32>
          %gt3A_356 = arith.cmpf ogt, %reduce_max3A_344, %scan3A : f32
          %select_n3A_357 = arith.select %gt3A_356, %reduce_max3A_344, %scan3A : f32
          %jit3A_358 = arith.constant 0 : i32
          %select_n3A_359 = arith.select %gt3A_356, %reduce_min3A_355, %jit3A_358 : i32
          %get3A_360 = arith.constant 0 : index
          %get3A_361 = arith.constant 0 : index
          %get3A_362 = arith.constant 8 : index
          %get3A_363 = arith.constant 0 : index
          %get3A_364 = vector.load %arg1[%get3A_360, %get3A_361, %get3A_362, %get3A_363] : memref<1x3x128x128xf32, #tpu.memory_space<vmem>>, vector<1x1x8x128xf32>
          %get3A_365 = vector.shape_cast %get3A_364 : vector<1x1x8x128xf32> to vector<8x128xf32>
          %get3A_366 = arith.constant 0 : index
          %get3A_367 = arith.constant 1 : index
          %get3A_368 = arith.constant 8 : index
          %get3A_369 = arith.constant 0 : index
          %get3A_370 = vector.load %arg1[%get3A_366, %get3A_367, %get3A_368, %get3A_369] : memref<1x3x128x128xf32, #tpu.memory_space<vmem>>, vector<1x1x8x128xf32>
          %get3A_371 = vector.shape_cast %get3A_370 : vector<1x1x8x128xf32> to vector<8x128xf32>
          %get3A_372 = arith.constant 0 : index
          %get3A_373 = arith.constant 2 : index
          %get3A_374 = arith.constant 8 : index
          %get3A_375 = arith.constant 0 : index
          %get3A_376 = vector.load %arg1[%get3A_372, %get3A_373, %get3A_374, %get3A_375] : memref<1x3x128x128xf32, #tpu.memory_space<vmem>>, vector<1x1x8x128xf32>
          %get3A_377 = vector.shape_cast %get3A_376 : vector<1x1x8x128xf32> to vector<8x128xf32>
          %sub3A_378 = vector.broadcast %get3A_284 : f32 to vector<8x128xf32>
          %sub3A_379 = arith.subf %get3A_365, %sub3A_378 : vector<8x128xf32>
          %sub3A_380 = vector.broadcast %get3A_288 : f32 to vector<8x128xf32>
          %sub3A_381 = arith.subf %get3A_371, %sub3A_380 : vector<8x128xf32>
          %sub3A_382 = vector.broadcast %get3A_292 : f32 to vector<8x128xf32>
          %sub3A_383 = arith.subf %get3A_377, %sub3A_382 : vector<8x128xf32>
          %mul3A_384 = arith.mulf %sub3A_379, %sub3A_379 : vector<8x128xf32>
          %mul3A_385 = arith.mulf %sub3A_381, %sub3A_381 : vector<8x128xf32>
          %add3A_386 = arith.addf %mul3A_384, %mul3A_385 : vector<8x128xf32>
          %mul3A_387 = arith.mulf %sub3A_383, %sub3A_383 : vector<8x128xf32>
          %add3A_388 = arith.addf %add3A_386, %mul3A_387 : vector<8x128xf32>
          %get3A_389 = arith.constant 8 : index
          %get3A_390 = arith.constant 0 : index
          %get3A_391 = vector.load %arg10[%get3A_389, %get3A_390] : memref<128x128xf32, #tpu.memory_space<vmem>>, vector<8x128xf32>
          %min3A_392 = arith.minimumf %get3A_391, %add3A_388 : vector<8x128xf32>
          %swap3A_393 = arith.constant 8 : index
          %swap3A_394 = arith.constant 0 : index
          %swap3A_395 = vector.load %arg10[%swap3A_393, %swap3A_394] : memref<128x128xf32, #tpu.memory_space<vmem>>, vector<8x128xf32>
          tpu.vector_store %arg10[%swap3A_393, %swap3A_394], %min3A_392 {strides = array<i32>} : memref<128x128xf32, #tpu.memory_space<vmem>>, vector<8x128xf32>,
          %reduce_max3A_396 = vector.shape_cast %min3A_392 : vector<8x128xf32> to vector<1x8x128xf32>
          %reduce_max3A_397 = arith.constant dense<0xFF800000> : vector<1xf32>
          %reduce_max3A_398 = vector.multi_reduction <maximumf>, %reduce_max3A_396, %reduce_max3A_397 [1, 2] : vector<1x8x128xf32> to vector<1xf32>
          %reduce_max3A_399 = vector.shape_cast %reduce_max3A_398 : vector<1xf32> to vector<1x1x1xf32>
          %reduce_max3A_400 = vector.extract %reduce_max3A_399[0, 0, 0] : f32 from vector<1x1x1xf32>
          %add3A_401 = arith.constant 1024 : i32
          %add3A_402 = vector.broadcast %add3A_401 : i32 to vector<8x128xi32>
          %add3A_403 = arith.addi %add3A_402, %add3A : vector<8x128xi32>
          %eq3A_404 = vector.broadcast %reduce_max3A_400 : f32 to vector<8x128xf32>
          %eq3A_405 = arith.cmpf oeq, %min3A_392, %eq3A_404 : vector<8x128xf32>
          %jit3A_406 = arith.constant 16384 : i32
          %broadcast_in_dim3A_407 = vector.broadcast %jit3A_406 : i32 to vector<8x128xi32>
          %select_n3A_408 = arith.select %eq3A_405, %add3A_403, %broadcast_in_dim3A_407 : vector<8x128xi1>, vector<8x128xi32>
          %reduce_min3A_409 = vector.shape_cast %select_n3A_408 : vector<8x128xi32> to vector<1x8x128xi32>
          %reduce_min3A_410 = arith.constant dense<2147483647> : vector<1xi32>
          %reduce_min3A_411 = vector.multi_reduction <minsi>, %reduce_min3A_409, %reduce_min3A_410 [1, 2] : vector<1x8x128xi32> to vector<1xi32>
          %reduce_min3A_412 = vector.shape_cast %reduce_min3A_411 : vector<1xi32> to vector<1x1x1xi32>
          %reduce_min3A_413 = vector.extract %reduce_min3A_412[0, 0, 0] : i32 from vector<1x1x1xi32>
          %gt3A_414 = arith.cmpf ogt, %reduce_max3A_400, %select_n3A_357 : f32
          %select_n3A_415 = arith.select %gt3A_414, %reduce_max3A_400, %select_n3A_357 : f32
          %select_n3A_416 = arith.select %gt3A_414, %reduce_min3A_413, %select_n3A_359 : i32
          %get3A_417 = arith.constant 0 : index
          %get3A_418 = arith.constant 0 : index
          %get3A_419 = arith.constant 16 : index
          %get3A_420 = arith.constant 0 : index
          %get3A_421 = vector.load %arg1[%get3A_417, %get3A_418, %get3A_419, %get3A_420] : memref<1x3x128x128xf32, #tpu.memory_space<vmem>>, vector<1x1x8x128xf32>
          %get3A_422 = vector.shape_cast %get3A_421 : vector<1x1x8x128xf32> to vector<8x128xf32>
          %get3A_423 = arith.constant 0 : index
          %get3A_424 = arith.constant 1 : index
          %get3A_425 = arith.constant 16 : index
          %get3A_426 = arith.constant 0 : index
          %get3A_427 = vector.load %arg1[%get3A_423, %get3A_424, %get3A_425, %get3A_426] : memref<1x3x128x128xf32, #tpu.memory_space<vmem>>, vector<1x1x8x128xf32>
          %get3A_428 = vector.shape_cast %get3A_427 : vector<1x1x8x128xf32> to vector<8x128xf32>
          %get3A_429 = arith.constant 0 : index
          %get3A_430 = arith.constant 2 : index
          %get3A_431 = arith.constant 16 : index
          %get3A_432 = arith.constant 0 : index
          %get3A_433 = vector.load %arg1[%get3A_429, %get3A_430, %get3A_431, %get3A_432] : memref<1x3x128x128xf32, #tpu.memory_space<vmem>>, vector<1x1x8x128xf32>
          %get3A_434 = vector.shape_cast %get3A_433 : vector<1x1x8x128xf32> to vector<8x128xf32>
          %sub3A_435 = vector.broadcast %get3A_284 : f32 to vector<8x128xf32>
          %sub3A_436 = arith.subf %get3A_422, %sub3A_435 : vector<8x128xf32>
          %sub3A_437 = vector.broadcast %get3A_288 : f32 to vector<8x128xf32>
          %sub3A_438 = arith.subf %get3A_428, %sub3A_437 : vector<8x128xf32>
          %sub3A_439 = vector.broadcast %get3A_292 : f32 to vector<8x128xf32>
          %sub3A_440 = arith.subf %get3A_434, %sub3A_439 : vector<8x128xf32>
          %mul3A_441 = arith.mulf %sub3A_436, %sub3A_436 : vector<8x128xf32>
          %mul3A_442 = arith.mulf %sub3A_438, %sub3A_438 : vector<8x128xf32>
          %add3A_443 = arith.addf %mul3A_441, %mul3A_442 : vector<8x128xf32>
          %mul3A_444 = arith.mulf %sub3A_440, %sub3A_440 : vector<8x128xf32>
          %add3A_445 = arith.addf %add3A_443, %mul3A_444 : vector<8x128xf32>
          %get3A_446 = arith.constant 16 : index
          %get3A_447 = arith.constant 0 : index
          %get3A_448 = vector.load %arg10[%get3A_446, %get3A_447] : memref<128x128xf32, #tpu.memory_space<vmem>>, vector<8x128xf32>
          %min3A_449 = arith.minimumf %get3A_448, %add3A_445 : vector<8x128xf32>
          %swap3A_450 = arith.constant 16 : index
          %swap3A_451 = arith.constant 0 : index
          %swap3A_452 = vector.load %arg10[%swap3A_450, %swap3A_451] : memref<128x128xf32, #tpu.memory_space<vmem>>, vector<8x128xf32>
          tpu.vector_store %arg10[%swap3A_450, %swap3A_451], %min3A_449 {strides = array<i32>} : memref<128x128xf32, #tpu.memory_space<vmem>>, vector<8x128xf32>,
          %reduce_max3A_453 = vector.shape_cast %min3A_449 : vector<8x128xf32> to vector<1x8x128xf32>
          %reduce_max3A_454 = arith.constant dense<0xFF800000> : vector<1xf32>
          %reduce_max3A_455 = vector.multi_reduction <maximumf>, %reduce_max3A_453, %reduce_max3A_454 [1, 2] : vector<1x8x128xf32> to vector<1xf32>
          %reduce_max3A_456 = vector.shape_cast %reduce_max3A_455 : vector<1xf32> to vector<1x1x1xf32>
          %reduce_max3A_457 = vector.extract %reduce_max3A_456[0, 0, 0] : f32 from vector<1x1x1xf32>
          %add3A_458 = arith.constant 2048 : i32
          %add3A_459 = vector.broadcast %add3A_458 : i32 to vector<8x128xi32>
          %add3A_460 = arith.addi %add3A_459, %add3A : vector<8x128xi32>
          %eq3A_461 = vector.broadcast %reduce_max3A_457 : f32 to vector<8x128xf32>
          %eq3A_462 = arith.cmpf oeq, %min3A_449, %eq3A_461 : vector<8x128xf32>
          %jit3A_463 = arith.constant 16384 : i32
          %broadcast_in_dim3A_464 = vector.broadcast %jit3A_463 : i32 to vector<8x128xi32>
          %select_n3A_465 = arith.select %eq3A_462, %add3A_460, %broadcast_in_dim3A_464 : vector<8x128xi1>, vector<8x128xi32>
          %reduce_min3A_466 = vector.shape_cast %select_n3A_465 : vector<8x128xi32> to vector<1x8x128xi32>
          %reduce_min3A_467 = arith.constant dense<2147483647> : vector<1xi32>
          %reduce_min3A_468 = vector.multi_reduction <minsi>, %reduce_min3A_466, %reduce_min3A_467 [1, 2] : vector<1x8x128xi32> to vector<1xi32>
          %reduce_min3A_469 = vector.shape_cast %reduce_min3A_468 : vector<1xi32> to vector<1x1x1xi32>
          %reduce_min3A_470 = vector.extract %reduce_min3A_469[0, 0, 0] : i32 from vector<1x1x1xi32>
          %gt3A_471 = arith.cmpf ogt, %reduce_max3A_457, %select_n3A_415 : f32
          %select_n3A_472 = arith.select %gt3A_471, %reduce_max3A_457, %select_n3A_415 : f32
          %select_n3A_473 = arith.select %gt3A_471, %reduce_min3A_470, %select_n3A_416 : i32
          %get3A_474 = arith.constant 0 : index
          %get3A_475 = arith.constant 0 : index
          %get3A_476 = arith.constant 24 : index
          %get3A_477 = arith.constant 0 : index
          %get3A_478 = vector.load %arg1[%get3A_474, %get3A_475, %get3A_476, %get3A_477] : memref<1x3x128x128xf32, #tpu.memory_space<vmem>>, vector<1x1x8x128xf32>
          %get3A_479 = vector.shape_cast %get3A_478 : vector<1x1x8x128xf32> to vector<8x128xf32>
          %get3A_480 = arith.constant 0 : index
          %get3A_481 = arith.constant 1 : index
          %get3A_482 = arith.constant 24 : index
          %get3A_483 = arith.constant 0 : index
          %get3A_484 = vector.load %arg1[%get3A_480, %get3A_481, %get3A_482, %get3A_483] : memref<1x3x128x128xf32, #tpu.memory_space<vmem>>, vector<1x1x8x128xf32>
          %get3A_485 = vector.shape_cast %get3A_484 : vector<1x1x8x128xf32> to vector<8x128xf32>
          %get3A_486 = arith.constant 0 : index
          %get3A_487 = arith.constant 2 : index
          %get3A_488 = arith.constant 24 : index
          %get3A_489 = arith.constant 0 : index
          %get3A_490 = vector.load %arg1[%get3A_486, %get3A_487, %get3A_488, %get3A_489] : memref<1x3x128x128xf32, #tpu.memory_space<vmem>>, vector<1x1x8x128xf32>
          %get3A_491 = vector.shape_cast %get3A_490 : vector<1x1x8x128xf32> to vector<8x128xf32>
          %sub3A_492 = vector.broadcast %get3A_284 : f32 to vector<8x128xf32>
          %sub3A_493 = arith.subf %get3A_479, %sub3A_492 : vector<8x128xf32>
          %sub3A_494 = vector.broadcast %get3A_288 : f32 to vector<8x128xf32>
          %sub3A_495 = arith.subf %get3A_485, %sub3A_494 : vector<8x128xf32>
          %sub3A_496 = vector.broadcast %get3A_292 : f32 to vector<8x128xf32>
          %sub3A_497 = arith.subf %get3A_491, %sub3A_496 : vector<8x128xf32>
          %mul3A_498 = arith.mulf %sub3A_493, %sub3A_493 : vector<8x128xf32>
          %mul3A_499 = arith.mulf %sub3A_495, %sub3A_495 : vector<8x128xf32>
          %add3A_500 = arith.addf %mul3A_498, %mul3A_499 : vector<8x128xf32>
          %mul3A_501 = arith.mulf %sub3A_497, %sub3A_497 : vector<8x128xf32>
          %add3A_502 = arith.addf %add3A_500, %mul3A_501 : vector<8x128xf32>
          %get3A_503 = arith.constant 24 : index
          %get3A_504 = arith.constant 0 : index
          %get3A_505 = vector.load %arg10[%get3A_503, %get3A_504] : memref<128x128xf32, #tpu.memory_space<vmem>>, vector<8x128xf32>
          %min3A_506 = arith.minimumf %get3A_505, %add3A_502 : vector<8x128xf32>
          %swap3A_507 = arith.constant 24 : index
          %swap3A_508 = arith.constant 0 : index
          %swap3A_509 = vector.load %arg10[%swap3A_507, %swap3A_508] : memref<128x128xf32, #tpu.memory_space<vmem>>, vector<8x128xf32>
          tpu.vector_store %arg10[%swap3A_507, %swap3A_508], %min3A_506 {strides = array<i32>} : memref<128x128xf32, #tpu.memory_space<vmem>>, vector<8x128xf32>,
          %reduce_max3A_510 = vector.shape_cast %min3A_506 : vector<8x128xf32> to vector<1x8x128xf32>
          %reduce_max3A_511 = arith.constant dense<0xFF800000> : vector<1xf32>
          %reduce_max3A_512 = vector.multi_reduction <maximumf>, %reduce_max3A_510, %reduce_max3A_511 [1, 2] : vector<1x8x128xf32> to vector<1xf32>
          %reduce_max3A_513 = vector.shape_cast %reduce_max3A_512 : vector<1xf32> to vector<1x1x1xf32>
          %reduce_max3A_514 = vector.extract %reduce_max3A_513[0, 0, 0] : f32 from vector<1x1x1xf32>
          %add3A_515 = arith.constant 3072 : i32
          %add3A_516 = vector.broadcast %add3A_515 : i32 to vector<8x128xi32>
          %add3A_517 = arith.addi %add3A_516, %add3A : vector<8x128xi32>
          %eq3A_518 = vector.broadcast %reduce_max3A_514 : f32 to vector<8x128xf32>
          %eq3A_519 = arith.cmpf oeq, %min3A_506, %eq3A_518 : vector<8x128xf32>
          %jit3A_520 = arith.constant 16384 : i32
          %broadcast_in_dim3A_521 = vector.broadcast %jit3A_520 : i32 to vector<8x128xi32>
          %select_n3A_522 = arith.select %eq3A_519, %add3A_517, %broadcast_in_dim3A_521 : vector<8x128xi1>, vector<8x128xi32>
          %reduce_min3A_523 = vector.shape_cast %select_n3A_522 : vector<8x128xi32> to vector<1x8x128xi32>
          %reduce_min3A_524 = arith.constant dense<2147483647> : vector<1xi32>
          %reduce_min3A_525 = vector.multi_reduction <minsi>, %reduce_min3A_523, %reduce_min3A_524 [1, 2] : vector<1x8x128xi32> to vector<1xi32>
          %reduce_min3A_526 = vector.shape_cast %reduce_min3A_525 : vector<1xi32> to vector<1x1x1xi32>
          %reduce_min3A_527 = vector.extract %reduce_min3A_526[0, 0, 0] : i32 from vector<1x1x1xi32>
          %gt3A_528 = arith.cmpf ogt, %reduce_max3A_514, %select_n3A_472 : f32
          %select_n3A_529 = arith.select %gt3A_528, %reduce_max3A_514, %select_n3A_472 : f32
          %select_n3A_530 = arith.select %gt3A_528, %reduce_min3A_527, %select_n3A_473 : i32
          %get3A_531 = arith.constant 0 : index
          %get3A_532 = arith.constant 0 : index
          %get3A_533 = arith.constant 32 : index
          %get3A_534 = arith.constant 0 : index
          %get3A_535 = vector.load %arg1[%get3A_531, %get3A_532, %get3A_533, %get3A_534] : memref<1x3x128x128xf32, #tpu.memory_space<vmem>>, vector<1x1x8x128xf32>
          %get3A_536 = vector.shape_cast %get3A_535 : vector<1x1x8x128xf32> to vector<8x128xf32>
          %get3A_537 = arith.constant 0 : index
          %get3A_538 = arith.constant 1 : index
          %get3A_539 = arith.constant 32 : index
          %get3A_540 = arith.constant 0 : index
          %get3A_541 = vector.load %arg1[%get3A_537, %get3A_538, %get3A_539, %get3A_540] : memref<1x3x128x128xf32, #tpu.memory_space<vmem>>, vector<1x1x8x128xf32>
          %get3A_542 = vector.shape_cast %get3A_541 : vector<1x1x8x128xf32> to vector<8x128xf32>
          %get3A_543 = arith.constant 0 : index
          %get3A_544 = arith.constant 2 : index
          %get3A_545 = arith.constant 32 : index
          %get3A_546 = arith.constant 0 : index
          %get3A_547 = vector.load %arg1[%get3A_543, %get3A_544, %get3A_545, %get3A_546] : memref<1x3x128x128xf32, #tpu.memory_space<vmem>>, vector<1x1x8x128xf32>
          %get3A_548 = vector.shape_cast %get3A_547 : vector<1x1x8x128xf32> to vector<8x128xf32>
          %sub3A_549 = vector.broadcast %get3A_284 : f32 to vector<8x128xf32>
          %sub3A_550 = arith.subf %get3A_536, %sub3A_549 : vector<8x128xf32>
          %sub3A_551 = vector.broadcast %get3A_288 : f32 to vector<8x128xf32>
          %sub3A_552 = arith.subf %get3A_542, %sub3A_551 : vector<8x128xf32>
          %sub3A_553 = vector.broadcast %get3A_292 : f32 to vector<8x128xf32>
          %sub3A_554 = arith.subf %get3A_548, %sub3A_553 : vector<8x128xf32>
          %mul3A_555 = arith.mulf %sub3A_550, %sub3A_550 : vector<8x128xf32>
          %mul3A_556 = arith.mulf %sub3A_552, %sub3A_552 : vector<8x128xf32>
          %add3A_557 = arith.addf %mul3A_555, %mul3A_556 : vector<8x128xf32>
          %mul3A_558 = arith.mulf %sub3A_554, %sub3A_554 : vector<8x128xf32>
          %add3A_559 = arith.addf %add3A_557, %mul3A_558 : vector<8x128xf32>
          %get3A_560 = arith.constant 32 : index
          %get3A_561 = arith.constant 0 : index
          %get3A_562 = vector.load %arg10[%get3A_560, %get3A_561] : memref<128x128xf32, #tpu.memory_space<vmem>>, vector<8x128xf32>
          %min3A_563 = arith.minimumf %get3A_562, %add3A_559 : vector<8x128xf32>
          %swap3A_564 = arith.constant 32 : index
          %swap3A_565 = arith.constant 0 : index
          %swap3A_566 = vector.load %arg10[%swap3A_564, %swap3A_565] : memref<128x128xf32, #tpu.memory_space<vmem>>, vector<8x128xf32>
          tpu.vector_store %arg10[%swap3A_564, %swap3A_565], %min3A_563 {strides = array<i32>} : memref<128x128xf32, #tpu.memory_space<vmem>>, vector<8x128xf32>,
          %reduce_max3A_567 = vector.shape_cast %min3A_563 : vector<8x128xf32> to vector<1x8x128xf32>
          %reduce_max3A_568 = arith.constant dense<0xFF800000> : vector<1xf32>
          %reduce_max3A_569 = vector.multi_reduction <maximumf>, %reduce_max3A_567, %reduce_max3A_568 [1, 2] : vector<1x8x128xf32> to vector<1xf32>
          %reduce_max3A_570 = vector.shape_cast %reduce_max3A_569 : vector<1xf32> to vector<1x1x1xf32>
          %reduce_max3A_571 = vector.extract %reduce_max3A_570[0, 0, 0] : f32 from vector<1x1x1xf32>
          %add3A_572 = arith.constant 4096 : i32
          %add3A_573 = vector.broadcast %add3A_572 : i32 to vector<8x128xi32>
          %add3A_574 = arith.addi %add3A_573, %add3A : vector<8x128xi32>
          %eq3A_575 = vector.broadcast %reduce_max3A_571 : f32 to vector<8x128xf32>
          %eq3A_576 = arith.cmpf oeq, %min3A_563, %eq3A_575 : vector<8x128xf32>
          %jit3A_577 = arith.constant 16384 : i32
          %broadcast_in_dim3A_578 = vector.broadcast %jit3A_577 : i32 to vector<8x128xi32>
          %select_n3A_579 = arith.select %eq3A_576, %add3A_574, %broadcast_in_dim3A_578 : vector<8x128xi1>, vector<8x128xi32>
          %reduce_min3A_580 = vector.shape_cast %select_n3A_579 : vector<8x128xi32> to vector<1x8x128xi32>
          %reduce_min3A_581 = arith.constant dense<2147483647> : vector<1xi32>
          %reduce_min3A_582 = vector.multi_reduction <minsi>, %reduce_min3A_580, %reduce_min3A_581 [1, 2] : vector<1x8x128xi32> to vector<1xi32>
          %reduce_min3A_583 = vector.shape_cast %reduce_min3A_582 : vector<1xi32> to vector<1x1x1xi32>
          %reduce_min3A_584 = vector.extract %reduce_min3A_583[0, 0, 0] : i32 from vector<1x1x1xi32>
          %gt3A_585 = arith.cmpf ogt, %reduce_max3A_571, %select_n3A_529 : f32
          %select_n3A_586 = arith.select %gt3A_585, %reduce_max3A_571, %select_n3A_529 : f32
          %select_n3A_587 = arith.select %gt3A_585, %reduce_min3A_584, %select_n3A_530 : i32
          %get3A_588 = arith.constant 0 : index
          %get3A_589 = arith.constant 0 : index
          %get3A_590 = arith.constant 40 : index
          %get3A_591 = arith.constant 0 : index
          %get3A_592 = vector.load %arg1[%get3A_588, %get3A_589, %get3A_590, %get3A_591] : memref<1x3x128x128xf32, #tpu.memory_space<vmem>>, vector<1x1x8x128xf32>
          %get3A_593 = vector.shape_cast %get3A_592 : vector<1x1x8x128xf32> to vector<8x128xf32>
          %get3A_594 = arith.constant 0 : index
          %get3A_595 = arith.constant 1 : index
          %get3A_596 = arith.constant 40 : index
          %get3A_597 = arith.constant 0 : index
          %get3A_598 = vector.load %arg1[%get3A_594, %get3A_595, %get3A_596, %get3A_597] : memref<1x3x128x128xf32, #tpu.memory_space<vmem>>, vector<1x1x8x128xf32>
          %get3A_599 = vector.shape_cast %get3A_598 : vector<1x1x8x128xf32> to vector<8x128xf32>
          %get3A_600 = arith.constant 0 : index
          %get3A_601 = arith.constant 2 : index
          %get3A_602 = arith.constant 40 : index
          %get3A_603 = arith.constant 0 : index
          %get3A_604 = vector.load %arg1[%get3A_600, %get3A_601, %get3A_602, %get3A_603] : memref<1x3x128x128xf32, #tpu.memory_space<vmem>>, vector<1x1x8x128xf32>
          %get3A_605 = vector.shape_cast %get3A_604 : vector<1x1x8x128xf32> to vector<8x128xf32>
          %sub3A_606 = vector.broadcast %get3A_284 : f32 to vector<8x128xf32>
          %sub3A_607 = arith.subf %get3A_593, %sub3A_606 : vector<8x128xf32>
          %sub3A_608 = vector.broadcast %get3A_288 : f32 to vector<8x128xf32>
          %sub3A_609 = arith.subf %get3A_599, %sub3A_608 : vector<8x128xf32>
          %sub3A_610 = vector.broadcast %get3A_292 : f32 to vector<8x128xf32>
          %sub3A_611 = arith.subf %get3A_605, %sub3A_610 : vector<8x128xf32>
          %mul3A_612 = arith.mulf %sub3A_607, %sub3A_607 : vector<8x128xf32>
          %mul3A_613 = arith.mulf %sub3A_609, %sub3A_609 : vector<8x128xf32>
          %add3A_614 = arith.addf %mul3A_612, %mul3A_613 : vector<8x128xf32>
          %mul3A_615 = arith.mulf %sub3A_611, %sub3A_611 : vector<8x128xf32>
          %add3A_616 = arith.addf %add3A_614, %mul3A_615 : vector<8x128xf32>
          %get3A_617 = arith.constant 40 : index
          %get3A_618 = arith.constant 0 : index
          %get3A_619 = vector.load %arg10[%get3A_617, %get3A_618] : memref<128x128xf32, #tpu.memory_space<vmem>>, vector<8x128xf32>
          %min3A_620 = arith.minimumf %get3A_619, %add3A_616 : vector<8x128xf32>
          %swap3A_621 = arith.constant 40 : index
          %swap3A_622 = arith.constant 0 : index
          %swap3A_623 = vector.load %arg10[%swap3A_621, %swap3A_622] : memref<128x128xf32, #tpu.memory_space<vmem>>, vector<8x128xf32>
          tpu.vector_store %arg10[%swap3A_621, %swap3A_622], %min3A_620 {strides = array<i32>} : memref<128x128xf32, #tpu.memory_space<vmem>>, vector<8x128xf32>,
          %reduce_max3A_624 = vector.shape_cast %min3A_620 : vector<8x128xf32> to vector<1x8x128xf32>
          %reduce_max3A_625 = arith.constant dense<0xFF800000> : vector<1xf32>
          %reduce_max3A_626 = vector.multi_reduction <maximumf>, %reduce_max3A_624, %reduce_max3A_625 [1, 2] : vector<1x8x128xf32> to vector<1xf32>
          %reduce_max3A_627 = vector.shape_cast %reduce_max3A_626 : vector<1xf32> to vector<1x1x1xf32>
          %reduce_max3A_628 = vector.extract %reduce_max3A_627[0, 0, 0] : f32 from vector<1x1x1xf32>
          %add3A_629 = arith.constant 5120 : i32
          %add3A_630 = vector.broadcast %add3A_629 : i32 to vector<8x128xi32>
          %add3A_631 = arith.addi %add3A_630, %add3A : vector<8x128xi32>
          %eq3A_632 = vector.broadcast %reduce_max3A_628 : f32 to vector<8x128xf32>
          %eq3A_633 = arith.cmpf oeq, %min3A_620, %eq3A_632 : vector<8x128xf32>
          %jit3A_634 = arith.constant 16384 : i32
          %broadcast_in_dim3A_635 = vector.broadcast %jit3A_634 : i32 to vector<8x128xi32>
          %select_n3A_636 = arith.select %eq3A_633, %add3A_631, %broadcast_in_dim3A_635 : vector<8x128xi1>, vector<8x128xi32>
          %reduce_min3A_637 = vector.shape_cast %select_n3A_636 : vector<8x128xi32> to vector<1x8x128xi32>
          %reduce_min3A_638 = arith.constant dense<2147483647> : vector<1xi32>
          %reduce_min3A_639 = vector.multi_reduction <minsi>, %reduce_min3A_637, %reduce_min3A_638 [1, 2] : vector<1x8x128xi32> to vector<1xi32>
          %reduce_min3A_640 = vector.shape_cast %reduce_min3A_639 : vector<1xi32> to vector<1x1x1xi32>
          %reduce_min3A_641 = vector.extract %reduce_min3A_640[0, 0, 0] : i32 from vector<1x1x1xi32>
          %gt3A_642 = arith.cmpf ogt, %reduce_max3A_628, %select_n3A_586 : f32
          %select_n3A_643 = arith.select %gt3A_642, %reduce_max3A_628, %select_n3A_586 : f32
          %select_n3A_644 = arith.select %gt3A_642, %reduce_min3A_641, %select_n3A_587 : i32
          %get3A_645 = arith.constant 0 : index
          %get3A_646 = arith.constant 0 : index
          %get3A_647 = arith.constant 48 : index
          %get3A_648 = arith.constant 0 : index
          %get3A_649 = vector.load %arg1[%get3A_645, %get3A_646, %get3A_647, %get3A_648] : memref<1x3x128x128xf32, #tpu.memory_space<vmem>>, vector<1x1x8x128xf32>
          %get3A_650 = vector.shape_cast %get3A_649 : vector<1x1x8x128xf32> to vector<8x128xf32>
          %get3A_651 = arith.constant 0 : index
          %get3A_652 = arith.constant 1 : index
          %get3A_653 = arith.constant 48 : index
          %get3A_654 = arith.constant 0 : index
          %get3A_655 = vector.load %arg1[%get3A_651, %get3A_652, %get3A_653, %get3A_654] : memref<1x3x128x128xf32, #tpu.memory_space<vmem>>, vector<1x1x8x128xf32>
          %get3A_656 = vector.shape_cast %get3A_655 : vector<1x1x8x128xf32> to vector<8x128xf32>
          %get3A_657 = arith.constant 0 : index
          %get3A_658 = arith.constant 2 : index
          %get3A_659 = arith.constant 48 : index
          %get3A_660 = arith.constant 0 : index
          %get3A_661 = vector.load %arg1[%get3A_657, %get3A_658, %get3A_659, %get3A_660] : memref<1x3x128x128xf32, #tpu.memory_space<vmem>>, vector<1x1x8x128xf32>
          %get3A_662 = vector.shape_cast %get3A_661 : vector<1x1x8x128xf32> to vector<8x128xf32>
          %sub3A_663 = vector.broadcast %get3A_284 : f32 to vector<8x128xf32>
          %sub3A_664 = arith.subf %get3A_650, %sub3A_663 : vector<8x128xf32>
          %sub3A_665 = vector.broadcast %get3A_288 : f32 to vector<8x128xf32>
          %sub3A_666 = arith.subf %get3A_656, %sub3A_665 : vector<8x128xf32>
          %sub3A_667 = vector.broadcast %get3A_292 : f32 to vector<8x128xf32>
          %sub3A_668 = arith.subf %get3A_662, %sub3A_667 : vector<8x128xf32>
          %mul3A_669 = arith.mulf %sub3A_664, %sub3A_664 : vector<8x128xf32>
          %mul3A_670 = arith.mulf %sub3A_666, %sub3A_666 : vector<8x128xf32>
          %add3A_671 = arith.addf %mul3A_669, %mul3A_670 : vector<8x128xf32>
          %mul3A_672 = arith.mulf %sub3A_668, %sub3A_668 : vector<8x128xf32>
          %add3A_673 = arith.addf %add3A_671, %mul3A_672 : vector<8x128xf32>
          %get3A_674 = arith.constant 48 : index
          %get3A_675 = arith.constant 0 : index
          %get3A_676 = vector.load %arg10[%get3A_674, %get3A_675] : memref<128x128xf32, #tpu.memory_space<vmem>>, vector<8x128xf32>
          %min3A_677 = arith.minimumf %get3A_676, %add3A_673 : vector<8x128xf32>
          %swap3A_678 = arith.constant 48 : index
          %swap3A_679 = arith.constant 0 : index
          %swap3A_680 = vector.load %arg10[%swap3A_678, %swap3A_679] : memref<128x128xf32, #tpu.memory_space<vmem>>, vector<8x128xf32>
          tpu.vector_store %arg10[%swap3A_678, %swap3A_679], %min3A_677 {strides = array<i32>} : memref<128x128xf32, #tpu.memory_space<vmem>>, vector<8x128xf32>,
          %reduce_max3A_681 = vector.shape_cast %min3A_677 : vector<8x128xf32> to vector<1x8x128xf32>
          %reduce_max3A_682 = arith.constant dense<0xFF800000> : vector<1xf32>
          %reduce_max3A_683 = vector.multi_reduction <maximumf>, %reduce_max3A_681, %reduce_max3A_682 [1, 2] : vector<1x8x128xf32> to vector<1xf32>
          %reduce_max3A_684 = vector.shape_cast %reduce_max3A_683 : vector<1xf32> to vector<1x1x1xf32>
          %reduce_max3A_685 = vector.extract %reduce_max3A_684[0, 0, 0] : f32 from vector<1x1x1xf32>
          %add3A_686 = arith.constant 6144 : i32
          %add3A_687 = vector.broadcast %add3A_686 : i32 to vector<8x128xi32>
          %add3A_688 = arith.addi %add3A_687, %add3A : vector<8x128xi32>
          %eq3A_689 = vector.broadcast %reduce_max3A_685 : f32 to vector<8x128xf32>
          %eq3A_690 = arith.cmpf oeq, %min3A_677, %eq3A_689 : vector<8x128xf32>
          %jit3A_691 = arith.constant 16384 : i32
          %broadcast_in_dim3A_692 = vector.broadcast %jit3A_691 : i32 to vector<8x128xi32>
          %select_n3A_693 = arith.select %eq3A_690, %add3A_688, %broadcast_in_dim3A_692 : vector<8x128xi1>, vector<8x128xi32>
          %reduce_min3A_694 = vector.shape_cast %select_n3A_693 : vector<8x128xi32> to vector<1x8x128xi32>
          %reduce_min3A_695 = arith.constant dense<2147483647> : vector<1xi32>
          %reduce_min3A_696 = vector.multi_reduction <minsi>, %reduce_min3A_694, %reduce_min3A_695 [1, 2] : vector<1x8x128xi32> to vector<1xi32>
          %reduce_min3A_697 = vector.shape_cast %reduce_min3A_696 : vector<1xi32> to vector<1x1x1xi32>
          %reduce_min3A_698 = vector.extract %reduce_min3A_697[0, 0, 0] : i32 from vector<1x1x1xi32>
          %gt3A_699 = arith.cmpf ogt, %reduce_max3A_685, %select_n3A_643 : f32
          %select_n3A_700 = arith.select %gt3A_699, %reduce_max3A_685, %select_n3A_643 : f32
          %select_n3A_701 = arith.select %gt3A_699, %reduce_min3A_698, %select_n3A_644 : i32
          %get3A_702 = arith.constant 0 : index
          %get3A_703 = arith.constant 0 : index
          %get3A_704 = arith.constant 56 : index
          %get3A_705 = arith.constant 0 : index
          %get3A_706 = vector.load %arg1[%get3A_702, %get3A_703, %get3A_704, %get3A_705] : memref<1x3x128x128xf32, #tpu.memory_space<vmem>>, vector<1x1x8x128xf32>
          %get3A_707 = vector.shape_cast %get3A_706 : vector<1x1x8x128xf32> to vector<8x128xf32>
          %get3A_708 = arith.constant 0 : index
          %get3A_709 = arith.constant 1 : index
          %get3A_710 = arith.constant 56 : index
          %get3A_711 = arith.constant 0 : index
          %get3A_712 = vector.load %arg1[%get3A_708, %get3A_709, %get3A_710, %get3A_711] : memref<1x3x128x128xf32, #tpu.memory_space<vmem>>, vector<1x1x8x128xf32>
          %get3A_713 = vector.shape_cast %get3A_712 : vector<1x1x8x128xf32> to vector<8x128xf32>
          %get3A_714 = arith.constant 0 : index
          %get3A_715 = arith.constant 2 : index
          %get3A_716 = arith.constant 56 : index
          %get3A_717 = arith.constant 0 : index
          %get3A_718 = vector.load %arg1[%get3A_714, %get3A_715, %get3A_716, %get3A_717] : memref<1x3x128x128xf32, #tpu.memory_space<vmem>>, vector<1x1x8x128xf32>
          %get3A_719 = vector.shape_cast %get3A_718 : vector<1x1x8x128xf32> to vector<8x128xf32>
          %sub3A_720 = vector.broadcast %get3A_284 : f32 to vector<8x128xf32>
          %sub3A_721 = arith.subf %get3A_707, %sub3A_720 : vector<8x128xf32>
          %sub3A_722 = vector.broadcast %get3A_288 : f32 to vector<8x128xf32>
          %sub3A_723 = arith.subf %get3A_713, %sub3A_722 : vector<8x128xf32>
          %sub3A_724 = vector.broadcast %get3A_292 : f32 to vector<8x128xf32>
          %sub3A_725 = arith.subf %get3A_719, %sub3A_724 : vector<8x128xf32>
          %mul3A_726 = arith.mulf %sub3A_721, %sub3A_721 : vector<8x128xf32>
          %mul3A_727 = arith.mulf %sub3A_723, %sub3A_723 : vector<8x128xf32>
          %add3A_728 = arith.addf %mul3A_726, %mul3A_727 : vector<8x128xf32>
          %mul3A_729 = arith.mulf %sub3A_725, %sub3A_725 : vector<8x128xf32>
          %add3A_730 = arith.addf %add3A_728, %mul3A_729 : vector<8x128xf32>
          %get3A_731 = arith.constant 56 : index
          %get3A_732 = arith.constant 0 : index
          %get3A_733 = vector.load %arg10[%get3A_731, %get3A_732] : memref<128x128xf32, #tpu.memory_space<vmem>>, vector<8x128xf32>
          %min3A_734 = arith.minimumf %get3A_733, %add3A_730 : vector<8x128xf32>
          %swap3A_735 = arith.constant 56 : index
          %swap3A_736 = arith.constant 0 : index
          %swap3A_737 = vector.load %arg10[%swap3A_735, %swap3A_736] : memref<128x128xf32, #tpu.memory_space<vmem>>, vector<8x128xf32>
          tpu.vector_store %arg10[%swap3A_735, %swap3A_736], %min3A_734 {strides = array<i32>} : memref<128x128xf32, #tpu.memory_space<vmem>>, vector<8x128xf32>,
          %reduce_max3A_738 = vector.shape_cast %min3A_734 : vector<8x128xf32> to vector<1x8x128xf32>
          %reduce_max3A_739 = arith.constant dense<0xFF800000> : vector<1xf32>
          %reduce_max3A_740 = vector.multi_reduction <maximumf>, %reduce_max3A_738, %reduce_max3A_739 [1, 2] : vector<1x8x128xf32> to vector<1xf32>
          %reduce_max3A_741 = vector.shape_cast %reduce_max3A_740 : vector<1xf32> to vector<1x1x1xf32>
          %reduce_max3A_742 = vector.extract %reduce_max3A_741[0, 0, 0] : f32 from vector<1x1x1xf32>
          %add3A_743 = arith.constant 7168 : i32
          %add3A_744 = vector.broadcast %add3A_743 : i32 to vector<8x128xi32>
          %add3A_745 = arith.addi %add3A_744, %add3A : vector<8x128xi32>
          %eq3A_746 = vector.broadcast %reduce_max3A_742 : f32 to vector<8x128xf32>
          %eq3A_747 = arith.cmpf oeq, %min3A_734, %eq3A_746 : vector<8x128xf32>
          %jit3A_748 = arith.constant 16384 : i32
          %broadcast_in_dim3A_749 = vector.broadcast %jit3A_748 : i32 to vector<8x128xi32>
          %select_n3A_750 = arith.select %eq3A_747, %add3A_745, %broadcast_in_dim3A_749 : vector<8x128xi1>, vector<8x128xi32>
          %reduce_min3A_751 = vector.shape_cast %select_n3A_750 : vector<8x128xi32> to vector<1x8x128xi32>
          %reduce_min3A_752 = arith.constant dense<2147483647> : vector<1xi32>
          %reduce_min3A_753 = vector.multi_reduction <minsi>, %reduce_min3A_751, %reduce_min3A_752 [1, 2] : vector<1x8x128xi32> to vector<1xi32>
          %reduce_min3A_754 = vector.shape_cast %reduce_min3A_753 : vector<1xi32> to vector<1x1x1xi32>
          %reduce_min3A_755 = vector.extract %reduce_min3A_754[0, 0, 0] : i32 from vector<1x1x1xi32>
          %gt3A_756 = arith.cmpf ogt, %reduce_max3A_742, %select_n3A_700 : f32
          %select_n3A_757 = arith.select %gt3A_756, %reduce_max3A_742, %select_n3A_700 : f32
          %select_n3A_758 = arith.select %gt3A_756, %reduce_min3A_755, %select_n3A_701 : i32
          %get3A_759 = arith.constant 0 : index
          %get3A_760 = arith.constant 0 : index
          %get3A_761 = arith.constant 64 : index
          %get3A_762 = arith.constant 0 : index
          %get3A_763 = vector.load %arg1[%get3A_759, %get3A_760, %get3A_761, %get3A_762] : memref<1x3x128x128xf32, #tpu.memory_space<vmem>>, vector<1x1x8x128xf32>
          %get3A_764 = vector.shape_cast %get3A_763 : vector<1x1x8x128xf32> to vector<8x128xf32>
          %get3A_765 = arith.constant 0 : index
          %get3A_766 = arith.constant 1 : index
          %get3A_767 = arith.constant 64 : index
          %get3A_768 = arith.constant 0 : index
          %get3A_769 = vector.load %arg1[%get3A_765, %get3A_766, %get3A_767, %get3A_768] : memref<1x3x128x128xf32, #tpu.memory_space<vmem>>, vector<1x1x8x128xf32>
          %get3A_770 = vector.shape_cast %get3A_769 : vector<1x1x8x128xf32> to vector<8x128xf32>
          %get3A_771 = arith.constant 0 : index
          %get3A_772 = arith.constant 2 : index
          %get3A_773 = arith.constant 64 : index
          %get3A_774 = arith.constant 0 : index
          %get3A_775 = vector.load %arg1[%get3A_771, %get3A_772, %get3A_773, %get3A_774] : memref<1x3x128x128xf32, #tpu.memory_space<vmem>>, vector<1x1x8x128xf32>
          %get3A_776 = vector.shape_cast %get3A_775 : vector<1x1x8x128xf32> to vector<8x128xf32>
          %sub3A_777 = vector.broadcast %get3A_284 : f32 to vector<8x128xf32>
          %sub3A_778 = arith.subf %get3A_764, %sub3A_777 : vector<8x128xf32>
          %sub3A_779 = vector.broadcast %get3A_288 : f32 to vector<8x128xf32>
          %sub3A_780 = arith.subf %get3A_770, %sub3A_779 : vector<8x128xf32>
          %sub3A_781 = vector.broadcast %get3A_292 : f32 to vector<8x128xf32>
          %sub3A_782 = arith.subf %get3A_776, %sub3A_781 : vector<8x128xf32>
          %mul3A_783 = arith.mulf %sub3A_778, %sub3A_778 : vector<8x128xf32>
          %mul3A_784 = arith.mulf %sub3A_780, %sub3A_780 : vector<8x128xf32>
          %add3A_785 = arith.addf %mul3A_783, %mul3A_784 : vector<8x128xf32>
          %mul3A_786 = arith.mulf %sub3A_782, %sub3A_782 : vector<8x128xf32>
          %add3A_787 = arith.addf %add3A_785, %mul3A_786 : vector<8x128xf32>
          %get3A_788 = arith.constant 64 : index
          %get3A_789 = arith.constant 0 : index
          %get3A_790 = vector.load %arg10[%get3A_788, %get3A_789] : memref<128x128xf32, #tpu.memory_space<vmem>>, vector<8x128xf32>
          %min3A_791 = arith.minimumf %get3A_790, %add3A_787 : vector<8x128xf32>
          %swap3A_792 = arith.constant 64 : index
          %swap3A_793 = arith.constant 0 : index
          %swap3A_794 = vector.load %arg10[%swap3A_792, %swap3A_793] : memref<128x128xf32, #tpu.memory_space<vmem>>, vector<8x128xf32>
          tpu.vector_store %arg10[%swap3A_792, %swap3A_793], %min3A_791 {strides = array<i32>} : memref<128x128xf32, #tpu.memory_space<vmem>>, vector<8x128xf32>,
          %reduce_max3A_795 = vector.shape_cast %min3A_791 : vector<8x128xf32> to vector<1x8x128xf32>
          %reduce_max3A_796 = arith.constant dense<0xFF800000> : vector<1xf32>
          %reduce_max3A_797 = vector.multi_reduction <maximumf>, %reduce_max3A_795, %reduce_max3A_796 [1, 2] : vector<1x8x128xf32> to vector<1xf32>
          %reduce_max3A_798 = vector.shape_cast %reduce_max3A_797 : vector<1xf32> to vector<1x1x1xf32>
          %reduce_max3A_799 = vector.extract %reduce_max3A_798[0, 0, 0] : f32 from vector<1x1x1xf32>
          %add3A_800 = arith.constant 8192 : i32
          %add3A_801 = vector.broadcast %add3A_800 : i32 to vector<8x128xi32>
          %add3A_802 = arith.addi %add3A_801, %add3A : vector<8x128xi32>
          %eq3A_803 = vector.broadcast %reduce_max3A_799 : f32 to vector<8x128xf32>
          %eq3A_804 = arith.cmpf oeq, %min3A_791, %eq3A_803 : vector<8x128xf32>
          %jit3A_805 = arith.constant 16384 : i32
          %broadcast_in_dim3A_806 = vector.broadcast %jit3A_805 : i32 to vector<8x128xi32>
          %select_n3A_807 = arith.select %eq3A_804, %add3A_802, %broadcast_in_dim3A_806 : vector<8x128xi1>, vector<8x128xi32>
          %reduce_min3A_808 = vector.shape_cast %select_n3A_807 : vector<8x128xi32> to vector<1x8x128xi32>
          %reduce_min3A_809 = arith.constant dense<2147483647> : vector<1xi32>
          %reduce_min3A_810 = vector.multi_reduction <minsi>, %reduce_min3A_808, %reduce_min3A_809 [1, 2] : vector<1x8x128xi32> to vector<1xi32>
          %reduce_min3A_811 = vector.shape_cast %reduce_min3A_810 : vector<1xi32> to vector<1x1x1xi32>
          %reduce_min3A_812 = vector.extract %reduce_min3A_811[0, 0, 0] : i32 from vector<1x1x1xi32>
          %gt3A_813 = arith.cmpf ogt, %reduce_max3A_799, %select_n3A_757 : f32
          %select_n3A_814 = arith.select %gt3A_813, %reduce_max3A_799, %select_n3A_757 : f32
          %select_n3A_815 = arith.select %gt3A_813, %reduce_min3A_812, %select_n3A_758 : i32
          %get3A_816 = arith.constant 0 : index
          %get3A_817 = arith.constant 0 : index
          %get3A_818 = arith.constant 72 : index
          %get3A_819 = arith.constant 0 : index
          %get3A_820 = vector.load %arg1[%get3A_816, %get3A_817, %get3A_818, %get3A_819] : memref<1x3x128x128xf32, #tpu.memory_space<vmem>>, vector<1x1x8x128xf32>
          %get3A_821 = vector.shape_cast %get3A_820 : vector<1x1x8x128xf32> to vector<8x128xf32>
          %get3A_822 = arith.constant 0 : index
          %get3A_823 = arith.constant 1 : index
          %get3A_824 = arith.constant 72 : index
          %get3A_825 = arith.constant 0 : index
          %get3A_826 = vector.load %arg1[%get3A_822, %get3A_823, %get3A_824, %get3A_825] : memref<1x3x128x128xf32, #tpu.memory_space<vmem>>, vector<1x1x8x128xf32>
          %get3A_827 = vector.shape_cast %get3A_826 : vector<1x1x8x128xf32> to vector<8x128xf32>
          %get3A_828 = arith.constant 0 : index
          %get3A_829 = arith.constant 2 : index
          %get3A_830 = arith.constant 72 : index
          %get3A_831 = arith.constant 0 : index
          %get3A_832 = vector.load %arg1[%get3A_828, %get3A_829, %get3A_830, %get3A_831] : memref<1x3x128x128xf32, #tpu.memory_space<vmem>>, vector<1x1x8x128xf32>
          %get3A_833 = vector.shape_cast %get3A_832 : vector<1x1x8x128xf32> to vector<8x128xf32>
          %sub3A_834 = vector.broadcast %get3A_284 : f32 to vector<8x128xf32>
          %sub3A_835 = arith.subf %get3A_821, %sub3A_834 : vector<8x128xf32>
          %sub3A_836 = vector.broadcast %get3A_288 : f32 to vector<8x128xf32>
          %sub3A_837 = arith.subf %get3A_827, %sub3A_836 : vector<8x128xf32>
          %sub3A_838 = vector.broadcast %get3A_292 : f32 to vector<8x128xf32>
          %sub3A_839 = arith.subf %get3A_833, %sub3A_838 : vector<8x128xf32>
          %mul3A_840 = arith.mulf %sub3A_835, %sub3A_835 : vector<8x128xf32>
          %mul3A_841 = arith.mulf %sub3A_837, %sub3A_837 : vector<8x128xf32>
          %add3A_842 = arith.addf %mul3A_840, %mul3A_841 : vector<8x128xf32>
          %mul3A_843 = arith.mulf %sub3A_839, %sub3A_839 : vector<8x128xf32>
          %add3A_844 = arith.addf %add3A_842, %mul3A_843 : vector<8x128xf32>
          %get3A_845 = arith.constant 72 : index
          %get3A_846 = arith.constant 0 : index
          %get3A_847 = vector.load %arg10[%get3A_845, %get3A_846] : memref<128x128xf32, #tpu.memory_space<vmem>>, vector<8x128xf32>
          %min3A_848 = arith.minimumf %get3A_847, %add3A_844 : vector<8x128xf32>
          %swap3A_849 = arith.constant 72 : index
          %swap3A_850 = arith.constant 0 : index
          %swap3A_851 = vector.load %arg10[%swap3A_849, %swap3A_850] : memref<128x128xf32, #tpu.memory_space<vmem>>, vector<8x128xf32>
          tpu.vector_store %arg10[%swap3A_849, %swap3A_850], %min3A_848 {strides = array<i32>} : memref<128x128xf32, #tpu.memory_space<vmem>>, vector<8x128xf32>,
          %reduce_max3A_852 = vector.shape_cast %min3A_848 : vector<8x128xf32> to vector<1x8x128xf32>
          %reduce_max3A_853 = arith.constant dense<0xFF800000> : vector<1xf32>
          %reduce_max3A_854 = vector.multi_reduction <maximumf>, %reduce_max3A_852, %reduce_max3A_853 [1, 2] : vector<1x8x128xf32> to vector<1xf32>
          %reduce_max3A_855 = vector.shape_cast %reduce_max3A_854 : vector<1xf32> to vector<1x1x1xf32>
          %reduce_max3A_856 = vector.extract %reduce_max3A_855[0, 0, 0] : f32 from vector<1x1x1xf32>
          %add3A_857 = arith.constant 9216 : i32
          %add3A_858 = vector.broadcast %add3A_857 : i32 to vector<8x128xi32>
          %add3A_859 = arith.addi %add3A_858, %add3A : vector<8x128xi32>
          %eq3A_860 = vector.broadcast %reduce_max3A_856 : f32 to vector<8x128xf32>
          %eq3A_861 = arith.cmpf oeq, %min3A_848, %eq3A_860 : vector<8x128xf32>
          %jit3A_862 = arith.constant 16384 : i32
          %broadcast_in_dim3A_863 = vector.broadcast %jit3A_862 : i32 to vector<8x128xi32>
          %select_n3A_864 = arith.select %eq3A_861, %add3A_859, %broadcast_in_dim3A_863 : vector<8x128xi1>, vector<8x128xi32>
          %reduce_min3A_865 = vector.shape_cast %select_n3A_864 : vector<8x128xi32> to vector<1x8x128xi32>
          %reduce_min3A_866 = arith.constant dense<2147483647> : vector<1xi32>
          %reduce_min3A_867 = vector.multi_reduction <minsi>, %reduce_min3A_865, %reduce_min3A_866 [1, 2] : vector<1x8x128xi32> to vector<1xi32>
          %reduce_min3A_868 = vector.shape_cast %reduce_min3A_867 : vector<1xi32> to vector<1x1x1xi32>
          %reduce_min3A_869 = vector.extract %reduce_min3A_868[0, 0, 0] : i32 from vector<1x1x1xi32>
          %gt3A_870 = arith.cmpf ogt, %reduce_max3A_856, %select_n3A_814 : f32
          %select_n3A_871 = arith.select %gt3A_870, %reduce_max3A_856, %select_n3A_814 : f32
          %select_n3A_872 = arith.select %gt3A_870, %reduce_min3A_869, %select_n3A_815 : i32
          %get3A_873 = arith.constant 0 : index
          %get3A_874 = arith.constant 0 : index
          %get3A_875 = arith.constant 80 : index
          %get3A_876 = arith.constant 0 : index
          %get3A_877 = vector.load %arg1[%get3A_873, %get3A_874, %get3A_875, %get3A_876] : memref<1x3x128x128xf32, #tpu.memory_space<vmem>>, vector<1x1x8x128xf32>
          %get3A_878 = vector.shape_cast %get3A_877 : vector<1x1x8x128xf32> to vector<8x128xf32>
          %get3A_879 = arith.constant 0 : index
          %get3A_880 = arith.constant 1 : index
          %get3A_881 = arith.constant 80 : index
          %get3A_882 = arith.constant 0 : index
          %get3A_883 = vector.load %arg1[%get3A_879, %get3A_880, %get3A_881, %get3A_882] : memref<1x3x128x128xf32, #tpu.memory_space<vmem>>, vector<1x1x8x128xf32>
          %get3A_884 = vector.shape_cast %get3A_883 : vector<1x1x8x128xf32> to vector<8x128xf32>
          %get3A_885 = arith.constant 0 : index
          %get3A_886 = arith.constant 2 : index
          %get3A_887 = arith.constant 80 : index
          %get3A_888 = arith.constant 0 : index
          %get3A_889 = vector.load %arg1[%get3A_885, %get3A_886, %get3A_887, %get3A_888] : memref<1x3x128x128xf32, #tpu.memory_space<vmem>>, vector<1x1x8x128xf32>
          %get3A_890 = vector.shape_cast %get3A_889 : vector<1x1x8x128xf32> to vector<8x128xf32>
          %sub3A_891 = vector.broadcast %get3A_284 : f32 to vector<8x128xf32>
          %sub3A_892 = arith.subf %get3A_878, %sub3A_891 : vector<8x128xf32>
          %sub3A_893 = vector.broadcast %get3A_288 : f32 to vector<8x128xf32>
          %sub3A_894 = arith.subf %get3A_884, %sub3A_893 : vector<8x128xf32>
          %sub3A_895 = vector.broadcast %get3A_292 : f32 to vector<8x128xf32>
          %sub3A_896 = arith.subf %get3A_890, %sub3A_895 : vector<8x128xf32>
          %mul3A_897 = arith.mulf %sub3A_892, %sub3A_892 : vector<8x128xf32>
          %mul3A_898 = arith.mulf %sub3A_894, %sub3A_894 : vector<8x128xf32>
          %add3A_899 = arith.addf %mul3A_897, %mul3A_898 : vector<8x128xf32>
          %mul3A_900 = arith.mulf %sub3A_896, %sub3A_896 : vector<8x128xf32>
          %add3A_901 = arith.addf %add3A_899, %mul3A_900 : vector<8x128xf32>
          %get3A_902 = arith.constant 80 : index
          %get3A_903 = arith.constant 0 : index
          %get3A_904 = vector.load %arg10[%get3A_902, %get3A_903] : memref<128x128xf32, #tpu.memory_space<vmem>>, vector<8x128xf32>
          %min3A_905 = arith.minimumf %get3A_904, %add3A_901 : vector<8x128xf32>
          %swap3A_906 = arith.constant 80 : index
          %swap3A_907 = arith.constant 0 : index
          %swap3A_908 = vector.load %arg10[%swap3A_906, %swap3A_907] : memref<128x128xf32, #tpu.memory_space<vmem>>, vector<8x128xf32>
          tpu.vector_store %arg10[%swap3A_906, %swap3A_907], %min3A_905 {strides = array<i32>} : memref<128x128xf32, #tpu.memory_space<vmem>>, vector<8x128xf32>,
          %reduce_max3A_909 = vector.shape_cast %min3A_905 : vector<8x128xf32> to vector<1x8x128xf32>
          %reduce_max3A_910 = arith.constant dense<0xFF800000> : vector<1xf32>
          %reduce_max3A_911 = vector.multi_reduction <maximumf>, %reduce_max3A_909, %reduce_max3A_910 [1, 2] : vector<1x8x128xf32> to vector<1xf32>
          %reduce_max3A_912 = vector.shape_cast %reduce_max3A_911 : vector<1xf32> to vector<1x1x1xf32>
          %reduce_max3A_913 = vector.extract %reduce_max3A_912[0, 0, 0] : f32 from vector<1x1x1xf32>
          %add3A_914 = arith.constant 10240 : i32
          %add3A_915 = vector.broadcast %add3A_914 : i32 to vector<8x128xi32>
          %add3A_916 = arith.addi %add3A_915, %add3A : vector<8x128xi32>
          %eq3A_917 = vector.broadcast %reduce_max3A_913 : f32 to vector<8x128xf32>
          %eq3A_918 = arith.cmpf oeq, %min3A_905, %eq3A_917 : vector<8x128xf32>
          %jit3A_919 = arith.constant 16384 : i32
          %broadcast_in_dim3A_920 = vector.broadcast %jit3A_919 : i32 to vector<8x128xi32>
          %select_n3A_921 = arith.select %eq3A_918, %add3A_916, %broadcast_in_dim3A_920 : vector<8x128xi1>, vector<8x128xi32>
          %reduce_min3A_922 = vector.shape_cast %select_n3A_921 : vector<8x128xi32> to vector<1x8x128xi32>
          %reduce_min3A_923 = arith.constant dense<2147483647> : vector<1xi32>
          %reduce_min3A_924 = vector.multi_reduction <minsi>, %reduce_min3A_922, %reduce_min3A_923 [1, 2] : vector<1x8x128xi32> to vector<1xi32>
          %reduce_min3A_925 = vector.shape_cast %reduce_min3A_924 : vector<1xi32> to vector<1x1x1xi32>
          %reduce_min3A_926 = vector.extract %reduce_min3A_925[0, 0, 0] : i32 from vector<1x1x1xi32>
          %gt3A_927 = arith.cmpf ogt, %reduce_max3A_913, %select_n3A_871 : f32
          %select_n3A_928 = arith.select %gt3A_927, %reduce_max3A_913, %select_n3A_871 : f32
          %select_n3A_929 = arith.select %gt3A_927, %reduce_min3A_926, %select_n3A_872 : i32
          %get3A_930 = arith.constant 0 : index
          %get3A_931 = arith.constant 0 : index
          %get3A_932 = arith.constant 88 : index
          %get3A_933 = arith.constant 0 : index
          %get3A_934 = vector.load %arg1[%get3A_930, %get3A_931, %get3A_932, %get3A_933] : memref<1x3x128x128xf32, #tpu.memory_space<vmem>>, vector<1x1x8x128xf32>
          %get3A_935 = vector.shape_cast %get3A_934 : vector<1x1x8x128xf32> to vector<8x128xf32>
          %get3A_936 = arith.constant 0 : index
          %get3A_937 = arith.constant 1 : index
          %get3A_938 = arith.constant 88 : index
          %get3A_939 = arith.constant 0 : index
          %get3A_940 = vector.load %arg1[%get3A_936, %get3A_937, %get3A_938, %get3A_939] : memref<1x3x128x128xf32, #tpu.memory_space<vmem>>, vector<1x1x8x128xf32>
          %get3A_941 = vector.shape_cast %get3A_940 : vector<1x1x8x128xf32> to vector<8x128xf32>
          %get3A_942 = arith.constant 0 : index
          %get3A_943 = arith.constant 2 : index
          %get3A_944 = arith.constant 88 : index
          %get3A_945 = arith.constant 0 : index
          %get3A_946 = vector.load %arg1[%get3A_942, %get3A_943, %get3A_944, %get3A_945] : memref<1x3x128x128xf32, #tpu.memory_space<vmem>>, vector<1x1x8x128xf32>
          %get3A_947 = vector.shape_cast %get3A_946 : vector<1x1x8x128xf32> to vector<8x128xf32>
          %sub3A_948 = vector.broadcast %get3A_284 : f32 to vector<8x128xf32>
          %sub3A_949 = arith.subf %get3A_935, %sub3A_948 : vector<8x128xf32>
          %sub3A_950 = vector.broadcast %get3A_288 : f32 to vector<8x128xf32>
          %sub3A_951 = arith.subf %get3A_941, %sub3A_950 : vector<8x128xf32>
          %sub3A_952 = vector.broadcast %get3A_292 : f32 to vector<8x128xf32>
          %sub3A_953 = arith.subf %get3A_947, %sub3A_952 : vector<8x128xf32>
          %mul3A_954 = arith.mulf %sub3A_949, %sub3A_949 : vector<8x128xf32>
          %mul3A_955 = arith.mulf %sub3A_951, %sub3A_951 : vector<8x128xf32>
          %add3A_956 = arith.addf %mul3A_954, %mul3A_955 : vector<8x128xf32>
          %mul3A_957 = arith.mulf %sub3A_953, %sub3A_953 : vector<8x128xf32>
          %add3A_958 = arith.addf %add3A_956, %mul3A_957 : vector<8x128xf32>
          %get3A_959 = arith.constant 88 : index
          %get3A_960 = arith.constant 0 : index
          %get3A_961 = vector.load %arg10[%get3A_959, %get3A_960] : memref<128x128xf32, #tpu.memory_space<vmem>>, vector<8x128xf32>
          %min3A_962 = arith.minimumf %get3A_961, %add3A_958 : vector<8x128xf32>
          %swap3A_963 = arith.constant 88 : index
          %swap3A_964 = arith.constant 0 : index
          %swap3A_965 = vector.load %arg10[%swap3A_963, %swap3A_964] : memref<128x128xf32, #tpu.memory_space<vmem>>, vector<8x128xf32>
          tpu.vector_store %arg10[%swap3A_963, %swap3A_964], %min3A_962 {strides = array<i32>} : memref<128x128xf32, #tpu.memory_space<vmem>>, vector<8x128xf32>,
          %reduce_max3A_966 = vector.shape_cast %min3A_962 : vector<8x128xf32> to vector<1x8x128xf32>
          %reduce_max3A_967 = arith.constant dense<0xFF800000> : vector<1xf32>
          %reduce_max3A_968 = vector.multi_reduction <maximumf>, %reduce_max3A_966, %reduce_max3A_967 [1, 2] : vector<1x8x128xf32> to vector<1xf32>
          %reduce_max3A_969 = vector.shape_cast %reduce_max3A_968 : vector<1xf32> to vector<1x1x1xf32>
          %reduce_max3A_970 = vector.extract %reduce_max3A_969[0, 0, 0] : f32 from vector<1x1x1xf32>
          %add3A_971 = arith.constant 11264 : i32
          %add3A_972 = vector.broadcast %add3A_971 : i32 to vector<8x128xi32>
          %add3A_973 = arith.addi %add3A_972, %add3A : vector<8x128xi32>
          %eq3A_974 = vector.broadcast %reduce_max3A_970 : f32 to vector<8x128xf32>
          %eq3A_975 = arith.cmpf oeq, %min3A_962, %eq3A_974 : vector<8x128xf32>
          %jit3A_976 = arith.constant 16384 : i32
          %broadcast_in_dim3A_977 = vector.broadcast %jit3A_976 : i32 to vector<8x128xi32>
          %select_n3A_978 = arith.select %eq3A_975, %add3A_973, %broadcast_in_dim3A_977 : vector<8x128xi1>, vector<8x128xi32>
          %reduce_min3A_979 = vector.shape_cast %select_n3A_978 : vector<8x128xi32> to vector<1x8x128xi32>
          %reduce_min3A_980 = arith.constant dense<2147483647> : vector<1xi32>
          %reduce_min3A_981 = vector.multi_reduction <minsi>, %reduce_min3A_979, %reduce_min3A_980 [1, 2] : vector<1x8x128xi32> to vector<1xi32>
          %reduce_min3A_982 = vector.shape_cast %reduce_min3A_981 : vector<1xi32> to vector<1x1x1xi32>
          %reduce_min3A_983 = vector.extract %reduce_min3A_982[0, 0, 0] : i32 from vector<1x1x1xi32>
          %gt3A_984 = arith.cmpf ogt, %reduce_max3A_970, %select_n3A_928 : f32
          %select_n3A_985 = arith.select %gt3A_984, %reduce_max3A_970, %select_n3A_928 : f32
          %select_n3A_986 = arith.select %gt3A_984, %reduce_min3A_983, %select_n3A_929 : i32
          %get3A_987 = arith.constant 0 : index
          %get3A_988 = arith.constant 0 : index
          %get3A_989 = arith.constant 96 : index
          %get3A_990 = arith.constant 0 : index
          %get3A_991 = vector.load %arg1[%get3A_987, %get3A_988, %get3A_989, %get3A_990] : memref<1x3x128x128xf32, #tpu.memory_space<vmem>>, vector<1x1x8x128xf32>
          %get3A_992 = vector.shape_cast %get3A_991 : vector<1x1x8x128xf32> to vector<8x128xf32>
          %get3A_993 = arith.constant 0 : index
          %get3A_994 = arith.constant 1 : index
          %get3A_995 = arith.constant 96 : index
          %get3A_996 = arith.constant 0 : index
          %get3A_997 = vector.load %arg1[%get3A_993, %get3A_994, %get3A_995, %get3A_996] : memref<1x3x128x128xf32, #tpu.memory_space<vmem>>, vector<1x1x8x128xf32>
          %get3A_998 = vector.shape_cast %get3A_997 : vector<1x1x8x128xf32> to vector<8x128xf32>
          %get3A_999 = arith.constant 0 : index
          %get3A_1000 = arith.constant 2 : index
          %get3A_1001 = arith.constant 96 : index
          %get3A_1002 = arith.constant 0 : index
          %get3A_1003 = vector.load %arg1[%get3A_999, %get3A_1000, %get3A_1001, %get3A_1002] : memref<1x3x128x128xf32, #tpu.memory_space<vmem>>, vector<1x1x8x128xf32>
          %get3A_1004 = vector.shape_cast %get3A_1003 : vector<1x1x8x128xf32> to vector<8x128xf32>
          %sub3A_1005 = vector.broadcast %get3A_284 : f32 to vector<8x128xf32>
          %sub3A_1006 = arith.subf %get3A_992, %sub3A_1005 : vector<8x128xf32>
          %sub3A_1007 = vector.broadcast %get3A_288 : f32 to vector<8x128xf32>
          %sub3A_1008 = arith.subf %get3A_998, %sub3A_1007 : vector<8x128xf32>
          %sub3A_1009 = vector.broadcast %get3A_292 : f32 to vector<8x128xf32>
          %sub3A_1010 = arith.subf %get3A_1004, %sub3A_1009 : vector<8x128xf32>
          %mul3A_1011 = arith.mulf %sub3A_1006, %sub3A_1006 : vector<8x128xf32>
          %mul3A_1012 = arith.mulf %sub3A_1008, %sub3A_1008 : vector<8x128xf32>
          %add3A_1013 = arith.addf %mul3A_1011, %mul3A_1012 : vector<8x128xf32>
          %mul3A_1014 = arith.mulf %sub3A_1010, %sub3A_1010 : vector<8x128xf32>
          %add3A_1015 = arith.addf %add3A_1013, %mul3A_1014 : vector<8x128xf32>
          %get3A_1016 = arith.constant 96 : index
          %get3A_1017 = arith.constant 0 : index
          %get3A_1018 = vector.load %arg10[%get3A_1016, %get3A_1017] : memref<128x128xf32, #tpu.memory_space<vmem>>, vector<8x128xf32>
          %min3A_1019 = arith.minimumf %get3A_1018, %add3A_1015 : vector<8x128xf32>
          %swap3A_1020 = arith.constant 96 : index
          %swap3A_1021 = arith.constant 0 : index
          %swap3A_1022 = vector.load %arg10[%swap3A_1020, %swap3A_1021] : memref<128x128xf32, #tpu.memory_space<vmem>>, vector<8x128xf32>
          tpu.vector_store %arg10[%swap3A_1020, %swap3A_1021], %min3A_1019 {strides = array<i32>} : memref<128x128xf32, #tpu.memory_space<vmem>>, vector<8x128xf32>,
          %reduce_max3A_1023 = vector.shape_cast %min3A_1019 : vector<8x128xf32> to vector<1x8x128xf32>
          %reduce_max3A_1024 = arith.constant dense<0xFF800000> : vector<1xf32>
          %reduce_max3A_1025 = vector.multi_reduction <maximumf>, %reduce_max3A_1023, %reduce_max3A_1024 [1, 2] : vector<1x8x128xf32> to vector<1xf32>
          %reduce_max3A_1026 = vector.shape_cast %reduce_max3A_1025 : vector<1xf32> to vector<1x1x1xf32>
          %reduce_max3A_1027 = vector.extract %reduce_max3A_1026[0, 0, 0] : f32 from vector<1x1x1xf32>
          %add3A_1028 = arith.constant 12288 : i32
          %add3A_1029 = vector.broadcast %add3A_1028 : i32 to vector<8x128xi32>
          %add3A_1030 = arith.addi %add3A_1029, %add3A : vector<8x128xi32>
          %eq3A_1031 = vector.broadcast %reduce_max3A_1027 : f32 to vector<8x128xf32>
          %eq3A_1032 = arith.cmpf oeq, %min3A_1019, %eq3A_1031 : vector<8x128xf32>
          %jit3A_1033 = arith.constant 16384 : i32
          %broadcast_in_dim3A_1034 = vector.broadcast %jit3A_1033 : i32 to vector<8x128xi32>
          %select_n3A_1035 = arith.select %eq3A_1032, %add3A_1030, %broadcast_in_dim3A_1034 : vector<8x128xi1>, vector<8x128xi32>
          %reduce_min3A_1036 = vector.shape_cast %select_n3A_1035 : vector<8x128xi32> to vector<1x8x128xi32>
          %reduce_min3A_1037 = arith.constant dense<2147483647> : vector<1xi32>
          %reduce_min3A_1038 = vector.multi_reduction <minsi>, %reduce_min3A_1036, %reduce_min3A_1037 [1, 2] : vector<1x8x128xi32> to vector<1xi32>
          %reduce_min3A_1039 = vector.shape_cast %reduce_min3A_1038 : vector<1xi32> to vector<1x1x1xi32>
          %reduce_min3A_1040 = vector.extract %reduce_min3A_1039[0, 0, 0] : i32 from vector<1x1x1xi32>
          %gt3A_1041 = arith.cmpf ogt, %reduce_max3A_1027, %select_n3A_985 : f32
          %select_n3A_1042 = arith.select %gt3A_1041, %reduce_max3A_1027, %select_n3A_985 : f32
          %select_n3A_1043 = arith.select %gt3A_1041, %reduce_min3A_1040, %select_n3A_986 : i32
          %get3A_1044 = arith.constant 0 : index
          %get3A_1045 = arith.constant 0 : index
          %get3A_1046 = arith.constant 104 : index
          %get3A_1047 = arith.constant 0 : index
          %get3A_1048 = vector.load %arg1[%get3A_1044, %get3A_1045, %get3A_1046, %get3A_1047] : memref<1x3x128x128xf32, #tpu.memory_space<vmem>>, vector<1x1x8x128xf32>
          %get3A_1049 = vector.shape_cast %get3A_1048 : vector<1x1x8x128xf32> to vector<8x128xf32>
          %get3A_1050 = arith.constant 0 : index
          %get3A_1051 = arith.constant 1 : index
          %get3A_1052 = arith.constant 104 : index
          %get3A_1053 = arith.constant 0 : index
          %get3A_1054 = vector.load %arg1[%get3A_1050, %get3A_1051, %get3A_1052, %get3A_1053] : memref<1x3x128x128xf32, #tpu.memory_space<vmem>>, vector<1x1x8x128xf32>
          %get3A_1055 = vector.shape_cast %get3A_1054 : vector<1x1x8x128xf32> to vector<8x128xf32>
          %get3A_1056 = arith.constant 0 : index
          %get3A_1057 = arith.constant 2 : index
          %get3A_1058 = arith.constant 104 : index
          %get3A_1059 = arith.constant 0 : index
          %get3A_1060 = vector.load %arg1[%get3A_1056, %get3A_1057, %get3A_1058, %get3A_1059] : memref<1x3x128x128xf32, #tpu.memory_space<vmem>>, vector<1x1x8x128xf32>
          %get3A_1061 = vector.shape_cast %get3A_1060 : vector<1x1x8x128xf32> to vector<8x128xf32>
          %sub3A_1062 = vector.broadcast %get3A_284 : f32 to vector<8x128xf32>
          %sub3A_1063 = arith.subf %get3A_1049, %sub3A_1062 : vector<8x128xf32>
          %sub3A_1064 = vector.broadcast %get3A_288 : f32 to vector<8x128xf32>
          %sub3A_1065 = arith.subf %get3A_1055, %sub3A_1064 : vector<8x128xf32>
          %sub3A_1066 = vector.broadcast %get3A_292 : f32 to vector<8x128xf32>
          %sub3A_1067 = arith.subf %get3A_1061, %sub3A_1066 : vector<8x128xf32>
          %mul3A_1068 = arith.mulf %sub3A_1063, %sub3A_1063 : vector<8x128xf32>
          %mul3A_1069 = arith.mulf %sub3A_1065, %sub3A_1065 : vector<8x128xf32>
          %add3A_1070 = arith.addf %mul3A_1068, %mul3A_1069 : vector<8x128xf32>
          %mul3A_1071 = arith.mulf %sub3A_1067, %sub3A_1067 : vector<8x128xf32>
          %add3A_1072 = arith.addf %add3A_1070, %mul3A_1071 : vector<8x128xf32>
          %get3A_1073 = arith.constant 104 : index
          %get3A_1074 = arith.constant 0 : index
          %get3A_1075 = vector.load %arg10[%get3A_1073, %get3A_1074] : memref<128x128xf32, #tpu.memory_space<vmem>>, vector<8x128xf32>
          %min3A_1076 = arith.minimumf %get3A_1075, %add3A_1072 : vector<8x128xf32>
          %swap3A_1077 = arith.constant 104 : index
          %swap3A_1078 = arith.constant 0 : index
          %swap3A_1079 = vector.load %arg10[%swap3A_1077, %swap3A_1078] : memref<128x128xf32, #tpu.memory_space<vmem>>, vector<8x128xf32>
          tpu.vector_store %arg10[%swap3A_1077, %swap3A_1078], %min3A_1076 {strides = array<i32>} : memref<128x128xf32, #tpu.memory_space<vmem>>, vector<8x128xf32>,
          %reduce_max3A_1080 = vector.shape_cast %min3A_1076 : vector<8x128xf32> to vector<1x8x128xf32>
          %reduce_max3A_1081 = arith.constant dense<0xFF800000> : vector<1xf32>
          %reduce_max3A_1082 = vector.multi_reduction <maximumf>, %reduce_max3A_1080, %reduce_max3A_1081 [1, 2] : vector<1x8x128xf32> to vector<1xf32>
          %reduce_max3A_1083 = vector.shape_cast %reduce_max3A_1082 : vector<1xf32> to vector<1x1x1xf32>
          %reduce_max3A_1084 = vector.extract %reduce_max3A_1083[0, 0, 0] : f32 from vector<1x1x1xf32>
          %add3A_1085 = arith.constant 13312 : i32
          %add3A_1086 = vector.broadcast %add3A_1085 : i32 to vector<8x128xi32>
          %add3A_1087 = arith.addi %add3A_1086, %add3A : vector<8x128xi32>
          %eq3A_1088 = vector.broadcast %reduce_max3A_1084 : f32 to vector<8x128xf32>
          %eq3A_1089 = arith.cmpf oeq, %min3A_1076, %eq3A_1088 : vector<8x128xf32>
          %jit3A_1090 = arith.constant 16384 : i32
          %broadcast_in_dim3A_1091 = vector.broadcast %jit3A_1090 : i32 to vector<8x128xi32>
          %select_n3A_1092 = arith.select %eq3A_1089, %add3A_1087, %broadcast_in_dim3A_1091 : vector<8x128xi1>, vector<8x128xi32>
          %reduce_min3A_1093 = vector.shape_cast %select_n3A_1092 : vector<8x128xi32> to vector<1x8x128xi32>
          %reduce_min3A_1094 = arith.constant dense<2147483647> : vector<1xi32>
          %reduce_min3A_1095 = vector.multi_reduction <minsi>, %reduce_min3A_1093, %reduce_min3A_1094 [1, 2] : vector<1x8x128xi32> to vector<1xi32>
          %reduce_min3A_1096 = vector.shape_cast %reduce_min3A_1095 : vector<1xi32> to vector<1x1x1xi32>
          %reduce_min3A_1097 = vector.extract %reduce_min3A_1096[0, 0, 0] : i32 from vector<1x1x1xi32>
          %gt3A_1098 = arith.cmpf ogt, %reduce_max3A_1084, %select_n3A_1042 : f32
          %select_n3A_1099 = arith.select %gt3A_1098, %reduce_max3A_1084, %select_n3A_1042 : f32
          %select_n3A_1100 = arith.select %gt3A_1098, %reduce_min3A_1097, %select_n3A_1043 : i32
          %get3A_1101 = arith.constant 0 : index
          %get3A_1102 = arith.constant 0 : index
          %get3A_1103 = arith.constant 112 : index
          %get3A_1104 = arith.constant 0 : index
          %get3A_1105 = vector.load %arg1[%get3A_1101, %get3A_1102, %get3A_1103, %get3A_1104] : memref<1x3x128x128xf32, #tpu.memory_space<vmem>>, vector<1x1x8x128xf32>
          %get3A_1106 = vector.shape_cast %get3A_1105 : vector<1x1x8x128xf32> to vector<8x128xf32>
          %get3A_1107 = arith.constant 0 : index
          %get3A_1108 = arith.constant 1 : index
          %get3A_1109 = arith.constant 112 : index
          %get3A_1110 = arith.constant 0 : index
          %get3A_1111 = vector.load %arg1[%get3A_1107, %get3A_1108, %get3A_1109, %get3A_1110] : memref<1x3x128x128xf32, #tpu.memory_space<vmem>>, vector<1x1x8x128xf32>
          %get3A_1112 = vector.shape_cast %get3A_1111 : vector<1x1x8x128xf32> to vector<8x128xf32>
          %get3A_1113 = arith.constant 0 : index
          %get3A_1114 = arith.constant 2 : index
          %get3A_1115 = arith.constant 112 : index
          %get3A_1116 = arith.constant 0 : index
          %get3A_1117 = vector.load %arg1[%get3A_1113, %get3A_1114, %get3A_1115, %get3A_1116] : memref<1x3x128x128xf32, #tpu.memory_space<vmem>>, vector<1x1x8x128xf32>
          %get3A_1118 = vector.shape_cast %get3A_1117 : vector<1x1x8x128xf32> to vector<8x128xf32>
          %sub3A_1119 = vector.broadcast %get3A_284 : f32 to vector<8x128xf32>
          %sub3A_1120 = arith.subf %get3A_1106, %sub3A_1119 : vector<8x128xf32>
          %sub3A_1121 = vector.broadcast %get3A_288 : f32 to vector<8x128xf32>
          %sub3A_1122 = arith.subf %get3A_1112, %sub3A_1121 : vector<8x128xf32>
          %sub3A_1123 = vector.broadcast %get3A_292 : f32 to vector<8x128xf32>
          %sub3A_1124 = arith.subf %get3A_1118, %sub3A_1123 : vector<8x128xf32>
          %mul3A_1125 = arith.mulf %sub3A_1120, %sub3A_1120 : vector<8x128xf32>
          %mul3A_1126 = arith.mulf %sub3A_1122, %sub3A_1122 : vector<8x128xf32>
          %add3A_1127 = arith.addf %mul3A_1125, %mul3A_1126 : vector<8x128xf32>
          %mul3A_1128 = arith.mulf %sub3A_1124, %sub3A_1124 : vector<8x128xf32>
          %add3A_1129 = arith.addf %add3A_1127, %mul3A_1128 : vector<8x128xf32>
          %get3A_1130 = arith.constant 112 : index
          %get3A_1131 = arith.constant 0 : index
          %get3A_1132 = vector.load %arg10[%get3A_1130, %get3A_1131] : memref<128x128xf32, #tpu.memory_space<vmem>>, vector<8x128xf32>
          %min3A_1133 = arith.minimumf %get3A_1132, %add3A_1129 : vector<8x128xf32>
          %swap3A_1134 = arith.constant 112 : index
          %swap3A_1135 = arith.constant 0 : index
          %swap3A_1136 = vector.load %arg10[%swap3A_1134, %swap3A_1135] : memref<128x128xf32, #tpu.memory_space<vmem>>, vector<8x128xf32>
          tpu.vector_store %arg10[%swap3A_1134, %swap3A_1135], %min3A_1133 {strides = array<i32>} : memref<128x128xf32, #tpu.memory_space<vmem>>, vector<8x128xf32>,
          %reduce_max3A_1137 = vector.shape_cast %min3A_1133 : vector<8x128xf32> to vector<1x8x128xf32>
          %reduce_max3A_1138 = arith.constant dense<0xFF800000> : vector<1xf32>
          %reduce_max3A_1139 = vector.multi_reduction <maximumf>, %reduce_max3A_1137, %reduce_max3A_1138 [1, 2] : vector<1x8x128xf32> to vector<1xf32>
          %reduce_max3A_1140 = vector.shape_cast %reduce_max3A_1139 : vector<1xf32> to vector<1x1x1xf32>
          %reduce_max3A_1141 = vector.extract %reduce_max3A_1140[0, 0, 0] : f32 from vector<1x1x1xf32>
          %add3A_1142 = arith.constant 14336 : i32
          %add3A_1143 = vector.broadcast %add3A_1142 : i32 to vector<8x128xi32>
          %add3A_1144 = arith.addi %add3A_1143, %add3A : vector<8x128xi32>
          %eq3A_1145 = vector.broadcast %reduce_max3A_1141 : f32 to vector<8x128xf32>
          %eq3A_1146 = arith.cmpf oeq, %min3A_1133, %eq3A_1145 : vector<8x128xf32>
          %jit3A_1147 = arith.constant 16384 : i32
          %broadcast_in_dim3A_1148 = vector.broadcast %jit3A_1147 : i32 to vector<8x128xi32>
          %select_n3A_1149 = arith.select %eq3A_1146, %add3A_1144, %broadcast_in_dim3A_1148 : vector<8x128xi1>, vector<8x128xi32>
          %reduce_min3A_1150 = vector.shape_cast %select_n3A_1149 : vector<8x128xi32> to vector<1x8x128xi32>
          %reduce_min3A_1151 = arith.constant dense<2147483647> : vector<1xi32>
          %reduce_min3A_1152 = vector.multi_reduction <minsi>, %reduce_min3A_1150, %reduce_min3A_1151 [1, 2] : vector<1x8x128xi32> to vector<1xi32>
          %reduce_min3A_1153 = vector.shape_cast %reduce_min3A_1152 : vector<1xi32> to vector<1x1x1xi32>
          %reduce_min3A_1154 = vector.extract %reduce_min3A_1153[0, 0, 0] : i32 from vector<1x1x1xi32>
          %gt3A_1155 = arith.cmpf ogt, %reduce_max3A_1141, %select_n3A_1099 : f32
          %select_n3A_1156 = arith.select %gt3A_1155, %reduce_max3A_1141, %select_n3A_1099 : f32
          %select_n3A_1157 = arith.select %gt3A_1155, %reduce_min3A_1154, %select_n3A_1100 : i32
          %get3A_1158 = arith.constant 0 : index
          %get3A_1159 = arith.constant 0 : index
          %get3A_1160 = arith.constant 120 : index
          %get3A_1161 = arith.constant 0 : index
          %get3A_1162 = vector.load %arg1[%get3A_1158, %get3A_1159, %get3A_1160, %get3A_1161] : memref<1x3x128x128xf32, #tpu.memory_space<vmem>>, vector<1x1x8x128xf32>
          %get3A_1163 = vector.shape_cast %get3A_1162 : vector<1x1x8x128xf32> to vector<8x128xf32>
          %get3A_1164 = arith.constant 0 : index
          %get3A_1165 = arith.constant 1 : index
          %get3A_1166 = arith.constant 120 : index
          %get3A_1167 = arith.constant 0 : index
          %get3A_1168 = vector.load %arg1[%get3A_1164, %get3A_1165, %get3A_1166, %get3A_1167] : memref<1x3x128x128xf32, #tpu.memory_space<vmem>>, vector<1x1x8x128xf32>
          %get3A_1169 = vector.shape_cast %get3A_1168 : vector<1x1x8x128xf32> to vector<8x128xf32>
          %get3A_1170 = arith.constant 0 : index
          %get3A_1171 = arith.constant 2 : index
          %get3A_1172 = arith.constant 120 : index
          %get3A_1173 = arith.constant 0 : index
          %get3A_1174 = vector.load %arg1[%get3A_1170, %get3A_1171, %get3A_1172, %get3A_1173] : memref<1x3x128x128xf32, #tpu.memory_space<vmem>>, vector<1x1x8x128xf32>
          %get3A_1175 = vector.shape_cast %get3A_1174 : vector<1x1x8x128xf32> to vector<8x128xf32>
          %sub3A_1176 = vector.broadcast %get3A_284 : f32 to vector<8x128xf32>
          %sub3A_1177 = arith.subf %get3A_1163, %sub3A_1176 : vector<8x128xf32>
          %sub3A_1178 = vector.broadcast %get3A_288 : f32 to vector<8x128xf32>
          %sub3A_1179 = arith.subf %get3A_1169, %sub3A_1178 : vector<8x128xf32>
          %sub3A_1180 = vector.broadcast %get3A_292 : f32 to vector<8x128xf32>
          %sub3A_1181 = arith.subf %get3A_1175, %sub3A_1180 : vector<8x128xf32>
          %mul3A_1182 = arith.mulf %sub3A_1177, %sub3A_1177 : vector<8x128xf32>
          %mul3A_1183 = arith.mulf %sub3A_1179, %sub3A_1179 : vector<8x128xf32>
          %add3A_1184 = arith.addf %mul3A_1182, %mul3A_1183 : vector<8x128xf32>
          %mul3A_1185 = arith.mulf %sub3A_1181, %sub3A_1181 : vector<8x128xf32>
          %add3A_1186 = arith.addf %add3A_1184, %mul3A_1185 : vector<8x128xf32>
          %get3A_1187 = arith.constant 120 : index
          %get3A_1188 = arith.constant 0 : index
          %get3A_1189 = vector.load %arg10[%get3A_1187, %get3A_1188] : memref<128x128xf32, #tpu.memory_space<vmem>>, vector<8x128xf32>
          %min3A_1190 = arith.minimumf %get3A_1189, %add3A_1186 : vector<8x128xf32>
          %swap3A_1191 = arith.constant 120 : index
          %swap3A_1192 = arith.constant 0 : index
          %swap3A_1193 = vector.load %arg10[%swap3A_1191, %swap3A_1192] : memref<128x128xf32, #tpu.memory_space<vmem>>, vector<8x128xf32>
          tpu.vector_store %arg10[%swap3A_1191, %swap3A_1192], %min3A_1190 {strides = array<i32>} : memref<128x128xf32, #tpu.memory_space<vmem>>, vector<8x128xf32>,
          %reduce_max3A_1194 = vector.shape_cast %min3A_1190 : vector<8x128xf32> to vector<1x8x128xf32>
          %reduce_max3A_1195 = arith.constant dense<0xFF800000> : vector<1xf32>
          %reduce_max3A_1196 = vector.multi_reduction <maximumf>, %reduce_max3A_1194, %reduce_max3A_1195 [1, 2] : vector<1x8x128xf32> to vector<1xf32>
          %reduce_max3A_1197 = vector.shape_cast %reduce_max3A_1196 : vector<1xf32> to vector<1x1x1xf32>
          %reduce_max3A_1198 = vector.extract %reduce_max3A_1197[0, 0, 0] : f32 from vector<1x1x1xf32>
          %add3A_1199 = arith.constant 15360 : i32
          %add3A_1200 = vector.broadcast %add3A_1199 : i32 to vector<8x128xi32>
          %add3A_1201 = arith.addi %add3A_1200, %add3A : vector<8x128xi32>
          %eq3A_1202 = vector.broadcast %reduce_max3A_1198 : f32 to vector<8x128xf32>
          %eq3A_1203 = arith.cmpf oeq, %min3A_1190, %eq3A_1202 : vector<8x128xf32>
          %jit3A_1204 = arith.constant 16384 : i32
          %broadcast_in_dim3A_1205 = vector.broadcast %jit3A_1204 : i32 to vector<8x128xi32>
          %select_n3A_1206 = arith.select %eq3A_1203, %add3A_1201, %broadcast_in_dim3A_1205 : vector<8x128xi1>, vector<8x128xi32>
          %reduce_min3A_1207 = vector.shape_cast %select_n3A_1206 : vector<8x128xi32> to vector<1x8x128xi32>
          %reduce_min3A_1208 = arith.constant dense<2147483647> : vector<1xi32>
          %reduce_min3A_1209 = vector.multi_reduction <minsi>, %reduce_min3A_1207, %reduce_min3A_1208 [1, 2] : vector<1x8x128xi32> to vector<1xi32>
          %reduce_min3A_1210 = vector.shape_cast %reduce_min3A_1209 : vector<1xi32> to vector<1x1x1xi32>
          %reduce_min3A_1211 = vector.extract %reduce_min3A_1210[0, 0, 0] : i32 from vector<1x1x1xi32>
          %gt3A_1212 = arith.cmpf ogt, %reduce_max3A_1198, %select_n3A_1156 : f32
          %select_n3A_1213 = arith.select %gt3A_1212, %reduce_max3A_1198, %select_n3A_1156 : f32
          %select_n3A_1214 = arith.select %gt3A_1212, %reduce_min3A_1211, %select_n3A_1157 : i32
          %add3A_1215 = arith.constant 1 : i32
          %add3A_1216 = arith.addi %while3A_272, %add3A_1215 : i32
          scf.yield %add3A_1216, %select_n3A_1214 : i32, i32
        }
        %while3A_269 = arith.constant 1 : i32
        %while3A_270:2 = scf.for %while3A_271 = %while3A_266 to %while3A_262 step %while3A_269 iter_args(%while3A_272 = %while3A_268#0, %while3A_273 = %while3A_268#1) -> (i32, i32)  : i32 {
          %get3A_274 = arith.constant 0 : index
          %get3A_275 = arith.constant 0 : index
          %get3A_276 = arith.index_cast %while3A_273 : i32 to index
          %get3A_277 = memref.load %arg3[%get3A_274, %get3A_275, %get3A_276] : memref<1x1x16384xi32, #tpu.memory_space<smem>>
          %swap3A_278 = arith.index_cast %arg0 : i32 to index
          %swap3A_279 = arith.index_cast %while3A_272 : i32 to index
          %swap3A_280 = memref.load %arg8[%swap3A_278, %swap3A_279] : memref<4x1024xi32, #tpu.memory_space<smem>>
          memref.store %get3A_277, %arg8[%swap3A_278, %swap3A_279] : memref<4x1024xi32, #tpu.memory_space<smem>>
          %get3A_281 = arith.constant 0 : index
          %get3A_282 = arith.constant 0 : index
          %get3A_283 = arith.index_cast %while3A_273 : i32 to index
          %get3A_284 = memref.load %arg2[%get3A_281, %get3A_282, %get3A_283] : memref<1x3x16384xf32, #tpu.memory_space<smem>>
          %get3A_285 = arith.constant 0 : index
          %get3A_286 = arith.constant 1 : index
          %get3A_287 = arith.index_cast %while3A_273 : i32 to index
          %get3A_288 = memref.load %arg2[%get3A_285, %get3A_286, %get3A_287] : memref<1x3x16384xf32, #tpu.memory_space<smem>>
          %get3A_289 = arith.constant 0 : index
          %get3A_290 = arith.constant 2 : index
          %get3A_291 = arith.index_cast %while3A_273 : i32 to index
          %get3A_292 = memref.load %arg2[%get3A_289, %get3A_290, %get3A_291] : memref<1x3x16384xf32, #tpu.memory_space<smem>>
          %swap3A_293 = arith.index_cast %arg0 : i32 to index
          %swap3A_294 = arith.constant 0 : index
          %swap3A_295 = arith.index_cast %while3A_272 : i32 to index
          %swap3A_296 = memref.load %arg9[%swap3A_293, %swap3A_294, %swap3A_295] : memref<4x3x1024xf32, #tpu.memory_space<smem>>
          memref.store %get3A_284, %arg9[%swap3A_293, %swap3A_294, %swap3A_295] : memref<4x3x1024xf32, #tpu.memory_space<smem>>
          %swap3A_297 = arith.index_cast %arg0 : i32 to index
          %swap3A_298 = arith.constant 1 : index
          %swap3A_299 = arith.index_cast %while3A_272 : i32 to index
          %swap3A_300 = memref.load %arg9[%swap3A_297, %swap3A_298, %swap3A_299] : memref<4x3x1024xf32, #tpu.memory_space<smem>>
          memref.store %get3A_288, %arg9[%swap3A_297, %swap3A_298, %swap3A_299] : memref<4x3x1024xf32, #tpu.memory_space<smem>>
          %swap3A_301 = arith.index_cast %arg0 : i32 to index
          %swap3A_302 = arith.constant 2 : index
          %swap3A_303 = arith.index_cast %while3A_272 : i32 to index
          %swap3A_304 = memref.load %arg9[%swap3A_301, %swap3A_302, %swap3A_303] : memref<4x3x1024xf32, #tpu.memory_space<smem>>
          memref.store %get3A_292, %arg9[%swap3A_301, %swap3A_302, %swap3A_303] : memref<4x3x1024xf32, #tpu.memory_space<smem>>
          %get3A_305 = arith.constant 0 : index
          %get3A_306 = arith.constant 0 : index
          %get3A_307 = arith.constant 0 : index
          %get3A_308 = arith.constant 0 : index
          %get3A_309 = vector.load %arg1[%get3A_305, %get3A_306, %get3A_307, %get3A_308] : memref<1x3x128x128xf32, #tpu.memory_space<vmem>>, vector<1x1x8x128xf32>
          %get3A_310 = vector.shape_cast %get3A_309 : vector<1x1x8x128xf32> to vector<8x128xf32>
          %get3A_311 = arith.constant 0 : index
          %get3A_312 = arith.constant 1 : index
          %get3A_313 = arith.constant 0 : index
          %get3A_314 = arith.constant 0 : index
          %get3A_315 = vector.load %arg1[%get3A_311, %get3A_312, %get3A_313, %get3A_314] : memref<1x3x128x128xf32, #tpu.memory_space<vmem>>, vector<1x1x8x128xf32>
          %get3A_316 = vector.shape_cast %get3A_315 : vector<1x1x8x128xf32> to vector<8x128xf32>
          %get3A_317 = arith.constant 0 : index
          %get3A_318 = arith.constant 2 : index
          %get3A_319 = arith.constant 0 : index
          %get3A_320 = arith.constant 0 : index
          %get3A_321 = vector.load %arg1[%get3A_317, %get3A_318, %get3A_319, %get3A_320] : memref<1x3x128x128xf32, #tpu.memory_space<vmem>>, vector<1x1x8x128xf32>
          %get3A_322 = vector.shape_cast %get3A_321 : vector<1x1x8x128xf32> to vector<8x128xf32>
          %sub3A_323 = vector.broadcast %get3A_284 : f32 to vector<8x128xf32>
          %sub3A_324 = arith.subf %get3A_310, %sub3A_323 : vector<8x128xf32>
          %sub3A_325 = vector.broadcast %get3A_288 : f32 to vector<8x128xf32>
          %sub3A_326 = arith.subf %get3A_316, %sub3A_325 : vector<8x128xf32>
          %sub3A_327 = vector.broadcast %get3A_292 : f32 to vector<8x128xf32>
          %sub3A_328 = arith.subf %get3A_322, %sub3A_327 : vector<8x128xf32>
          %mul3A_329 = arith.mulf %sub3A_324, %sub3A_324 : vector<8x128xf32>
          %mul3A_330 = arith.mulf %sub3A_326, %sub3A_326 : vector<8x128xf32>
          %add3A_331 = arith.addf %mul3A_329, %mul3A_330 : vector<8x128xf32>
          %mul3A_332 = arith.mulf %sub3A_328, %sub3A_328 : vector<8x128xf32>
          %add3A_333 = arith.addf %add3A_331, %mul3A_332 : vector<8x128xf32>
          %get3A_334 = arith.constant 0 : index
          %get3A_335 = arith.constant 0 : index
          %get3A_336 = vector.load %arg10[%get3A_334, %get3A_335] : memref<128x128xf32, #tpu.memory_space<vmem>>, vector<8x128xf32>
          %min3A_337 = arith.minimumf %get3A_336, %add3A_333 : vector<8x128xf32>
          %swap3A_338 = arith.constant 0 : index
          %swap3A_339 = arith.constant 0 : index
          %swap3A_340 = vector.load %arg10[%swap3A_338, %swap3A_339] : memref<128x128xf32, #tpu.memory_space<vmem>>, vector<8x128xf32>
          tpu.vector_store %arg10[%swap3A_338, %swap3A_339], %min3A_337 {strides = array<i32>} : memref<128x128xf32, #tpu.memory_space<vmem>>, vector<8x128xf32>,
          %reduce_max3A = vector.shape_cast %min3A_337 : vector<8x128xf32> to vector<1x8x128xf32>
          %reduce_max3A_341 = arith.constant dense<0xFF800000> : vector<1xf32>
          %reduce_max3A_342 = vector.multi_reduction <maximumf>, %reduce_max3A, %reduce_max3A_341 [1, 2] : vector<1x8x128xf32> to vector<1xf32>
          %reduce_max3A_343 = vector.shape_cast %reduce_max3A_342 : vector<1xf32> to vector<1x1x1xf32>
          %reduce_max3A_344 = vector.extract %reduce_max3A_343[0, 0, 0] : f32 from vector<1x1x1xf32>
          %add3A_345 = arith.constant 0 : i32
          %add3A_346 = vector.broadcast %add3A_345 : i32 to vector<8x128xi32>
          %add3A_347 = arith.addi %add3A_346, %add3A : vector<8x128xi32>
          %eq3A = vector.broadcast %reduce_max3A_344 : f32 to vector<8x128xf32>
          %eq3A_348 = arith.cmpf oeq, %min3A_337, %eq3A : vector<8x128xf32>
          %jit3A_349 = arith.constant 16384 : i32
          %broadcast_in_dim3A_350 = vector.broadcast %jit3A_349 : i32 to vector<8x128xi32>
          %select_n3A_351 = arith.select %eq3A_348, %add3A_347, %broadcast_in_dim3A_350 : vector<8x128xi1>, vector<8x128xi32>
          %reduce_min3A = vector.shape_cast %select_n3A_351 : vector<8x128xi32> to vector<1x8x128xi32>
          %reduce_min3A_352 = arith.constant dense<2147483647> : vector<1xi32>
          %reduce_min3A_353 = vector.multi_reduction <minsi>, %reduce_min3A, %reduce_min3A_352 [1, 2] : vector<1x8x128xi32> to vector<1xi32>
          %reduce_min3A_354 = vector.shape_cast %reduce_min3A_353 : vector<1xi32> to vector<1x1x1xi32>
          %reduce_min3A_355 = vector.extract %reduce_min3A_354[0, 0, 0] : i32 from vector<1x1x1xi32>
          %gt3A_356 = arith.cmpf ogt, %reduce_max3A_344, %scan3A : f32
          %select_n3A_357 = arith.select %gt3A_356, %reduce_max3A_344, %scan3A : f32
          %jit3A_358 = arith.constant 0 : i32
          %select_n3A_359 = arith.select %gt3A_356, %reduce_min3A_355, %jit3A_358 : i32
          %get3A_360 = arith.constant 0 : index
          %get3A_361 = arith.constant 0 : index
          %get3A_362 = arith.constant 8 : index
          %get3A_363 = arith.constant 0 : index
          %get3A_364 = vector.load %arg1[%get3A_360, %get3A_361, %get3A_362, %get3A_363] : memref<1x3x128x128xf32, #tpu.memory_space<vmem>>, vector<1x1x8x128xf32>
          %get3A_365 = vector.shape_cast %get3A_364 : vector<1x1x8x128xf32> to vector<8x128xf32>
          %get3A_366 = arith.constant 0 : index
          %get3A_367 = arith.constant 1 : index
          %get3A_368 = arith.constant 8 : index
          %get3A_369 = arith.constant 0 : index
          %get3A_370 = vector.load %arg1[%get3A_366, %get3A_367, %get3A_368, %get3A_369] : memref<1x3x128x128xf32, #tpu.memory_space<vmem>>, vector<1x1x8x128xf32>
          %get3A_371 = vector.shape_cast %get3A_370 : vector<1x1x8x128xf32> to vector<8x128xf32>
          %get3A_372 = arith.constant 0 : index
          %get3A_373 = arith.constant 2 : index
          %get3A_374 = arith.constant 8 : index
          %get3A_375 = arith.constant 0 : index
          %get3A_376 = vector.load %arg1[%get3A_372, %get3A_373, %get3A_374, %get3A_375] : memref<1x3x128x128xf32, #tpu.memory_space<vmem>>, vector<1x1x8x128xf32>
          %get3A_377 = vector.shape_cast %get3A_376 : vector<1x1x8x128xf32> to vector<8x128xf32>
          %sub3A_378 = vector.broadcast %get3A_284 : f32 to vector<8x128xf32>
          %sub3A_379 = arith.subf %get3A_365, %sub3A_378 : vector<8x128xf32>
          %sub3A_380 = vector.broadcast %get3A_288 : f32 to vector<8x128xf32>
          %sub3A_381 = arith.subf %get3A_371, %sub3A_380 : vector<8x128xf32>
          %sub3A_382 = vector.broadcast %get3A_292 : f32 to vector<8x128xf32>
          %sub3A_383 = arith.subf %get3A_377, %sub3A_382 : vector<8x128xf32>
          %mul3A_384 = arith.mulf %sub3A_379, %sub3A_379 : vector<8x128xf32>
          %mul3A_385 = arith.mulf %sub3A_381, %sub3A_381 : vector<8x128xf32>
          %add3A_386 = arith.addf %mul3A_384, %mul3A_385 : vector<8x128xf32>
          %mul3A_387 = arith.mulf %sub3A_383, %sub3A_383 : vector<8x128xf32>
          %add3A_388 = arith.addf %add3A_386, %mul3A_387 : vector<8x128xf32>
          %get3A_389 = arith.constant 8 : index
          %get3A_390 = arith.constant 0 : index
          %get3A_391 = vector.load %arg10[%get3A_389, %get3A_390] : memref<128x128xf32, #tpu.memory_space<vmem>>, vector<8x128xf32>
          %min3A_392 = arith.minimumf %get3A_391, %add3A_388 : vector<8x128xf32>
          %swap3A_393 = arith.constant 8 : index
          %swap3A_394 = arith.constant 0 : index
          %swap3A_395 = vector.load %arg10[%swap3A_393, %swap3A_394] : memref<128x128xf32, #tpu.memory_space<vmem>>, vector<8x128xf32>
          tpu.vector_store %arg10[%swap3A_393, %swap3A_394], %min3A_392 {strides = array<i32>} : memref<128x128xf32, #tpu.memory_space<vmem>>, vector<8x128xf32>,
          %reduce_max3A_396 = vector.shape_cast %min3A_392 : vector<8x128xf32> to vector<1x8x128xf32>
          %reduce_max3A_397 = arith.constant dense<0xFF800000> : vector<1xf32>
          %reduce_max3A_398 = vector.multi_reduction <maximumf>, %reduce_max3A_396, %reduce_max3A_397 [1, 2] : vector<1x8x128xf32> to vector<1xf32>
          %reduce_max3A_399 = vector.shape_cast %reduce_max3A_398 : vector<1xf32> to vector<1x1x1xf32>
          %reduce_max3A_400 = vector.extract %reduce_max3A_399[0, 0, 0] : f32 from vector<1x1x1xf32>
          %add3A_401 = arith.constant 1024 : i32
          %add3A_402 = vector.broadcast %add3A_401 : i32 to vector<8x128xi32>
          %add3A_403 = arith.addi %add3A_402, %add3A : vector<8x128xi32>
          %eq3A_404 = vector.broadcast %reduce_max3A_400 : f32 to vector<8x128xf32>
          %eq3A_405 = arith.cmpf oeq, %min3A_392, %eq3A_404 : vector<8x128xf32>
          %jit3A_406 = arith.constant 16384 : i32
          %broadcast_in_dim3A_407 = vector.broadcast %jit3A_406 : i32 to vector<8x128xi32>
          %select_n3A_408 = arith.select %eq3A_405, %add3A_403, %broadcast_in_dim3A_407 : vector<8x128xi1>, vector<8x128xi32>
          %reduce_min3A_409 = vector.shape_cast %select_n3A_408 : vector<8x128xi32> to vector<1x8x128xi32>
          %reduce_min3A_410 = arith.constant dense<2147483647> : vector<1xi32>
          %reduce_min3A_411 = vector.multi_reduction <minsi>, %reduce_min3A_409, %reduce_min3A_410 [1, 2] : vector<1x8x128xi32> to vector<1xi32>
          %reduce_min3A_412 = vector.shape_cast %reduce_min3A_411 : vector<1xi32> to vector<1x1x1xi32>
          %reduce_min3A_413 = vector.extract %reduce_min3A_412[0, 0, 0] : i32 from vector<1x1x1xi32>
          %gt3A_414 = arith.cmpf ogt, %reduce_max3A_400, %select_n3A_357 : f32
          %select_n3A_415 = arith.select %gt3A_414, %reduce_max3A_400, %select_n3A_357 : f32
          %select_n3A_416 = arith.select %gt3A_414, %reduce_min3A_413, %select_n3A_359 : i32
          %get3A_417 = arith.constant 0 : index
          %get3A_418 = arith.constant 0 : index
          %get3A_419 = arith.constant 16 : index
          %get3A_420 = arith.constant 0 : index
          %get3A_421 = vector.load %arg1[%get3A_417, %get3A_418, %get3A_419, %get3A_420] : memref<1x3x128x128xf32, #tpu.memory_space<vmem>>, vector<1x1x8x128xf32>
          %get3A_422 = vector.shape_cast %get3A_421 : vector<1x1x8x128xf32> to vector<8x128xf32>
          %get3A_423 = arith.constant 0 : index
          %get3A_424 = arith.constant 1 : index
          %get3A_425 = arith.constant 16 : index
          %get3A_426 = arith.constant 0 : index
          %get3A_427 = vector.load %arg1[%get3A_423, %get3A_424, %get3A_425, %get3A_426] : memref<1x3x128x128xf32, #tpu.memory_space<vmem>>, vector<1x1x8x128xf32>
          %get3A_428 = vector.shape_cast %get3A_427 : vector<1x1x8x128xf32> to vector<8x128xf32>
          %get3A_429 = arith.constant 0 : index
          %get3A_430 = arith.constant 2 : index
          %get3A_431 = arith.constant 16 : index
          %get3A_432 = arith.constant 0 : index
          %get3A_433 = vector.load %arg1[%get3A_429, %get3A_430, %get3A_431, %get3A_432] : memref<1x3x128x128xf32, #tpu.memory_space<vmem>>, vector<1x1x8x128xf32>
          %get3A_434 = vector.shape_cast %get3A_433 : vector<1x1x8x128xf32> to vector<8x128xf32>
          %sub3A_435 = vector.broadcast %get3A_284 : f32 to vector<8x128xf32>
          %sub3A_436 = arith.subf %get3A_422, %sub3A_435 : vector<8x128xf32>
          %sub3A_437 = vector.broadcast %get3A_288 : f32 to vector<8x128xf32>
          %sub3A_438 = arith.subf %get3A_428, %sub3A_437 : vector<8x128xf32>
          %sub3A_439 = vector.broadcast %get3A_292 : f32 to vector<8x128xf32>
          %sub3A_440 = arith.subf %get3A_434, %sub3A_439 : vector<8x128xf32>
          %mul3A_441 = arith.mulf %sub3A_436, %sub3A_436 : vector<8x128xf32>
          %mul3A_442 = arith.mulf %sub3A_438, %sub3A_438 : vector<8x128xf32>
          %add3A_443 = arith.addf %mul3A_441, %mul3A_442 : vector<8x128xf32>
          %mul3A_444 = arith.mulf %sub3A_440, %sub3A_440 : vector<8x128xf32>
          %add3A_445 = arith.addf %add3A_443, %mul3A_444 : vector<8x128xf32>
          %get3A_446 = arith.constant 16 : index
          %get3A_447 = arith.constant 0 : index
          %get3A_448 = vector.load %arg10[%get3A_446, %get3A_447] : memref<128x128xf32, #tpu.memory_space<vmem>>, vector<8x128xf32>
          %min3A_449 = arith.minimumf %get3A_448, %add3A_445 : vector<8x128xf32>
          %swap3A_450 = arith.constant 16 : index
          %swap3A_451 = arith.constant 0 : index
          %swap3A_452 = vector.load %arg10[%swap3A_450, %swap3A_451] : memref<128x128xf32, #tpu.memory_space<vmem>>, vector<8x128xf32>
          tpu.vector_store %arg10[%swap3A_450, %swap3A_451], %min3A_449 {strides = array<i32>} : memref<128x128xf32, #tpu.memory_space<vmem>>, vector<8x128xf32>,
          %reduce_max3A_453 = vector.shape_cast %min3A_449 : vector<8x128xf32> to vector<1x8x128xf32>
          %reduce_max3A_454 = arith.constant dense<0xFF800000> : vector<1xf32>
          %reduce_max3A_455 = vector.multi_reduction <maximumf>, %reduce_max3A_453, %reduce_max3A_454 [1, 2] : vector<1x8x128xf32> to vector<1xf32>
          %reduce_max3A_456 = vector.shape_cast %reduce_max3A_455 : vector<1xf32> to vector<1x1x1xf32>
          %reduce_max3A_457 = vector.extract %reduce_max3A_456[0, 0, 0] : f32 from vector<1x1x1xf32>
          %add3A_458 = arith.constant 2048 : i32
          %add3A_459 = vector.broadcast %add3A_458 : i32 to vector<8x128xi32>
          %add3A_460 = arith.addi %add3A_459, %add3A : vector<8x128xi32>
          %eq3A_461 = vector.broadcast %reduce_max3A_457 : f32 to vector<8x128xf32>
          %eq3A_462 = arith.cmpf oeq, %min3A_449, %eq3A_461 : vector<8x128xf32>
          %jit3A_463 = arith.constant 16384 : i32
          %broadcast_in_dim3A_464 = vector.broadcast %jit3A_463 : i32 to vector<8x128xi32>
          %select_n3A_465 = arith.select %eq3A_462, %add3A_460, %broadcast_in_dim3A_464 : vector<8x128xi1>, vector<8x128xi32>
          %reduce_min3A_466 = vector.shape_cast %select_n3A_465 : vector<8x128xi32> to vector<1x8x128xi32>
          %reduce_min3A_467 = arith.constant dense<2147483647> : vector<1xi32>
          %reduce_min3A_468 = vector.multi_reduction <minsi>, %reduce_min3A_466, %reduce_min3A_467 [1, 2] : vector<1x8x128xi32> to vector<1xi32>
          %reduce_min3A_469 = vector.shape_cast %reduce_min3A_468 : vector<1xi32> to vector<1x1x1xi32>
          %reduce_min3A_470 = vector.extract %reduce_min3A_469[0, 0, 0] : i32 from vector<1x1x1xi32>
          %gt3A_471 = arith.cmpf ogt, %reduce_max3A_457, %select_n3A_415 : f32
          %select_n3A_472 = arith.select %gt3A_471, %reduce_max3A_457, %select_n3A_415 : f32
          %select_n3A_473 = arith.select %gt3A_471, %reduce_min3A_470, %select_n3A_416 : i32
          %get3A_474 = arith.constant 0 : index
          %get3A_475 = arith.constant 0 : index
          %get3A_476 = arith.constant 24 : index
          %get3A_477 = arith.constant 0 : index
          %get3A_478 = vector.load %arg1[%get3A_474, %get3A_475, %get3A_476, %get3A_477] : memref<1x3x128x128xf32, #tpu.memory_space<vmem>>, vector<1x1x8x128xf32>
          %get3A_479 = vector.shape_cast %get3A_478 : vector<1x1x8x128xf32> to vector<8x128xf32>
          %get3A_480 = arith.constant 0 : index
          %get3A_481 = arith.constant 1 : index
          %get3A_482 = arith.constant 24 : index
          %get3A_483 = arith.constant 0 : index
          %get3A_484 = vector.load %arg1[%get3A_480, %get3A_481, %get3A_482, %get3A_483] : memref<1x3x128x128xf32, #tpu.memory_space<vmem>>, vector<1x1x8x128xf32>
          %get3A_485 = vector.shape_cast %get3A_484 : vector<1x1x8x128xf32> to vector<8x128xf32>
          %get3A_486 = arith.constant 0 : index
          %get3A_487 = arith.constant 2 : index
          %get3A_488 = arith.constant 24 : index
          %get3A_489 = arith.constant 0 : index
          %get3A_490 = vector.load %arg1[%get3A_486, %get3A_487, %get3A_488, %get3A_489] : memref<1x3x128x128xf32, #tpu.memory_space<vmem>>, vector<1x1x8x128xf32>
          %get3A_491 = vector.shape_cast %get3A_490 : vector<1x1x8x128xf32> to vector<8x128xf32>
          %sub3A_492 = vector.broadcast %get3A_284 : f32 to vector<8x128xf32>
          %sub3A_493 = arith.subf %get3A_479, %sub3A_492 : vector<8x128xf32>
          %sub3A_494 = vector.broadcast %get3A_288 : f32 to vector<8x128xf32>
          %sub3A_495 = arith.subf %get3A_485, %sub3A_494 : vector<8x128xf32>
          %sub3A_496 = vector.broadcast %get3A_292 : f32 to vector<8x128xf32>
          %sub3A_497 = arith.subf %get3A_491, %sub3A_496 : vector<8x128xf32>
          %mul3A_498 = arith.mulf %sub3A_493, %sub3A_493 : vector<8x128xf32>
          %mul3A_499 = arith.mulf %sub3A_495, %sub3A_495 : vector<8x128xf32>
          %add3A_500 = arith.addf %mul3A_498, %mul3A_499 : vector<8x128xf32>
          %mul3A_501 = arith.mulf %sub3A_497, %sub3A_497 : vector<8x128xf32>
          %add3A_502 = arith.addf %add3A_500, %mul3A_501 : vector<8x128xf32>
          %get3A_503 = arith.constant 24 : index
          %get3A_504 = arith.constant 0 : index
          %get3A_505 = vector.load %arg10[%get3A_503, %get3A_504] : memref<128x128xf32, #tpu.memory_space<vmem>>, vector<8x128xf32>
          %min3A_506 = arith.minimumf %get3A_505, %add3A_502 : vector<8x128xf32>
          %swap3A_507 = arith.constant 24 : index
          %swap3A_508 = arith.constant 0 : index
          %swap3A_509 = vector.load %arg10[%swap3A_507, %swap3A_508] : memref<128x128xf32, #tpu.memory_space<vmem>>, vector<8x128xf32>
          tpu.vector_store %arg10[%swap3A_507, %swap3A_508], %min3A_506 {strides = array<i32>} : memref<128x128xf32, #tpu.memory_space<vmem>>, vector<8x128xf32>,
          %reduce_max3A_510 = vector.shape_cast %min3A_506 : vector<8x128xf32> to vector<1x8x128xf32>
          %reduce_max3A_511 = arith.constant dense<0xFF800000> : vector<1xf32>
          %reduce_max3A_512 = vector.multi_reduction <maximumf>, %reduce_max3A_510, %reduce_max3A_511 [1, 2] : vector<1x8x128xf32> to vector<1xf32>
          %reduce_max3A_513 = vector.shape_cast %reduce_max3A_512 : vector<1xf32> to vector<1x1x1xf32>
          %reduce_max3A_514 = vector.extract %reduce_max3A_513[0, 0, 0] : f32 from vector<1x1x1xf32>
          %add3A_515 = arith.constant 3072 : i32
          %add3A_516 = vector.broadcast %add3A_515 : i32 to vector<8x128xi32>
          %add3A_517 = arith.addi %add3A_516, %add3A : vector<8x128xi32>
          %eq3A_518 = vector.broadcast %reduce_max3A_514 : f32 to vector<8x128xf32>
          %eq3A_519 = arith.cmpf oeq, %min3A_506, %eq3A_518 : vector<8x128xf32>
          %jit3A_520 = arith.constant 16384 : i32
          %broadcast_in_dim3A_521 = vector.broadcast %jit3A_520 : i32 to vector<8x128xi32>
          %select_n3A_522 = arith.select %eq3A_519, %add3A_517, %broadcast_in_dim3A_521 : vector<8x128xi1>, vector<8x128xi32>
          %reduce_min3A_523 = vector.shape_cast %select_n3A_522 : vector<8x128xi32> to vector<1x8x128xi32>
          %reduce_min3A_524 = arith.constant dense<2147483647> : vector<1xi32>
          %reduce_min3A_525 = vector.multi_reduction <minsi>, %reduce_min3A_523, %reduce_min3A_524 [1, 2] : vector<1x8x128xi32> to vector<1xi32>
          %reduce_min3A_526 = vector.shape_cast %reduce_min3A_525 : vector<1xi32> to vector<1x1x1xi32>
          %reduce_min3A_527 = vector.extract %reduce_min3A_526[0, 0, 0] : i32 from vector<1x1x1xi32>
          %gt3A_528 = arith.cmpf ogt, %reduce_max3A_514, %select_n3A_472 : f32
          %select_n3A_529 = arith.select %gt3A_528, %reduce_max3A_514, %select_n3A_472 : f32
          %select_n3A_530 = arith.select %gt3A_528, %reduce_min3A_527, %select_n3A_473 : i32
          %get3A_531 = arith.constant 0 : index
          %get3A_532 = arith.constant 0 : index
          %get3A_533 = arith.constant 32 : index
          %get3A_534 = arith.constant 0 : index
          %get3A_535 = vector.load %arg1[%get3A_531, %get3A_532, %get3A_533, %get3A_534] : memref<1x3x128x128xf32, #tpu.memory_space<vmem>>, vector<1x1x8x128xf32>
          %get3A_536 = vector.shape_cast %get3A_535 : vector<1x1x8x128xf32> to vector<8x128xf32>
          %get3A_537 = arith.constant 0 : index
          %get3A_538 = arith.constant 1 : index
          %get3A_539 = arith.constant 32 : index
          %get3A_540 = arith.constant 0 : index
          %get3A_541 = vector.load %arg1[%get3A_537, %get3A_538, %get3A_539, %get3A_540] : memref<1x3x128x128xf32, #tpu.memory_space<vmem>>, vector<1x1x8x128xf32>
          %get3A_542 = vector.shape_cast %get3A_541 : vector<1x1x8x128xf32> to vector<8x128xf32>
          %get3A_543 = arith.constant 0 : index
          %get3A_544 = arith.constant 2 : index
          %get3A_545 = arith.constant 32 : index
          %get3A_546 = arith.constant 0 : index
          %get3A_547 = vector.load %arg1[%get3A_543, %get3A_544, %get3A_545, %get3A_546] : memref<1x3x128x128xf32, #tpu.memory_space<vmem>>, vector<1x1x8x128xf32>
          %get3A_548 = vector.shape_cast %get3A_547 : vector<1x1x8x128xf32> to vector<8x128xf32>
          %sub3A_549 = vector.broadcast %get3A_284 : f32 to vector<8x128xf32>
          %sub3A_550 = arith.subf %get3A_536, %sub3A_549 : vector<8x128xf32>
          %sub3A_551 = vector.broadcast %get3A_288 : f32 to vector<8x128xf32>
          %sub3A_552 = arith.subf %get3A_542, %sub3A_551 : vector<8x128xf32>
          %sub3A_553 = vector.broadcast %get3A_292 : f32 to vector<8x128xf32>
          %sub3A_554 = arith.subf %get3A_548, %sub3A_553 : vector<8x128xf32>
          %mul3A_555 = arith.mulf %sub3A_550, %sub3A_550 : vector<8x128xf32>
          %mul3A_556 = arith.mulf %sub3A_552, %sub3A_552 : vector<8x128xf32>
          %add3A_557 = arith.addf %mul3A_555, %mul3A_556 : vector<8x128xf32>
          %mul3A_558 = arith.mulf %sub3A_554, %sub3A_554 : vector<8x128xf32>
          %add3A_559 = arith.addf %add3A_557, %mul3A_558 : vector<8x128xf32>
          %get3A_560 = arith.constant 32 : index
          %get3A_561 = arith.constant 0 : index
          %get3A_562 = vector.load %arg10[%get3A_560, %get3A_561] : memref<128x128xf32, #tpu.memory_space<vmem>>, vector<8x128xf32>
          %min3A_563 = arith.minimumf %get3A_562, %add3A_559 : vector<8x128xf32>
          %swap3A_564 = arith.constant 32 : index
          %swap3A_565 = arith.constant 0 : index
          %swap3A_566 = vector.load %arg10[%swap3A_564, %swap3A_565] : memref<128x128xf32, #tpu.memory_space<vmem>>, vector<8x128xf32>
          tpu.vector_store %arg10[%swap3A_564, %swap3A_565], %min3A_563 {strides = array<i32>} : memref<128x128xf32, #tpu.memory_space<vmem>>, vector<8x128xf32>,
          %reduce_max3A_567 = vector.shape_cast %min3A_563 : vector<8x128xf32> to vector<1x8x128xf32>
          %reduce_max3A_568 = arith.constant dense<0xFF800000> : vector<1xf32>
          %reduce_max3A_569 = vector.multi_reduction <maximumf>, %reduce_max3A_567, %reduce_max3A_568 [1, 2] : vector<1x8x128xf32> to vector<1xf32>
          %reduce_max3A_570 = vector.shape_cast %reduce_max3A_569 : vector<1xf32> to vector<1x1x1xf32>
          %reduce_max3A_571 = vector.extract %reduce_max3A_570[0, 0, 0] : f32 from vector<1x1x1xf32>
          %add3A_572 = arith.constant 4096 : i32
          %add3A_573 = vector.broadcast %add3A_572 : i32 to vector<8x128xi32>
          %add3A_574 = arith.addi %add3A_573, %add3A : vector<8x128xi32>
          %eq3A_575 = vector.broadcast %reduce_max3A_571 : f32 to vector<8x128xf32>
          %eq3A_576 = arith.cmpf oeq, %min3A_563, %eq3A_575 : vector<8x128xf32>
          %jit3A_577 = arith.constant 16384 : i32
          %broadcast_in_dim3A_578 = vector.broadcast %jit3A_577 : i32 to vector<8x128xi32>
          %select_n3A_579 = arith.select %eq3A_576, %add3A_574, %broadcast_in_dim3A_578 : vector<8x128xi1>, vector<8x128xi32>
          %reduce_min3A_580 = vector.shape_cast %select_n3A_579 : vector<8x128xi32> to vector<1x8x128xi32>
          %reduce_min3A_581 = arith.constant dense<2147483647> : vector<1xi32>
          %reduce_min3A_582 = vector.multi_reduction <minsi>, %reduce_min3A_580, %reduce_min3A_581 [1, 2] : vector<1x8x128xi32> to vector<1xi32>
          %reduce_min3A_583 = vector.shape_cast %reduce_min3A_582 : vector<1xi32> to vector<1x1x1xi32>
          %reduce_min3A_584 = vector.extract %reduce_min3A_583[0, 0, 0] : i32 from vector<1x1x1xi32>
          %gt3A_585 = arith.cmpf ogt, %reduce_max3A_571, %select_n3A_529 : f32
          %select_n3A_586 = arith.select %gt3A_585, %reduce_max3A_571, %select_n3A_529 : f32
          %select_n3A_587 = arith.select %gt3A_585, %reduce_min3A_584, %select_n3A_530 : i32
          %get3A_588 = arith.constant 0 : index
          %get3A_589 = arith.constant 0 : index
          %get3A_590 = arith.constant 40 : index
          %get3A_591 = arith.constant 0 : index
          %get3A_592 = vector.load %arg1[%get3A_588, %get3A_589, %get3A_590, %get3A_591] : memref<1x3x128x128xf32, #tpu.memory_space<vmem>>, vector<1x1x8x128xf32>
          %get3A_593 = vector.shape_cast %get3A_592 : vector<1x1x8x128xf32> to vector<8x128xf32>
          %get3A_594 = arith.constant 0 : index
          %get3A_595 = arith.constant 1 : index
          %get3A_596 = arith.constant 40 : index
          %get3A_597 = arith.constant 0 : index
          %get3A_598 = vector.load %arg1[%get3A_594, %get3A_595, %get3A_596, %get3A_597] : memref<1x3x128x128xf32, #tpu.memory_space<vmem>>, vector<1x1x8x128xf32>
          %get3A_599 = vector.shape_cast %get3A_598 : vector<1x1x8x128xf32> to vector<8x128xf32>
          %get3A_600 = arith.constant 0 : index
          %get3A_601 = arith.constant 2 : index
          %get3A_602 = arith.constant 40 : index
          %get3A_603 = arith.constant 0 : index
          %get3A_604 = vector.load %arg1[%get3A_600, %get3A_601, %get3A_602, %get3A_603] : memref<1x3x128x128xf32, #tpu.memory_space<vmem>>, vector<1x1x8x128xf32>
          %get3A_605 = vector.shape_cast %get3A_604 : vector<1x1x8x128xf32> to vector<8x128xf32>
          %sub3A_606 = vector.broadcast %get3A_284 : f32 to vector<8x128xf32>
          %sub3A_607 = arith.subf %get3A_593, %sub3A_606 : vector<8x128xf32>
          %sub3A_608 = vector.broadcast %get3A_288 : f32 to vector<8x128xf32>
          %sub3A_609 = arith.subf %get3A_599, %sub3A_608 : vector<8x128xf32>
          %sub3A_610 = vector.broadcast %get3A_292 : f32 to vector<8x128xf32>
          %sub3A_611 = arith.subf %get3A_605, %sub3A_610 : vector<8x128xf32>
          %mul3A_612 = arith.mulf %sub3A_607, %sub3A_607 : vector<8x128xf32>
          %mul3A_613 = arith.mulf %sub3A_609, %sub3A_609 : vector<8x128xf32>
          %add3A_614 = arith.addf %mul3A_612, %mul3A_613 : vector<8x128xf32>
          %mul3A_615 = arith.mulf %sub3A_611, %sub3A_611 : vector<8x128xf32>
          %add3A_616 = arith.addf %add3A_614, %mul3A_615 : vector<8x128xf32>
          %get3A_617 = arith.constant 40 : index
          %get3A_618 = arith.constant 0 : index
          %get3A_619 = vector.load %arg10[%get3A_617, %get3A_618] : memref<128x128xf32, #tpu.memory_space<vmem>>, vector<8x128xf32>
          %min3A_620 = arith.minimumf %get3A_619, %add3A_616 : vector<8x128xf32>
          %swap3A_621 = arith.constant 40 : index
          %swap3A_622 = arith.constant 0 : index
          %swap3A_623 = vector.load %arg10[%swap3A_621, %swap3A_622] : memref<128x128xf32, #tpu.memory_space<vmem>>, vector<8x128xf32>
          tpu.vector_store %arg10[%swap3A_621, %swap3A_622], %min3A_620 {strides = array<i32>} : memref<128x128xf32, #tpu.memory_space<vmem>>, vector<8x128xf32>,
          %reduce_max3A_624 = vector.shape_cast %min3A_620 : vector<8x128xf32> to vector<1x8x128xf32>
          %reduce_max3A_625 = arith.constant dense<0xFF800000> : vector<1xf32>
          %reduce_max3A_626 = vector.multi_reduction <maximumf>, %reduce_max3A_624, %reduce_max3A_625 [1, 2] : vector<1x8x128xf32> to vector<1xf32>
          %reduce_max3A_627 = vector.shape_cast %reduce_max3A_626 : vector<1xf32> to vector<1x1x1xf32>
          %reduce_max3A_628 = vector.extract %reduce_max3A_627[0, 0, 0] : f32 from vector<1x1x1xf32>
          %add3A_629 = arith.constant 5120 : i32
          %add3A_630 = vector.broadcast %add3A_629 : i32 to vector<8x128xi32>
          %add3A_631 = arith.addi %add3A_630, %add3A : vector<8x128xi32>
          %eq3A_632 = vector.broadcast %reduce_max3A_628 : f32 to vector<8x128xf32>
          %eq3A_633 = arith.cmpf oeq, %min3A_620, %eq3A_632 : vector<8x128xf32>
          %jit3A_634 = arith.constant 16384 : i32
          %broadcast_in_dim3A_635 = vector.broadcast %jit3A_634 : i32 to vector<8x128xi32>
          %select_n3A_636 = arith.select %eq3A_633, %add3A_631, %broadcast_in_dim3A_635 : vector<8x128xi1>, vector<8x128xi32>
          %reduce_min3A_637 = vector.shape_cast %select_n3A_636 : vector<8x128xi32> to vector<1x8x128xi32>
          %reduce_min3A_638 = arith.constant dense<2147483647> : vector<1xi32>
          %reduce_min3A_639 = vector.multi_reduction <minsi>, %reduce_min3A_637, %reduce_min3A_638 [1, 2] : vector<1x8x128xi32> to vector<1xi32>
          %reduce_min3A_640 = vector.shape_cast %reduce_min3A_639 : vector<1xi32> to vector<1x1x1xi32>
          %reduce_min3A_641 = vector.extract %reduce_min3A_640[0, 0, 0] : i32 from vector<1x1x1xi32>
          %gt3A_642 = arith.cmpf ogt, %reduce_max3A_628, %select_n3A_586 : f32
          %select_n3A_643 = arith.select %gt3A_642, %reduce_max3A_628, %select_n3A_586 : f32
          %select_n3A_644 = arith.select %gt3A_642, %reduce_min3A_641, %select_n3A_587 : i32
          %get3A_645 = arith.constant 0 : index
          %get3A_646 = arith.constant 0 : index
          %get3A_647 = arith.constant 48 : index
          %get3A_648 = arith.constant 0 : index
          %get3A_649 = vector.load %arg1[%get3A_645, %get3A_646, %get3A_647, %get3A_648] : memref<1x3x128x128xf32, #tpu.memory_space<vmem>>, vector<1x1x8x128xf32>
          %get3A_650 = vector.shape_cast %get3A_649 : vector<1x1x8x128xf32> to vector<8x128xf32>
          %get3A_651 = arith.constant 0 : index
          %get3A_652 = arith.constant 1 : index
          %get3A_653 = arith.constant 48 : index
          %get3A_654 = arith.constant 0 : index
          %get3A_655 = vector.load %arg1[%get3A_651, %get3A_652, %get3A_653, %get3A_654] : memref<1x3x128x128xf32, #tpu.memory_space<vmem>>, vector<1x1x8x128xf32>
          %get3A_656 = vector.shape_cast %get3A_655 : vector<1x1x8x128xf32> to vector<8x128xf32>
          %get3A_657 = arith.constant 0 : index
          %get3A_658 = arith.constant 2 : index
          %get3A_659 = arith.constant 48 : index
          %get3A_660 = arith.constant 0 : index
          %get3A_661 = vector.load %arg1[%get3A_657, %get3A_658, %get3A_659, %get3A_660] : memref<1x3x128x128xf32, #tpu.memory_space<vmem>>, vector<1x1x8x128xf32>
          %get3A_662 = vector.shape_cast %get3A_661 : vector<1x1x8x128xf32> to vector<8x128xf32>
          %sub3A_663 = vector.broadcast %get3A_284 : f32 to vector<8x128xf32>
          %sub3A_664 = arith.subf %get3A_650, %sub3A_663 : vector<8x128xf32>
          %sub3A_665 = vector.broadcast %get3A_288 : f32 to vector<8x128xf32>
          %sub3A_666 = arith.subf %get3A_656, %sub3A_665 : vector<8x128xf32>
          %sub3A_667 = vector.broadcast %get3A_292 : f32 to vector<8x128xf32>
          %sub3A_668 = arith.subf %get3A_662, %sub3A_667 : vector<8x128xf32>
          %mul3A_669 = arith.mulf %sub3A_664, %sub3A_664 : vector<8x128xf32>
          %mul3A_670 = arith.mulf %sub3A_666, %sub3A_666 : vector<8x128xf32>
          %add3A_671 = arith.addf %mul3A_669, %mul3A_670 : vector<8x128xf32>
          %mul3A_672 = arith.mulf %sub3A_668, %sub3A_668 : vector<8x128xf32>
          %add3A_673 = arith.addf %add3A_671, %mul3A_672 : vector<8x128xf32>
          %get3A_674 = arith.constant 48 : index
          %get3A_675 = arith.constant 0 : index
          %get3A_676 = vector.load %arg10[%get3A_674, %get3A_675] : memref<128x128xf32, #tpu.memory_space<vmem>>, vector<8x128xf32>
          %min3A_677 = arith.minimumf %get3A_676, %add3A_673 : vector<8x128xf32>
          %swap3A_678 = arith.constant 48 : index
          %swap3A_679 = arith.constant 0 : index
          %swap3A_680 = vector.load %arg10[%swap3A_678, %swap3A_679] : memref<128x128xf32, #tpu.memory_space<vmem>>, vector<8x128xf32>
          tpu.vector_store %arg10[%swap3A_678, %swap3A_679], %min3A_677 {strides = array<i32>} : memref<128x128xf32, #tpu.memory_space<vmem>>, vector<8x128xf32>,
          %reduce_max3A_681 = vector.shape_cast %min3A_677 : vector<8x128xf32> to vector<1x8x128xf32>
          %reduce_max3A_682 = arith.constant dense<0xFF800000> : vector<1xf32>
          %reduce_max3A_683 = vector.multi_reduction <maximumf>, %reduce_max3A_681, %reduce_max3A_682 [1, 2] : vector<1x8x128xf32> to vector<1xf32>
          %reduce_max3A_684 = vector.shape_cast %reduce_max3A_683 : vector<1xf32> to vector<1x1x1xf32>
          %reduce_max3A_685 = vector.extract %reduce_max3A_684[0, 0, 0] : f32 from vector<1x1x1xf32>
          %add3A_686 = arith.constant 6144 : i32
          %add3A_687 = vector.broadcast %add3A_686 : i32 to vector<8x128xi32>
          %add3A_688 = arith.addi %add3A_687, %add3A : vector<8x128xi32>
          %eq3A_689 = vector.broadcast %reduce_max3A_685 : f32 to vector<8x128xf32>
          %eq3A_690 = arith.cmpf oeq, %min3A_677, %eq3A_689 : vector<8x128xf32>
          %jit3A_691 = arith.constant 16384 : i32
          %broadcast_in_dim3A_692 = vector.broadcast %jit3A_691 : i32 to vector<8x128xi32>
          %select_n3A_693 = arith.select %eq3A_690, %add3A_688, %broadcast_in_dim3A_692 : vector<8x128xi1>, vector<8x128xi32>
          %reduce_min3A_694 = vector.shape_cast %select_n3A_693 : vector<8x128xi32> to vector<1x8x128xi32>
          %reduce_min3A_695 = arith.constant dense<2147483647> : vector<1xi32>
          %reduce_min3A_696 = vector.multi_reduction <minsi>, %reduce_min3A_694, %reduce_min3A_695 [1, 2] : vector<1x8x128xi32> to vector<1xi32>
          %reduce_min3A_697 = vector.shape_cast %reduce_min3A_696 : vector<1xi32> to vector<1x1x1xi32>
          %reduce_min3A_698 = vector.extract %reduce_min3A_697[0, 0, 0] : i32 from vector<1x1x1xi32>
          %gt3A_699 = arith.cmpf ogt, %reduce_max3A_685, %select_n3A_643 : f32
          %select_n3A_700 = arith.select %gt3A_699, %reduce_max3A_685, %select_n3A_643 : f32
          %select_n3A_701 = arith.select %gt3A_699, %reduce_min3A_698, %select_n3A_644 : i32
          %get3A_702 = arith.constant 0 : index
          %get3A_703 = arith.constant 0 : index
          %get3A_704 = arith.constant 56 : index
          %get3A_705 = arith.constant 0 : index
          %get3A_706 = vector.load %arg1[%get3A_702, %get3A_703, %get3A_704, %get3A_705] : memref<1x3x128x128xf32, #tpu.memory_space<vmem>>, vector<1x1x8x128xf32>
          %get3A_707 = vector.shape_cast %get3A_706 : vector<1x1x8x128xf32> to vector<8x128xf32>
          %get3A_708 = arith.constant 0 : index
          %get3A_709 = arith.constant 1 : index
          %get3A_710 = arith.constant 56 : index
          %get3A_711 = arith.constant 0 : index
          %get3A_712 = vector.load %arg1[%get3A_708, %get3A_709, %get3A_710, %get3A_711] : memref<1x3x128x128xf32, #tpu.memory_space<vmem>>, vector<1x1x8x128xf32>
          %get3A_713 = vector.shape_cast %get3A_712 : vector<1x1x8x128xf32> to vector<8x128xf32>
          %get3A_714 = arith.constant 0 : index
          %get3A_715 = arith.constant 2 : index
          %get3A_716 = arith.constant 56 : index
          %get3A_717 = arith.constant 0 : index
          %get3A_718 = vector.load %arg1[%get3A_714, %get3A_715, %get3A_716, %get3A_717] : memref<1x3x128x128xf32, #tpu.memory_space<vmem>>, vector<1x1x8x128xf32>
          %get3A_719 = vector.shape_cast %get3A_718 : vector<1x1x8x128xf32> to vector<8x128xf32>
          %sub3A_720 = vector.broadcast %get3A_284 : f32 to vector<8x128xf32>
          %sub3A_721 = arith.subf %get3A_707, %sub3A_720 : vector<8x128xf32>
          %sub3A_722 = vector.broadcast %get3A_288 : f32 to vector<8x128xf32>
          %sub3A_723 = arith.subf %get3A_713, %sub3A_722 : vector<8x128xf32>
          %sub3A_724 = vector.broadcast %get3A_292 : f32 to vector<8x128xf32>
          %sub3A_725 = arith.subf %get3A_719, %sub3A_724 : vector<8x128xf32>
          %mul3A_726 = arith.mulf %sub3A_721, %sub3A_721 : vector<8x128xf32>
          %mul3A_727 = arith.mulf %sub3A_723, %sub3A_723 : vector<8x128xf32>
          %add3A_728 = arith.addf %mul3A_726, %mul3A_727 : vector<8x128xf32>
          %mul3A_729 = arith.mulf %sub3A_725, %sub3A_725 : vector<8x128xf32>
          %add3A_730 = arith.addf %add3A_728, %mul3A_729 : vector<8x128xf32>
          %get3A_731 = arith.constant 56 : index
          %get3A_732 = arith.constant 0 : index
          %get3A_733 = vector.load %arg10[%get3A_731, %get3A_732] : memref<128x128xf32, #tpu.memory_space<vmem>>, vector<8x128xf32>
          %min3A_734 = arith.minimumf %get3A_733, %add3A_730 : vector<8x128xf32>
          %swap3A_735 = arith.constant 56 : index
          %swap3A_736 = arith.constant 0 : index
          %swap3A_737 = vector.load %arg10[%swap3A_735, %swap3A_736] : memref<128x128xf32, #tpu.memory_space<vmem>>, vector<8x128xf32>
          tpu.vector_store %arg10[%swap3A_735, %swap3A_736], %min3A_734 {strides = array<i32>} : memref<128x128xf32, #tpu.memory_space<vmem>>, vector<8x128xf32>,
          %reduce_max3A_738 = vector.shape_cast %min3A_734 : vector<8x128xf32> to vector<1x8x128xf32>
          %reduce_max3A_739 = arith.constant dense<0xFF800000> : vector<1xf32>
          %reduce_max3A_740 = vector.multi_reduction <maximumf>, %reduce_max3A_738, %reduce_max3A_739 [1, 2] : vector<1x8x128xf32> to vector<1xf32>
          %reduce_max3A_741 = vector.shape_cast %reduce_max3A_740 : vector<1xf32> to vector<1x1x1xf32>
          %reduce_max3A_742 = vector.extract %reduce_max3A_741[0, 0, 0] : f32 from vector<1x1x1xf32>
          %add3A_743 = arith.constant 7168 : i32
          %add3A_744 = vector.broadcast %add3A_743 : i32 to vector<8x128xi32>
          %add3A_745 = arith.addi %add3A_744, %add3A : vector<8x128xi32>
          %eq3A_746 = vector.broadcast %reduce_max3A_742 : f32 to vector<8x128xf32>
          %eq3A_747 = arith.cmpf oeq, %min3A_734, %eq3A_746 : vector<8x128xf32>
          %jit3A_748 = arith.constant 16384 : i32
          %broadcast_in_dim3A_749 = vector.broadcast %jit3A_748 : i32 to vector<8x128xi32>
          %select_n3A_750 = arith.select %eq3A_747, %add3A_745, %broadcast_in_dim3A_749 : vector<8x128xi1>, vector<8x128xi32>
          %reduce_min3A_751 = vector.shape_cast %select_n3A_750 : vector<8x128xi32> to vector<1x8x128xi32>
          %reduce_min3A_752 = arith.constant dense<2147483647> : vector<1xi32>
          %reduce_min3A_753 = vector.multi_reduction <minsi>, %reduce_min3A_751, %reduce_min3A_752 [1, 2] : vector<1x8x128xi32> to vector<1xi32>
          %reduce_min3A_754 = vector.shape_cast %reduce_min3A_753 : vector<1xi32> to vector<1x1x1xi32>
          %reduce_min3A_755 = vector.extract %reduce_min3A_754[0, 0, 0] : i32 from vector<1x1x1xi32>
          %gt3A_756 = arith.cmpf ogt, %reduce_max3A_742, %select_n3A_700 : f32
          %select_n3A_757 = arith.select %gt3A_756, %reduce_max3A_742, %select_n3A_700 : f32
          %select_n3A_758 = arith.select %gt3A_756, %reduce_min3A_755, %select_n3A_701 : i32
          %get3A_759 = arith.constant 0 : index
          %get3A_760 = arith.constant 0 : index
          %get3A_761 = arith.constant 64 : index
          %get3A_762 = arith.constant 0 : index
          %get3A_763 = vector.load %arg1[%get3A_759, %get3A_760, %get3A_761, %get3A_762] : memref<1x3x128x128xf32, #tpu.memory_space<vmem>>, vector<1x1x8x128xf32>
          %get3A_764 = vector.shape_cast %get3A_763 : vector<1x1x8x128xf32> to vector<8x128xf32>
          %get3A_765 = arith.constant 0 : index
          %get3A_766 = arith.constant 1 : index
          %get3A_767 = arith.constant 64 : index
          %get3A_768 = arith.constant 0 : index
          %get3A_769 = vector.load %arg1[%get3A_765, %get3A_766, %get3A_767, %get3A_768] : memref<1x3x128x128xf32, #tpu.memory_space<vmem>>, vector<1x1x8x128xf32>
          %get3A_770 = vector.shape_cast %get3A_769 : vector<1x1x8x128xf32> to vector<8x128xf32>
          %get3A_771 = arith.constant 0 : index
          %get3A_772 = arith.constant 2 : index
          %get3A_773 = arith.constant 64 : index
          %get3A_774 = arith.constant 0 : index
          %get3A_775 = vector.load %arg1[%get3A_771, %get3A_772, %get3A_773, %get3A_774] : memref<1x3x128x128xf32, #tpu.memory_space<vmem>>, vector<1x1x8x128xf32>
          %get3A_776 = vector.shape_cast %get3A_775 : vector<1x1x8x128xf32> to vector<8x128xf32>
          %sub3A_777 = vector.broadcast %get3A_284 : f32 to vector<8x128xf32>
          %sub3A_778 = arith.subf %get3A_764, %sub3A_777 : vector<8x128xf32>
          %sub3A_779 = vector.broadcast %get3A_288 : f32 to vector<8x128xf32>
          %sub3A_780 = arith.subf %get3A_770, %sub3A_779 : vector<8x128xf32>
          %sub3A_781 = vector.broadcast %get3A_292 : f32 to vector<8x128xf32>
          %sub3A_782 = arith.subf %get3A_776, %sub3A_781 : vector<8x128xf32>
          %mul3A_783 = arith.mulf %sub3A_778, %sub3A_778 : vector<8x128xf32>
          %mul3A_784 = arith.mulf %sub3A_780, %sub3A_780 : vector<8x128xf32>
          %add3A_785 = arith.addf %mul3A_783, %mul3A_784 : vector<8x128xf32>
          %mul3A_786 = arith.mulf %sub3A_782, %sub3A_782 : vector<8x128xf32>
          %add3A_787 = arith.addf %add3A_785, %mul3A_786 : vector<8x128xf32>
          %get3A_788 = arith.constant 64 : index
          %get3A_789 = arith.constant 0 : index
          %get3A_790 = vector.load %arg10[%get3A_788, %get3A_789] : memref<128x128xf32, #tpu.memory_space<vmem>>, vector<8x128xf32>
          %min3A_791 = arith.minimumf %get3A_790, %add3A_787 : vector<8x128xf32>
          %swap3A_792 = arith.constant 64 : index
          %swap3A_793 = arith.constant 0 : index
          %swap3A_794 = vector.load %arg10[%swap3A_792, %swap3A_793] : memref<128x128xf32, #tpu.memory_space<vmem>>, vector<8x128xf32>
          tpu.vector_store %arg10[%swap3A_792, %swap3A_793], %min3A_791 {strides = array<i32>} : memref<128x128xf32, #tpu.memory_space<vmem>>, vector<8x128xf32>,
          %reduce_max3A_795 = vector.shape_cast %min3A_791 : vector<8x128xf32> to vector<1x8x128xf32>
          %reduce_max3A_796 = arith.constant dense<0xFF800000> : vector<1xf32>
          %reduce_max3A_797 = vector.multi_reduction <maximumf>, %reduce_max3A_795, %reduce_max3A_796 [1, 2] : vector<1x8x128xf32> to vector<1xf32>
          %reduce_max3A_798 = vector.shape_cast %reduce_max3A_797 : vector<1xf32> to vector<1x1x1xf32>
          %reduce_max3A_799 = vector.extract %reduce_max3A_798[0, 0, 0] : f32 from vector<1x1x1xf32>
          %add3A_800 = arith.constant 8192 : i32
          %add3A_801 = vector.broadcast %add3A_800 : i32 to vector<8x128xi32>
          %add3A_802 = arith.addi %add3A_801, %add3A : vector<8x128xi32>
          %eq3A_803 = vector.broadcast %reduce_max3A_799 : f32 to vector<8x128xf32>
          %eq3A_804 = arith.cmpf oeq, %min3A_791, %eq3A_803 : vector<8x128xf32>
          %jit3A_805 = arith.constant 16384 : i32
          %broadcast_in_dim3A_806 = vector.broadcast %jit3A_805 : i32 to vector<8x128xi32>
          %select_n3A_807 = arith.select %eq3A_804, %add3A_802, %broadcast_in_dim3A_806 : vector<8x128xi1>, vector<8x128xi32>
          %reduce_min3A_808 = vector.shape_cast %select_n3A_807 : vector<8x128xi32> to vector<1x8x128xi32>
          %reduce_min3A_809 = arith.constant dense<2147483647> : vector<1xi32>
          %reduce_min3A_810 = vector.multi_reduction <minsi>, %reduce_min3A_808, %reduce_min3A_809 [1, 2] : vector<1x8x128xi32> to vector<1xi32>
          %reduce_min3A_811 = vector.shape_cast %reduce_min3A_810 : vector<1xi32> to vector<1x1x1xi32>
          %reduce_min3A_812 = vector.extract %reduce_min3A_811[0, 0, 0] : i32 from vector<1x1x1xi32>
          %gt3A_813 = arith.cmpf ogt, %reduce_max3A_799, %select_n3A_757 : f32
          %select_n3A_814 = arith.select %gt3A_813, %reduce_max3A_799, %select_n3A_757 : f32
          %select_n3A_815 = arith.select %gt3A_813, %reduce_min3A_812, %select_n3A_758 : i32
          %get3A_816 = arith.constant 0 : index
          %get3A_817 = arith.constant 0 : index
          %get3A_818 = arith.constant 72 : index
          %get3A_819 = arith.constant 0 : index
          %get3A_820 = vector.load %arg1[%get3A_816, %get3A_817, %get3A_818, %get3A_819] : memref<1x3x128x128xf32, #tpu.memory_space<vmem>>, vector<1x1x8x128xf32>
          %get3A_821 = vector.shape_cast %get3A_820 : vector<1x1x8x128xf32> to vector<8x128xf32>
          %get3A_822 = arith.constant 0 : index
          %get3A_823 = arith.constant 1 : index
          %get3A_824 = arith.constant 72 : index
          %get3A_825 = arith.constant 0 : index
          %get3A_826 = vector.load %arg1[%get3A_822, %get3A_823, %get3A_824, %get3A_825] : memref<1x3x128x128xf32, #tpu.memory_space<vmem>>, vector<1x1x8x128xf32>
          %get3A_827 = vector.shape_cast %get3A_826 : vector<1x1x8x128xf32> to vector<8x128xf32>
          %get3A_828 = arith.constant 0 : index
          %get3A_829 = arith.constant 2 : index
          %get3A_830 = arith.constant 72 : index
          %get3A_831 = arith.constant 0 : index
          %get3A_832 = vector.load %arg1[%get3A_828, %get3A_829, %get3A_830, %get3A_831] : memref<1x3x128x128xf32, #tpu.memory_space<vmem>>, vector<1x1x8x128xf32>
          %get3A_833 = vector.shape_cast %get3A_832 : vector<1x1x8x128xf32> to vector<8x128xf32>
          %sub3A_834 = vector.broadcast %get3A_284 : f32 to vector<8x128xf32>
          %sub3A_835 = arith.subf %get3A_821, %sub3A_834 : vector<8x128xf32>
          %sub3A_836 = vector.broadcast %get3A_288 : f32 to vector<8x128xf32>
          %sub3A_837 = arith.subf %get3A_827, %sub3A_836 : vector<8x128xf32>
          %sub3A_838 = vector.broadcast %get3A_292 : f32 to vector<8x128xf32>
          %sub3A_839 = arith.subf %get3A_833, %sub3A_838 : vector<8x128xf32>
          %mul3A_840 = arith.mulf %sub3A_835, %sub3A_835 : vector<8x128xf32>
          %mul3A_841 = arith.mulf %sub3A_837, %sub3A_837 : vector<8x128xf32>
          %add3A_842 = arith.addf %mul3A_840, %mul3A_841 : vector<8x128xf32>
          %mul3A_843 = arith.mulf %sub3A_839, %sub3A_839 : vector<8x128xf32>
          %add3A_844 = arith.addf %add3A_842, %mul3A_843 : vector<8x128xf32>
          %get3A_845 = arith.constant 72 : index
          %get3A_846 = arith.constant 0 : index
          %get3A_847 = vector.load %arg10[%get3A_845, %get3A_846] : memref<128x128xf32, #tpu.memory_space<vmem>>, vector<8x128xf32>
          %min3A_848 = arith.minimumf %get3A_847, %add3A_844 : vector<8x128xf32>
          %swap3A_849 = arith.constant 72 : index
          %swap3A_850 = arith.constant 0 : index
          %swap3A_851 = vector.load %arg10[%swap3A_849, %swap3A_850] : memref<128x128xf32, #tpu.memory_space<vmem>>, vector<8x128xf32>
          tpu.vector_store %arg10[%swap3A_849, %swap3A_850], %min3A_848 {strides = array<i32>} : memref<128x128xf32, #tpu.memory_space<vmem>>, vector<8x128xf32>,
          %reduce_max3A_852 = vector.shape_cast %min3A_848 : vector<8x128xf32> to vector<1x8x128xf32>
          %reduce_max3A_853 = arith.constant dense<0xFF800000> : vector<1xf32>
          %reduce_max3A_854 = vector.multi_reduction <maximumf>, %reduce_max3A_852, %reduce_max3A_853 [1, 2] : vector<1x8x128xf32> to vector<1xf32>
          %reduce_max3A_855 = vector.shape_cast %reduce_max3A_854 : vector<1xf32> to vector<1x1x1xf32>
          %reduce_max3A_856 = vector.extract %reduce_max3A_855[0, 0, 0] : f32 from vector<1x1x1xf32>
          %add3A_857 = arith.constant 9216 : i32
          %add3A_858 = vector.broadcast %add3A_857 : i32 to vector<8x128xi32>
          %add3A_859 = arith.addi %add3A_858, %add3A : vector<8x128xi32>
          %eq3A_860 = vector.broadcast %reduce_max3A_856 : f32 to vector<8x128xf32>
          %eq3A_861 = arith.cmpf oeq, %min3A_848, %eq3A_860 : vector<8x128xf32>
          %jit3A_862 = arith.constant 16384 : i32
          %broadcast_in_dim3A_863 = vector.broadcast %jit3A_862 : i32 to vector<8x128xi32>
          %select_n3A_864 = arith.select %eq3A_861, %add3A_859, %broadcast_in_dim3A_863 : vector<8x128xi1>, vector<8x128xi32>
          %reduce_min3A_865 = vector.shape_cast %select_n3A_864 : vector<8x128xi32> to vector<1x8x128xi32>
          %reduce_min3A_866 = arith.constant dense<2147483647> : vector<1xi32>
          %reduce_min3A_867 = vector.multi_reduction <minsi>, %reduce_min3A_865, %reduce_min3A_866 [1, 2] : vector<1x8x128xi32> to vector<1xi32>
          %reduce_min3A_868 = vector.shape_cast %reduce_min3A_867 : vector<1xi32> to vector<1x1x1xi32>
          %reduce_min3A_869 = vector.extract %reduce_min3A_868[0, 0, 0] : i32 from vector<1x1x1xi32>
          %gt3A_870 = arith.cmpf ogt, %reduce_max3A_856, %select_n3A_814 : f32
          %select_n3A_871 = arith.select %gt3A_870, %reduce_max3A_856, %select_n3A_814 : f32
          %select_n3A_872 = arith.select %gt3A_870, %reduce_min3A_869, %select_n3A_815 : i32
          %get3A_873 = arith.constant 0 : index
          %get3A_874 = arith.constant 0 : index
          %get3A_875 = arith.constant 80 : index
          %get3A_876 = arith.constant 0 : index
          %get3A_877 = vector.load %arg1[%get3A_873, %get3A_874, %get3A_875, %get3A_876] : memref<1x3x128x128xf32, #tpu.memory_space<vmem>>, vector<1x1x8x128xf32>
          %get3A_878 = vector.shape_cast %get3A_877 : vector<1x1x8x128xf32> to vector<8x128xf32>
          %get3A_879 = arith.constant 0 : index
          %get3A_880 = arith.constant 1 : index
          %get3A_881 = arith.constant 80 : index
          %get3A_882 = arith.constant 0 : index
          %get3A_883 = vector.load %arg1[%get3A_879, %get3A_880, %get3A_881, %get3A_882] : memref<1x3x128x128xf32, #tpu.memory_space<vmem>>, vector<1x1x8x128xf32>
          %get3A_884 = vector.shape_cast %get3A_883 : vector<1x1x8x128xf32> to vector<8x128xf32>
          %get3A_885 = arith.constant 0 : index
          %get3A_886 = arith.constant 2 : index
          %get3A_887 = arith.constant 80 : index
          %get3A_888 = arith.constant 0 : index
          %get3A_889 = vector.load %arg1[%get3A_885, %get3A_886, %get3A_887, %get3A_888] : memref<1x3x128x128xf32, #tpu.memory_space<vmem>>, vector<1x1x8x128xf32>
          %get3A_890 = vector.shape_cast %get3A_889 : vector<1x1x8x128xf32> to vector<8x128xf32>
          %sub3A_891 = vector.broadcast %get3A_284 : f32 to vector<8x128xf32>
          %sub3A_892 = arith.subf %get3A_878, %sub3A_891 : vector<8x128xf32>
          %sub3A_893 = vector.broadcast %get3A_288 : f32 to vector<8x128xf32>
          %sub3A_894 = arith.subf %get3A_884, %sub3A_893 : vector<8x128xf32>
          %sub3A_895 = vector.broadcast %get3A_292 : f32 to vector<8x128xf32>
          %sub3A_896 = arith.subf %get3A_890, %sub3A_895 : vector<8x128xf32>
          %mul3A_897 = arith.mulf %sub3A_892, %sub3A_892 : vector<8x128xf32>
          %mul3A_898 = arith.mulf %sub3A_894, %sub3A_894 : vector<8x128xf32>
          %add3A_899 = arith.addf %mul3A_897, %mul3A_898 : vector<8x128xf32>
          %mul3A_900 = arith.mulf %sub3A_896, %sub3A_896 : vector<8x128xf32>
          %add3A_901 = arith.addf %add3A_899, %mul3A_900 : vector<8x128xf32>
          %get3A_902 = arith.constant 80 : index
          %get3A_903 = arith.constant 0 : index
          %get3A_904 = vector.load %arg10[%get3A_902, %get3A_903] : memref<128x128xf32, #tpu.memory_space<vmem>>, vector<8x128xf32>
          %min3A_905 = arith.minimumf %get3A_904, %add3A_901 : vector<8x128xf32>
          %swap3A_906 = arith.constant 80 : index
          %swap3A_907 = arith.constant 0 : index
          %swap3A_908 = vector.load %arg10[%swap3A_906, %swap3A_907] : memref<128x128xf32, #tpu.memory_space<vmem>>, vector<8x128xf32>
          tpu.vector_store %arg10[%swap3A_906, %swap3A_907], %min3A_905 {strides = array<i32>} : memref<128x128xf32, #tpu.memory_space<vmem>>, vector<8x128xf32>,
          %reduce_max3A_909 = vector.shape_cast %min3A_905 : vector<8x128xf32> to vector<1x8x128xf32>
          %reduce_max3A_910 = arith.constant dense<0xFF800000> : vector<1xf32>
          %reduce_max3A_911 = vector.multi_reduction <maximumf>, %reduce_max3A_909, %reduce_max3A_910 [1, 2] : vector<1x8x128xf32> to vector<1xf32>
          %reduce_max3A_912 = vector.shape_cast %reduce_max3A_911 : vector<1xf32> to vector<1x1x1xf32>
          %reduce_max3A_913 = vector.extract %reduce_max3A_912[0, 0, 0] : f32 from vector<1x1x1xf32>
          %add3A_914 = arith.constant 10240 : i32
          %add3A_915 = vector.broadcast %add3A_914 : i32 to vector<8x128xi32>
          %add3A_916 = arith.addi %add3A_915, %add3A : vector<8x128xi32>
          %eq3A_917 = vector.broadcast %reduce_max3A_913 : f32 to vector<8x128xf32>
          %eq3A_918 = arith.cmpf oeq, %min3A_905, %eq3A_917 : vector<8x128xf32>
          %jit3A_919 = arith.constant 16384 : i32
          %broadcast_in_dim3A_920 = vector.broadcast %jit3A_919 : i32 to vector<8x128xi32>
          %select_n3A_921 = arith.select %eq3A_918, %add3A_916, %broadcast_in_dim3A_920 : vector<8x128xi1>, vector<8x128xi32>
          %reduce_min3A_922 = vector.shape_cast %select_n3A_921 : vector<8x128xi32> to vector<1x8x128xi32>
          %reduce_min3A_923 = arith.constant dense<2147483647> : vector<1xi32>
          %reduce_min3A_924 = vector.multi_reduction <minsi>, %reduce_min3A_922, %reduce_min3A_923 [1, 2] : vector<1x8x128xi32> to vector<1xi32>
          %reduce_min3A_925 = vector.shape_cast %reduce_min3A_924 : vector<1xi32> to vector<1x1x1xi32>
          %reduce_min3A_926 = vector.extract %reduce_min3A_925[0, 0, 0] : i32 from vector<1x1x1xi32>
          %gt3A_927 = arith.cmpf ogt, %reduce_max3A_913, %select_n3A_871 : f32
          %select_n3A_928 = arith.select %gt3A_927, %reduce_max3A_913, %select_n3A_871 : f32
          %select_n3A_929 = arith.select %gt3A_927, %reduce_min3A_926, %select_n3A_872 : i32
          %get3A_930 = arith.constant 0 : index
          %get3A_931 = arith.constant 0 : index
          %get3A_932 = arith.constant 88 : index
          %get3A_933 = arith.constant 0 : index
          %get3A_934 = vector.load %arg1[%get3A_930, %get3A_931, %get3A_932, %get3A_933] : memref<1x3x128x128xf32, #tpu.memory_space<vmem>>, vector<1x1x8x128xf32>
          %get3A_935 = vector.shape_cast %get3A_934 : vector<1x1x8x128xf32> to vector<8x128xf32>
          %get3A_936 = arith.constant 0 : index
          %get3A_937 = arith.constant 1 : index
          %get3A_938 = arith.constant 88 : index
          %get3A_939 = arith.constant 0 : index
          %get3A_940 = vector.load %arg1[%get3A_936, %get3A_937, %get3A_938, %get3A_939] : memref<1x3x128x128xf32, #tpu.memory_space<vmem>>, vector<1x1x8x128xf32>
          %get3A_941 = vector.shape_cast %get3A_940 : vector<1x1x8x128xf32> to vector<8x128xf32>
          %get3A_942 = arith.constant 0 : index
          %get3A_943 = arith.constant 2 : index
          %get3A_944 = arith.constant 88 : index
          %get3A_945 = arith.constant 0 : index
          %get3A_946 = vector.load %arg1[%get3A_942, %get3A_943, %get3A_944, %get3A_945] : memref<1x3x128x128xf32, #tpu.memory_space<vmem>>, vector<1x1x8x128xf32>
          %get3A_947 = vector.shape_cast %get3A_946 : vector<1x1x8x128xf32> to vector<8x128xf32>
          %sub3A_948 = vector.broadcast %get3A_284 : f32 to vector<8x128xf32>
          %sub3A_949 = arith.subf %get3A_935, %sub3A_948 : vector<8x128xf32>
          %sub3A_950 = vector.broadcast %get3A_288 : f32 to vector<8x128xf32>
          %sub3A_951 = arith.subf %get3A_941, %sub3A_950 : vector<8x128xf32>
          %sub3A_952 = vector.broadcast %get3A_292 : f32 to vector<8x128xf32>
          %sub3A_953 = arith.subf %get3A_947, %sub3A_952 : vector<8x128xf32>
          %mul3A_954 = arith.mulf %sub3A_949, %sub3A_949 : vector<8x128xf32>
          %mul3A_955 = arith.mulf %sub3A_951, %sub3A_951 : vector<8x128xf32>
          %add3A_956 = arith.addf %mul3A_954, %mul3A_955 : vector<8x128xf32>
          %mul3A_957 = arith.mulf %sub3A_953, %sub3A_953 : vector<8x128xf32>
          %add3A_958 = arith.addf %add3A_956, %mul3A_957 : vector<8x128xf32>
          %get3A_959 = arith.constant 88 : index
          %get3A_960 = arith.constant 0 : index
          %get3A_961 = vector.load %arg10[%get3A_959, %get3A_960] : memref<128x128xf32, #tpu.memory_space<vmem>>, vector<8x128xf32>
          %min3A_962 = arith.minimumf %get3A_961, %add3A_958 : vector<8x128xf32>
          %swap3A_963 = arith.constant 88 : index
          %swap3A_964 = arith.constant 0 : index
          %swap3A_965 = vector.load %arg10[%swap3A_963, %swap3A_964] : memref<128x128xf32, #tpu.memory_space<vmem>>, vector<8x128xf32>
          tpu.vector_store %arg10[%swap3A_963, %swap3A_964], %min3A_962 {strides = array<i32>} : memref<128x128xf32, #tpu.memory_space<vmem>>, vector<8x128xf32>,
          %reduce_max3A_966 = vector.shape_cast %min3A_962 : vector<8x128xf32> to vector<1x8x128xf32>
          %reduce_max3A_967 = arith.constant dense<0xFF800000> : vector<1xf32>
          %reduce_max3A_968 = vector.multi_reduction <maximumf>, %reduce_max3A_966, %reduce_max3A_967 [1, 2] : vector<1x8x128xf32> to vector<1xf32>
          %reduce_max3A_969 = vector.shape_cast %reduce_max3A_968 : vector<1xf32> to vector<1x1x1xf32>
          %reduce_max3A_970 = vector.extract %reduce_max3A_969[0, 0, 0] : f32 from vector<1x1x1xf32>
          %add3A_971 = arith.constant 11264 : i32
          %add3A_972 = vector.broadcast %add3A_971 : i32 to vector<8x128xi32>
          %add3A_973 = arith.addi %add3A_972, %add3A : vector<8x128xi32>
          %eq3A_974 = vector.broadcast %reduce_max3A_970 : f32 to vector<8x128xf32>
          %eq3A_975 = arith.cmpf oeq, %min3A_962, %eq3A_974 : vector<8x128xf32>
          %jit3A_976 = arith.constant 16384 : i32
          %broadcast_in_dim3A_977 = vector.broadcast %jit3A_976 : i32 to vector<8x128xi32>
          %select_n3A_978 = arith.select %eq3A_975, %add3A_973, %broadcast_in_dim3A_977 : vector<8x128xi1>, vector<8x128xi32>
          %reduce_min3A_979 = vector.shape_cast %select_n3A_978 : vector<8x128xi32> to vector<1x8x128xi32>
          %reduce_min3A_980 = arith.constant dense<2147483647> : vector<1xi32>
          %reduce_min3A_981 = vector.multi_reduction <minsi>, %reduce_min3A_979, %reduce_min3A_980 [1, 2] : vector<1x8x128xi32> to vector<1xi32>
          %reduce_min3A_982 = vector.shape_cast %reduce_min3A_981 : vector<1xi32> to vector<1x1x1xi32>
          %reduce_min3A_983 = vector.extract %reduce_min3A_982[0, 0, 0] : i32 from vector<1x1x1xi32>
          %gt3A_984 = arith.cmpf ogt, %reduce_max3A_970, %select_n3A_928 : f32
          %select_n3A_985 = arith.select %gt3A_984, %reduce_max3A_970, %select_n3A_928 : f32
          %select_n3A_986 = arith.select %gt3A_984, %reduce_min3A_983, %select_n3A_929 : i32
          %get3A_987 = arith.constant 0 : index
          %get3A_988 = arith.constant 0 : index
          %get3A_989 = arith.constant 96 : index
          %get3A_990 = arith.constant 0 : index
          %get3A_991 = vector.load %arg1[%get3A_987, %get3A_988, %get3A_989, %get3A_990] : memref<1x3x128x128xf32, #tpu.memory_space<vmem>>, vector<1x1x8x128xf32>
          %get3A_992 = vector.shape_cast %get3A_991 : vector<1x1x8x128xf32> to vector<8x128xf32>
          %get3A_993 = arith.constant 0 : index
          %get3A_994 = arith.constant 1 : index
          %get3A_995 = arith.constant 96 : index
          %get3A_996 = arith.constant 0 : index
          %get3A_997 = vector.load %arg1[%get3A_993, %get3A_994, %get3A_995, %get3A_996] : memref<1x3x128x128xf32, #tpu.memory_space<vmem>>, vector<1x1x8x128xf32>
          %get3A_998 = vector.shape_cast %get3A_997 : vector<1x1x8x128xf32> to vector<8x128xf32>
          %get3A_999 = arith.constant 0 : index
          %get3A_1000 = arith.constant 2 : index
          %get3A_1001 = arith.constant 96 : index
          %get3A_1002 = arith.constant 0 : index
          %get3A_1003 = vector.load %arg1[%get3A_999, %get3A_1000, %get3A_1001, %get3A_1002] : memref<1x3x128x128xf32, #tpu.memory_space<vmem>>, vector<1x1x8x128xf32>
          %get3A_1004 = vector.shape_cast %get3A_1003 : vector<1x1x8x128xf32> to vector<8x128xf32>
          %sub3A_1005 = vector.broadcast %get3A_284 : f32 to vector<8x128xf32>
          %sub3A_1006 = arith.subf %get3A_992, %sub3A_1005 : vector<8x128xf32>
          %sub3A_1007 = vector.broadcast %get3A_288 : f32 to vector<8x128xf32>
          %sub3A_1008 = arith.subf %get3A_998, %sub3A_1007 : vector<8x128xf32>
          %sub3A_1009 = vector.broadcast %get3A_292 : f32 to vector<8x128xf32>
          %sub3A_1010 = arith.subf %get3A_1004, %sub3A_1009 : vector<8x128xf32>
          %mul3A_1011 = arith.mulf %sub3A_1006, %sub3A_1006 : vector<8x128xf32>
          %mul3A_1012 = arith.mulf %sub3A_1008, %sub3A_1008 : vector<8x128xf32>
          %add3A_1013 = arith.addf %mul3A_1011, %mul3A_1012 : vector<8x128xf32>
          %mul3A_1014 = arith.mulf %sub3A_1010, %sub3A_1010 : vector<8x128xf32>
          %add3A_1015 = arith.addf %add3A_1013, %mul3A_1014 : vector<8x128xf32>
          %get3A_1016 = arith.constant 96 : index
          %get3A_1017 = arith.constant 0 : index
          %get3A_1018 = vector.load %arg10[%get3A_1016, %get3A_1017] : memref<128x128xf32, #tpu.memory_space<vmem>>, vector<8x128xf32>
          %min3A_1019 = arith.minimumf %get3A_1018, %add3A_1015 : vector<8x128xf32>
          %swap3A_1020 = arith.constant 96 : index
          %swap3A_1021 = arith.constant 0 : index
          %swap3A_1022 = vector.load %arg10[%swap3A_1020, %swap3A_1021] : memref<128x128xf32, #tpu.memory_space<vmem>>, vector<8x128xf32>
          tpu.vector_store %arg10[%swap3A_1020, %swap3A_1021], %min3A_1019 {strides = array<i32>} : memref<128x128xf32, #tpu.memory_space<vmem>>, vector<8x128xf32>,
          %reduce_max3A_1023 = vector.shape_cast %min3A_1019 : vector<8x128xf32> to vector<1x8x128xf32>
          %reduce_max3A_1024 = arith.constant dense<0xFF800000> : vector<1xf32>
          %reduce_max3A_1025 = vector.multi_reduction <maximumf>, %reduce_max3A_1023, %reduce_max3A_1024 [1, 2] : vector<1x8x128xf32> to vector<1xf32>
          %reduce_max3A_1026 = vector.shape_cast %reduce_max3A_1025 : vector<1xf32> to vector<1x1x1xf32>
          %reduce_max3A_1027 = vector.extract %reduce_max3A_1026[0, 0, 0] : f32 from vector<1x1x1xf32>
          %add3A_1028 = arith.constant 12288 : i32
          %add3A_1029 = vector.broadcast %add3A_1028 : i32 to vector<8x128xi32>
          %add3A_1030 = arith.addi %add3A_1029, %add3A : vector<8x128xi32>
          %eq3A_1031 = vector.broadcast %reduce_max3A_1027 : f32 to vector<8x128xf32>
          %eq3A_1032 = arith.cmpf oeq, %min3A_1019, %eq3A_1031 : vector<8x128xf32>
          %jit3A_1033 = arith.constant 16384 : i32
          %broadcast_in_dim3A_1034 = vector.broadcast %jit3A_1033 : i32 to vector<8x128xi32>
          %select_n3A_1035 = arith.select %eq3A_1032, %add3A_1030, %broadcast_in_dim3A_1034 : vector<8x128xi1>, vector<8x128xi32>
          %reduce_min3A_1036 = vector.shape_cast %select_n3A_1035 : vector<8x128xi32> to vector<1x8x128xi32>
          %reduce_min3A_1037 = arith.constant dense<2147483647> : vector<1xi32>
          %reduce_min3A_1038 = vector.multi_reduction <minsi>, %reduce_min3A_1036, %reduce_min3A_1037 [1, 2] : vector<1x8x128xi32> to vector<1xi32>
          %reduce_min3A_1039 = vector.shape_cast %reduce_min3A_1038 : vector<1xi32> to vector<1x1x1xi32>
          %reduce_min3A_1040 = vector.extract %reduce_min3A_1039[0, 0, 0] : i32 from vector<1x1x1xi32>
          %gt3A_1041 = arith.cmpf ogt, %reduce_max3A_1027, %select_n3A_985 : f32
          %select_n3A_1042 = arith.select %gt3A_1041, %reduce_max3A_1027, %select_n3A_985 : f32
          %select_n3A_1043 = arith.select %gt3A_1041, %reduce_min3A_1040, %select_n3A_986 : i32
          %get3A_1044 = arith.constant 0 : index
          %get3A_1045 = arith.constant 0 : index
          %get3A_1046 = arith.constant 104 : index
          %get3A_1047 = arith.constant 0 : index
          %get3A_1048 = vector.load %arg1[%get3A_1044, %get3A_1045, %get3A_1046, %get3A_1047] : memref<1x3x128x128xf32, #tpu.memory_space<vmem>>, vector<1x1x8x128xf32>
          %get3A_1049 = vector.shape_cast %get3A_1048 : vector<1x1x8x128xf32> to vector<8x128xf32>
          %get3A_1050 = arith.constant 0 : index
          %get3A_1051 = arith.constant 1 : index
          %get3A_1052 = arith.constant 104 : index
          %get3A_1053 = arith.constant 0 : index
          %get3A_1054 = vector.load %arg1[%get3A_1050, %get3A_1051, %get3A_1052, %get3A_1053] : memref<1x3x128x128xf32, #tpu.memory_space<vmem>>, vector<1x1x8x128xf32>
          %get3A_1055 = vector.shape_cast %get3A_1054 : vector<1x1x8x128xf32> to vector<8x128xf32>
          %get3A_1056 = arith.constant 0 : index
          %get3A_1057 = arith.constant 2 : index
          %get3A_1058 = arith.constant 104 : index
          %get3A_1059 = arith.constant 0 : index
          %get3A_1060 = vector.load %arg1[%get3A_1056, %get3A_1057, %get3A_1058, %get3A_1059] : memref<1x3x128x128xf32, #tpu.memory_space<vmem>>, vector<1x1x8x128xf32>
          %get3A_1061 = vector.shape_cast %get3A_1060 : vector<1x1x8x128xf32> to vector<8x128xf32>
          %sub3A_1062 = vector.broadcast %get3A_284 : f32 to vector<8x128xf32>
          %sub3A_1063 = arith.subf %get3A_1049, %sub3A_1062 : vector<8x128xf32>
          %sub3A_1064 = vector.broadcast %get3A_288 : f32 to vector<8x128xf32>
          %sub3A_1065 = arith.subf %get3A_1055, %sub3A_1064 : vector<8x128xf32>
          %sub3A_1066 = vector.broadcast %get3A_292 : f32 to vector<8x128xf32>
          %sub3A_1067 = arith.subf %get3A_1061, %sub3A_1066 : vector<8x128xf32>
          %mul3A_1068 = arith.mulf %sub3A_1063, %sub3A_1063 : vector<8x128xf32>
          %mul3A_1069 = arith.mulf %sub3A_1065, %sub3A_1065 : vector<8x128xf32>
          %add3A_1070 = arith.addf %mul3A_1068, %mul3A_1069 : vector<8x128xf32>
          %mul3A_1071 = arith.mulf %sub3A_1067, %sub3A_1067 : vector<8x128xf32>
          %add3A_1072 = arith.addf %add3A_1070, %mul3A_1071 : vector<8x128xf32>
          %get3A_1073 = arith.constant 104 : index
          %get3A_1074 = arith.constant 0 : index
          %get3A_1075 = vector.load %arg10[%get3A_1073, %get3A_1074] : memref<128x128xf32, #tpu.memory_space<vmem>>, vector<8x128xf32>
          %min3A_1076 = arith.minimumf %get3A_1075, %add3A_1072 : vector<8x128xf32>
          %swap3A_1077 = arith.constant 104 : index
          %swap3A_1078 = arith.constant 0 : index
          %swap3A_1079 = vector.load %arg10[%swap3A_1077, %swap3A_1078] : memref<128x128xf32, #tpu.memory_space<vmem>>, vector<8x128xf32>
          tpu.vector_store %arg10[%swap3A_1077, %swap3A_1078], %min3A_1076 {strides = array<i32>} : memref<128x128xf32, #tpu.memory_space<vmem>>, vector<8x128xf32>,
          %reduce_max3A_1080 = vector.shape_cast %min3A_1076 : vector<8x128xf32> to vector<1x8x128xf32>
          %reduce_max3A_1081 = arith.constant dense<0xFF800000> : vector<1xf32>
          %reduce_max3A_1082 = vector.multi_reduction <maximumf>, %reduce_max3A_1080, %reduce_max3A_1081 [1, 2] : vector<1x8x128xf32> to vector<1xf32>
          %reduce_max3A_1083 = vector.shape_cast %reduce_max3A_1082 : vector<1xf32> to vector<1x1x1xf32>
          %reduce_max3A_1084 = vector.extract %reduce_max3A_1083[0, 0, 0] : f32 from vector<1x1x1xf32>
          %add3A_1085 = arith.constant 13312 : i32
          %add3A_1086 = vector.broadcast %add3A_1085 : i32 to vector<8x128xi32>
          %add3A_1087 = arith.addi %add3A_1086, %add3A : vector<8x128xi32>
          %eq3A_1088 = vector.broadcast %reduce_max3A_1084 : f32 to vector<8x128xf32>
          %eq3A_1089 = arith.cmpf oeq, %min3A_1076, %eq3A_1088 : vector<8x128xf32>
          %jit3A_1090 = arith.constant 16384 : i32
          %broadcast_in_dim3A_1091 = vector.broadcast %jit3A_1090 : i32 to vector<8x128xi32>
          %select_n3A_1092 = arith.select %eq3A_1089, %add3A_1087, %broadcast_in_dim3A_1091 : vector<8x128xi1>, vector<8x128xi32>
          %reduce_min3A_1093 = vector.shape_cast %select_n3A_1092 : vector<8x128xi32> to vector<1x8x128xi32>
          %reduce_min3A_1094 = arith.constant dense<2147483647> : vector<1xi32>
          %reduce_min3A_1095 = vector.multi_reduction <minsi>, %reduce_min3A_1093, %reduce_min3A_1094 [1, 2] : vector<1x8x128xi32> to vector<1xi32>
          %reduce_min3A_1096 = vector.shape_cast %reduce_min3A_1095 : vector<1xi32> to vector<1x1x1xi32>
          %reduce_min3A_1097 = vector.extract %reduce_min3A_1096[0, 0, 0] : i32 from vector<1x1x1xi32>
          %gt3A_1098 = arith.cmpf ogt, %reduce_max3A_1084, %select_n3A_1042 : f32
          %select_n3A_1099 = arith.select %gt3A_1098, %reduce_max3A_1084, %select_n3A_1042 : f32
          %select_n3A_1100 = arith.select %gt3A_1098, %reduce_min3A_1097, %select_n3A_1043 : i32
          %get3A_1101 = arith.constant 0 : index
          %get3A_1102 = arith.constant 0 : index
          %get3A_1103 = arith.constant 112 : index
          %get3A_1104 = arith.constant 0 : index
          %get3A_1105 = vector.load %arg1[%get3A_1101, %get3A_1102, %get3A_1103, %get3A_1104] : memref<1x3x128x128xf32, #tpu.memory_space<vmem>>, vector<1x1x8x128xf32>
          %get3A_1106 = vector.shape_cast %get3A_1105 : vector<1x1x8x128xf32> to vector<8x128xf32>
          %get3A_1107 = arith.constant 0 : index
          %get3A_1108 = arith.constant 1 : index
          %get3A_1109 = arith.constant 112 : index
          %get3A_1110 = arith.constant 0 : index
          %get3A_1111 = vector.load %arg1[%get3A_1107, %get3A_1108, %get3A_1109, %get3A_1110] : memref<1x3x128x128xf32, #tpu.memory_space<vmem>>, vector<1x1x8x128xf32>
          %get3A_1112 = vector.shape_cast %get3A_1111 : vector<1x1x8x128xf32> to vector<8x128xf32>
          %get3A_1113 = arith.constant 0 : index
          %get3A_1114 = arith.constant 2 : index
          %get3A_1115 = arith.constant 112 : index
          %get3A_1116 = arith.constant 0 : index
          %get3A_1117 = vector.load %arg1[%get3A_1113, %get3A_1114, %get3A_1115, %get3A_1116] : memref<1x3x128x128xf32, #tpu.memory_space<vmem>>, vector<1x1x8x128xf32>
          %get3A_1118 = vector.shape_cast %get3A_1117 : vector<1x1x8x128xf32> to vector<8x128xf32>
          %sub3A_1119 = vector.broadcast %get3A_284 : f32 to vector<8x128xf32>
          %sub3A_1120 = arith.subf %get3A_1106, %sub3A_1119 : vector<8x128xf32>
          %sub3A_1121 = vector.broadcast %get3A_288 : f32 to vector<8x128xf32>
          %sub3A_1122 = arith.subf %get3A_1112, %sub3A_1121 : vector<8x128xf32>
          %sub3A_1123 = vector.broadcast %get3A_292 : f32 to vector<8x128xf32>
          %sub3A_1124 = arith.subf %get3A_1118, %sub3A_1123 : vector<8x128xf32>
          %mul3A_1125 = arith.mulf %sub3A_1120, %sub3A_1120 : vector<8x128xf32>
          %mul3A_1126 = arith.mulf %sub3A_1122, %sub3A_1122 : vector<8x128xf32>
          %add3A_1127 = arith.addf %mul3A_1125, %mul3A_1126 : vector<8x128xf32>
          %mul3A_1128 = arith.mulf %sub3A_1124, %sub3A_1124 : vector<8x128xf32>
          %add3A_1129 = arith.addf %add3A_1127, %mul3A_1128 : vector<8x128xf32>
          %get3A_1130 = arith.constant 112 : index
          %get3A_1131 = arith.constant 0 : index
          %get3A_1132 = vector.load %arg10[%get3A_1130, %get3A_1131] : memref<128x128xf32, #tpu.memory_space<vmem>>, vector<8x128xf32>
          %min3A_1133 = arith.minimumf %get3A_1132, %add3A_1129 : vector<8x128xf32>
          %swap3A_1134 = arith.constant 112 : index
          %swap3A_1135 = arith.constant 0 : index
          %swap3A_1136 = vector.load %arg10[%swap3A_1134, %swap3A_1135] : memref<128x128xf32, #tpu.memory_space<vmem>>, vector<8x128xf32>
          tpu.vector_store %arg10[%swap3A_1134, %swap3A_1135], %min3A_1133 {strides = array<i32>} : memref<128x128xf32, #tpu.memory_space<vmem>>, vector<8x128xf32>,
          %reduce_max3A_1137 = vector.shape_cast %min3A_1133 : vector<8x128xf32> to vector<1x8x128xf32>
          %reduce_max3A_1138 = arith.constant dense<0xFF800000> : vector<1xf32>
          %reduce_max3A_1139 = vector.multi_reduction <maximumf>, %reduce_max3A_1137, %reduce_max3A_1138 [1, 2] : vector<1x8x128xf32> to vector<1xf32>
          %reduce_max3A_1140 = vector.shape_cast %reduce_max3A_1139 : vector<1xf32> to vector<1x1x1xf32>
          %reduce_max3A_1141 = vector.extract %reduce_max3A_1140[0, 0, 0] : f32 from vector<1x1x1xf32>
          %add3A_1142 = arith.constant 14336 : i32
          %add3A_1143 = vector.broadcast %add3A_1142 : i32 to vector<8x128xi32>
          %add3A_1144 = arith.addi %add3A_1143, %add3A : vector<8x128xi32>
          %eq3A_1145 = vector.broadcast %reduce_max3A_1141 : f32 to vector<8x128xf32>
          %eq3A_1146 = arith.cmpf oeq, %min3A_1133, %eq3A_1145 : vector<8x128xf32>
          %jit3A_1147 = arith.constant 16384 : i32
          %broadcast_in_dim3A_1148 = vector.broadcast %jit3A_1147 : i32 to vector<8x128xi32>
          %select_n3A_1149 = arith.select %eq3A_1146, %add3A_1144, %broadcast_in_dim3A_1148 : vector<8x128xi1>, vector<8x128xi32>
          %reduce_min3A_1150 = vector.shape_cast %select_n3A_1149 : vector<8x128xi32> to vector<1x8x128xi32>
          %reduce_min3A_1151 = arith.constant dense<2147483647> : vector<1xi32>
          %reduce_min3A_1152 = vector.multi_reduction <minsi>, %reduce_min3A_1150, %reduce_min3A_1151 [1, 2] : vector<1x8x128xi32> to vector<1xi32>
          %reduce_min3A_1153 = vector.shape_cast %reduce_min3A_1152 : vector<1xi32> to vector<1x1x1xi32>
          %reduce_min3A_1154 = vector.extract %reduce_min3A_1153[0, 0, 0] : i32 from vector<1x1x1xi32>
          %gt3A_1155 = arith.cmpf ogt, %reduce_max3A_1141, %select_n3A_1099 : f32
          %select_n3A_1156 = arith.select %gt3A_1155, %reduce_max3A_1141, %select_n3A_1099 : f32
          %select_n3A_1157 = arith.select %gt3A_1155, %reduce_min3A_1154, %select_n3A_1100 : i32
          %get3A_1158 = arith.constant 0 : index
          %get3A_1159 = arith.constant 0 : index
          %get3A_1160 = arith.constant 120 : index
          %get3A_1161 = arith.constant 0 : index
          %get3A_1162 = vector.load %arg1[%get3A_1158, %get3A_1159, %get3A_1160, %get3A_1161] : memref<1x3x128x128xf32, #tpu.memory_space<vmem>>, vector<1x1x8x128xf32>
          %get3A_1163 = vector.shape_cast %get3A_1162 : vector<1x1x8x128xf32> to vector<8x128xf32>
          %get3A_1164 = arith.constant 0 : index
          %get3A_1165 = arith.constant 1 : index
          %get3A_1166 = arith.constant 120 : index
          %get3A_1167 = arith.constant 0 : index
          %get3A_1168 = vector.load %arg1[%get3A_1164, %get3A_1165, %get3A_1166, %get3A_1167] : memref<1x3x128x128xf32, #tpu.memory_space<vmem>>, vector<1x1x8x128xf32>
          %get3A_1169 = vector.shape_cast %get3A_1168 : vector<1x1x8x128xf32> to vector<8x128xf32>
          %get3A_1170 = arith.constant 0 : index
          %get3A_1171 = arith.constant 2 : index
          %get3A_1172 = arith.constant 120 : index
          %get3A_1173 = arith.constant 0 : index
          %get3A_1174 = vector.load %arg1[%get3A_1170, %get3A_1171, %get3A_1172, %get3A_1173] : memref<1x3x128x128xf32, #tpu.memory_space<vmem>>, vector<1x1x8x128xf32>
          %get3A_1175 = vector.shape_cast %get3A_1174 : vector<1x1x8x128xf32> to vector<8x128xf32>
          %sub3A_1176 = vector.broadcast %get3A_284 : f32 to vector<8x128xf32>
          %sub3A_1177 = arith.subf %get3A_1163, %sub3A_1176 : vector<8x128xf32>
          %sub3A_1178 = vector.broadcast %get3A_288 : f32 to vector<8x128xf32>
          %sub3A_1179 = arith.subf %get3A_1169, %sub3A_1178 : vector<8x128xf32>
          %sub3A_1180 = vector.broadcast %get3A_292 : f32 to vector<8x128xf32>
          %sub3A_1181 = arith.subf %get3A_1175, %sub3A_1180 : vector<8x128xf32>
          %mul3A_1182 = arith.mulf %sub3A_1177, %sub3A_1177 : vector<8x128xf32>
          %mul3A_1183 = arith.mulf %sub3A_1179, %sub3A_1179 : vector<8x128xf32>
          %add3A_1184 = arith.addf %mul3A_1182, %mul3A_1183 : vector<8x128xf32>
          %mul3A_1185 = arith.mulf %sub3A_1181, %sub3A_1181 : vector<8x128xf32>
          %add3A_1186 = arith.addf %add3A_1184, %mul3A_1185 : vector<8x128xf32>
          %get3A_1187 = arith.constant 120 : index
          %get3A_1188 = arith.constant 0 : index
          %get3A_1189 = vector.load %arg10[%get3A_1187, %get3A_1188] : memref<128x128xf32, #tpu.memory_space<vmem>>, vector<8x128xf32>
          %min3A_1190 = arith.minimumf %get3A_1189, %add3A_1186 : vector<8x128xf32>
          %swap3A_1191 = arith.constant 120 : index
          %swap3A_1192 = arith.constant 0 : index
          %swap3A_1193 = vector.load %arg10[%swap3A_1191, %swap3A_1192] : memref<128x128xf32, #tpu.memory_space<vmem>>, vector<8x128xf32>
          tpu.vector_store %arg10[%swap3A_1191, %swap3A_1192], %min3A_1190 {strides = array<i32>} : memref<128x128xf32, #tpu.memory_space<vmem>>, vector<8x128xf32>,
          %reduce_max3A_1194 = vector.shape_cast %min3A_1190 : vector<8x128xf32> to vector<1x8x128xf32>
          %reduce_max3A_1195 = arith.constant dense<0xFF800000> : vector<1xf32>
          %reduce_max3A_1196 = vector.multi_reduction <maximumf>, %reduce_max3A_1194, %reduce_max3A_1195 [1, 2] : vector<1x8x128xf32> to vector<1xf32>
          %reduce_max3A_1197 = vector.shape_cast %reduce_max3A_1196 : vector<1xf32> to vector<1x1x1xf32>
          %reduce_max3A_1198 = vector.extract %reduce_max3A_1197[0, 0, 0] : f32 from vector<1x1x1xf32>
          %add3A_1199 = arith.constant 15360 : i32
          %add3A_1200 = vector.broadcast %add3A_1199 : i32 to vector<8x128xi32>
          %add3A_1201 = arith.addi %add3A_1200, %add3A : vector<8x128xi32>
          %eq3A_1202 = vector.broadcast %reduce_max3A_1198 : f32 to vector<8x128xf32>
          %eq3A_1203 = arith.cmpf oeq, %min3A_1190, %eq3A_1202 : vector<8x128xf32>
          %jit3A_1204 = arith.constant 16384 : i32
          %broadcast_in_dim3A_1205 = vector.broadcast %jit3A_1204 : i32 to vector<8x128xi32>
          %select_n3A_1206 = arith.select %eq3A_1203, %add3A_1201, %broadcast_in_dim3A_1205 : vector<8x128xi1>, vector<8x128xi32>
          %reduce_min3A_1207 = vector.shape_cast %select_n3A_1206 : vector<8x128xi32> to vector<1x8x128xi32>
          %reduce_min3A_1208 = arith.constant dense<2147483647> : vector<1xi32>
          %reduce_min3A_1209 = vector.multi_reduction <minsi>, %reduce_min3A_1207, %reduce_min3A_1208 [1, 2] : vector<1x8x128xi32> to vector<1xi32>
          %reduce_min3A_1210 = vector.shape_cast %reduce_min3A_1209 : vector<1xi32> to vector<1x1x1xi32>
          %reduce_min3A_1211 = vector.extract %reduce_min3A_1210[0, 0, 0] : i32 from vector<1x1x1xi32>
          %gt3A_1212 = arith.cmpf ogt, %reduce_max3A_1198, %select_n3A_1156 : f32
          %select_n3A_1213 = arith.select %gt3A_1212, %reduce_max3A_1198, %select_n3A_1156 : f32
          %select_n3A_1214 = arith.select %gt3A_1212, %reduce_min3A_1211, %select_n3A_1157 : i32
          %add3A_1215 = arith.constant 1 : i32
          %add3A_1216 = arith.addi %while3A_272, %add3A_1215 : i32
          scf.yield %add3A_1216, %select_n3A_1214 : i32, i32
        }
        scf.yield %while3A_270#0 : i32
      } else {
        %while3A = arith.constant 0 : i32
        %while3A_27 = arith.subi %min3A, %while3A : i32
        %while3A_28 = arith.addi %while3A, %while3A_27 : i32
        %while3A_29 = arith.constant 1 : i32
        %while3A_30 = arith.divsi %while3A_27, %while3A_29 : i32
        %while3A_31 = arith.muli %while3A_30, %while3A_29 : i32
        %while3A_32 = arith.addi %while3A, %while3A_31 : i32
        %while3A_33 = arith.constant 1 : i32
        %while3A_34 = scf.for %while3A_37 = %while3A to %while3A_32 step %while3A_33 iter_args(%while3A_38 = %scan3A_11) -> (i32)  : i32 {
          %add3A_39 = arith.addi %get3A_13, %while3A_37 : i32
          %get3A_40 = arith.constant 0 : index
          %get3A_41 = arith.constant 0 : index
          %get3A_42 = arith.index_cast %add3A_39 : i32 to index
          %get3A_43 = memref.load %arg3[%get3A_40, %get3A_41, %get3A_42] : memref<1x1x16384xi32, #tpu.memory_space<smem>>
          %swap3A = arith.index_cast %arg0 : i32 to index
          %swap3A_44 = arith.index_cast %while3A_38 : i32 to index
          %swap3A_45 = memref.load %arg8[%swap3A, %swap3A_44] : memref<4x1024xi32, #tpu.memory_space<smem>>
          memref.store %get3A_43, %arg8[%swap3A, %swap3A_44] : memref<4x1024xi32, #tpu.memory_space<smem>>
          %get3A_46 = arith.constant 0 : index
          %get3A_47 = arith.constant 0 : index
          %get3A_48 = arith.index_cast %add3A_39 : i32 to index
          %get3A_49 = memref.load %arg2[%get3A_46, %get3A_47, %get3A_48] : memref<1x3x16384xf32, #tpu.memory_space<smem>>
          %get3A_50 = arith.constant 0 : index
          %get3A_51 = arith.constant 1 : index
          %get3A_52 = arith.index_cast %add3A_39 : i32 to index
          %get3A_53 = memref.load %arg2[%get3A_50, %get3A_51, %get3A_52] : memref<1x3x16384xf32, #tpu.memory_space<smem>>
          %get3A_54 = arith.constant 0 : index
          %get3A_55 = arith.constant 2 : index
          %get3A_56 = arith.index_cast %add3A_39 : i32 to index
          %get3A_57 = memref.load %arg2[%get3A_54, %get3A_55, %get3A_56] : memref<1x3x16384xf32, #tpu.memory_space<smem>>
          %swap3A_58 = arith.index_cast %arg0 : i32 to index
          %swap3A_59 = arith.constant 0 : index
          %swap3A_60 = arith.index_cast %while3A_38 : i32 to index
          %swap3A_61 = memref.load %arg9[%swap3A_58, %swap3A_59, %swap3A_60] : memref<4x3x1024xf32, #tpu.memory_space<smem>>
          memref.store %get3A_49, %arg9[%swap3A_58, %swap3A_59, %swap3A_60] : memref<4x3x1024xf32, #tpu.memory_space<smem>>
          %swap3A_62 = arith.index_cast %arg0 : i32 to index
          %swap3A_63 = arith.constant 1 : index
          %swap3A_64 = arith.index_cast %while3A_38 : i32 to index
          %swap3A_65 = memref.load %arg9[%swap3A_62, %swap3A_63, %swap3A_64] : memref<4x3x1024xf32, #tpu.memory_space<smem>>
          memref.store %get3A_53, %arg9[%swap3A_62, %swap3A_63, %swap3A_64] : memref<4x3x1024xf32, #tpu.memory_space<smem>>
          %swap3A_66 = arith.index_cast %arg0 : i32 to index
          %swap3A_67 = arith.constant 2 : index
          %swap3A_68 = arith.index_cast %while3A_38 : i32 to index
          %swap3A_69 = memref.load %arg9[%swap3A_66, %swap3A_67, %swap3A_68] : memref<4x3x1024xf32, #tpu.memory_space<smem>>
          memref.store %get3A_57, %arg9[%swap3A_66, %swap3A_67, %swap3A_68] : memref<4x3x1024xf32, #tpu.memory_space<smem>>
          %add3A_70 = arith.constant 1 : i32
          %add3A_71 = arith.addi %while3A_38, %add3A_70 : i32
          scf.yield %add3A_71 : i32
        }
        %while3A_35 = arith.constant 1 : i32
        %while3A_36 = scf.for %while3A_37 = %while3A_32 to %while3A_28 step %while3A_35 iter_args(%while3A_38 = %while3A_34) -> (i32)  : i32 {
          %add3A_39 = arith.addi %get3A_13, %while3A_37 : i32
          %get3A_40 = arith.constant 0 : index
          %get3A_41 = arith.constant 0 : index
          %get3A_42 = arith.index_cast %add3A_39 : i32 to index
          %get3A_43 = memref.load %arg3[%get3A_40, %get3A_41, %get3A_42] : memref<1x1x16384xi32, #tpu.memory_space<smem>>
          %swap3A = arith.index_cast %arg0 : i32 to index
          %swap3A_44 = arith.index_cast %while3A_38 : i32 to index
          %swap3A_45 = memref.load %arg8[%swap3A, %swap3A_44] : memref<4x1024xi32, #tpu.memory_space<smem>>
          memref.store %get3A_43, %arg8[%swap3A, %swap3A_44] : memref<4x1024xi32, #tpu.memory_space<smem>>
          %get3A_46 = arith.constant 0 : index
          %get3A_47 = arith.constant 0 : index
          %get3A_48 = arith.index_cast %add3A_39 : i32 to index
          %get3A_49 = memref.load %arg2[%get3A_46, %get3A_47, %get3A_48] : memref<1x3x16384xf32, #tpu.memory_space<smem>>
          %get3A_50 = arith.constant 0 : index
          %get3A_51 = arith.constant 1 : index
          %get3A_52 = arith.index_cast %add3A_39 : i32 to index
          %get3A_53 = memref.load %arg2[%get3A_50, %get3A_51, %get3A_52] : memref<1x3x16384xf32, #tpu.memory_space<smem>>
          %get3A_54 = arith.constant 0 : index
          %get3A_55 = arith.constant 2 : index
          %get3A_56 = arith.index_cast %add3A_39 : i32 to index
          %get3A_57 = memref.load %arg2[%get3A_54, %get3A_55, %get3A_56] : memref<1x3x16384xf32, #tpu.memory_space<smem>>
          %swap3A_58 = arith.index_cast %arg0 : i32 to index
          %swap3A_59 = arith.constant 0 : index
          %swap3A_60 = arith.index_cast %while3A_38 : i32 to index
          %swap3A_61 = memref.load %arg9[%swap3A_58, %swap3A_59, %swap3A_60] : memref<4x3x1024xf32, #tpu.memory_space<smem>>
          memref.store %get3A_49, %arg9[%swap3A_58, %swap3A_59, %swap3A_60] : memref<4x3x1024xf32, #tpu.memory_space<smem>>
          %swap3A_62 = arith.index_cast %arg0 : i32 to index
          %swap3A_63 = arith.constant 1 : index
          %swap3A_64 = arith.index_cast %while3A_38 : i32 to index
          %swap3A_65 = memref.load %arg9[%swap3A_62, %swap3A_63, %swap3A_64] : memref<4x3x1024xf32, #tpu.memory_space<smem>>
          memref.store %get3A_53, %arg9[%swap3A_62, %swap3A_63, %swap3A_64] : memref<4x3x1024xf32, #tpu.memory_space<smem>>
          %swap3A_66 = arith.index_cast %arg0 : i32 to index
          %swap3A_67 = arith.constant 2 : index
          %swap3A_68 = arith.index_cast %while3A_38 : i32 to index
          %swap3A_69 = memref.load %arg9[%swap3A_66, %swap3A_67, %swap3A_68] : memref<4x3x1024xf32, #tpu.memory_space<smem>>
          memref.store %get3A_57, %arg9[%swap3A_66, %swap3A_67, %swap3A_68] : memref<4x3x1024xf32, #tpu.memory_space<smem>>
          %add3A_70 = arith.constant 1 : i32
          %add3A_71 = arith.addi %while3A_38, %add3A_70 : i32
          scf.yield %add3A_71 : i32
        }
        scf.yield %while3A_36 : i32
      }
      scf.yield %cond3A_26 : i32
    }
    %scan3A_9 = arith.constant 27 : i32
    return
  }
  func.func @transform_0(%arg0: i32) -> (i32, i32, i32, i32) {
    %c0_i32 = arith.constant 0 : i32
    %c0_i32_0 = arith.constant 0 : i32
    %c0_i32_1 = arith.constant 0 : i32
    %c0_i32_2 = arith.constant 0 : i32
    return %arg0, %c0_i32, %c0_i32_0, %c0_i32_1 : i32, i32, i32, i32
  }
  func.func @transform_1(%arg0: i32) -> (i32, i32, i32) {
    %c0_i32 = arith.constant 0 : i32
    %c0_i32_0 = arith.constant 0 : i32
    %c0_i32_1 = arith.constant 0 : i32
    return %arg0, %c0_i32, %c0_i32_0 : i32, i32, i32
  }
  func.func @transform_2(%arg0: i32) -> (i32, i32, i32) {
    %c0_i32 = arith.constant 0 : i32
    %c0_i32_0 = arith.constant 0 : i32
    %c0_i32_1 = arith.constant 0 : i32
    return %arg0, %c0_i32, %c0_i32_0 : i32, i32, i32
  }
  func.func @transform_3(%arg0: i32) -> (i32, i32) {
    %c0_i32 = arith.constant 0 : i32
    %c0_i32_0 = arith.constant 0 : i32
    %c0_i32_1 = arith.constant 0 : i32
    return %c0_i32, %c0_i32_0 : i32, i32
  }
  func.func @transform_4(%arg0: i32) -> (i32, i32) {
    %c0_i32 = arith.constant 0 : i32
    %c0_i32_0 = arith.constant 0 : i32
    %c0_i32_1 = arith.constant 0 : i32
    return %c0_i32, %c0_i32_0 : i32, i32
  }
  func.func @transform_5(%arg0: i32) -> (i32, i32) {
    %c0_i32 = arith.constant 0 : i32
    %c0_i32_0 = arith.constant 0 : i32
    %c0_i32_1 = arith.constant 0 : i32
    return %c0_i32, %c0_i32_0 : i32, i32
  }
  func.func @transform_6(%arg0: i32) -> (i32, i32) {
    %c0_i32 = arith.constant 0 : i32
    %c0_i32_0 = arith.constant 0 : i32
    %c0_i32_1 = arith.constant 0 : i32
    return %c0_i32, %c0_i32_0 : i32, i32
  }
  func.func @transform_7(%arg0: i32) -> (i32, i32) {
    %c0_i32 = arith.constant 0 : i32
    %c0_i32_0 = arith.constant 0 : i32
    %c0_i32_1 = arith.constant 0 : i32
    return %c0_i32, %c0_i32_0 : i32, i32
  }
  func.func @transform_8(%arg0: i32) -> (i32, i32, i32) {
    %c0_i32 = arith.constant 0 : i32
    %c0_i32_0 = arith.constant 0 : i32
    %c0_i32_1 = arith.constant 0 : i32
    %c0_i32_2 = arith.constant 0 : i32
    return %c0_i32, %c0_i32_0, %c0_i32_1 : i32, i32, i32
  }
}

module attributes {stable_mosaic.version = 14 : i64} {
  func.func @_proj_body(%arg0: i32, %arg1: memref<1x1024x256xf32, #tpu.memory_space<vmem>>, %arg2: memref<256x256xf32, #tpu.memory_space<vmem>>, %arg3: memref<256x1xf32, #tpu.memory_space<vmem>>, %arg4: memref<4x1xi32, #tpu.memory_space<smem>>, %arg5: memref<1x256x1024xf32, #tpu.memory_space<vmem>>) attributes {dimension_semantics = [#tpu.dimension_semantics<arbitrary>], iteration_bounds = array<i64: 4>, scalar_prefetch = 0 : i64, scratch_operands = 0 : i64, tpu.core_type = #tpu.core_type<tc>, window_params = [{transform_indices = @transform_0, window_bounds = array<i64: 1, 1024, 256>}, {pipeline_mode = #tpu.pipeline_mode<synchronous>, transform_indices = @transform_1, window_bounds = array<i64: 256, 256>}, {pipeline_mode = #tpu.pipeline_mode<synchronous>, transform_indices = @transform_2, window_bounds = array<i64: 256, 1>}, {transform_indices = @transform_3, window_bounds = array<i64: 4, 1>}, {transform_indices = @transform_4, window_bounds = array<i64: 1, 256, 1024>}]} {
    %get3A = arith.constant 0 : index
    %get3A_0 = arith.constant 0 : index
    %get3A_1 = arith.constant 0 : index
    %get3A_2 = vector.load %arg1[%get3A, %get3A_0, %get3A_1] : memref<1x1024x256xf32, #tpu.memory_space<vmem>>, vector<1x1024x256xf32>
    %get3A_3 = vector.shape_cast %get3A_2 : vector<1x1024x256xf32> to vector<1024x256xf32>
    %get3A_4 = arith.constant 0 : index
    %get3A_5 = arith.constant 0 : index
    %get3A_6 = vector.load %arg2[%get3A_4, %get3A_5] : memref<256x256xf32, #tpu.memory_space<vmem>>, vector<256x256xf32>
    %dot_general3A = arith.constant dense<0.000000e+00> : vector<256x1024xf32>
    %dot_general3A_7 = tpu.matmul %get3A_6, %get3A_3, %dot_general3A {dimension_numbers = #tpu.dot_dimension_numbers<[0], [1], [1], [0], [0, 1, 1, 0], [], []>, transpose_lhs_hint = false} : vector<256x256xf32>, vector<1024x256xf32>, vector<256x1024xf32> -> vector<256x1024xf32>
    %get3A_8 = arith.constant 0 : index
    %get3A_9 = arith.constant 0 : index
    %get3A_10 = vector.load %arg3[%get3A_8, %get3A_9] : memref<256x1xf32, #tpu.memory_space<vmem>>, vector<256x1xf32>
    %add3A = vector.broadcast %get3A_10 : vector<256x1xf32> to vector<256x1024xf32>
    %add3A_11 = arith.addf %dot_general3A_7, %add3A : vector<256x1024xf32>
    %iota3A = tpu.iota {dimensions = array<i32: 1>} : vector<1x1024xi32>
    %get3A_12 = arith.index_cast %arg0 : i32 to index
    %get3A_13 = arith.constant 0 : index
    %get3A_14 = memref.load %arg4[%get3A_12, %get3A_13] : memref<4x1xi32, #tpu.memory_space<smem>>
    %lt3A = vector.broadcast %get3A_14 : i32 to vector<1x1024xi32>
    %lt3A_15 = arith.cmpi slt, %iota3A, %lt3A : vector<1x1024xi32>
    %jit3A = arith.constant 0.000000e+00 : f32
    %broadcast_in_dim3A = vector.shape_cast %lt3A_15 : vector<1x1024xi1> to vector<1x1024xi1>
    %broadcast_in_dim3A_16 = vector.broadcast %broadcast_in_dim3A : vector<1x1024xi1> to vector<256x1024xi1>
    %broadcast_in_dim3A_17 = vector.broadcast %jit3A : f32 to vector<256x1024xf32>
    %select_n3A = arith.select %broadcast_in_dim3A_16, %add3A_11, %broadcast_in_dim3A_17 : vector<256x1024xi1>, vector<256x1024xf32>
    %swap3A = arith.constant 0 : index
    %swap3A_18 = arith.constant 0 : index
    %swap3A_19 = arith.constant 0 : index
    %swap3A_20 = vector.load %arg5[%swap3A, %swap3A_18, %swap3A_19] : memref<1x256x1024xf32, #tpu.memory_space<vmem>>, vector<1x256x1024xf32>
    %swap3A_21 = vector.shape_cast %swap3A_20 : vector<1x256x1024xf32> to vector<256x1024xf32>
    %swap3A_22 = vector.shape_cast %select_n3A : vector<256x1024xf32> to vector<1x256x1024xf32>
    tpu.vector_store %arg5[%swap3A, %swap3A_18, %swap3A_19], %swap3A_22 {strides = array<i32>} : memref<1x256x1024xf32, #tpu.memory_space<vmem>>, vector<1x256x1024xf32>,
    return
  }
  func.func @transform_0(%arg0: i32) -> (i32, i32, i32) {
    %c0_i32 = arith.constant 0 : i32
    %c0_i32_0 = arith.constant 0 : i32
    %c0_i32_1 = arith.constant 0 : i32
    return %arg0, %c0_i32, %c0_i32_0 : i32, i32, i32
  }
  func.func @transform_1(%arg0: i32) -> (i32, i32) {
    %c0_i32 = arith.constant 0 : i32
    %c0_i32_0 = arith.constant 0 : i32
    %c0_i32_1 = arith.constant 0 : i32
    return %c0_i32, %c0_i32_0 : i32, i32
  }
  func.func @transform_2(%arg0: i32) -> (i32, i32) {
    %c0_i32 = arith.constant 0 : i32
    %c0_i32_0 = arith.constant 0 : i32
    %c0_i32_1 = arith.constant 0 : i32
    return %c0_i32, %c0_i32_0 : i32, i32
  }
  func.func @transform_3(%arg0: i32) -> (i32, i32) {
    %c0_i32 = arith.constant 0 : i32
    %c0_i32_0 = arith.constant 0 : i32
    %c0_i32_1 = arith.constant 0 : i32
    return %c0_i32, %c0_i32_0 : i32, i32
  }
  func.func @transform_4(%arg0: i32) -> (i32, i32, i32) {
    %c0_i32 = arith.constant 0 : i32
    %c0_i32_0 = arith.constant 0 : i32
    %c0_i32_1 = arith.constant 0 : i32
    return %arg0, %c0_i32, %c0_i32_0 : i32, i32, i32
  }
}

</mosaic_0001>

<sc_bundles>
// kernel: kernel.11.cloned.1.call-start
scs
__scs_entry_jumppad:
0x0: {  	(pc) =	sbr.rel $0x88, $3  }
0x1: {  	(tag) =	ssettag $0x0;
	lr =	simm.s32 $0x1  }
0x2: {  	[smem:$0x3F99] =	sst lr;
	_ =	strace $0xD0000000  }
0x3: {  	_ = 	snop  }
0x4: {  	_ = 	snop  }
0x5: {  	_ = 	snop  }
0x6: {  	_ = 	snop  }
0x7: {  	_ = 	snop  }
__scs_overlays_trampoline_lowered:
0x8: {  	[smem:$0x3FA8] =	sst s0  }
0x9: {  	[smem:$0x3FA9] =	sst s1  }
0xa: {  	[smem:$0x3FAA] =	sst s2  }
0xb: {  	[smem:$0x3FAB] =	sst s3  }
0xc: {  	[smem:$0x3FAC] =	sst s4  }
0xd: {  	[smem:$0x3FAD] =	sst s5  }
0xe: {  	[smem:$0x3FAE] =	sst s6  }
0xf: {  	[smem:$0x3FAF] =	sst s7  }
0x10: {  	[smem:$0x3FB0] =	sst s8  }
0x11: {  	[smem:$0x3FB1] =	sst s9;
	s0 =	simm.s32 @!p0 $0x0  }
0x12: {  	s1 =	sld [smem:$0x3F97];
	s0 =	simm.s32 @p0 $0x1  }
0x13: {  	[smem:$0x3FB2] =	sst s0;
	s0 =	simm.s32 @!p1 $0x0  }
0x14: {  	s2 =	sld [smem:$0x3F96];
	s0 =	simm.s32 @p1 $0x1  }
0x15: {  	[smem:$0x3FB3] =	sst s0;
	s0 =	simm.s32 @!p2 $0x0  }
0x16: {  	s3 =	sld [smem:$0x3FDB];
	s0 =	simm.s32 @p2 $0x1  }
0x17: {  	s4 =	simm.s32 $0x1BF5;
	[smem:$0x3FB5] =	sst s0  }
0x18: {  	s0 =	sld [smem:$0x3F98];
	_ =	swait.ge [sflag:s4], $0x0  }
0x19: {  	s7 =	sld [smem:$0x3F99]  }
0x1a: {  	s8 =	sadd.s32 $0xFFFFE003, lr  }
0x1b: {  	s9 =	sadd.s32 $0xFFFFFEF7, lr;
	s5 =	simm.s32 $0xFFFFFFFF;
	p2 =	slt.u32 s8, $0xFFFFF086  }
0x1c: {  	p1 =	slt.u32 s9, $0xF7A;
	s5 =	simm.s32 @!p2 $0x0  }
0x1d: {  	s5 =	simm.s32 @p1 $0x1;
	p0 =	seq.s32 s7, s2  }
0x1e: {  	s7 =	smul.u32 @!p0 $0xF7A, s2;
	p2 =	seq.s32 @!p0 s5, $0x0  }
0x1f: {  	s9 =	smul.u32 $0xF7A, s1;
	s8 =	simm.s32 @!p0 $0x1BF5;
	p2 =	por !p2, p0  }
0x20: {  	[sflag:s8] =	ssyncset.s32 @!p0 $0xFFFFF086;
	s6 =	sadd.s32 @!p0 s3, s7;
	s7 =	simm.s32 @!p0 $0x108  }
0x21: {  	s3 =	sadd.s32 s3, s9;
	s6 =	sadd.s32 @!p0 $0x88, s6;
	s7 =	simm.s32 @p2 $0x1082  }
0x22: {  	[simem:s7], [sflag:s8] =	dma.local @!p0 [hbm:s6], $0xF7A  }
0x23: {  	s9 =	sor.u32 $0xD0000000, s2;
	s6 =	simm.s32 $0x108;
	_ =	swait.ge @!p0 [sflag:s8], $0x0  }
0x24: {  	s3 =	sadd.s32 $0x88, s3;
	s6 =	simm.s32 @!p1 $0x1082;
	[sflag:s4] =	ssyncset.s32 $0xFFFFF086  }
0x25: {  	[simem:s6], [sflag:s4] =	dma.local [hbm:s3], $0xF7A  }
0x26: {  	[smem:$0x3F99] =	sst s1;
	(tag) =	ssettag s2;
	_ =	strace s9  }
0x27: {  	s1 =	sld [smem:$0x3FA9]  }
0x28: {  	s2 =	sld [smem:$0x3FAA]  }
0x29: {  	s4 =	sld [smem:$0x3FAC]  }
0x2a: {  	p0 =	seq.s32 s5, $0x0;
	s5 =	sld [smem:$0x3FAD]  }
0x2b: {  	s6 =	sld [smem:$0x3FAE]  }
0x2c: {  	s7 =	sld [smem:$0x3FAF]  }
0x2d: {  	s3 =	simm.s32 $0x108;
	s8 =	sld [smem:$0x3FB0]  }
0x2e: {  	s3 =	simm.s32 @!p0 $0x1082;
	s9 =	sld [smem:$0x3FB1]  }
0x2f: {  	lr =	sadd.s32 s0, s3;
	s0 =	sld [smem:$0x3FA8]  }
0x30: {  	s3 =	sld [smem:$0x3FAB]  }
0x31: {  	[smem:$0x3FB4] =	sst s10  }
0x32: {  	s10 =	sld [smem:$0x3FB2];
	_ =	sdelay $0x3  }
0x33: {  	p0 =	seq.s32 s10, $0x1;
	s10 =	sld [smem:$0x3FB4];
	_ =	sdelay $0x3  }
0x34: {  	[smem:$0x3FB4] =	sst s10  }
0x35: {  	s10 =	sld [smem:$0x3FB3];
	_ =	sdelay $0x3  }
0x36: {  	p1 =	seq.s32 s10, $0x1;
	s10 =	sld [smem:$0x3FB4];
	_ =	sdelay $0x3  }
0x37: {  	[smem:$0x3FB4] =	sst s10  }
0x38: {  	s10 =	sld [smem:$0x3FB5]  }
0x39: {  	_ = 	snop;
	(pc) =	sbr.ind lr, $3  }
0x3a: {  	_ = 	snop  }
0x3b: {  	_ = 	snop  }
0x3c: {  	p2 =	seq.s32 s10, $0x1;
	s10 =	sld [smem:$0x3FB4]  }
0x3d: {  	_ =	shalt  }
0x3e: {  	_ =	shalt  }
0x3f: {  	_ =	shalt  }
0x40: {  	_ =	shalt  }
0x41: {  	_ =	shalt  }
0x42: {  	_ =	shalt  }
0x43: {  	_ =	shalt  }
0x44: {  	_ =	shalt  }
0x45: {  	_ =	shalt  }
0x46: {  	_ =	shalt  }
0x47: {  	_ =	shalt  }
0x48: {  	_ =	shalt  }
0x49: {  	_ =	shalt  }
0x4a: {  	_ =	shalt  }
0x4b: {  	_ =	shalt  }
0x4c: {  	_ =	shalt  }
0x4d: {  	_ =	shalt  }
0x4e: {  	_ =	shalt  }
0x4f: {  	_ =	shalt  }
0x50: {  	_ =	shalt  }
0x51: {  	_ =	shalt  }
0x52: {  	_ =	shalt  }
0x53: {  	_ =	shalt  }
0x54: {  	_ =	shalt  }
0x55: {  	_ =	shalt  }
0x56: {  	_ =	shalt  }
0x57: {  	_ =	shalt  }
0x58: {  	_ =	shalt  }
0x59: {  	_ =	shalt  }
0x5a: {  	_ =	shalt  }
0x5b: {  	_ =	shalt  }
0x5c: {  	_ =	shalt  }
0x5d: {  	_ =	shalt  }
0x5e: {  	_ =	shalt  }
0x5f: {  	_ =	shalt  }
0x60: {  	_ =	shalt  }
0x61: {  	_ =	shalt  }
0x62: {  	_ =	shalt  }
0x63: {  	_ =	shalt  }
0x64: {  	_ =	shalt  }
0x65: {  	_ =	shalt  }
0x66: {  	_ =	shalt  }
0x67: {  	_ =	shalt  }
0x68: {  	_ =	shalt  }
0x69: {  	_ =	shalt  }
0x6a: {  	_ =	shalt  }
0x6b: {  	_ =	shalt  }
0x6c: {  	_ =	shalt  }
0x6d: {  	_ =	shalt  }
0x6e: {  	_ =	shalt  }
0x6f: {  	_ =	shalt  }
0x70: {  	_ =	shalt  }
0x71: {  	_ =	shalt  }
0x72: {  	_ =	shalt  }
0x73: {  	_ =	shalt  }
0x74: {  	_ =	shalt  }
0x75: {  	_ =	shalt  }
0x76: {  	_ =	shalt  }
0x77: {  	_ =	shalt  }
0x78: {  	_ =	shalt  }
0x79: {  	_ =	shalt  }
0x7a: {  	_ =	shalt  }
0x7b: {  	_ =	shalt  }
0x7c: {  	_ =	shalt  }
0x7d: {  	_ =	shalt  }
0x7e: {  	_ =	shalt  }
0x7f: {  	_ =	shalt  }
0x80: {  	_ =	shalt  }
0x81: {  	_ =	shalt  }
0x82: {  	_ =	shalt  }
0x83: {  	_ =	shalt  }
0x84: {  	_ =	shalt  }
0x85: {  	_ =	shalt  }
0x86: {  	_ =	shalt  }
0x87: {  	_ =	shalt  }
.Lfunc_end0:
.L_simem_size_0:
called_computation.2_lowered:
.L_overlay_start_0:
0x88: {  	s2 =	sld [smem:$0x3FD9]  }
0x89: {  	s3 =	sld [smem:$0x3FFE];
	_ =	sdelay $0x1  }
0x8a: {  	s1 =	srdreg.scid  }
0x8b: {  	s0 =	sand.u32 $0x1, s1  }
0x8c: {  	s14 =	sshll.u32 s0, $0xA;
	s2 =	sadd.s32 s3, s2  }
0x8d: {  	s2 =	sadd.s32 s2, s14  }
0x8e: {  	[smem:$0x3FC0] =	sst s2  }
0x8f: {  	_ = 	snop  }
0x90: {  	s2 =	sld [smem:$0x3FD0];
	_ =	sdelay $0x2  }
0x91: {  	s15 =	simm.s32 $0xB;
	s4 =	simm.s32 $0x10  }
0x92: {  	[smem:s4], [sflag:s15] =	dma.local [hbm:s2], $0x1  }
0x93: {  	_ =	swait.eq [sflag:s15], $0x1  }
0x94: {  	[sflag:s15] =	ssyncset.done $0x0  }
0x95: {  	[sflag:s15] =	ssyncadd.s32 $0xFFFFFFFF  }
0x96: {  	s16 =	sld [smem:$0x11];
	(tm) =	ssettm $0x1  }
0x97: {  	s17 =	sld [smem:$0x3FFB];
	_ =	sdelay $0x3  }
0x98: {  	_ =	strace s17  }
0x99: {  	s3 =	sld [smem:$0x3FFC];
	_ =	sdelay $0x3  }
0x9a: {  	_ =	strace s3  }
0x9b: {  	s3 =	sld [smem:$0x3FFD];
	_ =	sdelay $0x3  }
0x9c: {  	_ =	strace s3  }
0x9d: {  	_ =	strace $0x8FFFFFFF  }
0x9e: {  	s18 =	sld [smem:$0x3FDB];
	_ =	sdelay $0x1  }
0x9f: {  	s19 =	simm.s32 $_scs_section_size  }
0xa0: {  	s5 =	simm.s32 $_size__tile_overlayer_lowered;
	s6 =	simm.s32 $_tile_overlayer_lowered  }
0xa1: {  	s22 =	simm.s32 $0x1BFF;
	s21 =	sshll.u32 s6, $0x1;
	s3 =	sadd.s32 s19, s18  }
0xa2: {  	s7 =	simm.s32 $0x0;
	s20 =	sshll.u32 s5, $0x1;
	s5 =	sadd.s32 s21, s3  }
0xa3: {  	[timem:s7], [sflag:s22] =	dma.local [hbm:s5], s20  }
0xa4: {  	_ =	swait.ge [sflag:s22], s20  }
0xa5: {  	s4 =	ssub.s32 $0x0, s20;
	[sflag:s22] =	ssyncset.done $0x0  }
0xa6: {  	[sflag:s22] =	ssyncadd.s32 s4;
	_ =	sdelay $0x1  }
0xa7: {  	s23 =	simm.s32 $0x1B8B  }
0xa8: {  	_ =	swait.ge [sflag:s23], $0x1  }
0xa9: {  	[sflag:s23] =	ssyncset.done $0x0  }
0xaa: {  	s25 =	simm.s32 $0x1B8E;
	s24 =	sld [smem:$0x3FFE];
	[sflag:s23] =	ssyncadd.s32 $0xFFFFFFFF  }
0xab: {  	s26 =	simm.s32 $execute0_lowered;
	[smem:$0x3FD2] =	sst s25  }
0xac: {  	s5 =	sshll.u32 s26, $0x1;
	_ =	strace $0x8000004C;
	[dreg:$0x1] =	wrdreg $0xFFFFFFFF  }
0xad: {  	s28 =	simm.s32 $_size_execute0_lowered;
	s3 =	sadd.s32 s3, s5;
	[dreg:$0x0] =	wrdreg $0x0  }
0xae: {  	s5 =	sshll.u32 s28, $0x1;
	[dreg:$0x2] =	wrdreg s3  }
0xaf: {  	[dreg:$0x3] =	wrdreg s5  }
0xb0: {  	[dreg:$0x4] =	wrdreg $0xC0  }
0xb1: {  	_ =	task [dreg:s7], $0x5FFFF  }
0xb2: {  	[dreg:$0x1] =	wrdreg $0xFFFFFFFF  }
0xb3: {  	[dreg:$0x0] =	wrdreg $0x60  }
0xb4: {  	[dreg:$0x2] =	wrdreg s24  }
0xb5: {  	[dreg:$0x3] =	wrdreg s16  }
0xb6: {  	[dreg:$0x4] =	wrdreg $0x9  }
0xb7: {  	_ =	task.clear_ibuf [dreg:s7], $0x5FFFF;
	_ =	strace $0x9000004C  }
0xb8: {  	s29 =	simm.s32 $0x9;
	_ =	strace $0x8000004E  }
0xb9: {  	_ =	swait.ge [sflag:s29], $0x1  }
0xba: {  	[sflag:s29] =	ssyncadd.s32 $0xFFFFFFFF  }
0xbb: {  	_ =	strace $0x9000004E  }
0xbc: {  	_ =	sfence  }
0xbd: {  	s30 =	sld [smem:$0x0];
	_ =	sdelay $0x2  }
0xbe: {  	s31 =	sshll.u32 s1, $0xD;
	s1 =	sshrl.u32 s1, $0x2  }
0xbf: {  	s3 =	sand.u32 $0x4000, s31;
	s1 =	sadd.s32 s1, s30  }
0xc0: {  	s0 =	sor.u32 s3, s0;
	s1 =	sshll.u32 s1, $0x11  }
0xc1: {  	s0 =	sor.u32 s1, s0  }
0xc2: {  	s0 =	sadd.s32 $0x8F2B, s0  }
0xc3: {  	[sflag:s0] =	ssyncadd.remote.s32 $0x1  }
0xc4: {  	_ =	sfence.sel $0xFFFF  }
0xc5: {  	[dreg:$0x0] =	wrdreg $0xFFFFFFFF;
	(pc) =	sbr.abs _section_cstart, $3  }
0xc6: {  	[dreg:$0x1] =	wrdreg $0xFFFFFFFF  }
0xc7: {  	_ =	task.clear_ibuf [dreg:s7], $0x2FFFF;
	_ =	strace $0x9FFFFFFF  }
0xc8: {  	(tm) =	ssettm $0x7FFFFFFF  }
0xc9: {  	_ =	shalt  }
tec
execute0_lowered:
.L_overlay_start_1:
0x0: {  	(tag) =	ssettag $0x1  }
0x1: {  	s4 =	rddreg [dreg:$0x0]  }
0x2: {  	s5 =	rddreg [dreg:$0x1]  }
0x3: {  	s0 =	rddreg [dreg:$0x2];
	s3 =	srdreg.scid  }
0x4: {  	s2 =	simm.s32 $0x0;
	s1 =	stileid.u32;
	s10 =	simm.s32 $0x1080  }
0x5: {  	s11 =	simm.s32 $0x1880;
	s12 =	simm.s32 $0x2080;
	s13 =	simm.s32 $0x2880  }
0x6: {  	s14 =	simm.s32 $0x3080;
	s15 =	simm.s32 $0x3880;
	s16 =	simm.s32 $0x4080  }
0x7: {  	s17 =	simm.s32 $0x4880;
	s18 =	simm.s32 $0x5080;
	s19 =	simm.s32 $0x5880  }
0x8: {  	s20 =	simm.s32 $0x6080;
	s21 =	simm.s32 $0x6880;
	s22 =	simm.s32 $0x7080  }
0x9: {  	s23 =	simm.s32 $0x7880;
	s24 =	simm.s32 $0x1;
	s3 =	sand.u32 $0x1, s3  }
0xa: {  	[smem:$0x7FF] =	sst s2;
	s6 =	sshll.u32 s1, $0x8;
	s7 =	sshll.u32 s3, $0x7  }
0xb: {  	_ =	strace $0x8000004D;
	s31 =	ssub.s32 $0x2, s3;
	s6 =	sor.u32 s7, s6  }
0xc: {  	s3 =	sadd.s32 $0x202C00, s4;
	s9 =	sshrl.u32 s31, $0x1;
	s8 =	sshrl.u32 s6, $0x3  }
0xd: {  	v2 =	vlaneseq.u32;
	s7 =	ssub.s32 s31, s9;
	s6 =	sshll.u32 s6, $0x5;
	s9 =	simm.s32 $0x880  }
0xe: {  	vm0 =	vmmov $0xffff;
	v1 =	vshrl.u32 v2, $0x3;
	s4 =	sadd.s32 s8, s4;
	s5 =	sadd.s32 s5, s6;
	s6 =	smax.u32 s7, $0x1  }
0xf: {  	v0 =	vand.u32 $0x7, v2;
	v2 =	vor.u32 $0x8, v2;
	v1 =	vmul.u32 $0x8, v1;
	s7 =	simm.s32 $0x2;
	s8 =	simm.s32 $0x80;
	s4 =	sadd.s32 $0x1400, s4  }
.LBB2_1:
0x10: {  	[tilespmem:s2], [sflag:$0x2] =	stream.linear.gather [hbm4b:s4+s2], $0x80, $0x38;
	[tilespmem:$0x8080] =	vst v63  }
0x11: {  	_ =	swait.ge [sflag:s7], $0x80  }
0x12: {  	[sflag:s7] =	ssyncset.done $0x0  }
0x13: {  	[sflag:s7] =	ssyncadd.s32 $0xFFFFFF80  }
0x14: {  	v3 =	vld [tilespmem:$0x0];
	_ =	sdelay $0x4  }
0x15: {  	v4 =	vshll.u32 v3, $0x1  }
0x16: {  	v3 =	vand.u32 $0x7, v3;
	v4 =	vand.u32 $0xFFFFFFF0, v4  }
0x17: {  	v3 =	vor.u32 v3, v4  }
0x18: {  	v4 =	vperm.xlane v3, v0;
	_ =	sdelay $0x1  }
0x19: {  	v3 =	vperm.xlane v3, v2;
	v4 =	vadd.s32 v1, v4;
	_ =	sdelay $0x1  }
0x1a: {  	v3 =	vadd.s32 v1, v3;
	_ =	sdelay $0x2  }
0x1b: {  	[tilespmem:s8], [sflag:$0x1] =	stream.indirect_vreg.gather [hbm4b:s3+s2], $0x80, v4, vm0, $0xb8;
	[tilespmem:$0x8080] =	vst v63  }
0x1c: {  	_ = 	snop  }
0x1d: {  	[tilespmem:s9], [sflag:$0x1] =	stream.indirect_vreg.gather [hbm4b:s3+s2], $0x80, v3, vm0, $0xb8;
	[tilespmem:$0x8080] =	vst v63  }
0x1e: {  	v3 =	vld [tilespmem:$0x10];
	_ =	sdelay $0x4  }
0x1f: {  	v57 =	vshll.u32 v3, $0x1  }
0x20: {  	v3 =	vand.u32 $0x7, v3;
	v4 =	vand.u32 $0xFFFFFFF0, v57  }
0x21: {  	v3 =	vor.u32 v3, v4  }
0x22: {  	v4 =	vperm.xlane v3, v0;
	_ =	sdelay $0x1  }
0x23: {  	v3 =	vperm.xlane v3, v2;
	v4 =	vadd.s32 v1, v4;
	_ =	sdelay $0x1  }
0x24: {  	v3 =	vadd.s32 v1, v3;
	_ =	sdelay $0x2  }
0x25: {  	[tilespmem:s10], [sflag:$0x1] =	stream.indirect_vreg.gather [hbm4b:s3+s2], $0x80, v4, vm0, $0xb8;
	[tilespmem:$0x8080] =	vst v63  }
0x26: {  	_ = 	snop  }
0x27: {  	[tilespmem:s11], [sflag:$0x1] =	stream.indirect_vreg.gather [hbm4b:s3+s2], $0x80, v3, vm0, $0xb8;
	[tilespmem:$0x8080] =	vst v63  }
0x28: {  	v3 =	vld [tilespmem:$0x20];
	_ =	sdelay $0x4  }
0x29: {  	v58 =	vshll.u32 v3, $0x1  }
0x2a: {  	v3 =	vand.u32 $0x7, v3;
	v4 =	vand.u32 $0xFFFFFFF0, v58  }
0x2b: {  	v3 =	vor.u32 v3, v4  }
0x2c: {  	v4 =	vperm.xlane v3, v0;
	_ =	sdelay $0x1  }
0x2d: {  	v3 =	vperm.xlane v3, v2;
	v4 =	vadd.s32 v1, v4;
	_ =	sdelay $0x1  }
0x2e: {  	v3 =	vadd.s32 v1, v3;
	_ =	sdelay $0x2  }
0x2f: {  	[tilespmem:s12], [sflag:$0x1] =	stream.indirect_vreg.gather [hbm4b:s3+s2], $0x80, v4, vm0, $0xb8;
	[tilespmem:$0x8080] =	vst v63  }
0x30: {  	_ = 	snop  }
0x31: {  	[tilespmem:s13], [sflag:$0x1] =	stream.indirect_vreg.gather [hbm4b:s3+s2], $0x80, v3, vm0, $0xb8;
	[tilespmem:$0x8080] =	vst v63  }
0x32: {  	v3 =	vld [tilespmem:$0x30];
	_ =	sdelay $0x4  }
0x33: {  	v59 =	vshll.u32 v3, $0x1  }
0x34: {  	v3 =	vand.u32 $0x7, v3;
	v4 =	vand.u32 $0xFFFFFFF0, v59  }
0x35: {  	v3 =	vor.u32 v3, v4  }
0x36: {  	v4 =	vperm.xlane v3, v0;
	_ =	sdelay $0x1  }
0x37: {  	v3 =	vperm.xlane v3, v2;
	v4 =	vadd.s32 v1, v4;
	_ =	sdelay $0x1  }
0x38: {  	v3 =	vadd.s32 v1, v3;
	_ =	sdelay $0x2  }
0x39: {  	[tilespmem:s14], [sflag:$0x1] =	stream.indirect_vreg.gather [hbm4b:s3+s2], $0x80, v4, vm0, $0xb8;
	[tilespmem:$0x8080] =	vst v63  }
0x3a: {  	_ = 	snop  }
0x3b: {  	[tilespmem:s15], [sflag:$0x1] =	stream.indirect_vreg.gather [hbm4b:s3+s2], $0x80, v3, vm0, $0xb8;
	[tilespmem:$0x8080] =	vst v63  }
0x3c: {  	v3 =	vld [tilespmem:$0x40];
	_ =	sdelay $0x4  }
0x3d: {  	v60 =	vshll.u32 v3, $0x1  }
0x3e: {  	v3 =	vand.u32 $0x7, v3;
	v4 =	vand.u32 $0xFFFFFFF0, v60  }
0x3f: {  	v3 =	vor.u32 v3, v4  }
0x40: {  	v4 =	vperm.xlane v3, v0;
	_ =	sdelay $0x1  }
0x41: {  	v3 =	vperm.xlane v3, v2;
	v4 =	vadd.s32 v1, v4;
	_ =	sdelay $0x1  }
0x42: {  	v3 =	vadd.s32 v1, v3;
	_ =	sdelay $0x2  }
0x43: {  	[tilespmem:s16], [sflag:$0x1] =	stream.indirect_vreg.gather [hbm4b:s3+s2], $0x80, v4, vm0, $0xb8;
	[tilespmem:$0x8080] =	vst v63  }
0x44: {  	_ = 	snop  }
0x45: {  	[tilespmem:s17], [sflag:$0x1] =	stream.indirect_vreg.gather [hbm4b:s3+s2], $0x80, v3, vm0, $0xb8;
	[tilespmem:$0x8080] =	vst v63  }
0x46: {  	v3 =	vld [tilespmem:$0x50];
	_ =	sdelay $0x4  }
0x47: {  	v61 =	vshll.u32 v3, $0x1  }
0x48: {  	v3 =	vand.u32 $0x7, v3;
	v4 =	vand.u32 $0xFFFFFFF0, v61  }
0x49: {  	v3 =	vor.u32 v3, v4  }
0x4a: {  	v4 =	vperm.xlane v3, v0;
	_ =	sdelay $0x1  }
0x4b: {  	v3 =	vperm.xlane v3, v2;
	v4 =	vadd.s32 v1, v4;
	_ =	sdelay $0x1  }
0x4c: {  	v3 =	vadd.s32 v1, v3;
	_ =	sdelay $0x2  }
0x4d: {  	[tilespmem:s18], [sflag:$0x1] =	stream.indirect_vreg.gather [hbm4b:s3+s2], $0x80, v4, vm0, $0xb8;
	[tilespmem:$0x8080] =	vst v63  }
0x4e: {  	_ = 	snop  }
0x4f: {  	[tilespmem:s19], [sflag:$0x1] =	stream.indirect_vreg.gather [hbm4b:s3+s2], $0x80, v3, vm0, $0xb8;
	[tilespmem:$0x8080] =	vst v63  }
0x50: {  	v3 =	vld [tilespmem:$0x60];
	_ =	sdelay $0x4  }
0x51: {  	v62 =	vshll.u32 v3, $0x1  }
0x52: {  	v3 =	vand.u32 $0x7, v3;
	v4 =	vand.u32 $0xFFFFFFF0, v62  }
0x53: {  	v3 =	vor.u32 v3, v4  }
0x54: {  	v4 =	vperm.xlane v3, v0;
	_ =	sdelay $0x1  }
0x55: {  	v3 =	vperm.xlane v3, v2;
	v4 =	vadd.s32 v1, v4;
	_ =	sdelay $0x1  }
0x56: {  	v3 =	vadd.s32 v1, v3;
	_ =	sdelay $0x2  }
0x57: {  	[tilespmem:s20], [sflag:$0x1] =	stream.indirect_vreg.gather [hbm4b:s3+s2], $0x80, v4, vm0, $0xb8;
	[tilespmem:$0x8080] =	vst v63  }
0x58: {  	_ = 	snop  }
0x59: {  	[tilespmem:s21], [sflag:$0x1] =	stream.indirect_vreg.gather [hbm4b:s3+s2], $0x80, v3, vm0, $0xb8;
	[tilespmem:$0x8080] =	vst v63  }
0x5a: {  	v3 =	vld [tilespmem:$0x70];
	_ =	sdelay $0x4  }
0x5b: {  	v63 =	vshll.u32 v3, $0x1  }
0x5c: {  	v3 =	vand.u32 $0x7, v3;
	v4 =	vand.u32 $0xFFFFFFF0, v63  }
0x5d: {  	v3 =	vor.u32 v3, v4  }
0x5e: {  	v4 =	vperm.xlane v3, v0;
	_ =	sdelay $0x1  }
0x5f: {  	v3 =	vperm.xlane v3, v2;
	v4 =	vadd.s32 v1, v4;
	_ =	sdelay $0x1  }
0x60: {  	v3 =	vadd.s32 v1, v3;
	_ =	sdelay $0x2  }
0x61: {  	[tilespmem:s22], [sflag:$0x1] =	stream.indirect_vreg.gather [hbm4b:s3+s2], $0x80, v4, vm0, $0xb8;
	[tilespmem:$0x8080] =	vst v63  }
0x62: {  	_ = 	snop  }
0x63: {  	[tilespmem:s23], [sflag:$0x1] =	stream.indirect_vreg.gather [hbm4b:s3+s2], $0x80, v3, vm0, $0xb8;
	[tilespmem:$0x8080] =	vst v63  }
0x64: {  	_ =	swait.ge [sflag:s24], $0x8000  }
0x65: {  	p0 =	sne.s32 s6, $0x1;
	[sflag:s24] =	ssyncset.done $0x0  }
.Ltmp0:
0x66: {  	[sflag:s24] =	ssyncadd.s32 $0xFFFF8000;
	(pc) =	sbr.rel @p0 .LBB2_1-.Ltmp0, $4  }
0x67: {  	[hbm4b:s5+s2] =	stream.linear.scatter [tilespmem:s8], [sflag:$0x2], $0x8000, $0x38;
	[tilespmem:$0x8080] =	vst v63  }
0x68: {  	_ =	swait.ge [sflag:s7], $0x8000  }
0x69: {  	[sflag:s7] =	ssyncset.done $0x0  }
0x6a: {  	s6 =	sadd.s32 $0xFFFFFFFF, s6;
	[sflag:s7] =	ssyncadd.s32 $0xFFFF8000  }
0x6b: {  	_ =	sfence.sel $0x180000  }
0x6c: {  	[bflag:$0x0] =	sbarrier.arrive $0xFFFF  }
0x6d: {  	p0 =	sne.s32 s1, $0x0;
	_ =	strace $0x9000004D  }
0x6e: {  	s0 =	sadd.s32 @!p0 $0x100000, s0;
	[bflag:$0x2] =	sbarrier.arrive $0xFFFF  }
0x6f: {  	[sflag:s0] =	ssyncadd.tile.s32 @!p0 $0x1;
	_ =	shalt  }
.Lfunc_end2:
_tile_overlayer_lowered:
.L_overlay_start_2:
0x70: {  	(tag) =	ssettag $0x2  }
0x71: {  	s0 =	rddreg [dreg:$0x0];
	s2 =	stileid.u32  }
0x72: {  	s1 =	rddreg [dreg:$0x1];
	p0 =	sne.s32 s2, $0x0  }
0x73: {  	s3 =	rddreg [dreg:$0x2];
	[bflag:$0x3] =	sbarrier.arrive $0xFFFF;
	s2 =	simm.s32 @!p0 $0x1C02  }
0x74: {  	[timem:s3], [sflag:s2] =	dma.local @!p0 [hbm:s0], s1  }
0x75: {  	s0 =	simm.s32 @!p0 $0x2  }
0x76: {  	_ =	swait.ge @!p0 [sflag:s0], s1  }
0x77: {  	s1 =	ssub.s32 @!p0 $0x0, s1;
	[sflag:s0] =	ssyncset.done @!p0 $0x0  }
0x78: {  	[sflag:s0] =	ssyncadd.s32 @!p0 s1  }
0x79: {  	[bflag:$0x3] =	sbarrier.arrive $0xFFFF  }
0x7a: {  	_ =	shalt  }

// kernel: kernel.8.cloned.1.call-start
scs
__scs_entry_jumppad:
0x0: {  	(pc) =	sbr.rel $0x88, $3  }
0x1: {  	(tag) =	ssettag $0x0;
	lr =	simm.s32 $0x1  }
0x2: {  	[smem:$0x3F99] =	sst lr;
	_ =	strace $0xD0000000  }
0x3: {  	_ = 	snop  }
0x4: {  	_ = 	snop  }
0x5: {  	_ = 	snop  }
0x6: {  	_ = 	snop  }
0x7: {  	_ = 	snop  }
__scs_overlays_trampoline_lowered:
0x8: {  	[smem:$0x3FA8] =	sst s0  }
0x9: {  	[smem:$0x3FA9] =	sst s1  }
0xa: {  	[smem:$0x3FAA] =	sst s2  }
0xb: {  	[smem:$0x3FAB] =	sst s3  }
0xc: {  	[smem:$0x3FAC] =	sst s4  }
0xd: {  	[smem:$0x3FAD] =	sst s5  }
0xe: {  	[smem:$0x3FAE] =	sst s6  }
0xf: {  	[smem:$0x3FAF] =	sst s7  }
0x10: {  	[smem:$0x3FB0] =	sst s8  }
0x11: {  	[smem:$0x3FB1] =	sst s9;
	s0 =	simm.s32 @!p0 $0x0  }
0x12: {  	s1 =	sld [smem:$0x3F97];
	s0 =	simm.s32 @p0 $0x1  }
0x13: {  	[smem:$0x3FB2] =	sst s0;
	s0 =	simm.s32 @!p1 $0x0  }
0x14: {  	s2 =	sld [smem:$0x3F96];
	s0 =	simm.s32 @p1 $0x1  }
0x15: {  	[smem:$0x3FB3] =	sst s0;
	s0 =	simm.s32 @!p2 $0x0  }
0x16: {  	s3 =	sld [smem:$0x3FDB];
	s0 =	simm.s32 @p2 $0x1  }
0x17: {  	s4 =	simm.s32 $0x1BF5;
	[smem:$0x3FB5] =	sst s0  }
0x18: {  	s0 =	sld [smem:$0x3F98];
	_ =	swait.ge [sflag:s4], $0x0  }
0x19: {  	s7 =	sld [smem:$0x3F99]  }
0x1a: {  	s8 =	sadd.s32 $0xFFFFE003, lr  }
0x1b: {  	s9 =	sadd.s32 $0xFFFFFEF7, lr;
	s5 =	simm.s32 $0xFFFFFFFF;
	p2 =	slt.u32 s8, $0xFFFFF086  }
0x1c: {  	p1 =	slt.u32 s9, $0xF7A;
	s5 =	simm.s32 @!p2 $0x0  }
0x1d: {  	s5 =	simm.s32 @p1 $0x1;
	p0 =	seq.s32 s7, s2  }
0x1e: {  	s7 =	smul.u32 @!p0 $0xF7A, s2;
	p2 =	seq.s32 @!p0 s5, $0x0  }
0x1f: {  	s9 =	smul.u32 $0xF7A, s1;
	s8 =	simm.s32 @!p0 $0x1BF5;
	p2 =	por !p2, p0  }
0x20: {  	[sflag:s8] =	ssyncset.s32 @!p0 $0xFFFFF086;
	s6 =	sadd.s32 @!p0 s3, s7;
	s7 =	simm.s32 @!p0 $0x108  }
0x21: {  	s3 =	sadd.s32 s3, s9;
	s6 =	sadd.s32 @!p0 $0x88, s6;
	s7 =	simm.s32 @p2 $0x1082  }
0x22: {  	[simem:s7], [sflag:s8] =	dma.local @!p0 [hbm:s6], $0xF7A  }
0x23: {  	s9 =	sor.u32 $0xD0000000, s2;
	s6 =	simm.s32 $0x108;
	_ =	swait.ge @!p0 [sflag:s8], $0x0  }
0x24: {  	s3 =	sadd.s32 $0x88, s3;
	s6 =	simm.s32 @!p1 $0x1082;
	[sflag:s4] =	ssyncset.s32 $0xFFFFF086  }
0x25: {  	[simem:s6], [sflag:s4] =	dma.local [hbm:s3], $0xF7A  }
0x26: {  	[smem:$0x3F99] =	sst s1;
	(tag) =	ssettag s2;
	_ =	strace s9  }
0x27: {  	s1 =	sld [smem:$0x3FA9]  }
0x28: {  	s2 =	sld [smem:$0x3FAA]  }
0x29: {  	s4 =	sld [smem:$0x3FAC]  }
0x2a: {  	p0 =	seq.s32 s5, $0x0;
	s5 =	sld [smem:$0x3FAD]  }
0x2b: {  	s6 =	sld [smem:$0x3FAE]  }
0x2c: {  	s7 =	sld [smem:$0x3FAF]  }
0x2d: {  	s3 =	simm.s32 $0x108;
	s8 =	sld [smem:$0x3FB0]  }
0x2e: {  	s3 =	simm.s32 @!p0 $0x1082;
	s9 =	sld [smem:$0x3FB1]  }
0x2f: {  	lr =	sadd.s32 s0, s3;
	s0 =	sld [smem:$0x3FA8]  }
0x30: {  	s3 =	sld [smem:$0x3FAB]  }
0x31: {  	[smem:$0x3FB4] =	sst s10  }
0x32: {  	s10 =	sld [smem:$0x3FB2];
	_ =	sdelay $0x3  }
0x33: {  	p0 =	seq.s32 s10, $0x1;
	s10 =	sld [smem:$0x3FB4];
	_ =	sdelay $0x3  }
0x34: {  	[smem:$0x3FB4] =	sst s10  }
0x35: {  	s10 =	sld [smem:$0x3FB3];
	_ =	sdelay $0x3  }
0x36: {  	p1 =	seq.s32 s10, $0x1;
	s10 =	sld [smem:$0x3FB4];
	_ =	sdelay $0x3  }
0x37: {  	[smem:$0x3FB4] =	sst s10  }
0x38: {  	s10 =	sld [smem:$0x3FB5]  }
0x39: {  	_ = 	snop;
	(pc) =	sbr.ind lr, $3  }
0x3a: {  	_ = 	snop  }
0x3b: {  	_ = 	snop  }
0x3c: {  	p2 =	seq.s32 s10, $0x1;
	s10 =	sld [smem:$0x3FB4]  }
0x3d: {  	_ =	shalt  }
0x3e: {  	_ =	shalt  }
0x3f: {  	_ =	shalt  }
0x40: {  	_ =	shalt  }
0x41: {  	_ =	shalt  }
0x42: {  	_ =	shalt  }
0x43: {  	_ =	shalt  }
0x44: {  	_ =	shalt  }
0x45: {  	_ =	shalt  }
0x46: {  	_ =	shalt  }
0x47: {  	_ =	shalt  }
0x48: {  	_ =	shalt  }
0x49: {  	_ =	shalt  }
0x4a: {  	_ =	shalt  }
0x4b: {  	_ =	shalt  }
0x4c: {  	_ =	shalt  }
0x4d: {  	_ =	shalt  }
0x4e: {  	_ =	shalt  }
0x4f: {  	_ =	shalt  }
0x50: {  	_ =	shalt  }
0x51: {  	_ =	shalt  }
0x52: {  	_ =	shalt  }
0x53: {  	_ =	shalt  }
0x54: {  	_ =	shalt  }
0x55: {  	_ =	shalt  }
0x56: {  	_ =	shalt  }
0x57: {  	_ =	shalt  }
0x58: {  	_ =	shalt  }
0x59: {  	_ =	shalt  }
0x5a: {  	_ =	shalt  }
0x5b: {  	_ =	shalt  }
0x5c: {  	_ =	shalt  }
0x5d: {  	_ =	shalt  }
0x5e: {  	_ =	shalt  }
0x5f: {  	_ =	shalt  }
0x60: {  	_ =	shalt  }
0x61: {  	_ =	shalt  }
0x62: {  	_ =	shalt  }
0x63: {  	_ =	shalt  }
0x64: {  	_ =	shalt  }
0x65: {  	_ =	shalt  }
0x66: {  	_ =	shalt  }
0x67: {  	_ =	shalt  }
0x68: {  	_ =	shalt  }
0x69: {  	_ =	shalt  }
0x6a: {  	_ =	shalt  }
0x6b: {  	_ =	shalt  }
0x6c: {  	_ =	shalt  }
0x6d: {  	_ =	shalt  }
0x6e: {  	_ =	shalt  }
0x6f: {  	_ =	shalt  }
0x70: {  	_ =	shalt  }
0x71: {  	_ =	shalt  }
0x72: {  	_ =	shalt  }
0x73: {  	_ =	shalt  }
0x74: {  	_ =	shalt  }
0x75: {  	_ =	shalt  }
0x76: {  	_ =	shalt  }
0x77: {  	_ =	shalt  }
0x78: {  	_ =	shalt  }
0x79: {  	_ =	shalt  }
0x7a: {  	_ =	shalt  }
0x7b: {  	_ =	shalt  }
0x7c: {  	_ =	shalt  }
0x7d: {  	_ =	shalt  }
0x7e: {  	_ =	shalt  }
0x7f: {  	_ =	shalt  }
0x80: {  	_ =	shalt  }
0x81: {  	_ =	shalt  }
0x82: {  	_ =	shalt  }
0x83: {  	_ =	shalt  }
0x84: {  	_ =	shalt  }
0x85: {  	_ =	shalt  }
0x86: {  	_ =	shalt  }
0x87: {  	_ =	shalt  }
.Lfunc_end0:
.L_simem_size_0:
called_computation.1_lowered:
.L_overlay_start_0:
0x88: {  	s2 =	sld [smem:$0x3FD9]  }
0x89: {  	s3 =	sld [smem:$0x3FFE];
	_ =	sdelay $0x1  }
0x8a: {  	s1 =	srdreg.scid  }
0x8b: {  	s0 =	sand.u32 $0x1, s1  }
0x8c: {  	s14 =	sshll.u32 s0, $0xA;
	s2 =	sadd.s32 s3, s2  }
0x8d: {  	s2 =	sadd.s32 s2, s14  }
0x8e: {  	[smem:$0x3FC0] =	sst s2  }
0x8f: {  	_ = 	snop  }
0x90: {  	s2 =	sld [smem:$0x3FD0];
	_ =	sdelay $0x2  }
0x91: {  	s15 =	simm.s32 $0xB;
	s4 =	simm.s32 $0x10  }
0x92: {  	[smem:s4], [sflag:s15] =	dma.local [hbm:s2], $0x1  }
0x93: {  	_ =	swait.eq [sflag:s15], $0x1  }
0x94: {  	[sflag:s15] =	ssyncset.done $0x0  }
0x95: {  	[sflag:s15] =	ssyncadd.s32 $0xFFFFFFFF  }
0x96: {  	s16 =	sld [smem:$0x11];
	(tm) =	ssettm $0x1  }
0x97: {  	s17 =	sld [smem:$0x3FFB];
	_ =	sdelay $0x3  }
0x98: {  	_ =	strace s17  }
0x99: {  	s3 =	sld [smem:$0x3FFC];
	_ =	sdelay $0x3  }
0x9a: {  	_ =	strace s3  }
0x9b: {  	s3 =	sld [smem:$0x3FFD];
	_ =	sdelay $0x3  }
0x9c: {  	_ =	strace s3  }
0x9d: {  	_ =	strace $0x8FFFFFFF  }
0x9e: {  	s18 =	sld [smem:$0x3FDB];
	_ =	sdelay $0x1  }
0x9f: {  	s19 =	simm.s32 $_scs_section_size  }
0xa0: {  	s5 =	simm.s32 $_size__tile_overlayer_lowered;
	s6 =	simm.s32 $_tile_overlayer_lowered  }
0xa1: {  	s22 =	simm.s32 $0x1BFF;
	s21 =	sshll.u32 s6, $0x1;
	s3 =	sadd.s32 s19, s18  }
0xa2: {  	s7 =	simm.s32 $0x0;
	s20 =	sshll.u32 s5, $0x1;
	s5 =	sadd.s32 s21, s3  }
0xa3: {  	[timem:s7], [sflag:s22] =	dma.local [hbm:s5], s20  }
0xa4: {  	_ =	swait.ge [sflag:s22], s20  }
0xa5: {  	s4 =	ssub.s32 $0x0, s20;
	[sflag:s22] =	ssyncset.done $0x0  }
0xa6: {  	[sflag:s22] =	ssyncadd.s32 s4;
	_ =	sdelay $0x1  }
0xa7: {  	s23 =	simm.s32 $0x1B8B  }
0xa8: {  	_ =	swait.ge [sflag:s23], $0x1  }
0xa9: {  	[sflag:s23] =	ssyncset.done $0x0  }
0xaa: {  	s25 =	simm.s32 $0x1B8E;
	s24 =	sld [smem:$0x3FFE];
	[sflag:s23] =	ssyncadd.s32 $0xFFFFFFFF  }
0xab: {  	s26 =	simm.s32 $execute0_lowered;
	[smem:$0x3FD2] =	sst s25  }
0xac: {  	s5 =	sshll.u32 s26, $0x1;
	_ =	strace $0x80000046;
	[dreg:$0x1] =	wrdreg $0xFFFFFFFF  }
0xad: {  	s28 =	simm.s32 $_size_execute0_lowered;
	s3 =	sadd.s32 s3, s5;
	[dreg:$0x0] =	wrdreg $0x0  }
0xae: {  	s5 =	sshll.u32 s28, $0x1;
	[dreg:$0x2] =	wrdreg s3  }
0xaf: {  	[dreg:$0x3] =	wrdreg s5  }
0xb0: {  	[dreg:$0x4] =	wrdreg $0xC0  }
0xb1: {  	_ =	task [dreg:s7], $0x5FFFF  }
0xb2: {  	[dreg:$0x1] =	wrdreg $0xFFFFFFFF  }
0xb3: {  	[dreg:$0x0] =	wrdreg $0x60  }
0xb4: {  	[dreg:$0x2] =	wrdreg s24  }
0xb5: {  	[dreg:$0x3] =	wrdreg s16  }
0xb6: {  	[dreg:$0x4] =	wrdreg $0xA  }
0xb7: {  	_ =	task.clear_ibuf [dreg:s7], $0x5FFFF;
	_ =	strace $0x90000046  }
0xb8: {  	s29 =	simm.s32 $0xA;
	_ =	strace $0x80000048  }
0xb9: {  	_ =	swait.ge [sflag:s29], $0x1  }
0xba: {  	[sflag:s29] =	ssyncadd.s32 $0xFFFFFFFF  }
0xbb: {  	_ =	strace $0x90000048  }
0xbc: {  	_ =	sfence  }
0xbd: {  	s30 =	sld [smem:$0x0];
	_ =	sdelay $0x2  }
0xbe: {  	s31 =	sshll.u32 s1, $0xD;
	s1 =	sshrl.u32 s1, $0x2  }
0xbf: {  	s3 =	sand.u32 $0x4000, s31;
	s1 =	sadd.s32 s1, s30  }
0xc0: {  	s0 =	sor.u32 s3, s0;
	s1 =	sshll.u32 s1, $0x11  }
0xc1: {  	s0 =	sor.u32 s1, s0  }
0xc2: {  	s0 =	sadd.s32 $0x8F2B, s0  }
0xc3: {  	[sflag:s0] =	ssyncadd.remote.s32 $0x1  }
0xc4: {  	_ =	sfence.sel $0xFFFF  }
0xc5: {  	[dreg:$0x0] =	wrdreg $0xFFFFFFFF;
	(pc) =	sbr.abs _section_cstart, $3  }
0xc6: {  	[dreg:$0x1] =	wrdreg $0xFFFFFFFF  }
0xc7: {  	_ =	task.clear_ibuf [dreg:s7], $0x2FFFF;
	_ =	strace $0x9FFFFFFF  }
0xc8: {  	(tm) =	ssettm $0x7FFFFFFF  }
0xc9: {  	_ =	shalt  }
tec
execute0_lowered:
.L_overlay_start_1:
0x0: {  	(tag) =	ssettag $0x1  }
0x1: {  	s1 =	srdreg.scid  }
0x2: {  	s0 =	stileid.u32;
	s31 =	sand.u32 $0x1, s1  }
0x3: {  	s7 =	rddreg [dreg:$0x0];
	s4 =	sshll.u32 s0, $0xC;
	s5 =	sshll.u32 s31, $0xB  }
0x4: {  	s3 =	rddreg [dreg:$0x1];
	s2 =	simm.s32 $0x0;
	s5 =	sor.u32 s5, s4  }
0x5: {  	[smem:$0x7FF] =	sst s2;
	s4 =	sshrl.u32 s5, $0x3  }
0x6: {  	_ =	strace $0x80000047;
	s3 =	sadd.s32 s3, s4;
	s4 =	simm.s32 $0x2  }
0x7: {  	[tilespmem:s2], [sflag:$0x2] =	stream.linear.gather [hbm4b:s3+s2], $0x800, $0x38;
	[tilespmem:$0x10800] =	vst v63  }
0x8: {  	s5 =	sshll.u32 s5, $0x4;
	_ =	swait.ge [sflag:s4], $0x800  }
0x9: {  	s25 =	sadd.s32 s5, s7;
	[sflag:s4] =	ssyncset.done $0x0  }
0xa: {  	s6 =	simm.s32 $0x800;
	s5 =	sadd.s32 $0x102C00, s25;
	[sflag:s4] =	ssyncadd.s32 $0xFFFFF800  }
0xb: {  	[tilespmem:s6], [sflag:$0x2] =	stream.linear.gather [hbm4b:s5+s2], $0x10000, $0x38;
	[tilespmem:$0x10800] =	vst v63  }
0xc: {  	_ =	swait.ge [sflag:s4], $0x10000  }
0xd: {  	[sflag:s4] =	ssyncset.done $0x0  }
0xe: {  	s8 =	simm.s32 $0x80;
	s7 =	sadd.s32 $0x1400, s7;
	[sflag:s4] =	ssyncadd.s32 $0xFFFF0000  }
0xf: {  	[hbm4b:s7+s8] =	stream.indirect.scatter [tilespmem:s6], [sflag:$0x1], $0x80, s2, s8, $0xb8;
	[tilespmem:$0x10800] =	vst v63  }
0x10: {  	s9 =	simm.s32 $0x4800  }
0x11: {  	[hbm4b:s7+s8] =	stream.indirect.scatter [tilespmem:s9], [sflag:$0x1], $0x80, s8, s8, $0xb8;
	[tilespmem:$0x10800] =	vst v63  }
0x12: {  	s10 =	simm.s32 $0x100;
	s11 =	simm.s32 $0x8800  }
0x13: {  	[hbm4b:s7+s8] =	stream.indirect.scatter [tilespmem:s11], [sflag:$0x1], $0x80, s10, s8, $0xb8;
	[tilespmem:$0x10800] =	vst v63  }
0x14: {  	s12 =	simm.s32 $0x180;
	s14 =	simm.s32 $0xC800;
	s13 =	simm.s32 $0x1  }
0x15: {  	[hbm4b:s7+s8] =	stream.indirect.scatter [tilespmem:s14], [sflag:$0x1], $0x80, s12, s8, $0xb8;
	[tilespmem:$0x10800] =	vst v63  }
0x16: {  	_ =	swait.ge [sflag:s13], $0x4000  }
0x17: {  	[sflag:s13] =	ssyncset.done $0x0  }
0x18: {  	[sflag:s13] =	ssyncadd.s32 $0xFFFFC000  }
0x19: {  	_ =	swait.ge [sflag:s13], $0x4000  }
0x1a: {  	[sflag:s13] =	ssyncset.done $0x0  }
0x1b: {  	[sflag:s13] =	ssyncadd.s32 $0xFFFFC000  }
0x1c: {  	_ =	swait.ge [sflag:s13], $0x4000  }
0x1d: {  	[sflag:s13] =	ssyncset.done $0x0  }
0x1e: {  	[sflag:s13] =	ssyncadd.s32 $0xFFFFC000  }
0x1f: {  	_ =	swait.ge [sflag:s13], $0x4000  }
0x20: {  	[sflag:s13] =	ssyncset.done $0x0  }
0x21: {  	s15 =	sadd.s32 $0x104C00, s25;
	[sflag:s13] =	ssyncadd.s32 $0xFFFFC000  }
0x22: {  	[tilespmem:s6], [sflag:$0x2] =	stream.linear.gather [hbm4b:s15+s2], $0x10000, $0x38;
	[tilespmem:$0x10800] =	vst v63  }
0x23: {  	_ =	swait.ge [sflag:s4], $0x10000  }
0x24: {  	[sflag:s4] =	ssyncset.done $0x0  }
0x25: {  	s16 =	simm.s32 $0x200;
	[sflag:s4] =	ssyncadd.s32 $0xFFFF0000  }
0x26: {  	[hbm4b:s7+s8] =	stream.indirect.scatter [tilespmem:s6], [sflag:$0x1], $0x80, s16, s8, $0xb8;
	[tilespmem:$0x10800] =	vst v63  }
0x27: {  	s17 =	simm.s32 $0x280  }
0x28: {  	[hbm4b:s7+s8] =	stream.indirect.scatter [tilespmem:s9], [sflag:$0x1], $0x80, s17, s8, $0xb8;
	[tilespmem:$0x10800] =	vst v63  }
0x29: {  	s18 =	simm.s32 $0x300  }
0x2a: {  	[hbm4b:s7+s8] =	stream.indirect.scatter [tilespmem:s11], [sflag:$0x1], $0x80, s18, s8, $0xb8;
	[tilespmem:$0x10800] =	vst v63  }
0x2b: {  	s19 =	simm.s32 $0x380  }
0x2c: {  	[hbm4b:s7+s8] =	stream.indirect.scatter [tilespmem:s14], [sflag:$0x1], $0x80, s19, s8, $0xb8;
	[tilespmem:$0x10800] =	vst v63  }
0x2d: {  	_ =	swait.ge [sflag:s13], $0x4000  }
0x2e: {  	[sflag:s13] =	ssyncset.done $0x0  }
0x2f: {  	[sflag:s13] =	ssyncadd.s32 $0xFFFFC000  }
0x30: {  	_ =	swait.ge [sflag:s13], $0x4000  }
0x31: {  	[sflag:s13] =	ssyncset.done $0x0  }
0x32: {  	[sflag:s13] =	ssyncadd.s32 $0xFFFFC000  }
0x33: {  	_ =	swait.ge [sflag:s13], $0x4000  }
0x34: {  	[sflag:s13] =	ssyncset.done $0x0  }
0x35: {  	[sflag:s13] =	ssyncadd.s32 $0xFFFFC000  }
0x36: {  	_ =	swait.ge [sflag:s13], $0x4000  }
0x37: {  	[sflag:s13] =	ssyncset.done $0x0  }
0x38: {  	s20 =	sadd.s32 $0x106C00, s25;
	[sflag:s13] =	ssyncadd.s32 $0xFFFFC000  }
0x39: {  	[tilespmem:s6], [sflag:$0x2] =	stream.linear.gather [hbm4b:s20+s2], $0x10000, $0x38;
	[tilespmem:$0x10800] =	vst v63  }
0x3a: {  	_ =	swait.ge [sflag:s4], $0x10000  }
0x3b: {  	[sflag:s4] =	ssyncset.done $0x0  }
0x3c: {  	s21 =	simm.s32 $0x400;
	[sflag:s4] =	ssyncadd.s32 $0xFFFF0000  }
0x3d: {  	[hbm4b:s7+s8] =	stream.indirect.scatter [tilespmem:s6], [sflag:$0x1], $0x80, s21, s8, $0xb8;
	[tilespmem:$0x10800] =	vst v63  }
0x3e: {  	s22 =	simm.s32 $0x480  }
0x3f: {  	[hbm4b:s7+s8] =	stream.indirect.scatter [tilespmem:s9], [sflag:$0x1], $0x80, s22, s8, $0xb8;
	[tilespmem:$0x10800] =	vst v63  }
0x40: {  	s23 =	simm.s32 $0x500  }
0x41: {  	[hbm4b:s7+s8] =	stream.indirect.scatter [tilespmem:s11], [sflag:$0x1], $0x80, s23, s8, $0xb8;
	[tilespmem:$0x10800] =	vst v63  }
0x42: {  	s24 =	simm.s32 $0x580  }
0x43: {  	[hbm4b:s7+s8] =	stream.indirect.scatter [tilespmem:s14], [sflag:$0x1], $0x80, s24, s8, $0xb8;
	[tilespmem:$0x10800] =	vst v63  }
0x44: {  	_ =	swait.ge [sflag:s13], $0x4000  }
0x45: {  	[sflag:s13] =	ssyncset.done $0x0  }
0x46: {  	[sflag:s13] =	ssyncadd.s32 $0xFFFFC000  }
0x47: {  	_ =	swait.ge [sflag:s13], $0x4000  }
0x48: {  	[sflag:s13] =	ssyncset.done $0x0  }
0x49: {  	[sflag:s13] =	ssyncadd.s32 $0xFFFFC000  }
0x4a: {  	_ =	swait.ge [sflag:s13], $0x4000  }
0x4b: {  	[sflag:s13] =	ssyncset.done $0x0  }
0x4c: {  	[sflag:s13] =	ssyncadd.s32 $0xFFFFC000  }
0x4d: {  	_ =	swait.ge [sflag:s13], $0x4000  }
0x4e: {  	[sflag:s13] =	ssyncset.done $0x0  }
0x4f: {  	s25 =	sadd.s32 $0x108C00, s25;
	[sflag:s13] =	ssyncadd.s32 $0xFFFFC000  }
0x50: {  	[tilespmem:s6], [sflag:$0x2] =	stream.linear.gather [hbm4b:s25+s2], $0x10000, $0x38;
	[tilespmem:$0x10800] =	vst v63  }
0x51: {  	_ =	swait.ge [sflag:s4], $0x10000  }
0x52: {  	[sflag:s4] =	ssyncset.done $0x0  }
0x53: {  	s26 =	simm.s32 $0x600;
	[sflag:s4] =	ssyncadd.s32 $0xFFFF0000  }
0x54: {  	[hbm4b:s7+s8] =	stream.indirect.scatter [tilespmem:s6], [sflag:$0x1], $0x80, s26, s8, $0xb8;
	[tilespmem:$0x10800] =	vst v63  }
0x55: {  	s28 =	simm.s32 $0x680  }
0x56: {  	[hbm4b:s7+s8] =	stream.indirect.scatter [tilespmem:s9], [sflag:$0x1], $0x80, s28, s8, $0xb8;
	[tilespmem:$0x10800] =	vst v63  }
0x57: {  	s29 =	simm.s32 $0x700  }
0x58: {  	[hbm4b:s7+s8] =	stream.indirect.scatter [tilespmem:s11], [sflag:$0x1], $0x80, s29, s8, $0xb8;
	[tilespmem:$0x10800] =	vst v63  }
0x59: {  	s30 =	simm.s32 $0x780  }
0x5a: {  	[hbm4b:s7+s8] =	stream.indirect.scatter [tilespmem:s14], [sflag:$0x1], $0x80, s30, s8, $0xb8;
	[tilespmem:$0x10800] =	vst v63  }
0x5b: {  	_ =	swait.ge [sflag:s13], $0x4000  }
0x5c: {  	s31 =	ssub.s32 $0x2, s31;
	[sflag:s13] =	ssyncset.done $0x0  }
0x5d: {  	s1 =	sshrl.u32 s31, $0x1;
	[sflag:s13] =	ssyncadd.s32 $0xFFFFC000  }
0x5e: {  	s1 =	ssub.s32 s31, s1;
	_ =	swait.ge [sflag:s13], $0x4000  }
0x5f: {  	s1 =	smax.u32 s1, $0x1;
	[sflag:s13] =	ssyncset.done $0x0  }
0x60: {  	p0 =	sne.s32 s1, $0x1;
	[sflag:s13] =	ssyncadd.s32 $0xFFFFC000  }
.Ltmp0:
0x61: {  	_ =	swait.ge [sflag:s13], $0x4000;
	(pc) =	sbr.rel @!p0 .LBB2_2-.Ltmp0, $4  }
0x62: {  	[sflag:s13] =	ssyncset.done $0x0  }
0x63: {  	[sflag:s13] =	ssyncadd.s32 $0xFFFFC000  }
0x64: {  	_ =	swait.ge [sflag:s13], $0x4000  }
0x65: {  	s31 =	sadd.s32 $0xFFFFFFFF, s1;
	[sflag:s13] =	ssyncset.done $0x0  }
.LBB2_1:
0x66: {  	p0 =	sne.s32 s31, $0x1;
	s31 =	sadd.s32 $0xFFFFFFFF, s31;
	[sflag:s13] =	ssyncadd.s32 $0xFFFFC000  }
0x67: {  	[tilespmem:s2], [sflag:$0x2] =	stream.linear.gather [hbm4b:s3+s2], $0x800, $0x38;
	[tilespmem:$0x10800] =	vst v63  }
0x68: {  	_ =	swait.ge [sflag:s4], $0x800  }
0x69: {  	[sflag:s4] =	ssyncset.done $0x0  }
0x6a: {  	[sflag:s4] =	ssyncadd.s32 $0xFFFFF800  }
0x6b: {  	[tilespmem:s6], [sflag:$0x2] =	stream.linear.gather [hbm4b:s5+s2], $0x10000, $0x38;
	[tilespmem:$0x10800] =	vst v63  }
0x6c: {  	_ =	swait.ge [sflag:s4], $0x10000  }
0x6d: {  	[sflag:s4] =	ssyncset.done $0x0  }
0x6e: {  	[sflag:s4] =	ssyncadd.s32 $0xFFFF0000  }
0x6f: {  	[hbm4b:s7+s8] =	stream.indirect.scatter [tilespmem:s6], [sflag:$0x1], $0x80, s2, s8, $0xb8;
	[tilespmem:$0x10800] =	vst v63  }
0x70: {  	_ = 	snop  }
0x71: {  	[hbm4b:s7+s8] =	stream.indirect.scatter [tilespmem:s9], [sflag:$0x1], $0x80, s8, s8, $0xb8;
	[tilespmem:$0x10800] =	vst v63  }
0x72: {  	_ = 	snop  }
0x73: {  	[hbm4b:s7+s8] =	stream.indirect.scatter [tilespmem:s11], [sflag:$0x1], $0x80, s10, s8, $0xb8;
	[tilespmem:$0x10800] =	vst v63  }
0x74: {  	_ = 	snop  }
0x75: {  	[hbm4b:s7+s8] =	stream.indirect.scatter [tilespmem:s14], [sflag:$0x1], $0x80, s12, s8, $0xb8;
	[tilespmem:$0x10800] =	vst v63  }
0x76: {  	_ =	swait.ge [sflag:s13], $0x4000  }
0x77: {  	[sflag:s13] =	ssyncset.done $0x0  }
0x78: {  	[sflag:s13] =	ssyncadd.s32 $0xFFFFC000  }
0x79: {  	_ =	swait.ge [sflag:s13], $0x4000  }
0x7a: {  	[sflag:s13] =	ssyncset.done $0x0  }
0x7b: {  	[sflag:s13] =	ssyncadd.s32 $0xFFFFC000  }
0x7c: {  	_ =	swait.ge [sflag:s13], $0x4000  }
0x7d: {  	[sflag:s13] =	ssyncset.done $0x0  }
0x7e: {  	[sflag:s13] =	ssyncadd.s32 $0xFFFFC000  }
0x7f: {  	_ =	swait.ge [sflag:s13], $0x4000  }
0x80: {  	[sflag:s13] =	ssyncset.done $0x0  }
0x81: {  	[sflag:s13] =	ssyncadd.s32 $0xFFFFC000  }
0x82: {  	[tilespmem:s6], [sflag:$0x2] =	stream.linear.gather [hbm4b:s15+s2], $0x10000, $0x38;
	[tilespmem:$0x10800] =	vst v63  }
0x83: {  	_ =	swait.ge [sflag:s4], $0x10000  }
0x84: {  	[sflag:s4] =	ssyncset.done $0x0  }
0x85: {  	[sflag:s4] =	ssyncadd.s32 $0xFFFF0000  }
0x86: {  	[hbm4b:s7+s8] =	stream.indirect.scatter [tilespmem:s6], [sflag:$0x1], $0x80, s16, s8, $0xb8;
	[tilespmem:$0x10800] =	vst v63  }
0x87: {  	_ = 	snop  }
0x88: {  	[hbm4b:s7+s8] =	stream.indirect.scatter [tilespmem:s9], [sflag:$0x1], $0x80, s17, s8, $0xb8;
	[tilespmem:$0x10800] =	vst v63  }
0x89: {  	_ = 	snop  }
0x8a: {  	[hbm4b:s7+s8] =	stream.indirect.scatter [tilespmem:s11], [sflag:$0x1], $0x80, s18, s8, $0xb8;
	[tilespmem:$0x10800] =	vst v63  }
0x8b: {  	_ = 	snop  }
0x8c: {  	[hbm4b:s7+s8] =	stream.indirect.scatter [tilespmem:s14], [sflag:$0x1], $0x80, s19, s8, $0xb8;
	[tilespmem:$0x10800] =	vst v63  }
0x8d: {  	_ =	swait.ge [sflag:s13], $0x4000  }
0x8e: {  	[sflag:s13] =	ssyncset.done $0x0  }
0x8f: {  	[sflag:s13] =	ssyncadd.s32 $0xFFFFC000  }
0x90: {  	_ =	swait.ge [sflag:s13], $0x4000  }
0x91: {  	[sflag:s13] =	ssyncset.done $0x0  }
0x92: {  	[sflag:s13] =	ssyncadd.s32 $0xFFFFC000  }
0x93: {  	_ =	swait.ge [sflag:s13], $0x4000  }
0x94: {  	[sflag:s13] =	ssyncset.done $0x0  }
0x95: {  	[sflag:s13] =	ssyncadd.s32 $0xFFFFC000  }
0x96: {  	_ =	swait.ge [sflag:s13], $0x4000  }
0x97: {  	[sflag:s13] =	ssyncset.done $0x0  }
0x98: {  	[sflag:s13] =	ssyncadd.s32 $0xFFFFC000  }
0x99: {  	[tilespmem:s6], [sflag:$0x2] =	stream.linear.gather [hbm4b:s20+s2], $0x10000, $0x38;
	[tilespmem:$0x10800] =	vst v63  }
0x9a: {  	_ =	swait.ge [sflag:s4], $0x10000  }
0x9b: {  	[sflag:s4] =	ssyncset.done $0x0  }
0x9c: {  	[sflag:s4] =	ssyncadd.s32 $0xFFFF0000  }
0x9d: {  	[hbm4b:s7+s8] =	stream.indirect.scatter [tilespmem:s6], [sflag:$0x1], $0x80, s21, s8, $0xb8;
	[tilespmem:$0x10800] =	vst v63  }
0x9e: {  	_ = 	snop  }
0x9f: {  	[hbm4b:s7+s8] =	stream.indirect.scatter [tilespmem:s9], [sflag:$0x1], $0x80, s22, s8, $0xb8;
	[tilespmem:$0x10800] =	vst v63  }
0xa0: {  	_ = 	snop  }
0xa1: {  	[hbm4b:s7+s8] =	stream.indirect.scatter [tilespmem:s11], [sflag:$0x1], $0x80, s23, s8, $0xb8;
	[tilespmem:$0x10800] =	vst v63  }
0xa2: {  	_ = 	snop  }
0xa3: {  	[hbm4b:s7+s8] =	stream.indirect.scatter [tilespmem:s14], [sflag:$0x1], $0x80, s24, s8, $0xb8;
	[tilespmem:$0x10800] =	vst v63  }
0xa4: {  	_ =	swait.ge [sflag:s13], $0x4000  }
0xa5: {  	[sflag:s13] =	ssyncset.done $0x0  }
0xa6: {  	[sflag:s13] =	ssyncadd.s32 $0xFFFFC000  }
0xa7: {  	_ =	swait.ge [sflag:s13], $0x4000  }
0xa8: {  	[sflag:s13] =	ssyncset.done $0x0  }
0xa9: {  	[sflag:s13] =	ssyncadd.s32 $0xFFFFC000  }
0xaa: {  	_ =	swait.ge [sflag:s13], $0x4000  }
0xab: {  	[sflag:s13] =	ssyncset.done $0x0  }
0xac: {  	[sflag:s13] =	ssyncadd.s32 $0xFFFFC000  }
0xad: {  	_ =	swait.ge [sflag:s13], $0x4000  }
0xae: {  	[sflag:s13] =	ssyncset.done $0x0  }
0xaf: {  	[sflag:s13] =	ssyncadd.s32 $0xFFFFC000  }
0xb0: {  	[tilespmem:s6], [sflag:$0x2] =	stream.linear.gather [hbm4b:s25+s2], $0x10000, $0x38;
	[tilespmem:$0x10800] =	vst v63  }
0xb1: {  	_ =	swait.ge [sflag:s4], $0x10000  }
0xb2: {  	[sflag:s4] =	ssyncset.done $0x0  }
0xb3: {  	[sflag:s4] =	ssyncadd.s32 $0xFFFF0000  }
0xb4: {  	[hbm4b:s7+s8] =	stream.indirect.scatter [tilespmem:s6], [sflag:$0x1], $0x80, s26, s8, $0xb8;
	[tilespmem:$0x10800] =	vst v63  }
0xb5: {  	_ = 	snop  }
0xb6: {  	[hbm4b:s7+s8] =	stream.indirect.scatter [tilespmem:s9], [sflag:$0x1], $0x80, s28, s8, $0xb8;
	[tilespmem:$0x10800] =	vst v63  }
0xb7: {  	_ = 	snop  }
0xb8: {  	[hbm4b:s7+s8] =	stream.indirect.scatter [tilespmem:s11], [sflag:$0x1], $0x80, s29, s8, $0xb8;
	[tilespmem:$0x10800] =	vst v63  }
0xb9: {  	_ = 	snop  }
0xba: {  	[hbm4b:s7+s8] =	stream.indirect.scatter [tilespmem:s14], [sflag:$0x1], $0x80, s30, s8, $0xb8;
	[tilespmem:$0x10800] =	vst v63  }
0xbb: {  	_ =	swait.ge [sflag:s13], $0x4000  }
0xbc: {  	[sflag:s13] =	ssyncset.done $0x0  }
0xbd: {  	[sflag:s13] =	ssyncadd.s32 $0xFFFFC000  }
0xbe: {  	_ =	swait.ge [sflag:s13], $0x4000  }
0xbf: {  	[sflag:s13] =	ssyncset.done $0x0  }
0xc0: {  	[sflag:s13] =	ssyncadd.s32 $0xFFFFC000  }
.Ltmp1:
0xc1: {  	_ =	swait.ge [sflag:s13], $0x4000;
	(pc) =	sbr.rel @p0 .LBB2_1-.Ltmp1, $4  }
0xc2: {  	[sflag:s13] =	ssyncset.done $0x0  }
0xc3: {  	[sflag:s13] =	ssyncadd.s32 $0xFFFFC000  }
0xc4: {  	_ =	swait.ge [sflag:s13], $0x4000  }
0xc5: {  	[sflag:s13] =	ssyncset.done $0x0  }
.LBB2_2:
0xc6: {  	[sflag:s13] =	ssyncadd.s32 $0xFFFFC000  }
0xc7: {  	_ =	sfence.sel $0x180000  }
0xc8: {  	[bflag:$0x0] =	sbarrier.arrive $0xFFFF  }
0xc9: {  	_ =	strace $0x90000047  }
0xca: {  	[bflag:$0x2] =	sbarrier.arrive $0xFFFF  }
0xcb: {  	p0 =	sne.s32 s0, $0x0;
	s0 =	rddreg [dreg:$0x2]  }
0xcc: {  	s0 =	sadd.s32 @!p0 $0x100000, s0  }
0xcd: {  	[sflag:s0] =	ssyncadd.tile.s32 @!p0 $0x1;
	_ =	shalt  }
.Lfunc_end2:
_tile_overlayer_lowered:
.L_overlay_start_2:
0xce: {  	(tag) =	ssettag $0x2  }
0xcf: {  	s0 =	rddreg [dreg:$0x0];
	s2 =	stileid.u32  }
0xd0: {  	s1 =	rddreg [dreg:$0x1];
	p0 =	sne.s32 s2, $0x0  }
0xd1: {  	s3 =	rddreg [dreg:$0x2];
	[bflag:$0x3] =	sbarrier.arrive $0xFFFF;
	s2 =	simm.s32 @!p0 $0x1C02  }
0xd2: {  	[timem:s3], [sflag:s2] =	dma.local @!p0 [hbm:s0], s1  }
0xd3: {  	s0 =	simm.s32 @!p0 $0x2  }
0xd4: {  	_ =	swait.ge @!p0 [sflag:s0], s1  }
0xd5: {  	s1 =	ssub.s32 @!p0 $0x0, s1;
	[sflag:s0] =	ssyncset.done @!p0 $0x0  }
0xd6: {  	[sflag:s0] =	ssyncadd.s32 @!p0 s1  }
0xd7: {  	[bflag:$0x3] =	sbarrier.arrive $0xFFFF  }
0xd8: {  	_ =	shalt  }

// kernel: sparse-core-data-format-call.cloned.1.call-start
scs
called_computation_lowered:
.L_overlay_start_0:
0x0: {  	s2 =	sld [smem:$0x3FD9]  }
0x1: {  	s3 =	sld [smem:$0x3FFE];
	_ =	sdelay $0x1  }
0x2: {  	s1 =	srdreg.scid  }
0x3: {  	s0 =	sand.u32 $0x1, s1  }
0x4: {  	s18 =	sshll.u32 s0, $0xA;
	s2 =	sadd.s32 s3, s2  }
0x5: {  	s2 =	sadd.s32 s2, s18  }
0x6: {  	[smem:$0x3FC0] =	sst s2  }
0x7: {  	_ = 	snop  }
0x8: {  	s19 =	sld [smem:$0x3FC8];
	(tm) =	ssettm $0x1  }
0x9: {  	s20 =	sld [smem:$0x3FFB];
	_ =	sdelay $0x3  }
0xa: {  	_ =	strace s20  }
0xb: {  	s2 =	sld [smem:$0x3FFC];
	_ =	sdelay $0x3  }
0xc: {  	_ =	strace s2  }
0xd: {  	s2 =	sld [smem:$0x3FFD];
	_ =	sdelay $0x3  }
0xe: {  	_ =	strace s2  }
0xf: {  	_ =	strace $0x8FFFFFFF  }
0x10: {  	s21 =	sld [smem:$0x3FDB];
	_ =	sdelay $0x1  }
0x11: {  	s4 =	simm.s32 $_scs_section_size  }
0x12: {  	s5 =	simm.s32 $_size__tile_overlayer_lowered;
	s6 =	simm.s32 $_tile_overlayer_lowered  }
0x13: {  	s7 =	simm.s32 $0x1BFF;
	s22 =	sshll.u32 s6, $0x1;
	s4 =	sadd.s32 s4, s21  }
0x14: {  	s23 =	simm.s32 $0x0;
	s5 =	sshll.u32 s5, $0x1;
	s6 =	sadd.s32 s22, s4  }
0x15: {  	[timem:s23], [sflag:s7] =	dma.local [hbm:s6], s5  }
0x16: {  	_ =	swait.ge [sflag:s7], s5  }
0x17: {  	s5 =	ssub.s32 $0x0, s5;
	[sflag:s7] =	ssyncset.done $0x0  }
0x18: {  	[sflag:s7] =	ssyncadd.s32 s5;
	_ =	sdelay $0x1  }
0x19: {  	s24 =	simm.s32 $0x1B8B  }
0x1a: {  	_ =	swait.ge [sflag:s24], $0x1  }
0x1b: {  	[sflag:s24] =	ssyncset.done $0x0  }
0x1c: {  	[sflag:s24] =	ssyncadd.s32 $0xFFFFFFFF  }
0x1d: {  	s5 =	sld [smem:$0x0]  }
0x1e: {  	s6 =	sand.u32 $0xFFFFFFFE, s1  }
0x1f: {  	p0 =	sne.s32 s1, s6  }
0x20: {  	s6 =	sshll.u32 @p0 s6, $0xE  }
0x21: {  	s6 =	sadd.s32 @p0 $0x11B8D, s6;
	s7 =	sshll.u32 @p0 s5, $0x11  }
0x22: {  	s6 =	sor.u32 @p0 s7, s6  }
0x23: {  	[sflag:s6] =	ssyncadd.remote.s32 @p0 $0x1;
	_ =	sdelay $0x1  }
0x24: {  	s6 =	simm.s32 @p0 $0x1B8D  }
0x25: {  	_ =	swait.eq @p0 [sflag:s6], $0x1  }
0x26: {  	[sflag:s6] =	ssyncadd.s32 @p0 $0xFFFFFFFF  }
0x27: {  	s7 =	sshll.u32 @!p0 s1, $0xE  }
0x28: {  	s7 =	sor.u32 @!p0 $0x4000, s7;
	s6 =	simm.s32 @!p0 $0x1B8D  }
0x29: {  	s5 =	sshll.u32 @!p0 s5, $0x11;
	s7 =	sadd.s32 @!p0 $0x11B8D, s7;
	_ =	swait.eq @!p0 [sflag:s6], $0x1  }
0x2a: {  	s5 =	sor.u32 @!p0 s5, s7;
	[sflag:s6] =	ssyncadd.s32 @!p0 $0xFFFFFFFF  }
0x2b: {  	s26 =	simm.s32 $0x1B8E;
	s25 =	sld [smem:$0x3FFE];
	[sflag:s5] =	ssyncadd.remote.s32 @!p0 $0x1  }
0x2c: {  	s27 =	simm.s32 $execute0_lowered;
	[smem:$0x3FD2] =	sst s26  }
0x2d: {  	s6 =	sshll.u32 s27, $0x1;
	_ =	strace $0x80000049;
	[dreg:$0x1] =	wrdreg $0xFFFFFFFF  }
0x2e: {  	s28 =	simm.s32 $_size_execute0_lowered;
	s4 =	sadd.s32 s4, s6;
	[dreg:$0x0] =	wrdreg $0x0  }
0x2f: {  	s6 =	sshll.u32 s28, $0x1;
	[dreg:$0x2] =	wrdreg s4  }
0x30: {  	[dreg:$0x3] =	wrdreg s6  }
0x31: {  	[dreg:$0x4] =	wrdreg $0xC0  }
0x32: {  	_ =	task [dreg:s23], $0x5FFFF  }
0x33: {  	[dreg:$0x1] =	wrdreg $0xFFFFFFFF  }
0x34: {  	[dreg:$0x0] =	wrdreg $0x60  }
0x35: {  	[dreg:$0x2] =	wrdreg s19  }
0x36: {  	[dreg:$0x3] =	wrdreg s25  }
0x37: {  	[dreg:$0x4] =	wrdreg $0x9  }
0x38: {  	_ =	task.clear_ibuf [dreg:s23], $0x5FFFF;
	_ =	strace $0x90000049  }
0x39: {  	s29 =	simm.s32 $0x9;
	_ =	strace $0x8000004B  }
0x3a: {  	_ =	swait.ge [sflag:s29], $0x1  }
0x3b: {  	[sflag:s29] =	ssyncadd.s32 $0xFFFFFFFF  }
0x3c: {  	_ =	strace $0x9000004B  }
0x3d: {  	_ =	sfence  }
0x3e: {  	s30 =	sld [smem:$0x0];
	_ =	sdelay $0x2  }
0x3f: {  	s31 =	sshll.u32 s1, $0xD;
	s1 =	sshrl.u32 s1, $0x2  }
0x40: {  	s4 =	sand.u32 $0x4000, s31;
	s1 =	sadd.s32 s1, s30  }
0x41: {  	s0 =	sor.u32 s4, s0;
	s1 =	sshll.u32 s1, $0x11  }
0x42: {  	s0 =	sor.u32 s1, s0  }
0x43: {  	s0 =	sadd.s32 $0x8F2B, s0  }
0x44: {  	[sflag:s0] =	ssyncadd.remote.s32 $0x1  }
0x45: {  	_ =	sfence.sel $0xFFFF  }
0x46: {  	[dreg:$0x0] =	wrdreg $0xFFFFFFFF;
	(pc) =	sbr.abs _section_cstart, $3  }
0x47: {  	[dreg:$0x1] =	wrdreg $0xFFFFFFFF  }
0x48: {  	_ =	task.clear_ibuf [dreg:s23], $0x2FFFF;
	_ =	strace $0x9FFFFFFF  }
0x49: {  	(tm) =	ssettm $0x7FFFFFFF  }
tec
execute0_lowered:
.L_overlay_start_1:
0x0: {  	(tag) =	ssettag $0x1  }
0x1: {  	s0 =	stileid.u32  }
0x2: {  	s1 =	srdreg.scid;
	s7 =	rddreg [dreg:$0x1]  }
0x3: {  	s31 =	simm.s32 $0x2;
	s17 =	simm.s32 $0x0;
	s10 =	simm.s32 $0x800  }
0x4: {  	s15 =	simm.s32 $0x0;
	s16 =	simm.s32 $0x0;
	s14 =	simm.s32 $0x0  }
0x5: {  	s2 =	sshll.u32 s0, $0x4;
	s1 =	sshll.u32 s1, $0x8;
	s3 =	sshll.u32 s0, $0x5  }
0x6: {  	s7 =	sadd.s32 $0x202C00, s7;
	s2 =	sor.u32 s2, s1;
	s1 =	sand.u32 $0x80, s3  }
0x7: {  	s3 =	rddreg [dreg:$0x0];
	s2 =	sand.u32 $0x180, s2;
	s4 =	ssub.s32 $0x100, s1  }
0x8: {  	s12 =	smov.u32 s1;
	s5 =	ssub.s32 $0x4000, s2;
	s6 =	sshrl.u32 s4, $0x8  }
0x9: {  	s4 =	sshrl.u32 s4, $0x7;
	s11 =	smov.u32 s2;
	s8 =	sand.u32 $0x180, s5  }
0xa: {  	s9 =	sand.u32 $0x1, s4;
	p0 =	sne.s32 s8, $0x0;
	s8 =	simm.s32 $0x1  }
.Ltmp0:
0xb: {  	s5 =	sshrl.u32 s5, $0x9;
	s8 =	simm.s32 @!p0 $0x0;
	(pc) =	sbr.rel .LBB1_1-.Ltmp0, $4  }
0xc: {  	s4 =	rddreg [dreg:$0x2];
	s6 =	sadd.s32 s6, s9;
	s8 =	sadd.s32 s8, s5  }
0xd: {  	_ =	strace $0x8000004A;
	s5 =	simm.s32 $0x1;
	s6 =	smul.u32 s6, s8  }
0xe: {  	p0 =	por $0x0, $0x0;
	[sflag:s5] =	ssyncpa.u1 $0x0;
	s8 =	sand.u32 $0x3, s0  }
0xf: {  	[sflag:s31] =	ssyncpa.u1 $0x0;
	s13 =	smov.u32 s8;
	s9 =	sadd.s32 $0x1, s6  }
.LBB1_4:
0x10: {  	v5 =	vld [tilespmem:s21+$0xFFFFFFD0]  }
0x11: {  	[tilespmem:s19+$0x2040 ss:$0x81] =	vst.msk $0xffff, v1;
	v58 =	vld [tilespmem:s21+$0xFFFFFFE0]  }
0x12: {  	[tilespmem:s19+$0x2850 ss:$0x81] =	vst.msk $0xffff, v2;
	v59 =	vld [tilespmem:s21+$0xFFFFFFF0]  }
0x13: {  	s22 =	sshra.s32 s22, $0x2;
	[tilespmem:s19+$0x3060 ss:$0x81] =	vst.msk $0xffff, v3;
	v60 =	vld [tilespmem:s21+$0x0]  }
0x14: {  	v61 =	vld [tilespmem:s21+$0x10];
	[tilespmem:s19+$0x0 ss:$0x81] =	vst.msk $0xffff, v0;
	s20 =	sadd.s32 s22, s20  }
0x15: {  	s25 =	sshll.u32 s17, $0x8;
	v62 =	vld [tilespmem:s21+$0x20];
	[tilespmem:s20+$0x3870 ss:$0x81] =	vst.msk $0xffff, v4  }
0x16: {  	s23 =	sshll.u32 s15, $0x3;
	v63 =	vld [tilespmem:s21+$0xFFFFFFC0];
	s30 =	sand.u32 $0x78, s15;
	s16 =	sshll.u32 s16, $0x13;
	[tilespmem:s20+$0x810 ss:$0x81] =	vst.msk $0xffff, v5  }
0x17: {  	s28 =	sshll.u32 s17, $0x7;
	s26 =	sand.u32 $0x3FF800, s25;
	s27 =	sand.u32 $0x3FFC00, s23;
	[tilespmem:s20+$0x1020 ss:$0x81] =	vst.msk $0xffff, v58  }
0x18: {  	s29 =	sand.u32 $0x300, s28;
	s17 =	sand.u32 $0x80, s28;
	s19 =	sadd.s32 s27, s26;
	[tilespmem:s20+$0x1830 ss:$0x81] =	vst.msk $0xffff, v59  }
0x19: {  	s31 =	sand.u32 $0x7, s15;
	s17 =	sor.u32 s30, s17;
	s19 =	sor.u32 s29, s19;
	[tilespmem:s20+$0x2040 ss:$0x81] =	vst.msk $0xffff, v60  }
0x1a: {  	s16 =	sadd.s32 s7, s16;
	s17 =	sshrl.u32 s17, $0x3;
	s19 =	sshrl.u32 s19, $0x3;
	[tilespmem:s20+$0x2850 ss:$0x81] =	vst.msk $0xffff, v61  }
0x1b: {  	s15 =	sshll.u32 s31, $0x12;
	s16 =	sadd.s32 s17, s16;
	[tilespmem:s20+$0x3060 ss:$0x81] =	vst.msk $0xffff, v62;
	s19 =	sand.u32 $0x7FFE0, s19  }
0x1c: {  	s15 =	sor.u32 $0x400, s15;
	[tilespmem:s20+$0x0 ss:$0x81] =	vst.msk $0xffff, v63;
	s16 =	sadd.s32 s19, s16  }
0x1d: {  	[hbm4b:s16+s15] =	stream.strided.scatter [tilespmem:s18], [sflag:$0x2], $0x4000, s10, s15, $0x20;
	[tilespmem:$0x10100] =	vst v63  }
.LBB1_5:
0x1e: {  	s18 =	sadd.s32 $0x200, s11  }
0x1f: {  	s15 =	sadd.s32 $0x100, s12;
	s19 =	smov.u32 s12;
	p2 =	sgt.s32 s18, $0x3FFF  }
0x20: {  	s19 =	smov.u32 @p2 s15  }
0x21: {  	s21 =	smov.u32 s13;
	s15 =	sadd.s32 $0x4, s13;
	p3 =	sgt.s32 s19, $0xFF  }
0x22: {  	s21 =	smov.u32 @p3 s15  }
0x23: {  	s18 =	smov.u32 @p2 s2;
	p2 =	sgt.s32 s21, $0x3  }
0x24: {  	p1 =	slt.u32 s14, $0x2;
	s21 =	smov.u32 @p2 s8;
	p2 =	sne.s32 s14, s9  }
.Ltmp1:
0x25: {  	s20 =	simm.s32 @!p1 $0x2;
	(pc) =	sbr.rel @!p2 .LBB1_6-.Ltmp1, $4  }
0x26: {  	s17 =	smov.u32 s11;
	s16 =	smov.u32 s13;
	_ =	swait.ge @!p1 [sflag:s20], $0x4000  }
0x27: {  	p0 =	por !p0, !p0;
	[sflag:s20] =	ssyncset.done @!p1 $0x0;
	s11 =	smov.u32 s18  }
0x28: {  	s19 =	smov.u32 @p3 s1;
	s15 =	smov.u32 s12;
	[sflag:s20] =	ssyncadd.s32 @!p1 $0xFFFFC000  }
0x29: {  	s12 =	smov.u32 s19;
	s14 =	sadd.s32 $0x1, s14;
	s13 =	smov.u32 s21  }
.LBB1_1:
0x2a: {  	p1 =	sge.u32 s14, s6;
	s31 =	sadd.s32 $0xFFFFFFFF, s14  }
0x2b: {  	s18 =	sxor.u32 @!p1 $0xFFFFFFFF, s14;
	s19 =	sand.u32 @!p1 $0x78, s11;
	s20 =	sshll.u32 @!p1 s12, $0xE  }
0x2c: {  	s21 =	sshll.u32 @!p1 s12, $0x7;
	s22 =	sshll.u32 @!p1 s11, $0x3;
	s18 =	sshll.u32 @!p1 s18, $0xE  }
0x2d: {  	s20 =	sand.u32 @!p1 $0x3E0000, s20;
	s21 =	sand.u32 @!p1 $0x380, s21;
	s18 =	sand.u32 @!p1 $0x4000, s18  }
0x2e: {  	s20 =	sadd.s32 @!p1 s20, s22;
	s22 =	sand.u32 @!p1 $0x3C00, s22;
	s19 =	sor.u32 @!p1 s21, s19  }
0x2f: {  	s21 =	sshll.u32 @!p1 s13, $0x13;
	s19 =	sor.u32 @!p1 s22, s19;
	s20 =	sshrl.u32 @!p1 s20, $0x3  }
0x30: {  	s21 =	sadd.s32 @!p1 s3, s21;
	s22 =	sand.u32 @!p1 $0x7, s11;
	s20 =	sand.u32 @!p1 $0x7F800, s20  }
0x31: {  	s19 =	sshrl.u32 @!p1 s19, $0x3;
	s20 =	sadd.s32 @!p1 s20, s21;
	s21 =	sshll.u32 @!p1 s22, $0x12  }
0x32: {  	s19 =	sadd.s32 @!p1 s19, s20;
	s20 =	sor.u32 @!p1 $0x400, s21;
	s21 =	simm.s32 @!p1 $0x20000  }
0x33: {  	[tilespmem:s18], [sflag:$0x1] =	stream.strided.gather @!p1 [hbm4b:s19+s20], $0x4000, s21, s20, $0x38;
	[tilespmem:$0x10100] =	vst v63  }
0x34: {  	p1 =	sge.u32 s31, s6  }
.Ltmp2:
0x35: {  	_ = 	snop;
	(pc) =	sbr.rel @p1 .LBB1_5-.Ltmp2, $1  }
0x36: {  	_ =	sdelay $0x3  }
0x37: {  	s18 =	simm.s32 $0x1  }
0x38: {  	_ =	swait.ge [sflag:s5], $0x4000;
	s18 =	simm.s32 @!p0 $0x0  }
0x39: {  	[sflag:s5] =	ssyncset.done $0x0;
	s19 =	sshll.u32 s18, $0xE  }
0x3a: {  	[sflag:s5] =	ssyncadd.s32 $0xFFFFC000;
	s21 =	sor.u32 $0x40, s19  }
0x3b: {  	s18 =	smul.u32 $0x10200, s18;
	v0 =	vld [tilespmem:s21+$0x30]  }
0x3c: {  	v3 =	vld [tilespmem:s21+$0xFFFFFFD0]  }
0x3d: {  	s18 =	sshrl.u32 s18, $0x2;
	v4 =	vld [tilespmem:s21+$0xFFFFFFE0]  }
0x3e: {  	v5 =	vld [tilespmem:s21+$0xFFFFFFF0];
	s20 =	sor.u32 $0x8000, s18  }
0x3f: {  	s31 =	sand.u32 $0x1, s14;
	v1 =	vld [tilespmem:s21+$0x0];
	s19 =	sadd.s32 $0x0, s20  }
0x40: {  	v2 =	vld [tilespmem:s21+$0x10];
	s18 =	smul.u32 $0x10200, s31;
	[tilespmem:s19+$0x3870 ss:$0x81] =	vst.msk $0xffff, v0  }
0x41: {  	[tilespmem:s19+$0x810 ss:$0x81] =	vst.msk $0xffff, v3;
	v3 =	vld [tilespmem:s21+$0x20]  }
0x42: {  	s18 =	sshrl.u32 s18, $0x2;
	v0 =	vld [tilespmem:s21+$0xFFFFFFC0];
	[tilespmem:s19+$0x1020 ss:$0x81] =	vst.msk $0xffff, v4;
	s21 =	sadd.s32 $0x80, s21  }
0x43: {  	s22 =	simm.s32 $0x4;
	s23 =	simm.s32 $0x8;
	s18 =	sor.u32 $0x8000, s18;
	[tilespmem:s19+$0x1830 ss:$0x81] =	vst.msk $0xffff, v5;
	v4 =	vld [tilespmem:s21+$0x30]  }
.LBB1_3:
0x44: {  	p1 =	sne.s32 s23, $0x1FC;
	v5 =	vld [tilespmem:s21+$0xFFFFFFD0];
	[tilespmem:s19+$0x2040 ss:$0x81] =	vst.msk $0xffff, v1  }
0x45: {  	v6 =	vld [tilespmem:s21+$0xFFFFFFE0];
	[tilespmem:s19+$0x2850 ss:$0x81] =	vst.msk $0xffff, v2  }
0x46: {  	s24 =	sshra.s32 s22, $0x2;
	s22 =	smov.u32 s23;
	v7 =	vld [tilespmem:s21+$0xFFFFFFF0];
	[tilespmem:s19+$0x3060 ss:$0x81] =	vst.msk $0xffff, v3  }
.Ltmp3:
0x47: {  	v1 =	vld [tilespmem:s21+$0x0];
	[tilespmem:s19+$0x0 ss:$0x81] =	vst.msk $0xffff, v0;
	s19 =	sadd.s32 s24, s20;
	(pc) =	sbr.rel @p1 .LBB1_3-.Ltmp3, $4  }
0x48: {  	v2 =	vld [tilespmem:s21+$0x10];
	[tilespmem:s19+$0x3870 ss:$0x81] =	vst.msk $0xffff, v4  }
0x49: {  	[tilespmem:s19+$0x810 ss:$0x81] =	vst.msk $0xffff, v5;
	v3 =	vld [tilespmem:s21+$0x20]  }
0x4a: {  	v0 =	vld [tilespmem:s21+$0xFFFFFFC0];
	[tilespmem:s19+$0x1020 ss:$0x81] =	vst.msk $0xffff, v6;
	s21 =	sadd.s32 $0x80, s21  }
0x4b: {  	s23 =	sadd.s32 $0x4, s23;
	v4 =	vld [tilespmem:s21+$0x30];
	[tilespmem:s19+$0x1830 ss:$0x81] =	vst.msk $0xffff, v7  }
.Ltmp4:
0x4c: {  	_ = 	snop;
	(pc) =	sbr.rel .LBB1_4-.Ltmp4, $1  }
0x4d: {  	_ =	sdelay $0x3  }
.LBB1_6:
0x4e: {  	_ =	sfence.sel $0x180000  }
0x4f: {  	s1 =	simm.s32 $0x1;
	[bflag:$0x0] =	sbarrier.arrive $0xFFFF  }
0x50: {  	s31 =	simm.s32 $0x2;
	[sflag:s1] =	ssyncpa.u1 $0x1  }
0x51: {  	[sflag:s31] =	ssyncpa.u1 $0x1  }
0x52: {  	p0 =	sne.s32 s0, $0x0;
	_ =	strace $0x9000004A  }
0x53: {  	s0 =	sadd.s32 @!p0 $0x100000, s4;
	[bflag:$0x2] =	sbarrier.arrive $0xFFFF  }
0x54: {  	[sflag:s0] =	ssyncadd.tile.s32 @!p0 $0x1;
	_ =	shalt  }
.Lfunc_end1:
_tile_overlayer_lowered:
.L_overlay_start_2:
0x55: {  	(tag) =	ssettag $0x2  }
0x56: {  	s0 =	rddreg [dreg:$0x0];
	s2 =	stileid.u32  }
0x57: {  	s1 =	rddreg [dreg:$0x1];
	p0 =	sne.s32 s2, $0x0  }
0x58: {  	s3 =	rddreg [dreg:$0x2];
	[bflag:$0x3] =	sbarrier.arrive $0xFFFF;
	s2 =	simm.s32 @!p0 $0x1C01  }
0x59: {  	[timem:s3], [sflag:s2] =	dma.local @!p0 [hbm:s0], s1  }
0x5a: {  	s0 =	simm.s32 @!p0 $0x1  }
0x5b: {  	_ =	swait.ge @!p0 [sflag:s0], s1  }
0x5c: {  	s1 =	ssub.s32 @!p0 $0x0, s1;
	[sflag:s0] =	ssyncset.done @!p0 $0x0  }
0x5d: {  	[sflag:s0] =	ssyncadd.s32 @!p0 s1  }
0x5e: {  	[bflag:$0x3] =	sbarrier.arrive $0xFFFF  }
0x5f: {  	_ =	shalt  }

</sc_bundles>
